<compile_context>
chip_gen: v7x
topology: tpu7x:2x2x1
jax: 0.10.2.dev20260603
libtpu: 0.0.44.dev20260713+nightly
codegen_flags: <defaults>
</compile_context>

<pallas_src>
import functools

import jax
import jax.numpy as jnp
from jax import lax
from jax.experimental import pallas as pl
from jax.experimental.pallas import tpu as pltpu
from jax.experimental.pallas import tpu_sc as plsc

N = 10000
E = 320000
D = 128
H = 64
C = 16

NC = 2
NS = 16
NW = NC * NS
EPT = E // NW
CHUNK = 128
NBUF = 6
LOOK = 4
NCH = 84
PADE = NCH * CHUNK - EPT
NPAD = 10240
RPT = NPAD // NS


def _sc_mesh():
    return plsc.VectorSubcoreMesh(core_axis_name="c", subcore_axis_name="s")


def _zero_rows(buf, width):
    def zb(i, carry):
        for k in range(width // 16):
            buf[i, pl.ds(k * 16, 16)] = jnp.zeros((16,), jnp.float32)
        return carry
    lax.fori_loop(0, CHUNK, zb, 0)


def _zero_acc(zsrc, acc_sh, sid, width):
    for r in range(RPT // CHUNK):
        pltpu.sync_copy(zsrc, acc_sh.at[pl.ds(sid * RPT + r * CHUNK, CHUNK)])


@functools.cache
def _get_deg_kernel():
    @functools.partial(
        pl.kernel,
        mesh=_sc_mesh(),
        out_type=jax.ShapeDtypeStruct((NC, NPAD), jnp.float32),
        compiler_params=pltpu.CompilerParams(use_tc_tiling_on_sc=False),
        scratch_types=[
            pltpu.VMEM((NCH, CHUNK), jnp.int32),
            pltpu.VMEM((CHUNK,), jnp.float32),
            pltpu.VMEM_SHARED((NPAD,), jnp.float32),
            [pltpu.SemaphoreType.DMA for _ in range(1)],
            [pltpu.SemaphoreType.DMA for _ in range(2)],
        ],
    )
    def _deg_kernel(dst_hbm, out_hbm, dstv, ones_v, acc_sh, isem, ssem):
        cid = lax.axis_index("c")
        sid = lax.axis_index("s")
        wid = cid * NS + sid
        for k in range(CHUNK // 16):
            ones_v[pl.ds(k * 16, 16)] = jnp.zeros((16,), jnp.float32)
        for r in range(RPT // CHUNK):
            pltpu.sync_copy(ones_v, acc_sh.at[pl.ds(sid * RPT + r * CHUNK, CHUNK)])
        for k in range(CHUNK // 16):
            ones_v[pl.ds(k * 16, 16)] = jnp.ones((16,), jnp.float32)
        pltpu.async_copy(dst_hbm.at[wid], dstv, isem[0])
        pltpu.make_async_copy(dst_hbm.at[wid], dstv, isem[0]).wait()
        plsc.subcore_barrier()

        GRP = 8
        NG = NCH // GRP
        for g in range(NG):
            sem = ssem[g % 2]
            if g >= 2:
                for k in range(GRP):
                    pltpu.make_async_copy(
                        ones_v, acc_sh.at[dstv.at[(g - 2) * GRP + k]], sem).wait()
            for k in range(GRP):
                pltpu.async_copy(
                    ones_v, acc_sh.at[dstv.at[g * GRP + k]], sem, add=True)
        for g in (NG - 2, NG - 1):
            for k in range(GRP):
                pltpu.make_async_copy(
                    ones_v, acc_sh.at[dstv.at[g * GRP + k]], ssem[g % 2]).wait()
        plsc.subcore_barrier()
        pltpu.sync_copy(acc_sh.at[pl.ds(sid * RPT, RPT)],
                        out_hbm.at[cid, pl.ds(sid * RPT, RPT)])

    return _deg_kernel


@functools.cache
def _make_agg(width):
    @functools.partial(
        pl.kernel,
        mesh=_sc_mesh(),
        out_type=jax.ShapeDtypeStruct((NC, NPAD, width), jnp.float32),
        compiler_params=pltpu.CompilerParams(use_tc_tiling_on_sc=False),
        scratch_types=[
            pltpu.VMEM((NCH, CHUNK), jnp.int32),
            pltpu.VMEM((NCH, CHUNK), jnp.int32),
            [pltpu.VMEM((CHUNK, width), jnp.float32) for _ in range(NBUF)],
            pltpu.VMEM_SHARED((NPAD, width), jnp.float32),
            [pltpu.SemaphoreType.DMA for _ in range(1)],
            [pltpu.SemaphoreType.DMA for _ in range(NBUF)],
            [pltpu.SemaphoreType.DMA for _ in range(NBUF)],
        ],
    )
    def _agg(src_hbm, dst_hbm, table_hbm, out_hbm,
             srcv, dstv, rows, acc_sh, isem, gsem, ssem):
        cid = lax.axis_index("c")
        sid = lax.axis_index("s")
        wid = cid * NS + sid
        pltpu.async_copy(dst_hbm.at[wid], dstv, isem[0])
        pltpu.sync_copy(src_hbm.at[wid], srcv)
        _zero_rows(rows[0], width)
        _zero_acc(rows[0], acc_sh, sid, width)
        pltpu.make_async_copy(dst_hbm.at[wid], dstv, isem[0]).wait()
        plsc.subcore_barrier()

        for j in range(LOOK):
            pltpu.async_copy(table_hbm.at[srcv.at[j]], rows[j], gsem[j])

        def group(g, carry):
            for k in range(NBUF):
                j = g * NBUF + k
                jn = j + LOOK
                bn = (k + LOOK) % NBUF

                @pl.when(jn < NCH)
                def _starts():
                    @pl.when(jn >= NBUF)
                    def _w():
                        pltpu.make_async_copy(
                            rows[bn], acc_sh.at[dstv.at[jn - NBUF]], ssem[bn]).wait()
                    pltpu.async_copy(table_hbm.at[srcv.at[jn]], rows[bn], gsem[bn])

                pltpu.make_async_copy(
                    table_hbm.at[srcv.at[j]], rows[k], gsem[k]).wait()
                pltpu.async_copy(rows[k], acc_sh.at[dstv.at[j]], ssem[k], add=True)
            return carry

        lax.fori_loop(0, NCH // NBUF, group, 0)
        for k in range(NBUF):
            pltpu.make_async_copy(
                rows[k], acc_sh.at[dstv.at[NCH - NBUF + k]], ssem[k]).wait()
        plsc.subcore_barrier()
        pltpu.sync_copy(acc_sh.at[pl.ds(sid * RPT, RPT)],
                        out_hbm.at[cid, pl.ds(sid * RPT, RPT)])

    return _agg


_BN = 1000


def _dinv_block(deg_ref):
    d = deg_ref[...]
    return lax.rsqrt(d[:, 0] + d[:, 1] + 1.0)


def _tc1_body(deg_ref, x_ref, w1_ref, out_ref):
    dinv = _dinv_block(deg_ref)
    h = jnp.dot(x_ref[...], w1_ref[...], preferred_element_type=jnp.float32)
    out_ref[...] = h * dinv[:, None]


def _tc2_body(deg_ref, agg_ref, hs1_ref, w2_ref, b1_ref, out_ref):
    dinv = _dinv_block(deg_ref)
    agg = agg_ref[0] + agg_ref[1]
    out1 = (agg + hs1_ref[...]) * dinv[:, None] + b1_ref[...]
    h2 = jnp.maximum(out1, 0.0)
    g2 = jnp.dot(h2, w2_ref[...], preferred_element_type=jnp.float32)
    out_ref[...] = g2 * dinv[:, None]


def _tc3_body(deg_ref, agg_ref, hs2_ref, b2_ref, out_ref):
    dinv = _dinv_block(deg_ref)
    agg = agg_ref[0] + agg_ref[1]
    z = (agg + hs2_ref[...]) * dinv[:, None] + b2_ref[...]
    m = jnp.max(z, axis=1, keepdims=True)
    e = jnp.exp(z - m)
    s = jnp.sum(e, axis=1, keepdims=True)
    out_ref[...] = z - m - jnp.log(s)


def _tc1(deg, x, W1):
    return pl.pallas_call(
        _tc1_body,
        grid=(N // _BN,),
        in_specs=[
            pl.BlockSpec((_BN, NC), lambda j: (j, 0)),
            pl.BlockSpec((_BN, D), lambda j: (j, 0)),
            pl.BlockSpec((D, H), lambda j: (0, 0)),
        ],
        out_specs=pl.BlockSpec((_BN, H), lambda j: (j, 0)),
        out_shape=jax.ShapeDtypeStruct((N, H), jnp.float32),
    )(deg, x, W1)


def _tc2(deg, agg1, hs1, W2, b1):
    return pl.pallas_call(
        _tc2_body,
        grid=(N // _BN,),
        in_specs=[
            pl.BlockSpec((_BN, NC), lambda j: (j, 0)),
            pl.BlockSpec((NC, _BN, H), lambda j: (0, j, 0)),
            pl.BlockSpec((_BN, H), lambda j: (j, 0)),
            pl.BlockSpec((H, C), lambda j: (0, 0)),
            pl.BlockSpec((1, H), lambda j: (0, 0)),
        ],
        out_specs=pl.BlockSpec((_BN, C), lambda j: (j, 0)),
        out_shape=jax.ShapeDtypeStruct((N, C), jnp.float32),
    )(deg, agg1, hs1, W2, b1)


def _tc3(deg, agg2, hs2, b2):
    return pl.pallas_call(
        _tc3_body,
        grid=(N // _BN,),
        in_specs=[
            pl.BlockSpec((_BN, NC), lambda j: (j, 0)),
            pl.BlockSpec((NC, _BN, C), lambda j: (0, j, 0)),
            pl.BlockSpec((_BN, C), lambda j: (j, 0)),
            pl.BlockSpec((1, C), lambda j: (0, 0)),
        ],
        out_specs=pl.BlockSpec((_BN, C), lambda j: (j, 0)),
        out_shape=jax.ShapeDtypeStruct((N, C), jnp.float32),
    )(deg, agg2, hs2, b2)


def kernel(x, masked_nodes, pos_edge_index, neg_edge_index, edge_index,
           W1, b1, W2, b2):
    del masked_nodes, pos_edge_index, neg_edge_index
    ei = edge_index.astype(jnp.int32)
    src = ei[0].reshape(NW, EPT)
    dst = ei[1].reshape(NW, EPT)
    ar = jnp.arange(PADE, dtype=jnp.int32)
    pad_src = jnp.broadcast_to((ar * 89) % N, (NW, PADE))
    pad_dst = jnp.broadcast_to(N + (ar % (NPAD - N)), (NW, PADE))
    src_p = jnp.concatenate([src, pad_src], axis=1).reshape(NW, NCH, CHUNK)
    dst_p = jnp.concatenate([dst, pad_dst], axis=1).reshape(NW, NCH, CHUNK)

    deg = _get_deg_kernel()(dst_p)
    deg = deg.T
    hs1 = _tc1(deg, x, W1)
    agg1 = _make_agg(H)(src_p, dst_p, hs1)
    hs2 = _tc2(deg, agg1, hs1, W2, b1.reshape(1, H))
    agg2 = _make_agg(C)(src_p, dst_p, hs2)
    return _tc3(deg, agg2, hs2, b2.reshape(1, C))

# --- scband reference (transcript-rebuilt; emitter-appended) ---
"""Pipeline reference for scband-net-ssl-38740605010537 (READ-ONLY COPY).

The authoritative reference and input builder live on the scoring server;
editing this copy changes nothing except your own understanding.
"""

import jax, jax.numpy as jnp
import numpy as np

N = 10000
E = 320000
D = 128
H = 64
C = 16


def gcn_conv(x, edge_index, W, b, num_nodes):
    # PyG GCNConv: add self-loops, symmetric normalization, sum-aggregate
    src = edge_index[0]
    dst = edge_index[1]
    loop = jnp.arange(num_nodes, dtype=edge_index.dtype)
    src = jnp.concatenate([src, loop], axis=0)
    dst = jnp.concatenate([dst, loop], axis=0)
    deg = jnp.zeros((num_nodes,), dtype=x.dtype).at[dst].add(1.0)
    dinv = jnp.where(deg > 0, jax.lax.rsqrt(deg), 0.0)
    norm = dinv[src] * dinv[dst]
    h = x @ W
    msg = h[src] * norm[:, None]
    out = jnp.zeros((num_nodes, W.shape[1]), dtype=x.dtype).at[dst].add(msg)
    return out + b


def setup_inputs(seed: int = 0) -> dict:
    key = jax.random.key(seed)
    k1, k2, k3, k4, k5, k6, k7 = jax.random.split(key, 7)
    x = jax.random.normal(k1, (N, D), dtype=jnp.float32)
    edge_index = jax.random.randint(k2, (2, E), 0, N, dtype=jnp.int64)
    pos_edge_index = jax.random.randint(k3, (2, 10000), 0, N, dtype=jnp.int64)
    neg_edge_index = jax.random.randint(k4, (2, 10000), 0, N, dtype=jnp.int64)
    masked_nodes = jax.random.randint(k5, (1000,), 0, N, dtype=jnp.int64)
    W1 = jax.random.normal(k6, (D, H), dtype=jnp.float32) * 0.05
    b1 = jnp.zeros((H,), dtype=jnp.float32)
    W2 = jax.random.normal(k7, (H, C), dtype=jnp.float32) * 0.05
    b2 = jnp.zeros((C,), dtype=jnp.float32)
    return {"x": x, "masked_nodes": masked_nodes, "pos_edge_index": pos_edge_index,
            "neg_edge_index": neg_edge_index, "edge_index": edge_index,
            "W1": W1, "b1": b1, "W2": W2, "b2": b2}


def reference(x, masked_nodes, pos_edge_index, neg_edge_index, edge_index, W1, b1, W2, b2):
    # mask_loop and total_edge_index are computed in the original forward but unused
    total_edge_index = jnp.concatenate([pos_edge_index, neg_edge_index], axis=-1)
    del total_edge_index, masked_nodes
    h = jax.nn.relu(gcn_conv(x, edge_index, W1, b1, N))
    h = gcn_conv(h, edge_index, W2, b2, N)
    return jax.nn.log_softmax(h, axis=1)

if __name__ == "__main__":
    import jax
    _d = setup_inputs()
    print(jax.jit(kernel)(*tuple(_d.values())))

</pallas_src>

<mosaic_0001>
#map = affine_map<(d0, d1) -> (0, 0, 0)>
#map1 = affine_map<(d0, d1) -> (0, 0)>
module attributes {stable_mosaic.version = 14 : i64} {
  func.func @_agg(%arg0: i32, %arg1: i32, %arg2: memref<32x84x128xi32, #tpu.memory_space<hbm>>, %arg3: memref<32x84x128xi32, #tpu.memory_space<hbm>>, %arg4: memref<10000x64xf32, #tpu.memory_space<hbm>>, %arg5: memref<2x10240x64xf32, #tpu.memory_space<hbm>>, %arg6: memref<84x128xi32, #tpu.memory_space<vmem>>, %arg7: memref<84x128xi32, #tpu.memory_space<vmem>>, %arg8: memref<128x64xf32, #tpu.memory_space<vmem>>, %arg9: memref<128x64xf32, #tpu.memory_space<vmem>>, %arg10: memref<128x64xf32, #tpu.memory_space<vmem>>, %arg11: memref<128x64xf32, #tpu.memory_space<vmem>>, %arg12: memref<128x64xf32, #tpu.memory_space<vmem>>, %arg13: memref<128x64xf32, #tpu.memory_space<vmem>>, %arg14: memref<10240x64xf32, #tpu.memory_space<vmem_shared>>, %arg15: memref<!tpu.dma_semaphore, #tpu.memory_space<semaphore_mem>>, %arg16: memref<!tpu.dma_semaphore, #tpu.memory_space<semaphore_mem>>, %arg17: memref<!tpu.dma_semaphore, #tpu.memory_space<semaphore_mem>>, %arg18: memref<!tpu.dma_semaphore, #tpu.memory_space<semaphore_mem>>, %arg19: memref<!tpu.dma_semaphore, #tpu.memory_space<semaphore_mem>>, %arg20: memref<!tpu.dma_semaphore, #tpu.memory_space<semaphore_mem>>, %arg21: memref<!tpu.dma_semaphore, #tpu.memory_space<semaphore_mem>>, %arg22: memref<!tpu.dma_semaphore, #tpu.memory_space<semaphore_mem>>, %arg23: memref<!tpu.dma_semaphore, #tpu.memory_space<semaphore_mem>>, %arg24: memref<!tpu.dma_semaphore, #tpu.memory_space<semaphore_mem>>, %arg25: memref<!tpu.dma_semaphore, #tpu.memory_space<semaphore_mem>>, %arg26: memref<!tpu.dma_semaphore, #tpu.memory_space<semaphore_mem>>, %arg27: memref<!tpu.dma_semaphore, #tpu.memory_space<semaphore_mem>>) attributes {dimension_semantics = [#tpu.dimension_semantics<core_parallel>, #tpu.dimension_semantics<subcore_parallel>], iteration_bounds = array<i64: 2, 16>, scalar_prefetch = 0 : i64, scratch_operands = 22 : i64, tpu.core_type = #tpu.core_type<sc_vector_subcore>, window_params = [{transform_indices = #map}, {transform_indices = #map}, {transform_indices = #map1}, {transform_indices = #map}]} {
    %mul3A = arith.constant 16 : i32
    %mul3A_0 = arith.muli %arg0, %mul3A : i32
    %add3A = arith.addi %mul3A_0, %arg1 : i32
    %dma_start3A = arith.constant 0 : i32
    %dma_start3A_1 = arith.constant 0 : i32
    %dma_start3A_2 = tpu.memref_slice %arg3[%add3A, %dma_start3A, %dma_start3A_1] : memref<32x84x128xi32, #tpu.memory_space<hbm>> -> memref<1x84x128xi32, #tpu.memory_space<hbm>>
    %dma_start3A_3 = tpu.memref_squeeze %dma_start3A_2 : memref<1x84x128xi32, #tpu.memory_space<hbm>> -> memref<84x128xi32, #tpu.memory_space<hbm>>
    %dma_start3A_4 = arith.constant 0 : i32
    %dma_start3A_5 = arith.constant 0 : i32
    %dma_start3A_6 = tpu.memref_slice %arg3[%add3A, %dma_start3A_4, %dma_start3A_5] : memref<32x84x128xi32, #tpu.memory_space<hbm>> -> memref<1x84x128xi32, #tpu.memory_space<hbm>>
    %dma_start3A_7 = tpu.memref_squeeze %dma_start3A_6 : memref<1x84x128xi32, #tpu.memory_space<hbm>> -> memref<84x128xi32, #tpu.memory_space<hbm>>
    tpu.enqueue_dma source(%dma_start3A_7 : memref<84x128xi32, #tpu.memory_space<hbm>>) target(%arg7 : memref<84x128xi32, #tpu.memory_space<vmem>>) target_semaphore(%arg15 : memref<!tpu.dma_semaphore, #tpu.memory_space<semaphore_mem>>)
    "tpu.region"() ({
      %run_scoped3A = tpu.sem_alloc : memref<!tpu.dma_semaphore, #tpu.memory_space<semaphore_mem>>
      %dma_start3A_121 = arith.constant 0 : i32
      %dma_start3A_122 = arith.constant 0 : i32
      %dma_start3A_123 = tpu.memref_slice %arg2[%add3A, %dma_start3A_121, %dma_start3A_122] : memref<32x84x128xi32, #tpu.memory_space<hbm>> -> memref<1x84x128xi32, #tpu.memory_space<hbm>>
      %dma_start3A_124 = tpu.memref_squeeze %dma_start3A_123 : memref<1x84x128xi32, #tpu.memory_space<hbm>> -> memref<84x128xi32, #tpu.memory_space<hbm>>
      %dma_start3A_125 = arith.constant 0 : i32
      %dma_start3A_126 = arith.constant 0 : i32
      %dma_start3A_127 = tpu.memref_slice %arg2[%add3A, %dma_start3A_125, %dma_start3A_126] : memref<32x84x128xi32, #tpu.memory_space<hbm>> -> memref<1x84x128xi32, #tpu.memory_space<hbm>>
      %dma_start3A_128 = tpu.memref_squeeze %dma_start3A_127 : memref<1x84x128xi32, #tpu.memory_space<hbm>> -> memref<84x128xi32, #tpu.memory_space<hbm>>
      tpu.enqueue_dma source(%dma_start3A_128 : memref<84x128xi32, #tpu.memory_space<hbm>>) target(%arg6 : memref<84x128xi32, #tpu.memory_space<vmem>>) target_semaphore(%run_scoped3A : memref<!tpu.dma_semaphore, #tpu.memory_space<semaphore_mem>>)
      %dma_wait3A_129 = arith.constant 0 : i32
      %dma_wait3A_130 = arith.constant 0 : i32
      %dma_wait3A_131 = tpu.memref_slice %arg2[%add3A, %dma_wait3A_129, %dma_wait3A_130] : memref<32x84x128xi32, #tpu.memory_space<hbm>> -> memref<1x84x128xi32, #tpu.memory_space<hbm>>
      %dma_wait3A_132 = tpu.memref_squeeze %dma_wait3A_131 : memref<1x84x128xi32, #tpu.memory_space<hbm>> -> memref<84x128xi32, #tpu.memory_space<hbm>>
      %dma_wait3A_133 = arith.constant 0 : i32
      %dma_wait3A_134 = arith.constant 0 : i32
      %dma_wait3A_135 = tpu.memref_slice %arg2[%add3A, %dma_wait3A_133, %dma_wait3A_134] : memref<32x84x128xi32, #tpu.memory_space<hbm>> -> memref<1x84x128xi32, #tpu.memory_space<hbm>>
      %dma_wait3A_136 = tpu.memref_squeeze %dma_wait3A_135 : memref<1x84x128xi32, #tpu.memory_space<hbm>> -> memref<84x128xi32, #tpu.memory_space<hbm>>
      tpu.wait_dma2 semaphore(%run_scoped3A : memref<!tpu.dma_semaphore, #tpu.memory_space<semaphore_mem>>) src(%dma_wait3A_136 : memref<84x128xi32, #tpu.memory_space<hbm>>) dst(%arg6 : memref<84x128xi32, #tpu.memory_space<vmem>>)
      tpu.yield
    }) : () -> ()
    %scan3A = arith.constant 0 : i32
    %scan3A_8 = arith.constant 0 : i32
    %scan3A_9 = arith.constant 128 : i32
    %scan3A_10 = arith.addi %scan3A_8, %scan3A_9 : i32
    %scan3A_11 = arith.constant 1 : i32
    scf.for %scan3A_121 = %scan3A_8 to %scan3A_10 step %scan3A_11  : i32 {
      %broadcast_in_dim3A = arith.constant 0.000000e+00 : f32
      %broadcast_in_dim3A_122 = vector.broadcast %broadcast_in_dim3A : f32 to vector<16xf32>
      %swap3A = arith.index_cast %scan3A_121 : i32 to index
      %swap3A_123 = arith.constant 0 : index
      %swap3A_124 = tpu.vector_load %arg8[%swap3A, %swap3A_123] {strides = array<i32>} : memref<128x64xf32, #tpu.memory_space<vmem>>, vector<1x16xf32>,
      %swap3A_125 = vector.shape_cast %swap3A_124 : vector<1x16xf32> to vector<16xf32>
      %swap3A_126 = vector.shape_cast %broadcast_in_dim3A_122 : vector<16xf32> to vector<1x16xf32>
      tpu.vector_store %arg8[%swap3A, %swap3A_123], %swap3A_126 {strides = array<i32>} : memref<128x64xf32, #tpu.memory_space<vmem>>, vector<1x16xf32>,
      %broadcast_in_dim3A_127 = arith.constant 0.000000e+00 : f32
      %broadcast_in_dim3A_128 = vector.broadcast %broadcast_in_dim3A_127 : f32 to vector<16xf32>
      %swap3A_129 = arith.index_cast %scan3A_121 : i32 to index
      %swap3A_130 = arith.constant 16 : index
      %swap3A_131 = tpu.vector_load %arg8[%swap3A_129, %swap3A_130] {strides = array<i32>} : memref<128x64xf32, #tpu.memory_space<vmem>>, vector<1x16xf32>,
      %swap3A_132 = vector.shape_cast %swap3A_131 : vector<1x16xf32> to vector<16xf32>
      %swap3A_133 = vector.shape_cast %broadcast_in_dim3A_128 : vector<16xf32> to vector<1x16xf32>
      tpu.vector_store %arg8[%swap3A_129, %swap3A_130], %swap3A_133 {strides = array<i32>} : memref<128x64xf32, #tpu.memory_space<vmem>>, vector<1x16xf32>,
      %broadcast_in_dim3A_134 = arith.constant 0.000000e+00 : f32
      %broadcast_in_dim3A_135 = vector.broadcast %broadcast_in_dim3A_134 : f32 to vector<16xf32>
      %swap3A_136 = arith.index_cast %scan3A_121 : i32 to index
      %swap3A_137 = arith.constant 32 : index
      %swap3A_138 = tpu.vector_load %arg8[%swap3A_136, %swap3A_137] {strides = array<i32>} : memref<128x64xf32, #tpu.memory_space<vmem>>, vector<1x16xf32>,
      %swap3A_139 = vector.shape_cast %swap3A_138 : vector<1x16xf32> to vector<16xf32>
      %swap3A_140 = vector.shape_cast %broadcast_in_dim3A_135 : vector<16xf32> to vector<1x16xf32>
      tpu.vector_store %arg8[%swap3A_136, %swap3A_137], %swap3A_140 {strides = array<i32>} : memref<128x64xf32, #tpu.memory_space<vmem>>, vector<1x16xf32>,
      %broadcast_in_dim3A_141 = arith.constant 0.000000e+00 : f32
      %broadcast_in_dim3A_142 = vector.broadcast %broadcast_in_dim3A_141 : f32 to vector<16xf32>
      %swap3A_143 = arith.index_cast %scan3A_121 : i32 to index
      %swap3A_144 = arith.constant 48 : index
      %swap3A_145 = tpu.vector_load %arg8[%swap3A_143, %swap3A_144] {strides = array<i32>} : memref<128x64xf32, #tpu.memory_space<vmem>>, vector<1x16xf32>,
      %swap3A_146 = vector.shape_cast %swap3A_145 : vector<1x16xf32> to vector<16xf32>
      %swap3A_147 = vector.shape_cast %broadcast_in_dim3A_142 : vector<16xf32> to vector<1x16xf32>
      tpu.vector_store %arg8[%swap3A_143, %swap3A_144], %swap3A_147 {strides = array<i32>} : memref<128x64xf32, #tpu.memory_space<vmem>>, vector<1x16xf32>,
    }
    %scan3A_12 = arith.constant 128 : i32
    %mul3A_13 = arith.constant 640 : i32
    %mul3A_14 = arith.muli %arg1, %mul3A_13 : i32
    %add3A_15 = arith.constant 0 : i32
    %add3A_16 = arith.addi %mul3A_14, %add3A_15 : i32
    "tpu.region"() ({
      %run_scoped3A = tpu.sem_alloc : memref<!tpu.dma_semaphore, #tpu.memory_space<semaphore_mem>>
      %dma_start3A_121 = arith.constant 0 : i32
      %dma_start3A_122 = tpu.memref_slice %arg14[%add3A_16, %dma_start3A_121] : memref<10240x64xf32, #tpu.memory_space<vmem_shared>> -> memref<128x64xf32, #tpu.memory_space<vmem_shared>>
      %dma_start3A_123 = arith.constant 0 : i32
      %dma_start3A_124 = tpu.memref_slice %arg14[%add3A_16, %dma_start3A_123] : memref<10240x64xf32, #tpu.memory_space<vmem_shared>> -> memref<128x64xf32, #tpu.memory_space<vmem_shared>>
      tpu.enqueue_dma source(%arg8 : memref<128x64xf32, #tpu.memory_space<vmem>>) target(%dma_start3A_124 : memref<128x64xf32, #tpu.memory_space<vmem_shared>>) target_semaphore(%run_scoped3A : memref<!tpu.dma_semaphore, #tpu.memory_space<semaphore_mem>>)
      %dma_wait3A_125 = arith.constant 0 : i32
      %dma_wait3A_126 = tpu.memref_slice %arg14[%add3A_16, %dma_wait3A_125] : memref<10240x64xf32, #tpu.memory_space<vmem_shared>> -> memref<128x64xf32, #tpu.memory_space<vmem_shared>>
      %dma_wait3A_127 = arith.constant 0 : i32
      %dma_wait3A_128 = tpu.memref_slice %arg14[%add3A_16, %dma_wait3A_127] : memref<10240x64xf32, #tpu.memory_space<vmem_shared>> -> memref<128x64xf32, #tpu.memory_space<vmem_shared>>
      tpu.wait_dma2 semaphore(%run_scoped3A : memref<!tpu.dma_semaphore, #tpu.memory_space<semaphore_mem>>) src(%arg8 : memref<128x64xf32, #tpu.memory_space<vmem>>) dst(%dma_wait3A_128 : memref<128x64xf32, #tpu.memory_space<vmem_shared>>)
      tpu.yield
    }) : () -> ()
    %mul3A_17 = arith.constant 640 : i32
    %mul3A_18 = arith.muli %arg1, %mul3A_17 : i32
    %add3A_19 = arith.constant 128 : i32
    %add3A_20 = arith.addi %mul3A_18, %add3A_19 : i32
    "tpu.region"() ({
      %run_scoped3A = tpu.sem_alloc : memref<!tpu.dma_semaphore, #tpu.memory_space<semaphore_mem>>
      %dma_start3A_121 = arith.constant 0 : i32
      %dma_start3A_122 = tpu.memref_slice %arg14[%add3A_20, %dma_start3A_121] : memref<10240x64xf32, #tpu.memory_space<vmem_shared>> -> memref<128x64xf32, #tpu.memory_space<vmem_shared>>
      %dma_start3A_123 = arith.constant 0 : i32
      %dma_start3A_124 = tpu.memref_slice %arg14[%add3A_20, %dma_start3A_123] : memref<10240x64xf32, #tpu.memory_space<vmem_shared>> -> memref<128x64xf32, #tpu.memory_space<vmem_shared>>
      tpu.enqueue_dma source(%arg8 : memref<128x64xf32, #tpu.memory_space<vmem>>) target(%dma_start3A_124 : memref<128x64xf32, #tpu.memory_space<vmem_shared>>) target_semaphore(%run_scoped3A : memref<!tpu.dma_semaphore, #tpu.memory_space<semaphore_mem>>)
      %dma_wait3A_125 = arith.constant 0 : i32
      %dma_wait3A_126 = tpu.memref_slice %arg14[%add3A_20, %dma_wait3A_125] : memref<10240x64xf32, #tpu.memory_space<vmem_shared>> -> memref<128x64xf32, #tpu.memory_space<vmem_shared>>
      %dma_wait3A_127 = arith.constant 0 : i32
      %dma_wait3A_128 = tpu.memref_slice %arg14[%add3A_20, %dma_wait3A_127] : memref<10240x64xf32, #tpu.memory_space<vmem_shared>> -> memref<128x64xf32, #tpu.memory_space<vmem_shared>>
      tpu.wait_dma2 semaphore(%run_scoped3A : memref<!tpu.dma_semaphore, #tpu.memory_space<semaphore_mem>>) src(%arg8 : memref<128x64xf32, #tpu.memory_space<vmem>>) dst(%dma_wait3A_128 : memref<128x64xf32, #tpu.memory_space<vmem_shared>>)
      tpu.yield
    }) : () -> ()
    %mul3A_21 = arith.constant 640 : i32
    %mul3A_22 = arith.muli %arg1, %mul3A_21 : i32
    %add3A_23 = arith.constant 256 : i32
    %add3A_24 = arith.addi %mul3A_22, %add3A_23 : i32
    "tpu.region"() ({
      %run_scoped3A = tpu.sem_alloc : memref<!tpu.dma_semaphore, #tpu.memory_space<semaphore_mem>>
      %dma_start3A_121 = arith.constant 0 : i32
      %dma_start3A_122 = tpu.memref_slice %arg14[%add3A_24, %dma_start3A_121] : memref<10240x64xf32, #tpu.memory_space<vmem_shared>> -> memref<128x64xf32, #tpu.memory_space<vmem_shared>>
      %dma_start3A_123 = arith.constant 0 : i32
      %dma_start3A_124 = tpu.memref_slice %arg14[%add3A_24, %dma_start3A_123] : memref<10240x64xf32, #tpu.memory_space<vmem_shared>> -> memref<128x64xf32, #tpu.memory_space<vmem_shared>>
      tpu.enqueue_dma source(%arg8 : memref<128x64xf32, #tpu.memory_space<vmem>>) target(%dma_start3A_124 : memref<128x64xf32, #tpu.memory_space<vmem_shared>>) target_semaphore(%run_scoped3A : memref<!tpu.dma_semaphore, #tpu.memory_space<semaphore_mem>>)
      %dma_wait3A_125 = arith.constant 0 : i32
      %dma_wait3A_126 = tpu.memref_slice %arg14[%add3A_24, %dma_wait3A_125] : memref<10240x64xf32, #tpu.memory_space<vmem_shared>> -> memref<128x64xf32, #tpu.memory_space<vmem_shared>>
      %dma_wait3A_127 = arith.constant 0 : i32
      %dma_wait3A_128 = tpu.memref_slice %arg14[%add3A_24, %dma_wait3A_127] : memref<10240x64xf32, #tpu.memory_space<vmem_shared>> -> memref<128x64xf32, #tpu.memory_space<vmem_shared>>
      tpu.wait_dma2 semaphore(%run_scoped3A : memref<!tpu.dma_semaphore, #tpu.memory_space<semaphore_mem>>) src(%arg8 : memref<128x64xf32, #tpu.memory_space<vmem>>) dst(%dma_wait3A_128 : memref<128x64xf32, #tpu.memory_space<vmem_shared>>)
      tpu.yield
    }) : () -> ()
    %mul3A_25 = arith.constant 640 : i32
    %mul3A_26 = arith.muli %arg1, %mul3A_25 : i32
    %add3A_27 = arith.constant 384 : i32
    %add3A_28 = arith.addi %mul3A_26, %add3A_27 : i32
    "tpu.region"() ({
      %run_scoped3A = tpu.sem_alloc : memref<!tpu.dma_semaphore, #tpu.memory_space<semaphore_mem>>
      %dma_start3A_121 = arith.constant 0 : i32
      %dma_start3A_122 = tpu.memref_slice %arg14[%add3A_28, %dma_start3A_121] : memref<10240x64xf32, #tpu.memory_space<vmem_shared>> -> memref<128x64xf32, #tpu.memory_space<vmem_shared>>
      %dma_start3A_123 = arith.constant 0 : i32
      %dma_start3A_124 = tpu.memref_slice %arg14[%add3A_28, %dma_start3A_123] : memref<10240x64xf32, #tpu.memory_space<vmem_shared>> -> memref<128x64xf32, #tpu.memory_space<vmem_shared>>
      tpu.enqueue_dma source(%arg8 : memref<128x64xf32, #tpu.memory_space<vmem>>) target(%dma_start3A_124 : memref<128x64xf32, #tpu.memory_space<vmem_shared>>) target_semaphore(%run_scoped3A : memref<!tpu.dma_semaphore, #tpu.memory_space<semaphore_mem>>)
      %dma_wait3A_125 = arith.constant 0 : i32
      %dma_wait3A_126 = tpu.memref_slice %arg14[%add3A_28, %dma_wait3A_125] : memref<10240x64xf32, #tpu.memory_space<vmem_shared>> -> memref<128x64xf32, #tpu.memory_space<vmem_shared>>
      %dma_wait3A_127 = arith.constant 0 : i32
      %dma_wait3A_128 = tpu.memref_slice %arg14[%add3A_28, %dma_wait3A_127] : memref<10240x64xf32, #tpu.memory_space<vmem_shared>> -> memref<128x64xf32, #tpu.memory_space<vmem_shared>>
      tpu.wait_dma2 semaphore(%run_scoped3A : memref<!tpu.dma_semaphore, #tpu.memory_space<semaphore_mem>>) src(%arg8 : memref<128x64xf32, #tpu.memory_space<vmem>>) dst(%dma_wait3A_128 : memref<128x64xf32, #tpu.memory_space<vmem_shared>>)
      tpu.yield
    }) : () -> ()
    %mul3A_29 = arith.constant 640 : i32
    %mul3A_30 = arith.muli %arg1, %mul3A_29 : i32
    %add3A_31 = arith.constant 512 : i32
    %add3A_32 = arith.addi %mul3A_30, %add3A_31 : i32
    "tpu.region"() ({
      %run_scoped3A = tpu.sem_alloc : memref<!tpu.dma_semaphore, #tpu.memory_space<semaphore_mem>>
      %dma_start3A_121 = arith.constant 0 : i32
      %dma_start3A_122 = tpu.memref_slice %arg14[%add3A_32, %dma_start3A_121] : memref<10240x64xf32, #tpu.memory_space<vmem_shared>> -> memref<128x64xf32, #tpu.memory_space<vmem_shared>>
      %dma_start3A_123 = arith.constant 0 : i32
      %dma_start3A_124 = tpu.memref_slice %arg14[%add3A_32, %dma_start3A_123] : memref<10240x64xf32, #tpu.memory_space<vmem_shared>> -> memref<128x64xf32, #tpu.memory_space<vmem_shared>>
      tpu.enqueue_dma source(%arg8 : memref<128x64xf32, #tpu.memory_space<vmem>>) target(%dma_start3A_124 : memref<128x64xf32, #tpu.memory_space<vmem_shared>>) target_semaphore(%run_scoped3A : memref<!tpu.dma_semaphore, #tpu.memory_space<semaphore_mem>>)
      %dma_wait3A_125 = arith.constant 0 : i32
      %dma_wait3A_126 = tpu.memref_slice %arg14[%add3A_32, %dma_wait3A_125] : memref<10240x64xf32, #tpu.memory_space<vmem_shared>> -> memref<128x64xf32, #tpu.memory_space<vmem_shared>>
      %dma_wait3A_127 = arith.constant 0 : i32
      %dma_wait3A_128 = tpu.memref_slice %arg14[%add3A_32, %dma_wait3A_127] : memref<10240x64xf32, #tpu.memory_space<vmem_shared>> -> memref<128x64xf32, #tpu.memory_space<vmem_shared>>
      tpu.wait_dma2 semaphore(%run_scoped3A : memref<!tpu.dma_semaphore, #tpu.memory_space<semaphore_mem>>) src(%arg8 : memref<128x64xf32, #tpu.memory_space<vmem>>) dst(%dma_wait3A_128 : memref<128x64xf32, #tpu.memory_space<vmem_shared>>)
      tpu.yield
    }) : () -> ()
    %dma_wait3A = arith.constant 0 : i32
    %dma_wait3A_33 = arith.constant 0 : i32
    %dma_wait3A_34 = tpu.memref_slice %arg3[%add3A, %dma_wait3A, %dma_wait3A_33] : memref<32x84x128xi32, #tpu.memory_space<hbm>> -> memref<1x84x128xi32, #tpu.memory_space<hbm>>
    %dma_wait3A_35 = tpu.memref_squeeze %dma_wait3A_34 : memref<1x84x128xi32, #tpu.memory_space<hbm>> -> memref<84x128xi32, #tpu.memory_space<hbm>>
    %dma_wait3A_36 = arith.constant 0 : i32
    %dma_wait3A_37 = arith.constant 0 : i32
    %dma_wait3A_38 = tpu.memref_slice %arg3[%add3A, %dma_wait3A_36, %dma_wait3A_37] : memref<32x84x128xi32, #tpu.memory_space<hbm>> -> memref<1x84x128xi32, #tpu.memory_space<hbm>>
    %dma_wait3A_39 = tpu.memref_squeeze %dma_wait3A_38 : memref<1x84x128xi32, #tpu.memory_space<hbm>> -> memref<84x128xi32, #tpu.memory_space<hbm>>
    tpu.wait_dma2 semaphore(%arg15 : memref<!tpu.dma_semaphore, #tpu.memory_space<semaphore_mem>>) src(%dma_wait3A_39 : memref<84x128xi32, #tpu.memory_space<hbm>>) dst(%arg7 : memref<84x128xi32, #tpu.memory_space<vmem>>)
    %barrier3A = arith.constant 0 : index
    tpu.barrier barrier_id(%barrier3A)
    %dma_start3A_40 = arith.constant 0 : i32
    %dma_start3A_41 = arith.constant 0 : i32
    %dma_start3A_42 = tpu.memref_slice %arg6[%dma_start3A_40, %dma_start3A_41] : memref<84x128xi32, #tpu.memory_space<vmem>> -> memref<1x128xi32, #tpu.memory_space<vmem>>
    %dma_start3A_43 = tpu.memref_squeeze %dma_start3A_42 : memref<1x128xi32, #tpu.memory_space<vmem>> -> memref<128xi32, #tpu.memory_space<vmem>>
    %dma_start3A_44 = arith.constant 0 : i32
    %dma_start3A_45 = arith.constant 0 : i32
    %dma_start3A_46 = tpu.memref_slice %arg4[%dma_start3A_44, %dma_start3A_45] : memref<10000x64xf32, #tpu.memory_space<hbm>> -> memref<10000x64xf32, #tpu.memory_space<hbm>>
    tpu.enqueue_indirect_dma source(%dma_start3A_46 : memref<10000x64xf32, #tpu.memory_space<hbm>>) target(%arg8 : memref<128x64xf32, #tpu.memory_space<vmem>>) offsets(%dma_start3A_43 : memref<128xi32, #tpu.memory_space<vmem>>) semaphore(%arg16 : memref<!tpu.dma_semaphore, #tpu.memory_space<semaphore_mem>>)
    %dma_start3A_47 = arith.constant 1 : i32
    %dma_start3A_48 = arith.constant 0 : i32
    %dma_start3A_49 = tpu.memref_slice %arg6[%dma_start3A_47, %dma_start3A_48] : memref<84x128xi32, #tpu.memory_space<vmem>> -> memref<1x128xi32, #tpu.memory_space<vmem>>
    %dma_start3A_50 = tpu.memref_squeeze %dma_start3A_49 : memref<1x128xi32, #tpu.memory_space<vmem>> -> memref<128xi32, #tpu.memory_space<vmem>>
    %dma_start3A_51 = arith.constant 0 : i32
    %dma_start3A_52 = arith.constant 0 : i32
    %dma_start3A_53 = tpu.memref_slice %arg4[%dma_start3A_51, %dma_start3A_52] : memref<10000x64xf32, #tpu.memory_space<hbm>> -> memref<10000x64xf32, #tpu.memory_space<hbm>>
    tpu.enqueue_indirect_dma source(%dma_start3A_53 : memref<10000x64xf32, #tpu.memory_space<hbm>>) target(%arg9 : memref<128x64xf32, #tpu.memory_space<vmem>>) offsets(%dma_start3A_50 : memref<128xi32, #tpu.memory_space<vmem>>) semaphore(%arg17 : memref<!tpu.dma_semaphore, #tpu.memory_space<semaphore_mem>>)
    %dma_start3A_54 = arith.constant 2 : i32
    %dma_start3A_55 = arith.constant 0 : i32
    %dma_start3A_56 = tpu.memref_slice %arg6[%dma_start3A_54, %dma_start3A_55] : memref<84x128xi32, #tpu.memory_space<vmem>> -> memref<1x128xi32, #tpu.memory_space<vmem>>
    %dma_start3A_57 = tpu.memref_squeeze %dma_start3A_56 : memref<1x128xi32, #tpu.memory_space<vmem>> -> memref<128xi32, #tpu.memory_space<vmem>>
    %dma_start3A_58 = arith.constant 0 : i32
    %dma_start3A_59 = arith.constant 0 : i32
    %dma_start3A_60 = tpu.memref_slice %arg4[%dma_start3A_58, %dma_start3A_59] : memref<10000x64xf32, #tpu.memory_space<hbm>> -> memref<10000x64xf32, #tpu.memory_space<hbm>>
    tpu.enqueue_indirect_dma source(%dma_start3A_60 : memref<10000x64xf32, #tpu.memory_space<hbm>>) target(%arg10 : memref<128x64xf32, #tpu.memory_space<vmem>>) offsets(%dma_start3A_57 : memref<128xi32, #tpu.memory_space<vmem>>) semaphore(%arg18 : memref<!tpu.dma_semaphore, #tpu.memory_space<semaphore_mem>>)
    %dma_start3A_61 = arith.constant 3 : i32
    %dma_start3A_62 = arith.constant 0 : i32
    %dma_start3A_63 = tpu.memref_slice %arg6[%dma_start3A_61, %dma_start3A_62] : memref<84x128xi32, #tpu.memory_space<vmem>> -> memref<1x128xi32, #tpu.memory_space<vmem>>
    %dma_start3A_64 = tpu.memref_squeeze %dma_start3A_63 : memref<1x128xi32, #tpu.memory_space<vmem>> -> memref<128xi32, #tpu.memory_space<vmem>>
    %dma_start3A_65 = arith.constant 0 : i32
    %dma_start3A_66 = arith.constant 0 : i32
    %dma_start3A_67 = tpu.memref_slice %arg4[%dma_start3A_65, %dma_start3A_66] : memref<10000x64xf32, #tpu.memory_space<hbm>> -> memref<10000x64xf32, #tpu.memory_space<hbm>>
    tpu.enqueue_indirect_dma source(%dma_start3A_67 : memref<10000x64xf32, #tpu.memory_space<hbm>>) target(%arg11 : memref<128x64xf32, #tpu.memory_space<vmem>>) offsets(%dma_start3A_64 : memref<128xi32, #tpu.memory_space<vmem>>) semaphore(%arg19 : memref<!tpu.dma_semaphore, #tpu.memory_space<semaphore_mem>>)
    %scan3A_68 = arith.constant 0 : i32
    %scan3A_69 = arith.constant 0 : i32
    %scan3A_70 = arith.constant 14 : i32
    %scan3A_71 = arith.addi %scan3A_69, %scan3A_70 : i32
    %scan3A_72 = arith.constant 1 : i32
    scf.for %scan3A_121 = %scan3A_69 to %scan3A_71 step %scan3A_72  : i32 {
      %mul3A_122 = arith.constant 6 : i32
      %mul3A_123 = arith.muli %scan3A_121, %mul3A_122 : i32
      %add3A_124 = arith.constant 0 : i32
      %add3A_125 = arith.addi %mul3A_123, %add3A_124 : i32
      %add3A_126 = arith.constant 4 : i32
      %add3A_127 = arith.addi %add3A_125, %add3A_126 : i32
      %lt3A = arith.constant 84 : i32
      %lt3A_128 = arith.cmpi slt, %add3A_127, %lt3A : i32
      %convert_element_type3A = arith.extui %lt3A_128 : i1 to i32
      %cond3A = arith.constant 0 : i32
      %cond3A_129 = arith.cmpi ne, %convert_element_type3A, %cond3A : i32
      scf.if %cond3A_129 {
        %ge3A = arith.constant 6 : i32
        %ge3A_257 = arith.cmpi sge, %add3A_127, %ge3A : i32
        %convert_element_type3A_258 = arith.extui %ge3A_257 : i1 to i32
        %cond3A_259 = arith.constant 0 : i32
        %cond3A_260 = arith.cmpi ne, %convert_element_type3A_258, %cond3A_259 : i32
        scf.if %cond3A_260 {
          %sub3A = arith.constant 6 : i32
          %sub3A_267 = arith.subi %add3A_127, %sub3A : i32
          %dma_wait3A_268 = arith.constant 0 : i32
          %dma_wait3A_269 = tpu.memref_slice %arg7[%sub3A_267, %dma_wait3A_268] : memref<84x128xi32, #tpu.memory_space<vmem>> -> memref<1x128xi32, #tpu.memory_space<vmem>>
          %dma_wait3A_270 = tpu.memref_squeeze %dma_wait3A_269 : memref<1x128xi32, #tpu.memory_space<vmem>> -> memref<128xi32, #tpu.memory_space<vmem>>
          %dma_wait3A_271 = arith.constant 0 : i32
          %dma_wait3A_272 = arith.constant 0 : i32
          %dma_wait3A_273 = tpu.memref_slice %arg14[%dma_wait3A_271, %dma_wait3A_272] : memref<10240x64xf32, #tpu.memory_space<vmem_shared>> -> memref<10240x64xf32, #tpu.memory_space<vmem_shared>>
          tpu.wait_indirect_dma semaphore(%arg26 : memref<!tpu.dma_semaphore, #tpu.memory_space<semaphore_mem>>) src(%arg12 : memref<128x64xf32, #tpu.memory_space<vmem>>) dst(%dma_wait3A_273 : memref<10240x64xf32, #tpu.memory_space<vmem_shared>>)
        } else {
        }
        %dma_start3A_261 = arith.constant 0 : i32
        %dma_start3A_262 = tpu.memref_slice %arg6[%add3A_127, %dma_start3A_261] : memref<84x128xi32, #tpu.memory_space<vmem>> -> memref<1x128xi32, #tpu.memory_space<vmem>>
        %dma_start3A_263 = tpu.memref_squeeze %dma_start3A_262 : memref<1x128xi32, #tpu.memory_space<vmem>> -> memref<128xi32, #tpu.memory_space<vmem>>
        %dma_start3A_264 = arith.constant 0 : i32
        %dma_start3A_265 = arith.constant 0 : i32
        %dma_start3A_266 = tpu.memref_slice %arg4[%dma_start3A_264, %dma_start3A_265] : memref<10000x64xf32, #tpu.memory_space<hbm>> -> memref<10000x64xf32, #tpu.memory_space<hbm>>
        tpu.enqueue_indirect_dma source(%dma_start3A_266 : memref<10000x64xf32, #tpu.memory_space<hbm>>) target(%arg12 : memref<128x64xf32, #tpu.memory_space<vmem>>) offsets(%dma_start3A_263 : memref<128xi32, #tpu.memory_space<vmem>>) semaphore(%arg20 : memref<!tpu.dma_semaphore, #tpu.memory_space<semaphore_mem>>)
      } else {
      }
      %dma_wait3A_130 = arith.constant 0 : i32
      %dma_wait3A_131 = tpu.memref_slice %arg6[%add3A_125, %dma_wait3A_130] : memref<84x128xi32, #tpu.memory_space<vmem>> -> memref<1x128xi32, #tpu.memory_space<vmem>>
      %dma_wait3A_132 = tpu.memref_squeeze %dma_wait3A_131 : memref<1x128xi32, #tpu.memory_space<vmem>> -> memref<128xi32, #tpu.memory_space<vmem>>
      %dma_wait3A_133 = arith.constant 0 : i32
      %dma_wait3A_134 = arith.constant 0 : i32
      %dma_wait3A_135 = tpu.memref_slice %arg4[%dma_wait3A_133, %dma_wait3A_134] : memref<10000x64xf32, #tpu.memory_space<hbm>> -> memref<10000x64xf32, #tpu.memory_space<hbm>>
      tpu.wait_indirect_dma semaphore(%arg16 : memref<!tpu.dma_semaphore, #tpu.memory_space<semaphore_mem>>) src(%dma_wait3A_135 : memref<10000x64xf32, #tpu.memory_space<hbm>>) dst(%arg8 : memref<128x64xf32, #tpu.memory_space<vmem>>)
      %dma_start3A_136 = arith.constant 0 : i32
      %dma_start3A_137 = tpu.memref_slice %arg7[%add3A_125, %dma_start3A_136] : memref<84x128xi32, #tpu.memory_space<vmem>> -> memref<1x128xi32, #tpu.memory_space<vmem>>
      %dma_start3A_138 = tpu.memref_squeeze %dma_start3A_137 : memref<1x128xi32, #tpu.memory_space<vmem>> -> memref<128xi32, #tpu.memory_space<vmem>>
      %dma_start3A_139 = arith.constant 0 : i32
      %dma_start3A_140 = arith.constant 0 : i32
      %dma_start3A_141 = tpu.memref_slice %arg14[%dma_start3A_139, %dma_start3A_140] : memref<10240x64xf32, #tpu.memory_space<vmem_shared>> -> memref<10240x64xf32, #tpu.memory_space<vmem_shared>>
      tpu.enqueue_indirect_dma source(%arg8 : memref<128x64xf32, #tpu.memory_space<vmem>>) target(%dma_start3A_141 : memref<10240x64xf32, #tpu.memory_space<vmem_shared>>) offsets(%dma_start3A_138 : memref<128xi32, #tpu.memory_space<vmem>>) semaphore(%arg22 : memref<!tpu.dma_semaphore, #tpu.memory_space<semaphore_mem>>) {add = true}
      %mul3A_142 = arith.constant 6 : i32
      %mul3A_143 = arith.muli %scan3A_121, %mul3A_142 : i32
      %add3A_144 = arith.constant 1 : i32
      %add3A_145 = arith.addi %mul3A_143, %add3A_144 : i32
      %add3A_146 = arith.constant 4 : i32
      %add3A_147 = arith.addi %add3A_145, %add3A_146 : i32
      %lt3A_148 = arith.constant 84 : i32
      %lt3A_149 = arith.cmpi slt, %add3A_147, %lt3A_148 : i32
      %convert_element_type3A_150 = arith.extui %lt3A_149 : i1 to i32
      %cond3A_151 = arith.constant 0 : i32
      %cond3A_152 = arith.cmpi ne, %convert_element_type3A_150, %cond3A_151 : i32
      scf.if %cond3A_152 {
        %ge3A = arith.constant 6 : i32
        %ge3A_257 = arith.cmpi sge, %add3A_147, %ge3A : i32
        %convert_element_type3A_258 = arith.extui %ge3A_257 : i1 to i32
        %cond3A_259 = arith.constant 0 : i32
        %cond3A_260 = arith.cmpi ne, %convert_element_type3A_258, %cond3A_259 : i32
        scf.if %cond3A_260 {
          %sub3A = arith.constant 6 : i32
          %sub3A_267 = arith.subi %add3A_147, %sub3A : i32
          %dma_wait3A_268 = arith.constant 0 : i32
          %dma_wait3A_269 = tpu.memref_slice %arg7[%sub3A_267, %dma_wait3A_268] : memref<84x128xi32, #tpu.memory_space<vmem>> -> memref<1x128xi32, #tpu.memory_space<vmem>>
          %dma_wait3A_270 = tpu.memref_squeeze %dma_wait3A_269 : memref<1x128xi32, #tpu.memory_space<vmem>> -> memref<128xi32, #tpu.memory_space<vmem>>
          %dma_wait3A_271 = arith.constant 0 : i32
          %dma_wait3A_272 = arith.constant 0 : i32
          %dma_wait3A_273 = tpu.memref_slice %arg14[%dma_wait3A_271, %dma_wait3A_272] : memref<10240x64xf32, #tpu.memory_space<vmem_shared>> -> memref<10240x64xf32, #tpu.memory_space<vmem_shared>>
          tpu.wait_indirect_dma semaphore(%arg27 : memref<!tpu.dma_semaphore, #tpu.memory_space<semaphore_mem>>) src(%arg13 : memref<128x64xf32, #tpu.memory_space<vmem>>) dst(%dma_wait3A_273 : memref<10240x64xf32, #tpu.memory_space<vmem_shared>>)
        } else {
        }
        %dma_start3A_261 = arith.constant 0 : i32
        %dma_start3A_262 = tpu.memref_slice %arg6[%add3A_147, %dma_start3A_261] : memref<84x128xi32, #tpu.memory_space<vmem>> -> memref<1x128xi32, #tpu.memory_space<vmem>>
        %dma_start3A_263 = tpu.memref_squeeze %dma_start3A_262 : memref<1x128xi32, #tpu.memory_space<vmem>> -> memref<128xi32, #tpu.memory_space<vmem>>
        %dma_start3A_264 = arith.constant 0 : i32
        %dma_start3A_265 = arith.constant 0 : i32
        %dma_start3A_266 = tpu.memref_slice %arg4[%dma_start3A_264, %dma_start3A_265] : memref<10000x64xf32, #tpu.memory_space<hbm>> -> memref<10000x64xf32, #tpu.memory_space<hbm>>
        tpu.enqueue_indirect_dma source(%dma_start3A_266 : memref<10000x64xf32, #tpu.memory_space<hbm>>) target(%arg13 : memref<128x64xf32, #tpu.memory_space<vmem>>) offsets(%dma_start3A_263 : memref<128xi32, #tpu.memory_space<vmem>>) semaphore(%arg21 : memref<!tpu.dma_semaphore, #tpu.memory_space<semaphore_mem>>)
      } else {
      }
      %dma_wait3A_153 = arith.constant 0 : i32
      %dma_wait3A_154 = tpu.memref_slice %arg6[%add3A_145, %dma_wait3A_153] : memref<84x128xi32, #tpu.memory_space<vmem>> -> memref<1x128xi32, #tpu.memory_space<vmem>>
      %dma_wait3A_155 = tpu.memref_squeeze %dma_wait3A_154 : memref<1x128xi32, #tpu.memory_space<vmem>> -> memref<128xi32, #tpu.memory_space<vmem>>
      %dma_wait3A_156 = arith.constant 0 : i32
      %dma_wait3A_157 = arith.constant 0 : i32
      %dma_wait3A_158 = tpu.memref_slice %arg4[%dma_wait3A_156, %dma_wait3A_157] : memref<10000x64xf32, #tpu.memory_space<hbm>> -> memref<10000x64xf32, #tpu.memory_space<hbm>>
      tpu.wait_indirect_dma semaphore(%arg17 : memref<!tpu.dma_semaphore, #tpu.memory_space<semaphore_mem>>) src(%dma_wait3A_158 : memref<10000x64xf32, #tpu.memory_space<hbm>>) dst(%arg9 : memref<128x64xf32, #tpu.memory_space<vmem>>)
      %dma_start3A_159 = arith.constant 0 : i32
      %dma_start3A_160 = tpu.memref_slice %arg7[%add3A_145, %dma_start3A_159] : memref<84x128xi32, #tpu.memory_space<vmem>> -> memref<1x128xi32, #tpu.memory_space<vmem>>
      %dma_start3A_161 = tpu.memref_squeeze %dma_start3A_160 : memref<1x128xi32, #tpu.memory_space<vmem>> -> memref<128xi32, #tpu.memory_space<vmem>>
      %dma_start3A_162 = arith.constant 0 : i32
      %dma_start3A_163 = arith.constant 0 : i32
      %dma_start3A_164 = tpu.memref_slice %arg14[%dma_start3A_162, %dma_start3A_163] : memref<10240x64xf32, #tpu.memory_space<vmem_shared>> -> memref<10240x64xf32, #tpu.memory_space<vmem_shared>>
      tpu.enqueue_indirect_dma source(%arg9 : memref<128x64xf32, #tpu.memory_space<vmem>>) target(%dma_start3A_164 : memref<10240x64xf32, #tpu.memory_space<vmem_shared>>) offsets(%dma_start3A_161 : memref<128xi32, #tpu.memory_space<vmem>>) semaphore(%arg23 : memref<!tpu.dma_semaphore, #tpu.memory_space<semaphore_mem>>) {add = true}
      %mul3A_165 = arith.constant 6 : i32
      %mul3A_166 = arith.muli %scan3A_121, %mul3A_165 : i32
      %add3A_167 = arith.constant 2 : i32
      %add3A_168 = arith.addi %mul3A_166, %add3A_167 : i32
      %add3A_169 = arith.constant 4 : i32
      %add3A_170 = arith.addi %add3A_168, %add3A_169 : i32
      %lt3A_171 = arith.constant 84 : i32
      %lt3A_172 = arith.cmpi slt, %add3A_170, %lt3A_171 : i32
      %convert_element_type3A_173 = arith.extui %lt3A_172 : i1 to i32
      %cond3A_174 = arith.constant 0 : i32
      %cond3A_175 = arith.cmpi ne, %convert_element_type3A_173, %cond3A_174 : i32
      scf.if %cond3A_175 {
        %ge3A = arith.constant 6 : i32
        %ge3A_257 = arith.cmpi sge, %add3A_170, %ge3A : i32
        %convert_element_type3A_258 = arith.extui %ge3A_257 : i1 to i32
        %cond3A_259 = arith.constant 0 : i32
        %cond3A_260 = arith.cmpi ne, %convert_element_type3A_258, %cond3A_259 : i32
        scf.if %cond3A_260 {
          %sub3A = arith.constant 6 : i32
          %sub3A_267 = arith.subi %add3A_170, %sub3A : i32
          %dma_wait3A_268 = arith.constant 0 : i32
          %dma_wait3A_269 = tpu.memref_slice %arg7[%sub3A_267, %dma_wait3A_268] : memref<84x128xi32, #tpu.memory_space<vmem>> -> memref<1x128xi32, #tpu.memory_space<vmem>>
          %dma_wait3A_270 = tpu.memref_squeeze %dma_wait3A_269 : memref<1x128xi32, #tpu.memory_space<vmem>> -> memref<128xi32, #tpu.memory_space<vmem>>
          %dma_wait3A_271 = arith.constant 0 : i32
          %dma_wait3A_272 = arith.constant 0 : i32
          %dma_wait3A_273 = tpu.memref_slice %arg14[%dma_wait3A_271, %dma_wait3A_272] : memref<10240x64xf32, #tpu.memory_space<vmem_shared>> -> memref<10240x64xf32, #tpu.memory_space<vmem_shared>>
          tpu.wait_indirect_dma semaphore(%arg22 : memref<!tpu.dma_semaphore, #tpu.memory_space<semaphore_mem>>) src(%arg8 : memref<128x64xf32, #tpu.memory_space<vmem>>) dst(%dma_wait3A_273 : memref<10240x64xf32, #tpu.memory_space<vmem_shared>>)
        } else {
        }
        %dma_start3A_261 = arith.constant 0 : i32
        %dma_start3A_262 = tpu.memref_slice %arg6[%add3A_170, %dma_start3A_261] : memref<84x128xi32, #tpu.memory_space<vmem>> -> memref<1x128xi32, #tpu.memory_space<vmem>>
        %dma_start3A_263 = tpu.memref_squeeze %dma_start3A_262 : memref<1x128xi32, #tpu.memory_space<vmem>> -> memref<128xi32, #tpu.memory_space<vmem>>
        %dma_start3A_264 = arith.constant 0 : i32
        %dma_start3A_265 = arith.constant 0 : i32
        %dma_start3A_266 = tpu.memref_slice %arg4[%dma_start3A_264, %dma_start3A_265] : memref<10000x64xf32, #tpu.memory_space<hbm>> -> memref<10000x64xf32, #tpu.memory_space<hbm>>
        tpu.enqueue_indirect_dma source(%dma_start3A_266 : memref<10000x64xf32, #tpu.memory_space<hbm>>) target(%arg8 : memref<128x64xf32, #tpu.memory_space<vmem>>) offsets(%dma_start3A_263 : memref<128xi32, #tpu.memory_space<vmem>>) semaphore(%arg16 : memref<!tpu.dma_semaphore, #tpu.memory_space<semaphore_mem>>)
      } else {
      }
      %dma_wait3A_176 = arith.constant 0 : i32
      %dma_wait3A_177 = tpu.memref_slice %arg6[%add3A_168, %dma_wait3A_176] : memref<84x128xi32, #tpu.memory_space<vmem>> -> memref<1x128xi32, #tpu.memory_space<vmem>>
      %dma_wait3A_178 = tpu.memref_squeeze %dma_wait3A_177 : memref<1x128xi32, #tpu.memory_space<vmem>> -> memref<128xi32, #tpu.memory_space<vmem>>
      %dma_wait3A_179 = arith.constant 0 : i32
      %dma_wait3A_180 = arith.constant 0 : i32
      %dma_wait3A_181 = tpu.memref_slice %arg4[%dma_wait3A_179, %dma_wait3A_180] : memref<10000x64xf32, #tpu.memory_space<hbm>> -> memref<10000x64xf32, #tpu.memory_space<hbm>>
      tpu.wait_indirect_dma semaphore(%arg18 : memref<!tpu.dma_semaphore, #tpu.memory_space<semaphore_mem>>) src(%dma_wait3A_181 : memref<10000x64xf32, #tpu.memory_space<hbm>>) dst(%arg10 : memref<128x64xf32, #tpu.memory_space<vmem>>)
      %dma_start3A_182 = arith.constant 0 : i32
      %dma_start3A_183 = tpu.memref_slice %arg7[%add3A_168, %dma_start3A_182] : memref<84x128xi32, #tpu.memory_space<vmem>> -> memref<1x128xi32, #tpu.memory_space<vmem>>
      %dma_start3A_184 = tpu.memref_squeeze %dma_start3A_183 : memref<1x128xi32, #tpu.memory_space<vmem>> -> memref<128xi32, #tpu.memory_space<vmem>>
      %dma_start3A_185 = arith.constant 0 : i32
      %dma_start3A_186 = arith.constant 0 : i32
      %dma_start3A_187 = tpu.memref_slice %arg14[%dma_start3A_185, %dma_start3A_186] : memref<10240x64xf32, #tpu.memory_space<vmem_shared>> -> memref<10240x64xf32, #tpu.memory_space<vmem_shared>>
      tpu.enqueue_indirect_dma source(%arg10 : memref<128x64xf32, #tpu.memory_space<vmem>>) target(%dma_start3A_187 : memref<10240x64xf32, #tpu.memory_space<vmem_shared>>) offsets(%dma_start3A_184 : memref<128xi32, #tpu.memory_space<vmem>>) semaphore(%arg24 : memref<!tpu.dma_semaphore, #tpu.memory_space<semaphore_mem>>) {add = true}
      %mul3A_188 = arith.constant 6 : i32
      %mul3A_189 = arith.muli %scan3A_121, %mul3A_188 : i32
      %add3A_190 = arith.constant 3 : i32
      %add3A_191 = arith.addi %mul3A_189, %add3A_190 : i32
      %add3A_192 = arith.constant 4 : i32
      %add3A_193 = arith.addi %add3A_191, %add3A_192 : i32
      %lt3A_194 = arith.constant 84 : i32
      %lt3A_195 = arith.cmpi slt, %add3A_193, %lt3A_194 : i32
      %convert_element_type3A_196 = arith.extui %lt3A_195 : i1 to i32
      %cond3A_197 = arith.constant 0 : i32
      %cond3A_198 = arith.cmpi ne, %convert_element_type3A_196, %cond3A_197 : i32
      scf.if %cond3A_198 {
        %ge3A = arith.constant 6 : i32
        %ge3A_257 = arith.cmpi sge, %add3A_193, %ge3A : i32
        %convert_element_type3A_258 = arith.extui %ge3A_257 : i1 to i32
        %cond3A_259 = arith.constant 0 : i32
        %cond3A_260 = arith.cmpi ne, %convert_element_type3A_258, %cond3A_259 : i32
        scf.if %cond3A_260 {
          %sub3A = arith.constant 6 : i32
          %sub3A_267 = arith.subi %add3A_193, %sub3A : i32
          %dma_wait3A_268 = arith.constant 0 : i32
          %dma_wait3A_269 = tpu.memref_slice %arg7[%sub3A_267, %dma_wait3A_268] : memref<84x128xi32, #tpu.memory_space<vmem>> -> memref<1x128xi32, #tpu.memory_space<vmem>>
          %dma_wait3A_270 = tpu.memref_squeeze %dma_wait3A_269 : memref<1x128xi32, #tpu.memory_space<vmem>> -> memref<128xi32, #tpu.memory_space<vmem>>
          %dma_wait3A_271 = arith.constant 0 : i32
          %dma_wait3A_272 = arith.constant 0 : i32
          %dma_wait3A_273 = tpu.memref_slice %arg14[%dma_wait3A_271, %dma_wait3A_272] : memref<10240x64xf32, #tpu.memory_space<vmem_shared>> -> memref<10240x64xf32, #tpu.memory_space<vmem_shared>>
          tpu.wait_indirect_dma semaphore(%arg23 : memref<!tpu.dma_semaphore, #tpu.memory_space<semaphore_mem>>) src(%arg9 : memref<128x64xf32, #tpu.memory_space<vmem>>) dst(%dma_wait3A_273 : memref<10240x64xf32, #tpu.memory_space<vmem_shared>>)
        } else {
        }
        %dma_start3A_261 = arith.constant 0 : i32
        %dma_start3A_262 = tpu.memref_slice %arg6[%add3A_193, %dma_start3A_261] : memref<84x128xi32, #tpu.memory_space<vmem>> -> memref<1x128xi32, #tpu.memory_space<vmem>>
        %dma_start3A_263 = tpu.memref_squeeze %dma_start3A_262 : memref<1x128xi32, #tpu.memory_space<vmem>> -> memref<128xi32, #tpu.memory_space<vmem>>
        %dma_start3A_264 = arith.constant 0 : i32
        %dma_start3A_265 = arith.constant 0 : i32
        %dma_start3A_266 = tpu.memref_slice %arg4[%dma_start3A_264, %dma_start3A_265] : memref<10000x64xf32, #tpu.memory_space<hbm>> -> memref<10000x64xf32, #tpu.memory_space<hbm>>
        tpu.enqueue_indirect_dma source(%dma_start3A_266 : memref<10000x64xf32, #tpu.memory_space<hbm>>) target(%arg9 : memref<128x64xf32, #tpu.memory_space<vmem>>) offsets(%dma_start3A_263 : memref<128xi32, #tpu.memory_space<vmem>>) semaphore(%arg17 : memref<!tpu.dma_semaphore, #tpu.memory_space<semaphore_mem>>)
      } else {
      }
      %dma_wait3A_199 = arith.constant 0 : i32
      %dma_wait3A_200 = tpu.memref_slice %arg6[%add3A_191, %dma_wait3A_199] : memref<84x128xi32, #tpu.memory_space<vmem>> -> memref<1x128xi32, #tpu.memory_space<vmem>>
      %dma_wait3A_201 = tpu.memref_squeeze %dma_wait3A_200 : memref<1x128xi32, #tpu.memory_space<vmem>> -> memref<128xi32, #tpu.memory_space<vmem>>
      %dma_wait3A_202 = arith.constant 0 : i32
      %dma_wait3A_203 = arith.constant 0 : i32
      %dma_wait3A_204 = tpu.memref_slice %arg4[%dma_wait3A_202, %dma_wait3A_203] : memref<10000x64xf32, #tpu.memory_space<hbm>> -> memref<10000x64xf32, #tpu.memory_space<hbm>>
      tpu.wait_indirect_dma semaphore(%arg19 : memref<!tpu.dma_semaphore, #tpu.memory_space<semaphore_mem>>) src(%dma_wait3A_204 : memref<10000x64xf32, #tpu.memory_space<hbm>>) dst(%arg11 : memref<128x64xf32, #tpu.memory_space<vmem>>)
      %dma_start3A_205 = arith.constant 0 : i32
      %dma_start3A_206 = tpu.memref_slice %arg7[%add3A_191, %dma_start3A_205] : memref<84x128xi32, #tpu.memory_space<vmem>> -> memref<1x128xi32, #tpu.memory_space<vmem>>
      %dma_start3A_207 = tpu.memref_squeeze %dma_start3A_206 : memref<1x128xi32, #tpu.memory_space<vmem>> -> memref<128xi32, #tpu.memory_space<vmem>>
      %dma_start3A_208 = arith.constant 0 : i32
      %dma_start3A_209 = arith.constant 0 : i32
      %dma_start3A_210 = tpu.memref_slice %arg14[%dma_start3A_208, %dma_start3A_209] : memref<10240x64xf32, #tpu.memory_space<vmem_shared>> -> memref<10240x64xf32, #tpu.memory_space<vmem_shared>>
      tpu.enqueue_indirect_dma source(%arg11 : memref<128x64xf32, #tpu.memory_space<vmem>>) target(%dma_start3A_210 : memref<10240x64xf32, #tpu.memory_space<vmem_shared>>) offsets(%dma_start3A_207 : memref<128xi32, #tpu.memory_space<vmem>>) semaphore(%arg25 : memref<!tpu.dma_semaphore, #tpu.memory_space<semaphore_mem>>) {add = true}
      %mul3A_211 = arith.constant 6 : i32
      %mul3A_212 = arith.muli %scan3A_121, %mul3A_211 : i32
      %add3A_213 = arith.constant 4 : i32
      %add3A_214 = arith.addi %mul3A_212, %add3A_213 : i32
      %add3A_215 = arith.constant 4 : i32
      %add3A_216 = arith.addi %add3A_214, %add3A_215 : i32
      %lt3A_217 = arith.constant 84 : i32
      %lt3A_218 = arith.cmpi slt, %add3A_216, %lt3A_217 : i32
      %convert_element_type3A_219 = arith.extui %lt3A_218 : i1 to i32
      %cond3A_220 = arith.constant 0 : i32
      %cond3A_221 = arith.cmpi ne, %convert_element_type3A_219, %cond3A_220 : i32
      scf.if %cond3A_221 {
        %ge3A = arith.constant 6 : i32
        %ge3A_257 = arith.cmpi sge, %add3A_216, %ge3A : i32
        %convert_element_type3A_258 = arith.extui %ge3A_257 : i1 to i32
        %cond3A_259 = arith.constant 0 : i32
        %cond3A_260 = arith.cmpi ne, %convert_element_type3A_258, %cond3A_259 : i32
        scf.if %cond3A_260 {
          %sub3A = arith.constant 6 : i32
          %sub3A_267 = arith.subi %add3A_216, %sub3A : i32
          %dma_wait3A_268 = arith.constant 0 : i32
          %dma_wait3A_269 = tpu.memref_slice %arg7[%sub3A_267, %dma_wait3A_268] : memref<84x128xi32, #tpu.memory_space<vmem>> -> memref<1x128xi32, #tpu.memory_space<vmem>>
          %dma_wait3A_270 = tpu.memref_squeeze %dma_wait3A_269 : memref<1x128xi32, #tpu.memory_space<vmem>> -> memref<128xi32, #tpu.memory_space<vmem>>
          %dma_wait3A_271 = arith.constant 0 : i32
          %dma_wait3A_272 = arith.constant 0 : i32
          %dma_wait3A_273 = tpu.memref_slice %arg14[%dma_wait3A_271, %dma_wait3A_272] : memref<10240x64xf32, #tpu.memory_space<vmem_shared>> -> memref<10240x64xf32, #tpu.memory_space<vmem_shared>>
          tpu.wait_indirect_dma semaphore(%arg24 : memref<!tpu.dma_semaphore, #tpu.memory_space<semaphore_mem>>) src(%arg10 : memref<128x64xf32, #tpu.memory_space<vmem>>) dst(%dma_wait3A_273 : memref<10240x64xf32, #tpu.memory_space<vmem_shared>>)
        } else {
        }
        %dma_start3A_261 = arith.constant 0 : i32
        %dma_start3A_262 = tpu.memref_slice %arg6[%add3A_216, %dma_start3A_261] : memref<84x128xi32, #tpu.memory_space<vmem>> -> memref<1x128xi32, #tpu.memory_space<vmem>>
        %dma_start3A_263 = tpu.memref_squeeze %dma_start3A_262 : memref<1x128xi32, #tpu.memory_space<vmem>> -> memref<128xi32, #tpu.memory_space<vmem>>
        %dma_start3A_264 = arith.constant 0 : i32
        %dma_start3A_265 = arith.constant 0 : i32
        %dma_start3A_266 = tpu.memref_slice %arg4[%dma_start3A_264, %dma_start3A_265] : memref<10000x64xf32, #tpu.memory_space<hbm>> -> memref<10000x64xf32, #tpu.memory_space<hbm>>
        tpu.enqueue_indirect_dma source(%dma_start3A_266 : memref<10000x64xf32, #tpu.memory_space<hbm>>) target(%arg10 : memref<128x64xf32, #tpu.memory_space<vmem>>) offsets(%dma_start3A_263 : memref<128xi32, #tpu.memory_space<vmem>>) semaphore(%arg18 : memref<!tpu.dma_semaphore, #tpu.memory_space<semaphore_mem>>)
      } else {
      }
      %dma_wait3A_222 = arith.constant 0 : i32
      %dma_wait3A_223 = tpu.memref_slice %arg6[%add3A_214, %dma_wait3A_222] : memref<84x128xi32, #tpu.memory_space<vmem>> -> memref<1x128xi32, #tpu.memory_space<vmem>>
      %dma_wait3A_224 = tpu.memref_squeeze %dma_wait3A_223 : memref<1x128xi32, #tpu.memory_space<vmem>> -> memref<128xi32, #tpu.memory_space<vmem>>
      %dma_wait3A_225 = arith.constant 0 : i32
      %dma_wait3A_226 = arith.constant 0 : i32
      %dma_wait3A_227 = tpu.memref_slice %arg4[%dma_wait3A_225, %dma_wait3A_226] : memref<10000x64xf32, #tpu.memory_space<hbm>> -> memref<10000x64xf32, #tpu.memory_space<hbm>>
      tpu.wait_indirect_dma semaphore(%arg20 : memref<!tpu.dma_semaphore, #tpu.memory_space<semaphore_mem>>) src(%dma_wait3A_227 : memref<10000x64xf32, #tpu.memory_space<hbm>>) dst(%arg12 : memref<128x64xf32, #tpu.memory_space<vmem>>)
      %dma_start3A_228 = arith.constant 0 : i32
      %dma_start3A_229 = tpu.memref_slice %arg7[%add3A_214, %dma_start3A_228] : memref<84x128xi32, #tpu.memory_space<vmem>> -> memref<1x128xi32, #tpu.memory_space<vmem>>
      %dma_start3A_230 = tpu.memref_squeeze %dma_start3A_229 : memref<1x128xi32, #tpu.memory_space<vmem>> -> memref<128xi32, #tpu.memory_space<vmem>>
      %dma_start3A_231 = arith.constant 0 : i32
      %dma_start3A_232 = arith.constant 0 : i32
      %dma_start3A_233 = tpu.memref_slice %arg14[%dma_start3A_231, %dma_start3A_232] : memref<10240x64xf32, #tpu.memory_space<vmem_shared>> -> memref<10240x64xf32, #tpu.memory_space<vmem_shared>>
      tpu.enqueue_indirect_dma source(%arg12 : memref<128x64xf32, #tpu.memory_space<vmem>>) target(%dma_start3A_233 : memref<10240x64xf32, #tpu.memory_space<vmem_shared>>) offsets(%dma_start3A_230 : memref<128xi32, #tpu.memory_space<vmem>>) semaphore(%arg26 : memref<!tpu.dma_semaphore, #tpu.memory_space<semaphore_mem>>) {add = true}
      %mul3A_234 = arith.constant 6 : i32
      %mul3A_235 = arith.muli %scan3A_121, %mul3A_234 : i32
      %add3A_236 = arith.constant 5 : i32
      %add3A_237 = arith.addi %mul3A_235, %add3A_236 : i32
      %add3A_238 = arith.constant 4 : i32
      %add3A_239 = arith.addi %add3A_237, %add3A_238 : i32
      %lt3A_240 = arith.constant 84 : i32
      %lt3A_241 = arith.cmpi slt, %add3A_239, %lt3A_240 : i32
      %convert_element_type3A_242 = arith.extui %lt3A_241 : i1 to i32
      %cond3A_243 = arith.constant 0 : i32
      %cond3A_244 = arith.cmpi ne, %convert_element_type3A_242, %cond3A_243 : i32
      scf.if %cond3A_244 {
        %ge3A = arith.constant 6 : i32
        %ge3A_257 = arith.cmpi sge, %add3A_239, %ge3A : i32
        %convert_element_type3A_258 = arith.extui %ge3A_257 : i1 to i32
        %cond3A_259 = arith.constant 0 : i32
        %cond3A_260 = arith.cmpi ne, %convert_element_type3A_258, %cond3A_259 : i32
        scf.if %cond3A_260 {
          %sub3A = arith.constant 6 : i32
          %sub3A_267 = arith.subi %add3A_239, %sub3A : i32
          %dma_wait3A_268 = arith.constant 0 : i32
          %dma_wait3A_269 = tpu.memref_slice %arg7[%sub3A_267, %dma_wait3A_268] : memref<84x128xi32, #tpu.memory_space<vmem>> -> memref<1x128xi32, #tpu.memory_space<vmem>>
          %dma_wait3A_270 = tpu.memref_squeeze %dma_wait3A_269 : memref<1x128xi32, #tpu.memory_space<vmem>> -> memref<128xi32, #tpu.memory_space<vmem>>
          %dma_wait3A_271 = arith.constant 0 : i32
          %dma_wait3A_272 = arith.constant 0 : i32
          %dma_wait3A_273 = tpu.memref_slice %arg14[%dma_wait3A_271, %dma_wait3A_272] : memref<10240x64xf32, #tpu.memory_space<vmem_shared>> -> memref<10240x64xf32, #tpu.memory_space<vmem_shared>>
          tpu.wait_indirect_dma semaphore(%arg25 : memref<!tpu.dma_semaphore, #tpu.memory_space<semaphore_mem>>) src(%arg11 : memref<128x64xf32, #tpu.memory_space<vmem>>) dst(%dma_wait3A_273 : memref<10240x64xf32, #tpu.memory_space<vmem_shared>>)
        } else {
        }
        %dma_start3A_261 = arith.constant 0 : i32
        %dma_start3A_262 = tpu.memref_slice %arg6[%add3A_239, %dma_start3A_261] : memref<84x128xi32, #tpu.memory_space<vmem>> -> memref<1x128xi32, #tpu.memory_space<vmem>>
        %dma_start3A_263 = tpu.memref_squeeze %dma_start3A_262 : memref<1x128xi32, #tpu.memory_space<vmem>> -> memref<128xi32, #tpu.memory_space<vmem>>
        %dma_start3A_264 = arith.constant 0 : i32
        %dma_start3A_265 = arith.constant 0 : i32
        %dma_start3A_266 = tpu.memref_slice %arg4[%dma_start3A_264, %dma_start3A_265] : memref<10000x64xf32, #tpu.memory_space<hbm>> -> memref<10000x64xf32, #tpu.memory_space<hbm>>
        tpu.enqueue_indirect_dma source(%dma_start3A_266 : memref<10000x64xf32, #tpu.memory_space<hbm>>) target(%arg11 : memref<128x64xf32, #tpu.memory_space<vmem>>) offsets(%dma_start3A_263 : memref<128xi32, #tpu.memory_space<vmem>>) semaphore(%arg19 : memref<!tpu.dma_semaphore, #tpu.memory_space<semaphore_mem>>)
      } else {
      }
      %dma_wait3A_245 = arith.constant 0 : i32
      %dma_wait3A_246 = tpu.memref_slice %arg6[%add3A_237, %dma_wait3A_245] : memref<84x128xi32, #tpu.memory_space<vmem>> -> memref<1x128xi32, #tpu.memory_space<vmem>>
      %dma_wait3A_247 = tpu.memref_squeeze %dma_wait3A_246 : memref<1x128xi32, #tpu.memory_space<vmem>> -> memref<128xi32, #tpu.memory_space<vmem>>
      %dma_wait3A_248 = arith.constant 0 : i32
      %dma_wait3A_249 = arith.constant 0 : i32
      %dma_wait3A_250 = tpu.memref_slice %arg4[%dma_wait3A_248, %dma_wait3A_249] : memref<10000x64xf32, #tpu.memory_space<hbm>> -> memref<10000x64xf32, #tpu.memory_space<hbm>>
      tpu.wait_indirect_dma semaphore(%arg21 : memref<!tpu.dma_semaphore, #tpu.memory_space<semaphore_mem>>) src(%dma_wait3A_250 : memref<10000x64xf32, #tpu.memory_space<hbm>>) dst(%arg13 : memref<128x64xf32, #tpu.memory_space<vmem>>)
      %dma_start3A_251 = arith.constant 0 : i32
      %dma_start3A_252 = tpu.memref_slice %arg7[%add3A_237, %dma_start3A_251] : memref<84x128xi32, #tpu.memory_space<vmem>> -> memref<1x128xi32, #tpu.memory_space<vmem>>
      %dma_start3A_253 = tpu.memref_squeeze %dma_start3A_252 : memref<1x128xi32, #tpu.memory_space<vmem>> -> memref<128xi32, #tpu.memory_space<vmem>>
      %dma_start3A_254 = arith.constant 0 : i32
      %dma_start3A_255 = arith.constant 0 : i32
      %dma_start3A_256 = tpu.memref_slice %arg14[%dma_start3A_254, %dma_start3A_255] : memref<10240x64xf32, #tpu.memory_space<vmem_shared>> -> memref<10240x64xf32, #tpu.memory_space<vmem_shared>>
      tpu.enqueue_indirect_dma source(%arg13 : memref<128x64xf32, #tpu.memory_space<vmem>>) target(%dma_start3A_256 : memref<10240x64xf32, #tpu.memory_space<vmem_shared>>) offsets(%dma_start3A_253 : memref<128xi32, #tpu.memory_space<vmem>>) semaphore(%arg27 : memref<!tpu.dma_semaphore, #tpu.memory_space<semaphore_mem>>) {add = true}
    }
    %scan3A_73 = arith.constant 14 : i32
    %dma_wait3A_74 = arith.constant 78 : i32
    %dma_wait3A_75 = arith.constant 0 : i32
    %dma_wait3A_76 = tpu.memref_slice %arg7[%dma_wait3A_74, %dma_wait3A_75] : memref<84x128xi32, #tpu.memory_space<vmem>> -> memref<1x128xi32, #tpu.memory_space<vmem>>
    %dma_wait3A_77 = tpu.memref_squeeze %dma_wait3A_76 : memref<1x128xi32, #tpu.memory_space<vmem>> -> memref<128xi32, #tpu.memory_space<vmem>>
    %dma_wait3A_78 = arith.constant 0 : i32
    %dma_wait3A_79 = arith.constant 0 : i32
    %dma_wait3A_80 = tpu.memref_slice %arg14[%dma_wait3A_78, %dma_wait3A_79] : memref<10240x64xf32, #tpu.memory_space<vmem_shared>> -> memref<10240x64xf32, #tpu.memory_space<vmem_shared>>
    tpu.wait_indirect_dma semaphore(%arg22 : memref<!tpu.dma_semaphore, #tpu.memory_space<semaphore_mem>>) src(%arg8 : memref<128x64xf32, #tpu.memory_space<vmem>>) dst(%dma_wait3A_80 : memref<10240x64xf32, #tpu.memory_space<vmem_shared>>)
    %dma_wait3A_81 = arith.constant 79 : i32
    %dma_wait3A_82 = arith.constant 0 : i32
    %dma_wait3A_83 = tpu.memref_slice %arg7[%dma_wait3A_81, %dma_wait3A_82] : memref<84x128xi32, #tpu.memory_space<vmem>> -> memref<1x128xi32, #tpu.memory_space<vmem>>
    %dma_wait3A_84 = tpu.memref_squeeze %dma_wait3A_83 : memref<1x128xi32, #tpu.memory_space<vmem>> -> memref<128xi32, #tpu.memory_space<vmem>>
    %dma_wait3A_85 = arith.constant 0 : i32
    %dma_wait3A_86 = arith.constant 0 : i32
    %dma_wait3A_87 = tpu.memref_slice %arg14[%dma_wait3A_85, %dma_wait3A_86] : memref<10240x64xf32, #tpu.memory_space<vmem_shared>> -> memref<10240x64xf32, #tpu.memory_space<vmem_shared>>
    tpu.wait_indirect_dma semaphore(%arg23 : memref<!tpu.dma_semaphore, #tpu.memory_space<semaphore_mem>>) src(%arg9 : memref<128x64xf32, #tpu.memory_space<vmem>>) dst(%dma_wait3A_87 : memref<10240x64xf32, #tpu.memory_space<vmem_shared>>)
    %dma_wait3A_88 = arith.constant 80 : i32
    %dma_wait3A_89 = arith.constant 0 : i32
    %dma_wait3A_90 = tpu.memref_slice %arg7[%dma_wait3A_88, %dma_wait3A_89] : memref<84x128xi32, #tpu.memory_space<vmem>> -> memref<1x128xi32, #tpu.memory_space<vmem>>
    %dma_wait3A_91 = tpu.memref_squeeze %dma_wait3A_90 : memref<1x128xi32, #tpu.memory_space<vmem>> -> memref<128xi32, #tpu.memory_space<vmem>>
    %dma_wait3A_92 = arith.constant 0 : i32
    %dma_wait3A_93 = arith.constant 0 : i32
    %dma_wait3A_94 = tpu.memref_slice %arg14[%dma_wait3A_92, %dma_wait3A_93] : memref<10240x64xf32, #tpu.memory_space<vmem_shared>> -> memref<10240x64xf32, #tpu.memory_space<vmem_shared>>
    tpu.wait_indirect_dma semaphore(%arg24 : memref<!tpu.dma_semaphore, #tpu.memory_space<semaphore_mem>>) src(%arg10 : memref<128x64xf32, #tpu.memory_space<vmem>>) dst(%dma_wait3A_94 : memref<10240x64xf32, #tpu.memory_space<vmem_shared>>)
    %dma_wait3A_95 = arith.constant 81 : i32
    %dma_wait3A_96 = arith.constant 0 : i32
    %dma_wait3A_97 = tpu.memref_slice %arg7[%dma_wait3A_95, %dma_wait3A_96] : memref<84x128xi32, #tpu.memory_space<vmem>> -> memref<1x128xi32, #tpu.memory_space<vmem>>
    %dma_wait3A_98 = tpu.memref_squeeze %dma_wait3A_97 : memref<1x128xi32, #tpu.memory_space<vmem>> -> memref<128xi32, #tpu.memory_space<vmem>>
    %dma_wait3A_99 = arith.constant 0 : i32
    %dma_wait3A_100 = arith.constant 0 : i32
    %dma_wait3A_101 = tpu.memref_slice %arg14[%dma_wait3A_99, %dma_wait3A_100] : memref<10240x64xf32, #tpu.memory_space<vmem_shared>> -> memref<10240x64xf32, #tpu.memory_space<vmem_shared>>
    tpu.wait_indirect_dma semaphore(%arg25 : memref<!tpu.dma_semaphore, #tpu.memory_space<semaphore_mem>>) src(%arg11 : memref<128x64xf32, #tpu.memory_space<vmem>>) dst(%dma_wait3A_101 : memref<10240x64xf32, #tpu.memory_space<vmem_shared>>)
    %dma_wait3A_102 = arith.constant 82 : i32
    %dma_wait3A_103 = arith.constant 0 : i32
    %dma_wait3A_104 = tpu.memref_slice %arg7[%dma_wait3A_102, %dma_wait3A_103] : memref<84x128xi32, #tpu.memory_space<vmem>> -> memref<1x128xi32, #tpu.memory_space<vmem>>
    %dma_wait3A_105 = tpu.memref_squeeze %dma_wait3A_104 : memref<1x128xi32, #tpu.memory_space<vmem>> -> memref<128xi32, #tpu.memory_space<vmem>>
    %dma_wait3A_106 = arith.constant 0 : i32
    %dma_wait3A_107 = arith.constant 0 : i32
    %dma_wait3A_108 = tpu.memref_slice %arg14[%dma_wait3A_106, %dma_wait3A_107] : memref<10240x64xf32, #tpu.memory_space<vmem_shared>> -> memref<10240x64xf32, #tpu.memory_space<vmem_shared>>
    tpu.wait_indirect_dma semaphore(%arg26 : memref<!tpu.dma_semaphore, #tpu.memory_space<semaphore_mem>>) src(%arg12 : memref<128x64xf32, #tpu.memory_space<vmem>>) dst(%dma_wait3A_108 : memref<10240x64xf32, #tpu.memory_space<vmem_shared>>)
    %dma_wait3A_109 = arith.constant 83 : i32
    %dma_wait3A_110 = arith.constant 0 : i32
    %dma_wait3A_111 = tpu.memref_slice %arg7[%dma_wait3A_109, %dma_wait3A_110] : memref<84x128xi32, #tpu.memory_space<vmem>> -> memref<1x128xi32, #tpu.memory_space<vmem>>
    %dma_wait3A_112 = tpu.memref_squeeze %dma_wait3A_111 : memref<1x128xi32, #tpu.memory_space<vmem>> -> memref<128xi32, #tpu.memory_space<vmem>>
    %dma_wait3A_113 = arith.constant 0 : i32
    %dma_wait3A_114 = arith.constant 0 : i32
    %dma_wait3A_115 = tpu.memref_slice %arg14[%dma_wait3A_113, %dma_wait3A_114] : memref<10240x64xf32, #tpu.memory_space<vmem_shared>> -> memref<10240x64xf32, #tpu.memory_space<vmem_shared>>
    tpu.wait_indirect_dma semaphore(%arg27 : memref<!tpu.dma_semaphore, #tpu.memory_space<semaphore_mem>>) src(%arg13 : memref<128x64xf32, #tpu.memory_space<vmem>>) dst(%dma_wait3A_115 : memref<10240x64xf32, #tpu.memory_space<vmem_shared>>)
    %barrier3A_116 = arith.constant 0 : index
    tpu.barrier barrier_id(%barrier3A_116)
    %mul3A_117 = arith.constant 640 : i32
    %mul3A_118 = arith.muli %arg1, %mul3A_117 : i32
    %mul3A_119 = arith.constant 640 : i32
    %mul3A_120 = arith.muli %arg1, %mul3A_119 : i32
    "tpu.region"() ({
      %run_scoped3A = tpu.sem_alloc : memref<!tpu.dma_semaphore, #tpu.memory_space<semaphore_mem>>
      %dma_start3A_121 = arith.constant 0 : i32
      %dma_start3A_122 = tpu.memref_slice %arg5[%arg0, %mul3A_120, %dma_start3A_121] : memref<2x10240x64xf32, #tpu.memory_space<hbm>> -> memref<1x640x64xf32, #tpu.memory_space<hbm>>
      %dma_start3A_123 = tpu.memref_squeeze %dma_start3A_122 : memref<1x640x64xf32, #tpu.memory_space<hbm>> -> memref<640x64xf32, #tpu.memory_space<hbm>>
      %dma_start3A_124 = arith.constant 0 : i32
      %dma_start3A_125 = tpu.memref_slice %arg14[%mul3A_118, %dma_start3A_124] : memref<10240x64xf32, #tpu.memory_space<vmem_shared>> -> memref<640x64xf32, #tpu.memory_space<vmem_shared>>
      tpu.enqueue_dma source(%dma_start3A_125 : memref<640x64xf32, #tpu.memory_space<vmem_shared>>) target(%dma_start3A_123 : memref<640x64xf32, #tpu.memory_space<hbm>>) target_semaphore(%run_scoped3A : memref<!tpu.dma_semaphore, #tpu.memory_space<semaphore_mem>>)
      %dma_wait3A_126 = arith.constant 0 : i32
      %dma_wait3A_127 = tpu.memref_slice %arg5[%arg0, %mul3A_120, %dma_wait3A_126] : memref<2x10240x64xf32, #tpu.memory_space<hbm>> -> memref<1x640x64xf32, #tpu.memory_space<hbm>>
      %dma_wait3A_128 = tpu.memref_squeeze %dma_wait3A_127 : memref<1x640x64xf32, #tpu.memory_space<hbm>> -> memref<640x64xf32, #tpu.memory_space<hbm>>
      %dma_wait3A_129 = arith.constant 0 : i32
      %dma_wait3A_130 = tpu.memref_slice %arg14[%mul3A_118, %dma_wait3A_129] : memref<10240x64xf32, #tpu.memory_space<vmem_shared>> -> memref<640x64xf32, #tpu.memory_space<vmem_shared>>
      tpu.wait_dma2 semaphore(%run_scoped3A : memref<!tpu.dma_semaphore, #tpu.memory_space<semaphore_mem>>) src(%dma_wait3A_130 : memref<640x64xf32, #tpu.memory_space<vmem_shared>>) dst(%dma_wait3A_128 : memref<640x64xf32, #tpu.memory_space<hbm>>)
      tpu.yield
    }) : () -> ()
    return
  }
}

#map = affine_map<(d0, d1) -> (0, 0, 0)>
#map1 = affine_map<(d0, d1) -> (0, 0)>
module attributes {stable_mosaic.version = 14 : i64} {
  func.func @_deg_kernel(%arg0: i32, %arg1: i32, %arg2: memref<32x84x128xi32, #tpu.memory_space<hbm>>, %arg3: memref<2x10240xf32, #tpu.memory_space<hbm>>, %arg4: memref<84x128xi32, #tpu.memory_space<vmem>>, %arg5: memref<128xf32, #tpu.memory_space<vmem>>, %arg6: memref<10240xf32, #tpu.memory_space<vmem_shared>>, %arg7: memref<!tpu.dma_semaphore, #tpu.memory_space<semaphore_mem>>, %arg8: memref<!tpu.dma_semaphore, #tpu.memory_space<semaphore_mem>>, %arg9: memref<!tpu.dma_semaphore, #tpu.memory_space<semaphore_mem>>) attributes {dimension_semantics = [#tpu.dimension_semantics<core_parallel>, #tpu.dimension_semantics<subcore_parallel>], iteration_bounds = array<i64: 2, 16>, scalar_prefetch = 0 : i64, scratch_operands = 6 : i64, tpu.core_type = #tpu.core_type<sc_vector_subcore>, window_params = [{transform_indices = #map}, {transform_indices = #map1}]} {
    %mul3A = arith.constant 16 : i32
    %mul3A_0 = arith.muli %arg0, %mul3A : i32
    %add3A = arith.addi %mul3A_0, %arg1 : i32
    %broadcast_in_dim3A = arith.constant 0.000000e+00 : f32
    %broadcast_in_dim3A_1 = vector.broadcast %broadcast_in_dim3A : f32 to vector<16xf32>
    %swap3A = arith.constant 0 : index
    %swap3A_2 = tpu.vector_load %arg5[%swap3A] {strides = array<i32>} : memref<128xf32, #tpu.memory_space<vmem>>, vector<16xf32>,
    %swap3A_3 = vector.shape_cast %swap3A_2 : vector<16xf32> to vector<16xf32>
    %swap3A_4 = vector.shape_cast %broadcast_in_dim3A_1 : vector<16xf32> to vector<16xf32>
    tpu.vector_store %arg5[%swap3A], %swap3A_4 {strides = array<i32>} : memref<128xf32, #tpu.memory_space<vmem>>, vector<16xf32>,
    %broadcast_in_dim3A_5 = arith.constant 0.000000e+00 : f32
    %broadcast_in_dim3A_6 = vector.broadcast %broadcast_in_dim3A_5 : f32 to vector<16xf32>
    %swap3A_7 = arith.constant 16 : index
    %swap3A_8 = tpu.vector_load %arg5[%swap3A_7] {strides = array<i32>} : memref<128xf32, #tpu.memory_space<vmem>>, vector<16xf32>,
    %swap3A_9 = vector.shape_cast %swap3A_8 : vector<16xf32> to vector<16xf32>
    %swap3A_10 = vector.shape_cast %broadcast_in_dim3A_6 : vector<16xf32> to vector<16xf32>
    tpu.vector_store %arg5[%swap3A_7], %swap3A_10 {strides = array<i32>} : memref<128xf32, #tpu.memory_space<vmem>>, vector<16xf32>,
    %broadcast_in_dim3A_11 = arith.constant 0.000000e+00 : f32
    %broadcast_in_dim3A_12 = vector.broadcast %broadcast_in_dim3A_11 : f32 to vector<16xf32>
    %swap3A_13 = arith.constant 32 : index
    %swap3A_14 = tpu.vector_load %arg5[%swap3A_13] {strides = array<i32>} : memref<128xf32, #tpu.memory_space<vmem>>, vector<16xf32>,
    %swap3A_15 = vector.shape_cast %swap3A_14 : vector<16xf32> to vector<16xf32>
    %swap3A_16 = vector.shape_cast %broadcast_in_dim3A_12 : vector<16xf32> to vector<16xf32>
    tpu.vector_store %arg5[%swap3A_13], %swap3A_16 {strides = array<i32>} : memref<128xf32, #tpu.memory_space<vmem>>, vector<16xf32>,
    %broadcast_in_dim3A_17 = arith.constant 0.000000e+00 : f32
    %broadcast_in_dim3A_18 = vector.broadcast %broadcast_in_dim3A_17 : f32 to vector<16xf32>
    %swap3A_19 = arith.constant 48 : index
    %swap3A_20 = tpu.vector_load %arg5[%swap3A_19] {strides = array<i32>} : memref<128xf32, #tpu.memory_space<vmem>>, vector<16xf32>,
    %swap3A_21 = vector.shape_cast %swap3A_20 : vector<16xf32> to vector<16xf32>
    %swap3A_22 = vector.shape_cast %broadcast_in_dim3A_18 : vector<16xf32> to vector<16xf32>
    tpu.vector_store %arg5[%swap3A_19], %swap3A_22 {strides = array<i32>} : memref<128xf32, #tpu.memory_space<vmem>>, vector<16xf32>,
    %broadcast_in_dim3A_23 = arith.constant 0.000000e+00 : f32
    %broadcast_in_dim3A_24 = vector.broadcast %broadcast_in_dim3A_23 : f32 to vector<16xf32>
    %swap3A_25 = arith.constant 64 : index
    %swap3A_26 = tpu.vector_load %arg5[%swap3A_25] {strides = array<i32>} : memref<128xf32, #tpu.memory_space<vmem>>, vector<16xf32>,
    %swap3A_27 = vector.shape_cast %swap3A_26 : vector<16xf32> to vector<16xf32>
    %swap3A_28 = vector.shape_cast %broadcast_in_dim3A_24 : vector<16xf32> to vector<16xf32>
    tpu.vector_store %arg5[%swap3A_25], %swap3A_28 {strides = array<i32>} : memref<128xf32, #tpu.memory_space<vmem>>, vector<16xf32>,
    %broadcast_in_dim3A_29 = arith.constant 0.000000e+00 : f32
    %broadcast_in_dim3A_30 = vector.broadcast %broadcast_in_dim3A_29 : f32 to vector<16xf32>
    %swap3A_31 = arith.constant 80 : index
    %swap3A_32 = tpu.vector_load %arg5[%swap3A_31] {strides = array<i32>} : memref<128xf32, #tpu.memory_space<vmem>>, vector<16xf32>,
    %swap3A_33 = vector.shape_cast %swap3A_32 : vector<16xf32> to vector<16xf32>
    %swap3A_34 = vector.shape_cast %broadcast_in_dim3A_30 : vector<16xf32> to vector<16xf32>
    tpu.vector_store %arg5[%swap3A_31], %swap3A_34 {strides = array<i32>} : memref<128xf32, #tpu.memory_space<vmem>>, vector<16xf32>,
    %broadcast_in_dim3A_35 = arith.constant 0.000000e+00 : f32
    %broadcast_in_dim3A_36 = vector.broadcast %broadcast_in_dim3A_35 : f32 to vector<16xf32>
    %swap3A_37 = arith.constant 96 : index
    %swap3A_38 = tpu.vector_load %arg5[%swap3A_37] {strides = array<i32>} : memref<128xf32, #tpu.memory_space<vmem>>, vector<16xf32>,
    %swap3A_39 = vector.shape_cast %swap3A_38 : vector<16xf32> to vector<16xf32>
    %swap3A_40 = vector.shape_cast %broadcast_in_dim3A_36 : vector<16xf32> to vector<16xf32>
    tpu.vector_store %arg5[%swap3A_37], %swap3A_40 {strides = array<i32>} : memref<128xf32, #tpu.memory_space<vmem>>, vector<16xf32>,
    %broadcast_in_dim3A_41 = arith.constant 0.000000e+00 : f32
    %broadcast_in_dim3A_42 = vector.broadcast %broadcast_in_dim3A_41 : f32 to vector<16xf32>
    %swap3A_43 = arith.constant 112 : index
    %swap3A_44 = tpu.vector_load %arg5[%swap3A_43] {strides = array<i32>} : memref<128xf32, #tpu.memory_space<vmem>>, vector<16xf32>,
    %swap3A_45 = vector.shape_cast %swap3A_44 : vector<16xf32> to vector<16xf32>
    %swap3A_46 = vector.shape_cast %broadcast_in_dim3A_42 : vector<16xf32> to vector<16xf32>
    tpu.vector_store %arg5[%swap3A_43], %swap3A_46 {strides = array<i32>} : memref<128xf32, #tpu.memory_space<vmem>>, vector<16xf32>,
    %mul3A_47 = arith.constant 640 : i32
    %mul3A_48 = arith.muli %arg1, %mul3A_47 : i32
    %add3A_49 = arith.constant 0 : i32
    %add3A_50 = arith.addi %mul3A_48, %add3A_49 : i32
    "tpu.region"() ({
      %run_scoped3A = tpu.sem_alloc : memref<!tpu.dma_semaphore, #tpu.memory_space<semaphore_mem>>
      %dma_start3A_1094 = tpu.memref_slice %arg6[%add3A_50] : memref<10240xf32, #tpu.memory_space<vmem_shared>> -> memref<128xf32, #tpu.memory_space<vmem_shared>>
      %dma_start3A_1095 = tpu.memref_slice %arg6[%add3A_50] : memref<10240xf32, #tpu.memory_space<vmem_shared>> -> memref<128xf32, #tpu.memory_space<vmem_shared>>
      tpu.enqueue_dma source(%arg5 : memref<128xf32, #tpu.memory_space<vmem>>) target(%dma_start3A_1095 : memref<128xf32, #tpu.memory_space<vmem_shared>>) target_semaphore(%run_scoped3A : memref<!tpu.dma_semaphore, #tpu.memory_space<semaphore_mem>>)
      %dma_wait3A_1096 = tpu.memref_slice %arg6[%add3A_50] : memref<10240xf32, #tpu.memory_space<vmem_shared>> -> memref<128xf32, #tpu.memory_space<vmem_shared>>
      %dma_wait3A_1097 = tpu.memref_slice %arg6[%add3A_50] : memref<10240xf32, #tpu.memory_space<vmem_shared>> -> memref<128xf32, #tpu.memory_space<vmem_shared>>
      tpu.wait_dma2 semaphore(%run_scoped3A : memref<!tpu.dma_semaphore, #tpu.memory_space<semaphore_mem>>) src(%arg5 : memref<128xf32, #tpu.memory_space<vmem>>) dst(%dma_wait3A_1097 : memref<128xf32, #tpu.memory_space<vmem_shared>>)
      tpu.yield
    }) : () -> ()
    %mul3A_51 = arith.constant 640 : i32
    %mul3A_52 = arith.muli %arg1, %mul3A_51 : i32
    %add3A_53 = arith.constant 128 : i32
    %add3A_54 = arith.addi %mul3A_52, %add3A_53 : i32
    "tpu.region"() ({
      %run_scoped3A = tpu.sem_alloc : memref<!tpu.dma_semaphore, #tpu.memory_space<semaphore_mem>>
      %dma_start3A_1094 = tpu.memref_slice %arg6[%add3A_54] : memref<10240xf32, #tpu.memory_space<vmem_shared>> -> memref<128xf32, #tpu.memory_space<vmem_shared>>
      %dma_start3A_1095 = tpu.memref_slice %arg6[%add3A_54] : memref<10240xf32, #tpu.memory_space<vmem_shared>> -> memref<128xf32, #tpu.memory_space<vmem_shared>>
      tpu.enqueue_dma source(%arg5 : memref<128xf32, #tpu.memory_space<vmem>>) target(%dma_start3A_1095 : memref<128xf32, #tpu.memory_space<vmem_shared>>) target_semaphore(%run_scoped3A : memref<!tpu.dma_semaphore, #tpu.memory_space<semaphore_mem>>)
      %dma_wait3A_1096 = tpu.memref_slice %arg6[%add3A_54] : memref<10240xf32, #tpu.memory_space<vmem_shared>> -> memref<128xf32, #tpu.memory_space<vmem_shared>>
      %dma_wait3A_1097 = tpu.memref_slice %arg6[%add3A_54] : memref<10240xf32, #tpu.memory_space<vmem_shared>> -> memref<128xf32, #tpu.memory_space<vmem_shared>>
      tpu.wait_dma2 semaphore(%run_scoped3A : memref<!tpu.dma_semaphore, #tpu.memory_space<semaphore_mem>>) src(%arg5 : memref<128xf32, #tpu.memory_space<vmem>>) dst(%dma_wait3A_1097 : memref<128xf32, #tpu.memory_space<vmem_shared>>)
      tpu.yield
    }) : () -> ()
    %mul3A_55 = arith.constant 640 : i32
    %mul3A_56 = arith.muli %arg1, %mul3A_55 : i32
    %add3A_57 = arith.constant 256 : i32
    %add3A_58 = arith.addi %mul3A_56, %add3A_57 : i32
    "tpu.region"() ({
      %run_scoped3A = tpu.sem_alloc : memref<!tpu.dma_semaphore, #tpu.memory_space<semaphore_mem>>
      %dma_start3A_1094 = tpu.memref_slice %arg6[%add3A_58] : memref<10240xf32, #tpu.memory_space<vmem_shared>> -> memref<128xf32, #tpu.memory_space<vmem_shared>>
      %dma_start3A_1095 = tpu.memref_slice %arg6[%add3A_58] : memref<10240xf32, #tpu.memory_space<vmem_shared>> -> memref<128xf32, #tpu.memory_space<vmem_shared>>
      tpu.enqueue_dma source(%arg5 : memref<128xf32, #tpu.memory_space<vmem>>) target(%dma_start3A_1095 : memref<128xf32, #tpu.memory_space<vmem_shared>>) target_semaphore(%run_scoped3A : memref<!tpu.dma_semaphore, #tpu.memory_space<semaphore_mem>>)
      %dma_wait3A_1096 = tpu.memref_slice %arg6[%add3A_58] : memref<10240xf32, #tpu.memory_space<vmem_shared>> -> memref<128xf32, #tpu.memory_space<vmem_shared>>
      %dma_wait3A_1097 = tpu.memref_slice %arg6[%add3A_58] : memref<10240xf32, #tpu.memory_space<vmem_shared>> -> memref<128xf32, #tpu.memory_space<vmem_shared>>
      tpu.wait_dma2 semaphore(%run_scoped3A : memref<!tpu.dma_semaphore, #tpu.memory_space<semaphore_mem>>) src(%arg5 : memref<128xf32, #tpu.memory_space<vmem>>) dst(%dma_wait3A_1097 : memref<128xf32, #tpu.memory_space<vmem_shared>>)
      tpu.yield
    }) : () -> ()
    %mul3A_59 = arith.constant 640 : i32
    %mul3A_60 = arith.muli %arg1, %mul3A_59 : i32
    %add3A_61 = arith.constant 384 : i32
    %add3A_62 = arith.addi %mul3A_60, %add3A_61 : i32
    "tpu.region"() ({
      %run_scoped3A = tpu.sem_alloc : memref<!tpu.dma_semaphore, #tpu.memory_space<semaphore_mem>>
      %dma_start3A_1094 = tpu.memref_slice %arg6[%add3A_62] : memref<10240xf32, #tpu.memory_space<vmem_shared>> -> memref<128xf32, #tpu.memory_space<vmem_shared>>
      %dma_start3A_1095 = tpu.memref_slice %arg6[%add3A_62] : memref<10240xf32, #tpu.memory_space<vmem_shared>> -> memref<128xf32, #tpu.memory_space<vmem_shared>>
      tpu.enqueue_dma source(%arg5 : memref<128xf32, #tpu.memory_space<vmem>>) target(%dma_start3A_1095 : memref<128xf32, #tpu.memory_space<vmem_shared>>) target_semaphore(%run_scoped3A : memref<!tpu.dma_semaphore, #tpu.memory_space<semaphore_mem>>)
      %dma_wait3A_1096 = tpu.memref_slice %arg6[%add3A_62] : memref<10240xf32, #tpu.memory_space<vmem_shared>> -> memref<128xf32, #tpu.memory_space<vmem_shared>>
      %dma_wait3A_1097 = tpu.memref_slice %arg6[%add3A_62] : memref<10240xf32, #tpu.memory_space<vmem_shared>> -> memref<128xf32, #tpu.memory_space<vmem_shared>>
      tpu.wait_dma2 semaphore(%run_scoped3A : memref<!tpu.dma_semaphore, #tpu.memory_space<semaphore_mem>>) src(%arg5 : memref<128xf32, #tpu.memory_space<vmem>>) dst(%dma_wait3A_1097 : memref<128xf32, #tpu.memory_space<vmem_shared>>)
      tpu.yield
    }) : () -> ()
    %mul3A_63 = arith.constant 640 : i32
    %mul3A_64 = arith.muli %arg1, %mul3A_63 : i32
    %add3A_65 = arith.constant 512 : i32
    %add3A_66 = arith.addi %mul3A_64, %add3A_65 : i32
    "tpu.region"() ({
      %run_scoped3A = tpu.sem_alloc : memref<!tpu.dma_semaphore, #tpu.memory_space<semaphore_mem>>
      %dma_start3A_1094 = tpu.memref_slice %arg6[%add3A_66] : memref<10240xf32, #tpu.memory_space<vmem_shared>> -> memref<128xf32, #tpu.memory_space<vmem_shared>>
      %dma_start3A_1095 = tpu.memref_slice %arg6[%add3A_66] : memref<10240xf32, #tpu.memory_space<vmem_shared>> -> memref<128xf32, #tpu.memory_space<vmem_shared>>
      tpu.enqueue_dma source(%arg5 : memref<128xf32, #tpu.memory_space<vmem>>) target(%dma_start3A_1095 : memref<128xf32, #tpu.memory_space<vmem_shared>>) target_semaphore(%run_scoped3A : memref<!tpu.dma_semaphore, #tpu.memory_space<semaphore_mem>>)
      %dma_wait3A_1096 = tpu.memref_slice %arg6[%add3A_66] : memref<10240xf32, #tpu.memory_space<vmem_shared>> -> memref<128xf32, #tpu.memory_space<vmem_shared>>
      %dma_wait3A_1097 = tpu.memref_slice %arg6[%add3A_66] : memref<10240xf32, #tpu.memory_space<vmem_shared>> -> memref<128xf32, #tpu.memory_space<vmem_shared>>
      tpu.wait_dma2 semaphore(%run_scoped3A : memref<!tpu.dma_semaphore, #tpu.memory_space<semaphore_mem>>) src(%arg5 : memref<128xf32, #tpu.memory_space<vmem>>) dst(%dma_wait3A_1097 : memref<128xf32, #tpu.memory_space<vmem_shared>>)
      tpu.yield
    }) : () -> ()
    %broadcast_in_dim3A_67 = arith.constant 1.000000e+00 : f32
    %broadcast_in_dim3A_68 = vector.broadcast %broadcast_in_dim3A_67 : f32 to vector<16xf32>
    %swap3A_69 = arith.constant 0 : index
    %swap3A_70 = tpu.vector_load %arg5[%swap3A_69] {strides = array<i32>} : memref<128xf32, #tpu.memory_space<vmem>>, vector<16xf32>,
    %swap3A_71 = vector.shape_cast %swap3A_70 : vector<16xf32> to vector<16xf32>
    %swap3A_72 = vector.shape_cast %broadcast_in_dim3A_68 : vector<16xf32> to vector<16xf32>
    tpu.vector_store %arg5[%swap3A_69], %swap3A_72 {strides = array<i32>} : memref<128xf32, #tpu.memory_space<vmem>>, vector<16xf32>,
    %broadcast_in_dim3A_73 = arith.constant 1.000000e+00 : f32
    %broadcast_in_dim3A_74 = vector.broadcast %broadcast_in_dim3A_73 : f32 to vector<16xf32>
    %swap3A_75 = arith.constant 16 : index
    %swap3A_76 = tpu.vector_load %arg5[%swap3A_75] {strides = array<i32>} : memref<128xf32, #tpu.memory_space<vmem>>, vector<16xf32>,
    %swap3A_77 = vector.shape_cast %swap3A_76 : vector<16xf32> to vector<16xf32>
    %swap3A_78 = vector.shape_cast %broadcast_in_dim3A_74 : vector<16xf32> to vector<16xf32>
    tpu.vector_store %arg5[%swap3A_75], %swap3A_78 {strides = array<i32>} : memref<128xf32, #tpu.memory_space<vmem>>, vector<16xf32>,
    %broadcast_in_dim3A_79 = arith.constant 1.000000e+00 : f32
    %broadcast_in_dim3A_80 = vector.broadcast %broadcast_in_dim3A_79 : f32 to vector<16xf32>
    %swap3A_81 = arith.constant 32 : index
    %swap3A_82 = tpu.vector_load %arg5[%swap3A_81] {strides = array<i32>} : memref<128xf32, #tpu.memory_space<vmem>>, vector<16xf32>,
    %swap3A_83 = vector.shape_cast %swap3A_82 : vector<16xf32> to vector<16xf32>
    %swap3A_84 = vector.shape_cast %broadcast_in_dim3A_80 : vector<16xf32> to vector<16xf32>
    tpu.vector_store %arg5[%swap3A_81], %swap3A_84 {strides = array<i32>} : memref<128xf32, #tpu.memory_space<vmem>>, vector<16xf32>,
    %broadcast_in_dim3A_85 = arith.constant 1.000000e+00 : f32
    %broadcast_in_dim3A_86 = vector.broadcast %broadcast_in_dim3A_85 : f32 to vector<16xf32>
    %swap3A_87 = arith.constant 48 : index
    %swap3A_88 = tpu.vector_load %arg5[%swap3A_87] {strides = array<i32>} : memref<128xf32, #tpu.memory_space<vmem>>, vector<16xf32>,
    %swap3A_89 = vector.shape_cast %swap3A_88 : vector<16xf32> to vector<16xf32>
    %swap3A_90 = vector.shape_cast %broadcast_in_dim3A_86 : vector<16xf32> to vector<16xf32>
    tpu.vector_store %arg5[%swap3A_87], %swap3A_90 {strides = array<i32>} : memref<128xf32, #tpu.memory_space<vmem>>, vector<16xf32>,
    %broadcast_in_dim3A_91 = arith.constant 1.000000e+00 : f32
    %broadcast_in_dim3A_92 = vector.broadcast %broadcast_in_dim3A_91 : f32 to vector<16xf32>
    %swap3A_93 = arith.constant 64 : index
    %swap3A_94 = tpu.vector_load %arg5[%swap3A_93] {strides = array<i32>} : memref<128xf32, #tpu.memory_space<vmem>>, vector<16xf32>,
    %swap3A_95 = vector.shape_cast %swap3A_94 : vector<16xf32> to vector<16xf32>
    %swap3A_96 = vector.shape_cast %broadcast_in_dim3A_92 : vector<16xf32> to vector<16xf32>
    tpu.vector_store %arg5[%swap3A_93], %swap3A_96 {strides = array<i32>} : memref<128xf32, #tpu.memory_space<vmem>>, vector<16xf32>,
    %broadcast_in_dim3A_97 = arith.constant 1.000000e+00 : f32
    %broadcast_in_dim3A_98 = vector.broadcast %broadcast_in_dim3A_97 : f32 to vector<16xf32>
    %swap3A_99 = arith.constant 80 : index
    %swap3A_100 = tpu.vector_load %arg5[%swap3A_99] {strides = array<i32>} : memref<128xf32, #tpu.memory_space<vmem>>, vector<16xf32>,
    %swap3A_101 = vector.shape_cast %swap3A_100 : vector<16xf32> to vector<16xf32>
    %swap3A_102 = vector.shape_cast %broadcast_in_dim3A_98 : vector<16xf32> to vector<16xf32>
    tpu.vector_store %arg5[%swap3A_99], %swap3A_102 {strides = array<i32>} : memref<128xf32, #tpu.memory_space<vmem>>, vector<16xf32>,
    %broadcast_in_dim3A_103 = arith.constant 1.000000e+00 : f32
    %broadcast_in_dim3A_104 = vector.broadcast %broadcast_in_dim3A_103 : f32 to vector<16xf32>
    %swap3A_105 = arith.constant 96 : index
    %swap3A_106 = tpu.vector_load %arg5[%swap3A_105] {strides = array<i32>} : memref<128xf32, #tpu.memory_space<vmem>>, vector<16xf32>,
    %swap3A_107 = vector.shape_cast %swap3A_106 : vector<16xf32> to vector<16xf32>
    %swap3A_108 = vector.shape_cast %broadcast_in_dim3A_104 : vector<16xf32> to vector<16xf32>
    tpu.vector_store %arg5[%swap3A_105], %swap3A_108 {strides = array<i32>} : memref<128xf32, #tpu.memory_space<vmem>>, vector<16xf32>,
    %broadcast_in_dim3A_109 = arith.constant 1.000000e+00 : f32
    %broadcast_in_dim3A_110 = vector.broadcast %broadcast_in_dim3A_109 : f32 to vector<16xf32>
    %swap3A_111 = arith.constant 112 : index
    %swap3A_112 = tpu.vector_load %arg5[%swap3A_111] {strides = array<i32>} : memref<128xf32, #tpu.memory_space<vmem>>, vector<16xf32>,
    %swap3A_113 = vector.shape_cast %swap3A_112 : vector<16xf32> to vector<16xf32>
    %swap3A_114 = vector.shape_cast %broadcast_in_dim3A_110 : vector<16xf32> to vector<16xf32>
    tpu.vector_store %arg5[%swap3A_111], %swap3A_114 {strides = array<i32>} : memref<128xf32, #tpu.memory_space<vmem>>, vector<16xf32>,
    %dma_start3A = arith.constant 0 : i32
    %dma_start3A_115 = arith.constant 0 : i32
    %dma_start3A_116 = tpu.memref_slice %arg2[%add3A, %dma_start3A, %dma_start3A_115] : memref<32x84x128xi32, #tpu.memory_space<hbm>> -> memref<1x84x128xi32, #tpu.memory_space<hbm>>
    %dma_start3A_117 = tpu.memref_squeeze %dma_start3A_116 : memref<1x84x128xi32, #tpu.memory_space<hbm>> -> memref<84x128xi32, #tpu.memory_space<hbm>>
    %dma_start3A_118 = arith.constant 0 : i32
    %dma_start3A_119 = arith.constant 0 : i32
    %dma_start3A_120 = tpu.memref_slice %arg2[%add3A, %dma_start3A_118, %dma_start3A_119] : memref<32x84x128xi32, #tpu.memory_space<hbm>> -> memref<1x84x128xi32, #tpu.memory_space<hbm>>
    %dma_start3A_121 = tpu.memref_squeeze %dma_start3A_120 : memref<1x84x128xi32, #tpu.memory_space<hbm>> -> memref<84x128xi32, #tpu.memory_space<hbm>>
    tpu.enqueue_dma source(%dma_start3A_121 : memref<84x128xi32, #tpu.memory_space<hbm>>) target(%arg4 : memref<84x128xi32, #tpu.memory_space<vmem>>) target_semaphore(%arg7 : memref<!tpu.dma_semaphore, #tpu.memory_space<semaphore_mem>>)
    %dma_wait3A = arith.constant 0 : i32
    %dma_wait3A_122 = arith.constant 0 : i32
    %dma_wait3A_123 = tpu.memref_slice %arg2[%add3A, %dma_wait3A, %dma_wait3A_122] : memref<32x84x128xi32, #tpu.memory_space<hbm>> -> memref<1x84x128xi32, #tpu.memory_space<hbm>>
    %dma_wait3A_124 = tpu.memref_squeeze %dma_wait3A_123 : memref<1x84x128xi32, #tpu.memory_space<hbm>> -> memref<84x128xi32, #tpu.memory_space<hbm>>
    %dma_wait3A_125 = arith.constant 0 : i32
    %dma_wait3A_126 = arith.constant 0 : i32
    %dma_wait3A_127 = tpu.memref_slice %arg2[%add3A, %dma_wait3A_125, %dma_wait3A_126] : memref<32x84x128xi32, #tpu.memory_space<hbm>> -> memref<1x84x128xi32, #tpu.memory_space<hbm>>
    %dma_wait3A_128 = tpu.memref_squeeze %dma_wait3A_127 : memref<1x84x128xi32, #tpu.memory_space<hbm>> -> memref<84x128xi32, #tpu.memory_space<hbm>>
    tpu.wait_dma2 semaphore(%arg7 : memref<!tpu.dma_semaphore, #tpu.memory_space<semaphore_mem>>) src(%dma_wait3A_128 : memref<84x128xi32, #tpu.memory_space<hbm>>) dst(%arg4 : memref<84x128xi32, #tpu.memory_space<vmem>>)
    %barrier3A = arith.constant 0 : index
    tpu.barrier barrier_id(%barrier3A)
    %dma_start3A_129 = arith.constant 0 : i32
    %dma_start3A_130 = arith.constant 0 : i32
    %dma_start3A_131 = tpu.memref_slice %arg4[%dma_start3A_129, %dma_start3A_130] : memref<84x128xi32, #tpu.memory_space<vmem>> -> memref<1x128xi32, #tpu.memory_space<vmem>>
    %dma_start3A_132 = tpu.memref_squeeze %dma_start3A_131 : memref<1x128xi32, #tpu.memory_space<vmem>> -> memref<128xi32, #tpu.memory_space<vmem>>
    %dma_start3A_133 = arith.constant 0 : i32
    %dma_start3A_134 = tpu.memref_slice %arg6[%dma_start3A_133] : memref<10240xf32, #tpu.memory_space<vmem_shared>> -> memref<10240xf32, #tpu.memory_space<vmem_shared>>
    tpu.enqueue_indirect_dma source(%arg5 : memref<128xf32, #tpu.memory_space<vmem>>) target(%dma_start3A_134 : memref<10240xf32, #tpu.memory_space<vmem_shared>>) offsets(%dma_start3A_132 : memref<128xi32, #tpu.memory_space<vmem>>) semaphore(%arg8 : memref<!tpu.dma_semaphore, #tpu.memory_space<semaphore_mem>>) {add = true}
    %dma_start3A_135 = arith.constant 1 : i32
    %dma_start3A_136 = arith.constant 0 : i32
    %dma_start3A_137 = tpu.memref_slice %arg4[%dma_start3A_135, %dma_start3A_136] : memref<84x128xi32, #tpu.memory_space<vmem>> -> memref<1x128xi32, #tpu.memory_space<vmem>>
    %dma_start3A_138 = tpu.memref_squeeze %dma_start3A_137 : memref<1x128xi32, #tpu.memory_space<vmem>> -> memref<128xi32, #tpu.memory_space<vmem>>
    %dma_start3A_139 = arith.constant 0 : i32
    %dma_start3A_140 = tpu.memref_slice %arg6[%dma_start3A_139] : memref<10240xf32, #tpu.memory_space<vmem_shared>> -> memref<10240xf32, #tpu.memory_space<vmem_shared>>
    tpu.enqueue_indirect_dma source(%arg5 : memref<128xf32, #tpu.memory_space<vmem>>) target(%dma_start3A_140 : memref<10240xf32, #tpu.memory_space<vmem_shared>>) offsets(%dma_start3A_138 : memref<128xi32, #tpu.memory_space<vmem>>) semaphore(%arg8 : memref<!tpu.dma_semaphore, #tpu.memory_space<semaphore_mem>>) {add = true}
    %dma_start3A_141 = arith.constant 2 : i32
    %dma_start3A_142 = arith.constant 0 : i32
    %dma_start3A_143 = tpu.memref_slice %arg4[%dma_start3A_141, %dma_start3A_142] : memref<84x128xi32, #tpu.memory_space<vmem>> -> memref<1x128xi32, #tpu.memory_space<vmem>>
    %dma_start3A_144 = tpu.memref_squeeze %dma_start3A_143 : memref<1x128xi32, #tpu.memory_space<vmem>> -> memref<128xi32, #tpu.memory_space<vmem>>
    %dma_start3A_145 = arith.constant 0 : i32
    %dma_start3A_146 = tpu.memref_slice %arg6[%dma_start3A_145] : memref<10240xf32, #tpu.memory_space<vmem_shared>> -> memref<10240xf32, #tpu.memory_space<vmem_shared>>
    tpu.enqueue_indirect_dma source(%arg5 : memref<128xf32, #tpu.memory_space<vmem>>) target(%dma_start3A_146 : memref<10240xf32, #tpu.memory_space<vmem_shared>>) offsets(%dma_start3A_144 : memref<128xi32, #tpu.memory_space<vmem>>) semaphore(%arg8 : memref<!tpu.dma_semaphore, #tpu.memory_space<semaphore_mem>>) {add = true}
    %dma_start3A_147 = arith.constant 3 : i32
    %dma_start3A_148 = arith.constant 0 : i32
    %dma_start3A_149 = tpu.memref_slice %arg4[%dma_start3A_147, %dma_start3A_148] : memref<84x128xi32, #tpu.memory_space<vmem>> -> memref<1x128xi32, #tpu.memory_space<vmem>>
    %dma_start3A_150 = tpu.memref_squeeze %dma_start3A_149 : memref<1x128xi32, #tpu.memory_space<vmem>> -> memref<128xi32, #tpu.memory_space<vmem>>
    %dma_start3A_151 = arith.constant 0 : i32
    %dma_start3A_152 = tpu.memref_slice %arg6[%dma_start3A_151] : memref<10240xf32, #tpu.memory_space<vmem_shared>> -> memref<10240xf32, #tpu.memory_space<vmem_shared>>
    tpu.enqueue_indirect_dma source(%arg5 : memref<128xf32, #tpu.memory_space<vmem>>) target(%dma_start3A_152 : memref<10240xf32, #tpu.memory_space<vmem_shared>>) offsets(%dma_start3A_150 : memref<128xi32, #tpu.memory_space<vmem>>) semaphore(%arg8 : memref<!tpu.dma_semaphore, #tpu.memory_space<semaphore_mem>>) {add = true}
    %dma_start3A_153 = arith.constant 4 : i32
    %dma_start3A_154 = arith.constant 0 : i32
    %dma_start3A_155 = tpu.memref_slice %arg4[%dma_start3A_153, %dma_start3A_154] : memref<84x128xi32, #tpu.memory_space<vmem>> -> memref<1x128xi32, #tpu.memory_space<vmem>>
    %dma_start3A_156 = tpu.memref_squeeze %dma_start3A_155 : memref<1x128xi32, #tpu.memory_space<vmem>> -> memref<128xi32, #tpu.memory_space<vmem>>
    %dma_start3A_157 = arith.constant 0 : i32
    %dma_start3A_158 = tpu.memref_slice %arg6[%dma_start3A_157] : memref<10240xf32, #tpu.memory_space<vmem_shared>> -> memref<10240xf32, #tpu.memory_space<vmem_shared>>
    tpu.enqueue_indirect_dma source(%arg5 : memref<128xf32, #tpu.memory_space<vmem>>) target(%dma_start3A_158 : memref<10240xf32, #tpu.memory_space<vmem_shared>>) offsets(%dma_start3A_156 : memref<128xi32, #tpu.memory_space<vmem>>) semaphore(%arg8 : memref<!tpu.dma_semaphore, #tpu.memory_space<semaphore_mem>>) {add = true}
    %dma_start3A_159 = arith.constant 5 : i32
    %dma_start3A_160 = arith.constant 0 : i32
    %dma_start3A_161 = tpu.memref_slice %arg4[%dma_start3A_159, %dma_start3A_160] : memref<84x128xi32, #tpu.memory_space<vmem>> -> memref<1x128xi32, #tpu.memory_space<vmem>>
    %dma_start3A_162 = tpu.memref_squeeze %dma_start3A_161 : memref<1x128xi32, #tpu.memory_space<vmem>> -> memref<128xi32, #tpu.memory_space<vmem>>
    %dma_start3A_163 = arith.constant 0 : i32
    %dma_start3A_164 = tpu.memref_slice %arg6[%dma_start3A_163] : memref<10240xf32, #tpu.memory_space<vmem_shared>> -> memref<10240xf32, #tpu.memory_space<vmem_shared>>
    tpu.enqueue_indirect_dma source(%arg5 : memref<128xf32, #tpu.memory_space<vmem>>) target(%dma_start3A_164 : memref<10240xf32, #tpu.memory_space<vmem_shared>>) offsets(%dma_start3A_162 : memref<128xi32, #tpu.memory_space<vmem>>) semaphore(%arg8 : memref<!tpu.dma_semaphore, #tpu.memory_space<semaphore_mem>>) {add = true}
    %dma_start3A_165 = arith.constant 6 : i32
    %dma_start3A_166 = arith.constant 0 : i32
    %dma_start3A_167 = tpu.memref_slice %arg4[%dma_start3A_165, %dma_start3A_166] : memref<84x128xi32, #tpu.memory_space<vmem>> -> memref<1x128xi32, #tpu.memory_space<vmem>>
    %dma_start3A_168 = tpu.memref_squeeze %dma_start3A_167 : memref<1x128xi32, #tpu.memory_space<vmem>> -> memref<128xi32, #tpu.memory_space<vmem>>
    %dma_start3A_169 = arith.constant 0 : i32
    %dma_start3A_170 = tpu.memref_slice %arg6[%dma_start3A_169] : memref<10240xf32, #tpu.memory_space<vmem_shared>> -> memref<10240xf32, #tpu.memory_space<vmem_shared>>
    tpu.enqueue_indirect_dma source(%arg5 : memref<128xf32, #tpu.memory_space<vmem>>) target(%dma_start3A_170 : memref<10240xf32, #tpu.memory_space<vmem_shared>>) offsets(%dma_start3A_168 : memref<128xi32, #tpu.memory_space<vmem>>) semaphore(%arg8 : memref<!tpu.dma_semaphore, #tpu.memory_space<semaphore_mem>>) {add = true}
    %dma_start3A_171 = arith.constant 7 : i32
    %dma_start3A_172 = arith.constant 0 : i32
    %dma_start3A_173 = tpu.memref_slice %arg4[%dma_start3A_171, %dma_start3A_172] : memref<84x128xi32, #tpu.memory_space<vmem>> -> memref<1x128xi32, #tpu.memory_space<vmem>>
    %dma_start3A_174 = tpu.memref_squeeze %dma_start3A_173 : memref<1x128xi32, #tpu.memory_space<vmem>> -> memref<128xi32, #tpu.memory_space<vmem>>
    %dma_start3A_175 = arith.constant 0 : i32
    %dma_start3A_176 = tpu.memref_slice %arg6[%dma_start3A_175] : memref<10240xf32, #tpu.memory_space<vmem_shared>> -> memref<10240xf32, #tpu.memory_space<vmem_shared>>
    tpu.enqueue_indirect_dma source(%arg5 : memref<128xf32, #tpu.memory_space<vmem>>) target(%dma_start3A_176 : memref<10240xf32, #tpu.memory_space<vmem_shared>>) offsets(%dma_start3A_174 : memref<128xi32, #tpu.memory_space<vmem>>) semaphore(%arg8 : memref<!tpu.dma_semaphore, #tpu.memory_space<semaphore_mem>>) {add = true}
    %dma_start3A_177 = arith.constant 8 : i32
    %dma_start3A_178 = arith.constant 0 : i32
    %dma_start3A_179 = tpu.memref_slice %arg4[%dma_start3A_177, %dma_start3A_178] : memref<84x128xi32, #tpu.memory_space<vmem>> -> memref<1x128xi32, #tpu.memory_space<vmem>>
    %dma_start3A_180 = tpu.memref_squeeze %dma_start3A_179 : memref<1x128xi32, #tpu.memory_space<vmem>> -> memref<128xi32, #tpu.memory_space<vmem>>
    %dma_start3A_181 = arith.constant 0 : i32
    %dma_start3A_182 = tpu.memref_slice %arg6[%dma_start3A_181] : memref<10240xf32, #tpu.memory_space<vmem_shared>> -> memref<10240xf32, #tpu.memory_space<vmem_shared>>
    tpu.enqueue_indirect_dma source(%arg5 : memref<128xf32, #tpu.memory_space<vmem>>) target(%dma_start3A_182 : memref<10240xf32, #tpu.memory_space<vmem_shared>>) offsets(%dma_start3A_180 : memref<128xi32, #tpu.memory_space<vmem>>) semaphore(%arg9 : memref<!tpu.dma_semaphore, #tpu.memory_space<semaphore_mem>>) {add = true}
    %dma_start3A_183 = arith.constant 9 : i32
    %dma_start3A_184 = arith.constant 0 : i32
    %dma_start3A_185 = tpu.memref_slice %arg4[%dma_start3A_183, %dma_start3A_184] : memref<84x128xi32, #tpu.memory_space<vmem>> -> memref<1x128xi32, #tpu.memory_space<vmem>>
    %dma_start3A_186 = tpu.memref_squeeze %dma_start3A_185 : memref<1x128xi32, #tpu.memory_space<vmem>> -> memref<128xi32, #tpu.memory_space<vmem>>
    %dma_start3A_187 = arith.constant 0 : i32
    %dma_start3A_188 = tpu.memref_slice %arg6[%dma_start3A_187] : memref<10240xf32, #tpu.memory_space<vmem_shared>> -> memref<10240xf32, #tpu.memory_space<vmem_shared>>
    tpu.enqueue_indirect_dma source(%arg5 : memref<128xf32, #tpu.memory_space<vmem>>) target(%dma_start3A_188 : memref<10240xf32, #tpu.memory_space<vmem_shared>>) offsets(%dma_start3A_186 : memref<128xi32, #tpu.memory_space<vmem>>) semaphore(%arg9 : memref<!tpu.dma_semaphore, #tpu.memory_space<semaphore_mem>>) {add = true}
    %dma_start3A_189 = arith.constant 10 : i32
    %dma_start3A_190 = arith.constant 0 : i32
    %dma_start3A_191 = tpu.memref_slice %arg4[%dma_start3A_189, %dma_start3A_190] : memref<84x128xi32, #tpu.memory_space<vmem>> -> memref<1x128xi32, #tpu.memory_space<vmem>>
    %dma_start3A_192 = tpu.memref_squeeze %dma_start3A_191 : memref<1x128xi32, #tpu.memory_space<vmem>> -> memref<128xi32, #tpu.memory_space<vmem>>
    %dma_start3A_193 = arith.constant 0 : i32
    %dma_start3A_194 = tpu.memref_slice %arg6[%dma_start3A_193] : memref<10240xf32, #tpu.memory_space<vmem_shared>> -> memref<10240xf32, #tpu.memory_space<vmem_shared>>
    tpu.enqueue_indirect_dma source(%arg5 : memref<128xf32, #tpu.memory_space<vmem>>) target(%dma_start3A_194 : memref<10240xf32, #tpu.memory_space<vmem_shared>>) offsets(%dma_start3A_192 : memref<128xi32, #tpu.memory_space<vmem>>) semaphore(%arg9 : memref<!tpu.dma_semaphore, #tpu.memory_space<semaphore_mem>>) {add = true}
    %dma_start3A_195 = arith.constant 11 : i32
    %dma_start3A_196 = arith.constant 0 : i32
    %dma_start3A_197 = tpu.memref_slice %arg4[%dma_start3A_195, %dma_start3A_196] : memref<84x128xi32, #tpu.memory_space<vmem>> -> memref<1x128xi32, #tpu.memory_space<vmem>>
    %dma_start3A_198 = tpu.memref_squeeze %dma_start3A_197 : memref<1x128xi32, #tpu.memory_space<vmem>> -> memref<128xi32, #tpu.memory_space<vmem>>
    %dma_start3A_199 = arith.constant 0 : i32
    %dma_start3A_200 = tpu.memref_slice %arg6[%dma_start3A_199] : memref<10240xf32, #tpu.memory_space<vmem_shared>> -> memref<10240xf32, #tpu.memory_space<vmem_shared>>
    tpu.enqueue_indirect_dma source(%arg5 : memref<128xf32, #tpu.memory_space<vmem>>) target(%dma_start3A_200 : memref<10240xf32, #tpu.memory_space<vmem_shared>>) offsets(%dma_start3A_198 : memref<128xi32, #tpu.memory_space<vmem>>) semaphore(%arg9 : memref<!tpu.dma_semaphore, #tpu.memory_space<semaphore_mem>>) {add = true}
    %dma_start3A_201 = arith.constant 12 : i32
    %dma_start3A_202 = arith.constant 0 : i32
    %dma_start3A_203 = tpu.memref_slice %arg4[%dma_start3A_201, %dma_start3A_202] : memref<84x128xi32, #tpu.memory_space<vmem>> -> memref<1x128xi32, #tpu.memory_space<vmem>>
    %dma_start3A_204 = tpu.memref_squeeze %dma_start3A_203 : memref<1x128xi32, #tpu.memory_space<vmem>> -> memref<128xi32, #tpu.memory_space<vmem>>
    %dma_start3A_205 = arith.constant 0 : i32
    %dma_start3A_206 = tpu.memref_slice %arg6[%dma_start3A_205] : memref<10240xf32, #tpu.memory_space<vmem_shared>> -> memref<10240xf32, #tpu.memory_space<vmem_shared>>
    tpu.enqueue_indirect_dma source(%arg5 : memref<128xf32, #tpu.memory_space<vmem>>) target(%dma_start3A_206 : memref<10240xf32, #tpu.memory_space<vmem_shared>>) offsets(%dma_start3A_204 : memref<128xi32, #tpu.memory_space<vmem>>) semaphore(%arg9 : memref<!tpu.dma_semaphore, #tpu.memory_space<semaphore_mem>>) {add = true}
    %dma_start3A_207 = arith.constant 13 : i32
    %dma_start3A_208 = arith.constant 0 : i32
    %dma_start3A_209 = tpu.memref_slice %arg4[%dma_start3A_207, %dma_start3A_208] : memref<84x128xi32, #tpu.memory_space<vmem>> -> memref<1x128xi32, #tpu.memory_space<vmem>>
    %dma_start3A_210 = tpu.memref_squeeze %dma_start3A_209 : memref<1x128xi32, #tpu.memory_space<vmem>> -> memref<128xi32, #tpu.memory_space<vmem>>
    %dma_start3A_211 = arith.constant 0 : i32
    %dma_start3A_212 = tpu.memref_slice %arg6[%dma_start3A_211] : memref<10240xf32, #tpu.memory_space<vmem_shared>> -> memref<10240xf32, #tpu.memory_space<vmem_shared>>
    tpu.enqueue_indirect_dma source(%arg5 : memref<128xf32, #tpu.memory_space<vmem>>) target(%dma_start3A_212 : memref<10240xf32, #tpu.memory_space<vmem_shared>>) offsets(%dma_start3A_210 : memref<128xi32, #tpu.memory_space<vmem>>) semaphore(%arg9 : memref<!tpu.dma_semaphore, #tpu.memory_space<semaphore_mem>>) {add = true}
    %dma_start3A_213 = arith.constant 14 : i32
    %dma_start3A_214 = arith.constant 0 : i32
    %dma_start3A_215 = tpu.memref_slice %arg4[%dma_start3A_213, %dma_start3A_214] : memref<84x128xi32, #tpu.memory_space<vmem>> -> memref<1x128xi32, #tpu.memory_space<vmem>>
    %dma_start3A_216 = tpu.memref_squeeze %dma_start3A_215 : memref<1x128xi32, #tpu.memory_space<vmem>> -> memref<128xi32, #tpu.memory_space<vmem>>
    %dma_start3A_217 = arith.constant 0 : i32
    %dma_start3A_218 = tpu.memref_slice %arg6[%dma_start3A_217] : memref<10240xf32, #tpu.memory_space<vmem_shared>> -> memref<10240xf32, #tpu.memory_space<vmem_shared>>
    tpu.enqueue_indirect_dma source(%arg5 : memref<128xf32, #tpu.memory_space<vmem>>) target(%dma_start3A_218 : memref<10240xf32, #tpu.memory_space<vmem_shared>>) offsets(%dma_start3A_216 : memref<128xi32, #tpu.memory_space<vmem>>) semaphore(%arg9 : memref<!tpu.dma_semaphore, #tpu.memory_space<semaphore_mem>>) {add = true}
    %dma_start3A_219 = arith.constant 15 : i32
    %dma_start3A_220 = arith.constant 0 : i32
    %dma_start3A_221 = tpu.memref_slice %arg4[%dma_start3A_219, %dma_start3A_220] : memref<84x128xi32, #tpu.memory_space<vmem>> -> memref<1x128xi32, #tpu.memory_space<vmem>>
    %dma_start3A_222 = tpu.memref_squeeze %dma_start3A_221 : memref<1x128xi32, #tpu.memory_space<vmem>> -> memref<128xi32, #tpu.memory_space<vmem>>
    %dma_start3A_223 = arith.constant 0 : i32
    %dma_start3A_224 = tpu.memref_slice %arg6[%dma_start3A_223] : memref<10240xf32, #tpu.memory_space<vmem_shared>> -> memref<10240xf32, #tpu.memory_space<vmem_shared>>
    tpu.enqueue_indirect_dma source(%arg5 : memref<128xf32, #tpu.memory_space<vmem>>) target(%dma_start3A_224 : memref<10240xf32, #tpu.memory_space<vmem_shared>>) offsets(%dma_start3A_222 : memref<128xi32, #tpu.memory_space<vmem>>) semaphore(%arg9 : memref<!tpu.dma_semaphore, #tpu.memory_space<semaphore_mem>>) {add = true}
    %dma_wait3A_225 = arith.constant 0 : i32
    %dma_wait3A_226 = arith.constant 0 : i32
    %dma_wait3A_227 = tpu.memref_slice %arg4[%dma_wait3A_225, %dma_wait3A_226] : memref<84x128xi32, #tpu.memory_space<vmem>> -> memref<1x128xi32, #tpu.memory_space<vmem>>
    %dma_wait3A_228 = tpu.memref_squeeze %dma_wait3A_227 : memref<1x128xi32, #tpu.memory_space<vmem>> -> memref<128xi32, #tpu.memory_space<vmem>>
    %dma_wait3A_229 = arith.constant 0 : i32
    %dma_wait3A_230 = tpu.memref_slice %arg6[%dma_wait3A_229] : memref<10240xf32, #tpu.memory_space<vmem_shared>> -> memref<10240xf32, #tpu.memory_space<vmem_shared>>
    tpu.wait_indirect_dma semaphore(%arg8 : memref<!tpu.dma_semaphore, #tpu.memory_space<semaphore_mem>>) src(%arg5 : memref<128xf32, #tpu.memory_space<vmem>>) dst(%dma_wait3A_230 : memref<10240xf32, #tpu.memory_space<vmem_shared>>)
    %dma_wait3A_231 = arith.constant 1 : i32
    %dma_wait3A_232 = arith.constant 0 : i32
    %dma_wait3A_233 = tpu.memref_slice %arg4[%dma_wait3A_231, %dma_wait3A_232] : memref<84x128xi32, #tpu.memory_space<vmem>> -> memref<1x128xi32, #tpu.memory_space<vmem>>
    %dma_wait3A_234 = tpu.memref_squeeze %dma_wait3A_233 : memref<1x128xi32, #tpu.memory_space<vmem>> -> memref<128xi32, #tpu.memory_space<vmem>>
    %dma_wait3A_235 = arith.constant 0 : i32
    %dma_wait3A_236 = tpu.memref_slice %arg6[%dma_wait3A_235] : memref<10240xf32, #tpu.memory_space<vmem_shared>> -> memref<10240xf32, #tpu.memory_space<vmem_shared>>
    tpu.wait_indirect_dma semaphore(%arg8 : memref<!tpu.dma_semaphore, #tpu.memory_space<semaphore_mem>>) src(%arg5 : memref<128xf32, #tpu.memory_space<vmem>>) dst(%dma_wait3A_236 : memref<10240xf32, #tpu.memory_space<vmem_shared>>)
    %dma_wait3A_237 = arith.constant 2 : i32
    %dma_wait3A_238 = arith.constant 0 : i32
    %dma_wait3A_239 = tpu.memref_slice %arg4[%dma_wait3A_237, %dma_wait3A_238] : memref<84x128xi32, #tpu.memory_space<vmem>> -> memref<1x128xi32, #tpu.memory_space<vmem>>
    %dma_wait3A_240 = tpu.memref_squeeze %dma_wait3A_239 : memref<1x128xi32, #tpu.memory_space<vmem>> -> memref<128xi32, #tpu.memory_space<vmem>>
    %dma_wait3A_241 = arith.constant 0 : i32
    %dma_wait3A_242 = tpu.memref_slice %arg6[%dma_wait3A_241] : memref<10240xf32, #tpu.memory_space<vmem_shared>> -> memref<10240xf32, #tpu.memory_space<vmem_shared>>
    tpu.wait_indirect_dma semaphore(%arg8 : memref<!tpu.dma_semaphore, #tpu.memory_space<semaphore_mem>>) src(%arg5 : memref<128xf32, #tpu.memory_space<vmem>>) dst(%dma_wait3A_242 : memref<10240xf32, #tpu.memory_space<vmem_shared>>)
    %dma_wait3A_243 = arith.constant 3 : i32
    %dma_wait3A_244 = arith.constant 0 : i32
    %dma_wait3A_245 = tpu.memref_slice %arg4[%dma_wait3A_243, %dma_wait3A_244] : memref<84x128xi32, #tpu.memory_space<vmem>> -> memref<1x128xi32, #tpu.memory_space<vmem>>
    %dma_wait3A_246 = tpu.memref_squeeze %dma_wait3A_245 : memref<1x128xi32, #tpu.memory_space<vmem>> -> memref<128xi32, #tpu.memory_space<vmem>>
    %dma_wait3A_247 = arith.constant 0 : i32
    %dma_wait3A_248 = tpu.memref_slice %arg6[%dma_wait3A_247] : memref<10240xf32, #tpu.memory_space<vmem_shared>> -> memref<10240xf32, #tpu.memory_space<vmem_shared>>
    tpu.wait_indirect_dma semaphore(%arg8 : memref<!tpu.dma_semaphore, #tpu.memory_space<semaphore_mem>>) src(%arg5 : memref<128xf32, #tpu.memory_space<vmem>>) dst(%dma_wait3A_248 : memref<10240xf32, #tpu.memory_space<vmem_shared>>)
    %dma_wait3A_249 = arith.constant 4 : i32
    %dma_wait3A_250 = arith.constant 0 : i32
    %dma_wait3A_251 = tpu.memref_slice %arg4[%dma_wait3A_249, %dma_wait3A_250] : memref<84x128xi32, #tpu.memory_space<vmem>> -> memref<1x128xi32, #tpu.memory_space<vmem>>
    %dma_wait3A_252 = tpu.memref_squeeze %dma_wait3A_251 : memref<1x128xi32, #tpu.memory_space<vmem>> -> memref<128xi32, #tpu.memory_space<vmem>>
    %dma_wait3A_253 = arith.constant 0 : i32
    %dma_wait3A_254 = tpu.memref_slice %arg6[%dma_wait3A_253] : memref<10240xf32, #tpu.memory_space<vmem_shared>> -> memref<10240xf32, #tpu.memory_space<vmem_shared>>
    tpu.wait_indirect_dma semaphore(%arg8 : memref<!tpu.dma_semaphore, #tpu.memory_space<semaphore_mem>>) src(%arg5 : memref<128xf32, #tpu.memory_space<vmem>>) dst(%dma_wait3A_254 : memref<10240xf32, #tpu.memory_space<vmem_shared>>)
    %dma_wait3A_255 = arith.constant 5 : i32
    %dma_wait3A_256 = arith.constant 0 : i32
    %dma_wait3A_257 = tpu.memref_slice %arg4[%dma_wait3A_255, %dma_wait3A_256] : memref<84x128xi32, #tpu.memory_space<vmem>> -> memref<1x128xi32, #tpu.memory_space<vmem>>
    %dma_wait3A_258 = tpu.memref_squeeze %dma_wait3A_257 : memref<1x128xi32, #tpu.memory_space<vmem>> -> memref<128xi32, #tpu.memory_space<vmem>>
    %dma_wait3A_259 = arith.constant 0 : i32
    %dma_wait3A_260 = tpu.memref_slice %arg6[%dma_wait3A_259] : memref<10240xf32, #tpu.memory_space<vmem_shared>> -> memref<10240xf32, #tpu.memory_space<vmem_shared>>
    tpu.wait_indirect_dma semaphore(%arg8 : memref<!tpu.dma_semaphore, #tpu.memory_space<semaphore_mem>>) src(%arg5 : memref<128xf32, #tpu.memory_space<vmem>>) dst(%dma_wait3A_260 : memref<10240xf32, #tpu.memory_space<vmem_shared>>)
    %dma_wait3A_261 = arith.constant 6 : i32
    %dma_wait3A_262 = arith.constant 0 : i32
    %dma_wait3A_263 = tpu.memref_slice %arg4[%dma_wait3A_261, %dma_wait3A_262] : memref<84x128xi32, #tpu.memory_space<vmem>> -> memref<1x128xi32, #tpu.memory_space<vmem>>
    %dma_wait3A_264 = tpu.memref_squeeze %dma_wait3A_263 : memref<1x128xi32, #tpu.memory_space<vmem>> -> memref<128xi32, #tpu.memory_space<vmem>>
    %dma_wait3A_265 = arith.constant 0 : i32
    %dma_wait3A_266 = tpu.memref_slice %arg6[%dma_wait3A_265] : memref<10240xf32, #tpu.memory_space<vmem_shared>> -> memref<10240xf32, #tpu.memory_space<vmem_shared>>
    tpu.wait_indirect_dma semaphore(%arg8 : memref<!tpu.dma_semaphore, #tpu.memory_space<semaphore_mem>>) src(%arg5 : memref<128xf32, #tpu.memory_space<vmem>>) dst(%dma_wait3A_266 : memref<10240xf32, #tpu.memory_space<vmem_shared>>)
    %dma_wait3A_267 = arith.constant 7 : i32
    %dma_wait3A_268 = arith.constant 0 : i32
    %dma_wait3A_269 = tpu.memref_slice %arg4[%dma_wait3A_267, %dma_wait3A_268] : memref<84x128xi32, #tpu.memory_space<vmem>> -> memref<1x128xi32, #tpu.memory_space<vmem>>
    %dma_wait3A_270 = tpu.memref_squeeze %dma_wait3A_269 : memref<1x128xi32, #tpu.memory_space<vmem>> -> memref<128xi32, #tpu.memory_space<vmem>>
    %dma_wait3A_271 = arith.constant 0 : i32
    %dma_wait3A_272 = tpu.memref_slice %arg6[%dma_wait3A_271] : memref<10240xf32, #tpu.memory_space<vmem_shared>> -> memref<10240xf32, #tpu.memory_space<vmem_shared>>
    tpu.wait_indirect_dma semaphore(%arg8 : memref<!tpu.dma_semaphore, #tpu.memory_space<semaphore_mem>>) src(%arg5 : memref<128xf32, #tpu.memory_space<vmem>>) dst(%dma_wait3A_272 : memref<10240xf32, #tpu.memory_space<vmem_shared>>)
    %dma_start3A_273 = arith.constant 16 : i32
    %dma_start3A_274 = arith.constant 0 : i32
    %dma_start3A_275 = tpu.memref_slice %arg4[%dma_start3A_273, %dma_start3A_274] : memref<84x128xi32, #tpu.memory_space<vmem>> -> memref<1x128xi32, #tpu.memory_space<vmem>>
    %dma_start3A_276 = tpu.memref_squeeze %dma_start3A_275 : memref<1x128xi32, #tpu.memory_space<vmem>> -> memref<128xi32, #tpu.memory_space<vmem>>
    %dma_start3A_277 = arith.constant 0 : i32
    %dma_start3A_278 = tpu.memref_slice %arg6[%dma_start3A_277] : memref<10240xf32, #tpu.memory_space<vmem_shared>> -> memref<10240xf32, #tpu.memory_space<vmem_shared>>
    tpu.enqueue_indirect_dma source(%arg5 : memref<128xf32, #tpu.memory_space<vmem>>) target(%dma_start3A_278 : memref<10240xf32, #tpu.memory_space<vmem_shared>>) offsets(%dma_start3A_276 : memref<128xi32, #tpu.memory_space<vmem>>) semaphore(%arg8 : memref<!tpu.dma_semaphore, #tpu.memory_space<semaphore_mem>>) {add = true}
    %dma_start3A_279 = arith.constant 17 : i32
    %dma_start3A_280 = arith.constant 0 : i32
    %dma_start3A_281 = tpu.memref_slice %arg4[%dma_start3A_279, %dma_start3A_280] : memref<84x128xi32, #tpu.memory_space<vmem>> -> memref<1x128xi32, #tpu.memory_space<vmem>>
    %dma_start3A_282 = tpu.memref_squeeze %dma_start3A_281 : memref<1x128xi32, #tpu.memory_space<vmem>> -> memref<128xi32, #tpu.memory_space<vmem>>
    %dma_start3A_283 = arith.constant 0 : i32
    %dma_start3A_284 = tpu.memref_slice %arg6[%dma_start3A_283] : memref<10240xf32, #tpu.memory_space<vmem_shared>> -> memref<10240xf32, #tpu.memory_space<vmem_shared>>
    tpu.enqueue_indirect_dma source(%arg5 : memref<128xf32, #tpu.memory_space<vmem>>) target(%dma_start3A_284 : memref<10240xf32, #tpu.memory_space<vmem_shared>>) offsets(%dma_start3A_282 : memref<128xi32, #tpu.memory_space<vmem>>) semaphore(%arg8 : memref<!tpu.dma_semaphore, #tpu.memory_space<semaphore_mem>>) {add = true}
    %dma_start3A_285 = arith.constant 18 : i32
    %dma_start3A_286 = arith.constant 0 : i32
    %dma_start3A_287 = tpu.memref_slice %arg4[%dma_start3A_285, %dma_start3A_286] : memref<84x128xi32, #tpu.memory_space<vmem>> -> memref<1x128xi32, #tpu.memory_space<vmem>>
    %dma_start3A_288 = tpu.memref_squeeze %dma_start3A_287 : memref<1x128xi32, #tpu.memory_space<vmem>> -> memref<128xi32, #tpu.memory_space<vmem>>
    %dma_start3A_289 = arith.constant 0 : i32
    %dma_start3A_290 = tpu.memref_slice %arg6[%dma_start3A_289] : memref<10240xf32, #tpu.memory_space<vmem_shared>> -> memref<10240xf32, #tpu.memory_space<vmem_shared>>
    tpu.enqueue_indirect_dma source(%arg5 : memref<128xf32, #tpu.memory_space<vmem>>) target(%dma_start3A_290 : memref<10240xf32, #tpu.memory_space<vmem_shared>>) offsets(%dma_start3A_288 : memref<128xi32, #tpu.memory_space<vmem>>) semaphore(%arg8 : memref<!tpu.dma_semaphore, #tpu.memory_space<semaphore_mem>>) {add = true}
    %dma_start3A_291 = arith.constant 19 : i32
    %dma_start3A_292 = arith.constant 0 : i32
    %dma_start3A_293 = tpu.memref_slice %arg4[%dma_start3A_291, %dma_start3A_292] : memref<84x128xi32, #tpu.memory_space<vmem>> -> memref<1x128xi32, #tpu.memory_space<vmem>>
    %dma_start3A_294 = tpu.memref_squeeze %dma_start3A_293 : memref<1x128xi32, #tpu.memory_space<vmem>> -> memref<128xi32, #tpu.memory_space<vmem>>
    %dma_start3A_295 = arith.constant 0 : i32
    %dma_start3A_296 = tpu.memref_slice %arg6[%dma_start3A_295] : memref<10240xf32, #tpu.memory_space<vmem_shared>> -> memref<10240xf32, #tpu.memory_space<vmem_shared>>
    tpu.enqueue_indirect_dma source(%arg5 : memref<128xf32, #tpu.memory_space<vmem>>) target(%dma_start3A_296 : memref<10240xf32, #tpu.memory_space<vmem_shared>>) offsets(%dma_start3A_294 : memref<128xi32, #tpu.memory_space<vmem>>) semaphore(%arg8 : memref<!tpu.dma_semaphore, #tpu.memory_space<semaphore_mem>>) {add = true}
    %dma_start3A_297 = arith.constant 20 : i32
    %dma_start3A_298 = arith.constant 0 : i32
    %dma_start3A_299 = tpu.memref_slice %arg4[%dma_start3A_297, %dma_start3A_298] : memref<84x128xi32, #tpu.memory_space<vmem>> -> memref<1x128xi32, #tpu.memory_space<vmem>>
    %dma_start3A_300 = tpu.memref_squeeze %dma_start3A_299 : memref<1x128xi32, #tpu.memory_space<vmem>> -> memref<128xi32, #tpu.memory_space<vmem>>
    %dma_start3A_301 = arith.constant 0 : i32
    %dma_start3A_302 = tpu.memref_slice %arg6[%dma_start3A_301] : memref<10240xf32, #tpu.memory_space<vmem_shared>> -> memref<10240xf32, #tpu.memory_space<vmem_shared>>
    tpu.enqueue_indirect_dma source(%arg5 : memref<128xf32, #tpu.memory_space<vmem>>) target(%dma_start3A_302 : memref<10240xf32, #tpu.memory_space<vmem_shared>>) offsets(%dma_start3A_300 : memref<128xi32, #tpu.memory_space<vmem>>) semaphore(%arg8 : memref<!tpu.dma_semaphore, #tpu.memory_space<semaphore_mem>>) {add = true}
    %dma_start3A_303 = arith.constant 21 : i32
    %dma_start3A_304 = arith.constant 0 : i32
    %dma_start3A_305 = tpu.memref_slice %arg4[%dma_start3A_303, %dma_start3A_304] : memref<84x128xi32, #tpu.memory_space<vmem>> -> memref<1x128xi32, #tpu.memory_space<vmem>>
    %dma_start3A_306 = tpu.memref_squeeze %dma_start3A_305 : memref<1x128xi32, #tpu.memory_space<vmem>> -> memref<128xi32, #tpu.memory_space<vmem>>
    %dma_start3A_307 = arith.constant 0 : i32
    %dma_start3A_308 = tpu.memref_slice %arg6[%dma_start3A_307] : memref<10240xf32, #tpu.memory_space<vmem_shared>> -> memref<10240xf32, #tpu.memory_space<vmem_shared>>
    tpu.enqueue_indirect_dma source(%arg5 : memref<128xf32, #tpu.memory_space<vmem>>) target(%dma_start3A_308 : memref<10240xf32, #tpu.memory_space<vmem_shared>>) offsets(%dma_start3A_306 : memref<128xi32, #tpu.memory_space<vmem>>) semaphore(%arg8 : memref<!tpu.dma_semaphore, #tpu.memory_space<semaphore_mem>>) {add = true}
    %dma_start3A_309 = arith.constant 22 : i32
    %dma_start3A_310 = arith.constant 0 : i32
    %dma_start3A_311 = tpu.memref_slice %arg4[%dma_start3A_309, %dma_start3A_310] : memref<84x128xi32, #tpu.memory_space<vmem>> -> memref<1x128xi32, #tpu.memory_space<vmem>>
    %dma_start3A_312 = tpu.memref_squeeze %dma_start3A_311 : memref<1x128xi32, #tpu.memory_space<vmem>> -> memref<128xi32, #tpu.memory_space<vmem>>
    %dma_start3A_313 = arith.constant 0 : i32
    %dma_start3A_314 = tpu.memref_slice %arg6[%dma_start3A_313] : memref<10240xf32, #tpu.memory_space<vmem_shared>> -> memref<10240xf32, #tpu.memory_space<vmem_shared>>
    tpu.enqueue_indirect_dma source(%arg5 : memref<128xf32, #tpu.memory_space<vmem>>) target(%dma_start3A_314 : memref<10240xf32, #tpu.memory_space<vmem_shared>>) offsets(%dma_start3A_312 : memref<128xi32, #tpu.memory_space<vmem>>) semaphore(%arg8 : memref<!tpu.dma_semaphore, #tpu.memory_space<semaphore_mem>>) {add = true}
    %dma_start3A_315 = arith.constant 23 : i32
    %dma_start3A_316 = arith.constant 0 : i32
    %dma_start3A_317 = tpu.memref_slice %arg4[%dma_start3A_315, %dma_start3A_316] : memref<84x128xi32, #tpu.memory_space<vmem>> -> memref<1x128xi32, #tpu.memory_space<vmem>>
    %dma_start3A_318 = tpu.memref_squeeze %dma_start3A_317 : memref<1x128xi32, #tpu.memory_space<vmem>> -> memref<128xi32, #tpu.memory_space<vmem>>
    %dma_start3A_319 = arith.constant 0 : i32
    %dma_start3A_320 = tpu.memref_slice %arg6[%dma_start3A_319] : memref<10240xf32, #tpu.memory_space<vmem_shared>> -> memref<10240xf32, #tpu.memory_space<vmem_shared>>
    tpu.enqueue_indirect_dma source(%arg5 : memref<128xf32, #tpu.memory_space<vmem>>) target(%dma_start3A_320 : memref<10240xf32, #tpu.memory_space<vmem_shared>>) offsets(%dma_start3A_318 : memref<128xi32, #tpu.memory_space<vmem>>) semaphore(%arg8 : memref<!tpu.dma_semaphore, #tpu.memory_space<semaphore_mem>>) {add = true}
    %dma_wait3A_321 = arith.constant 8 : i32
    %dma_wait3A_322 = arith.constant 0 : i32
    %dma_wait3A_323 = tpu.memref_slice %arg4[%dma_wait3A_321, %dma_wait3A_322] : memref<84x128xi32, #tpu.memory_space<vmem>> -> memref<1x128xi32, #tpu.memory_space<vmem>>
    %dma_wait3A_324 = tpu.memref_squeeze %dma_wait3A_323 : memref<1x128xi32, #tpu.memory_space<vmem>> -> memref<128xi32, #tpu.memory_space<vmem>>
    %dma_wait3A_325 = arith.constant 0 : i32
    %dma_wait3A_326 = tpu.memref_slice %arg6[%dma_wait3A_325] : memref<10240xf32, #tpu.memory_space<vmem_shared>> -> memref<10240xf32, #tpu.memory_space<vmem_shared>>
    tpu.wait_indirect_dma semaphore(%arg9 : memref<!tpu.dma_semaphore, #tpu.memory_space<semaphore_mem>>) src(%arg5 : memref<128xf32, #tpu.memory_space<vmem>>) dst(%dma_wait3A_326 : memref<10240xf32, #tpu.memory_space<vmem_shared>>)
    %dma_wait3A_327 = arith.constant 9 : i32
    %dma_wait3A_328 = arith.constant 0 : i32
    %dma_wait3A_329 = tpu.memref_slice %arg4[%dma_wait3A_327, %dma_wait3A_328] : memref<84x128xi32, #tpu.memory_space<vmem>> -> memref<1x128xi32, #tpu.memory_space<vmem>>
    %dma_wait3A_330 = tpu.memref_squeeze %dma_wait3A_329 : memref<1x128xi32, #tpu.memory_space<vmem>> -> memref<128xi32, #tpu.memory_space<vmem>>
    %dma_wait3A_331 = arith.constant 0 : i32
    %dma_wait3A_332 = tpu.memref_slice %arg6[%dma_wait3A_331] : memref<10240xf32, #tpu.memory_space<vmem_shared>> -> memref<10240xf32, #tpu.memory_space<vmem_shared>>
    tpu.wait_indirect_dma semaphore(%arg9 : memref<!tpu.dma_semaphore, #tpu.memory_space<semaphore_mem>>) src(%arg5 : memref<128xf32, #tpu.memory_space<vmem>>) dst(%dma_wait3A_332 : memref<10240xf32, #tpu.memory_space<vmem_shared>>)
    %dma_wait3A_333 = arith.constant 10 : i32
    %dma_wait3A_334 = arith.constant 0 : i32
    %dma_wait3A_335 = tpu.memref_slice %arg4[%dma_wait3A_333, %dma_wait3A_334] : memref<84x128xi32, #tpu.memory_space<vmem>> -> memref<1x128xi32, #tpu.memory_space<vmem>>
    %dma_wait3A_336 = tpu.memref_squeeze %dma_wait3A_335 : memref<1x128xi32, #tpu.memory_space<vmem>> -> memref<128xi32, #tpu.memory_space<vmem>>
    %dma_wait3A_337 = arith.constant 0 : i32
    %dma_wait3A_338 = tpu.memref_slice %arg6[%dma_wait3A_337] : memref<10240xf32, #tpu.memory_space<vmem_shared>> -> memref<10240xf32, #tpu.memory_space<vmem_shared>>
    tpu.wait_indirect_dma semaphore(%arg9 : memref<!tpu.dma_semaphore, #tpu.memory_space<semaphore_mem>>) src(%arg5 : memref<128xf32, #tpu.memory_space<vmem>>) dst(%dma_wait3A_338 : memref<10240xf32, #tpu.memory_space<vmem_shared>>)
    %dma_wait3A_339 = arith.constant 11 : i32
    %dma_wait3A_340 = arith.constant 0 : i32
    %dma_wait3A_341 = tpu.memref_slice %arg4[%dma_wait3A_339, %dma_wait3A_340] : memref<84x128xi32, #tpu.memory_space<vmem>> -> memref<1x128xi32, #tpu.memory_space<vmem>>
    %dma_wait3A_342 = tpu.memref_squeeze %dma_wait3A_341 : memref<1x128xi32, #tpu.memory_space<vmem>> -> memref<128xi32, #tpu.memory_space<vmem>>
    %dma_wait3A_343 = arith.constant 0 : i32
    %dma_wait3A_344 = tpu.memref_slice %arg6[%dma_wait3A_343] : memref<10240xf32, #tpu.memory_space<vmem_shared>> -> memref<10240xf32, #tpu.memory_space<vmem_shared>>
    tpu.wait_indirect_dma semaphore(%arg9 : memref<!tpu.dma_semaphore, #tpu.memory_space<semaphore_mem>>) src(%arg5 : memref<128xf32, #tpu.memory_space<vmem>>) dst(%dma_wait3A_344 : memref<10240xf32, #tpu.memory_space<vmem_shared>>)
    %dma_wait3A_345 = arith.constant 12 : i32
    %dma_wait3A_346 = arith.constant 0 : i32
    %dma_wait3A_347 = tpu.memref_slice %arg4[%dma_wait3A_345, %dma_wait3A_346] : memref<84x128xi32, #tpu.memory_space<vmem>> -> memref<1x128xi32, #tpu.memory_space<vmem>>
    %dma_wait3A_348 = tpu.memref_squeeze %dma_wait3A_347 : memref<1x128xi32, #tpu.memory_space<vmem>> -> memref<128xi32, #tpu.memory_space<vmem>>
    %dma_wait3A_349 = arith.constant 0 : i32
    %dma_wait3A_350 = tpu.memref_slice %arg6[%dma_wait3A_349] : memref<10240xf32, #tpu.memory_space<vmem_shared>> -> memref<10240xf32, #tpu.memory_space<vmem_shared>>
    tpu.wait_indirect_dma semaphore(%arg9 : memref<!tpu.dma_semaphore, #tpu.memory_space<semaphore_mem>>) src(%arg5 : memref<128xf32, #tpu.memory_space<vmem>>) dst(%dma_wait3A_350 : memref<10240xf32, #tpu.memory_space<vmem_shared>>)
    %dma_wait3A_351 = arith.constant 13 : i32
    %dma_wait3A_352 = arith.constant 0 : i32
    %dma_wait3A_353 = tpu.memref_slice %arg4[%dma_wait3A_351, %dma_wait3A_352] : memref<84x128xi32, #tpu.memory_space<vmem>> -> memref<1x128xi32, #tpu.memory_space<vmem>>
    %dma_wait3A_354 = tpu.memref_squeeze %dma_wait3A_353 : memref<1x128xi32, #tpu.memory_space<vmem>> -> memref<128xi32, #tpu.memory_space<vmem>>
    %dma_wait3A_355 = arith.constant 0 : i32
    %dma_wait3A_356 = tpu.memref_slice %arg6[%dma_wait3A_355] : memref<10240xf32, #tpu.memory_space<vmem_shared>> -> memref<10240xf32, #tpu.memory_space<vmem_shared>>
    tpu.wait_indirect_dma semaphore(%arg9 : memref<!tpu.dma_semaphore, #tpu.memory_space<semaphore_mem>>) src(%arg5 : memref<128xf32, #tpu.memory_space<vmem>>) dst(%dma_wait3A_356 : memref<10240xf32, #tpu.memory_space<vmem_shared>>)
    %dma_wait3A_357 = arith.constant 14 : i32
    %dma_wait3A_358 = arith.constant 0 : i32
    %dma_wait3A_359 = tpu.memref_slice %arg4[%dma_wait3A_357, %dma_wait3A_358] : memref<84x128xi32, #tpu.memory_space<vmem>> -> memref<1x128xi32, #tpu.memory_space<vmem>>
    %dma_wait3A_360 = tpu.memref_squeeze %dma_wait3A_359 : memref<1x128xi32, #tpu.memory_space<vmem>> -> memref<128xi32, #tpu.memory_space<vmem>>
    %dma_wait3A_361 = arith.constant 0 : i32
    %dma_wait3A_362 = tpu.memref_slice %arg6[%dma_wait3A_361] : memref<10240xf32, #tpu.memory_space<vmem_shared>> -> memref<10240xf32, #tpu.memory_space<vmem_shared>>
    tpu.wait_indirect_dma semaphore(%arg9 : memref<!tpu.dma_semaphore, #tpu.memory_space<semaphore_mem>>) src(%arg5 : memref<128xf32, #tpu.memory_space<vmem>>) dst(%dma_wait3A_362 : memref<10240xf32, #tpu.memory_space<vmem_shared>>)
    %dma_wait3A_363 = arith.constant 15 : i32
    %dma_wait3A_364 = arith.constant 0 : i32
    %dma_wait3A_365 = tpu.memref_slice %arg4[%dma_wait3A_363, %dma_wait3A_364] : memref<84x128xi32, #tpu.memory_space<vmem>> -> memref<1x128xi32, #tpu.memory_space<vmem>>
    %dma_wait3A_366 = tpu.memref_squeeze %dma_wait3A_365 : memref<1x128xi32, #tpu.memory_space<vmem>> -> memref<128xi32, #tpu.memory_space<vmem>>
    %dma_wait3A_367 = arith.constant 0 : i32
    %dma_wait3A_368 = tpu.memref_slice %arg6[%dma_wait3A_367] : memref<10240xf32, #tpu.memory_space<vmem_shared>> -> memref<10240xf32, #tpu.memory_space<vmem_shared>>
    tpu.wait_indirect_dma semaphore(%arg9 : memref<!tpu.dma_semaphore, #tpu.memory_space<semaphore_mem>>) src(%arg5 : memref<128xf32, #tpu.memory_space<vmem>>) dst(%dma_wait3A_368 : memref<10240xf32, #tpu.memory_space<vmem_shared>>)
    %dma_start3A_369 = arith.constant 24 : i32
    %dma_start3A_370 = arith.constant 0 : i32
    %dma_start3A_371 = tpu.memref_slice %arg4[%dma_start3A_369, %dma_start3A_370] : memref<84x128xi32, #tpu.memory_space<vmem>> -> memref<1x128xi32, #tpu.memory_space<vmem>>
    %dma_start3A_372 = tpu.memref_squeeze %dma_start3A_371 : memref<1x128xi32, #tpu.memory_space<vmem>> -> memref<128xi32, #tpu.memory_space<vmem>>
    %dma_start3A_373 = arith.constant 0 : i32
    %dma_start3A_374 = tpu.memref_slice %arg6[%dma_start3A_373] : memref<10240xf32, #tpu.memory_space<vmem_shared>> -> memref<10240xf32, #tpu.memory_space<vmem_shared>>
    tpu.enqueue_indirect_dma source(%arg5 : memref<128xf32, #tpu.memory_space<vmem>>) target(%dma_start3A_374 : memref<10240xf32, #tpu.memory_space<vmem_shared>>) offsets(%dma_start3A_372 : memref<128xi32, #tpu.memory_space<vmem>>) semaphore(%arg9 : memref<!tpu.dma_semaphore, #tpu.memory_space<semaphore_mem>>) {add = true}
    %dma_start3A_375 = arith.constant 25 : i32
    %dma_start3A_376 = arith.constant 0 : i32
    %dma_start3A_377 = tpu.memref_slice %arg4[%dma_start3A_375, %dma_start3A_376] : memref<84x128xi32, #tpu.memory_space<vmem>> -> memref<1x128xi32, #tpu.memory_space<vmem>>
    %dma_start3A_378 = tpu.memref_squeeze %dma_start3A_377 : memref<1x128xi32, #tpu.memory_space<vmem>> -> memref<128xi32, #tpu.memory_space<vmem>>
    %dma_start3A_379 = arith.constant 0 : i32
    %dma_start3A_380 = tpu.memref_slice %arg6[%dma_start3A_379] : memref<10240xf32, #tpu.memory_space<vmem_shared>> -> memref<10240xf32, #tpu.memory_space<vmem_shared>>
    tpu.enqueue_indirect_dma source(%arg5 : memref<128xf32, #tpu.memory_space<vmem>>) target(%dma_start3A_380 : memref<10240xf32, #tpu.memory_space<vmem_shared>>) offsets(%dma_start3A_378 : memref<128xi32, #tpu.memory_space<vmem>>) semaphore(%arg9 : memref<!tpu.dma_semaphore, #tpu.memory_space<semaphore_mem>>) {add = true}
    %dma_start3A_381 = arith.constant 26 : i32
    %dma_start3A_382 = arith.constant 0 : i32
    %dma_start3A_383 = tpu.memref_slice %arg4[%dma_start3A_381, %dma_start3A_382] : memref<84x128xi32, #tpu.memory_space<vmem>> -> memref<1x128xi32, #tpu.memory_space<vmem>>
    %dma_start3A_384 = tpu.memref_squeeze %dma_start3A_383 : memref<1x128xi32, #tpu.memory_space<vmem>> -> memref<128xi32, #tpu.memory_space<vmem>>
    %dma_start3A_385 = arith.constant 0 : i32
    %dma_start3A_386 = tpu.memref_slice %arg6[%dma_start3A_385] : memref<10240xf32, #tpu.memory_space<vmem_shared>> -> memref<10240xf32, #tpu.memory_space<vmem_shared>>
    tpu.enqueue_indirect_dma source(%arg5 : memref<128xf32, #tpu.memory_space<vmem>>) target(%dma_start3A_386 : memref<10240xf32, #tpu.memory_space<vmem_shared>>) offsets(%dma_start3A_384 : memref<128xi32, #tpu.memory_space<vmem>>) semaphore(%arg9 : memref<!tpu.dma_semaphore, #tpu.memory_space<semaphore_mem>>) {add = true}
    %dma_start3A_387 = arith.constant 27 : i32
    %dma_start3A_388 = arith.constant 0 : i32
    %dma_start3A_389 = tpu.memref_slice %arg4[%dma_start3A_387, %dma_start3A_388] : memref<84x128xi32, #tpu.memory_space<vmem>> -> memref<1x128xi32, #tpu.memory_space<vmem>>
    %dma_start3A_390 = tpu.memref_squeeze %dma_start3A_389 : memref<1x128xi32, #tpu.memory_space<vmem>> -> memref<128xi32, #tpu.memory_space<vmem>>
    %dma_start3A_391 = arith.constant 0 : i32
    %dma_start3A_392 = tpu.memref_slice %arg6[%dma_start3A_391] : memref<10240xf32, #tpu.memory_space<vmem_shared>> -> memref<10240xf32, #tpu.memory_space<vmem_shared>>
    tpu.enqueue_indirect_dma source(%arg5 : memref<128xf32, #tpu.memory_space<vmem>>) target(%dma_start3A_392 : memref<10240xf32, #tpu.memory_space<vmem_shared>>) offsets(%dma_start3A_390 : memref<128xi32, #tpu.memory_space<vmem>>) semaphore(%arg9 : memref<!tpu.dma_semaphore, #tpu.memory_space<semaphore_mem>>) {add = true}
    %dma_start3A_393 = arith.constant 28 : i32
    %dma_start3A_394 = arith.constant 0 : i32
    %dma_start3A_395 = tpu.memref_slice %arg4[%dma_start3A_393, %dma_start3A_394] : memref<84x128xi32, #tpu.memory_space<vmem>> -> memref<1x128xi32, #tpu.memory_space<vmem>>
    %dma_start3A_396 = tpu.memref_squeeze %dma_start3A_395 : memref<1x128xi32, #tpu.memory_space<vmem>> -> memref<128xi32, #tpu.memory_space<vmem>>
    %dma_start3A_397 = arith.constant 0 : i32
    %dma_start3A_398 = tpu.memref_slice %arg6[%dma_start3A_397] : memref<10240xf32, #tpu.memory_space<vmem_shared>> -> memref<10240xf32, #tpu.memory_space<vmem_shared>>
    tpu.enqueue_indirect_dma source(%arg5 : memref<128xf32, #tpu.memory_space<vmem>>) target(%dma_start3A_398 : memref<10240xf32, #tpu.memory_space<vmem_shared>>) offsets(%dma_start3A_396 : memref<128xi32, #tpu.memory_space<vmem>>) semaphore(%arg9 : memref<!tpu.dma_semaphore, #tpu.memory_space<semaphore_mem>>) {add = true}
    %dma_start3A_399 = arith.constant 29 : i32
    %dma_start3A_400 = arith.constant 0 : i32
    %dma_start3A_401 = tpu.memref_slice %arg4[%dma_start3A_399, %dma_start3A_400] : memref<84x128xi32, #tpu.memory_space<vmem>> -> memref<1x128xi32, #tpu.memory_space<vmem>>
    %dma_start3A_402 = tpu.memref_squeeze %dma_start3A_401 : memref<1x128xi32, #tpu.memory_space<vmem>> -> memref<128xi32, #tpu.memory_space<vmem>>
    %dma_start3A_403 = arith.constant 0 : i32
    %dma_start3A_404 = tpu.memref_slice %arg6[%dma_start3A_403] : memref<10240xf32, #tpu.memory_space<vmem_shared>> -> memref<10240xf32, #tpu.memory_space<vmem_shared>>
    tpu.enqueue_indirect_dma source(%arg5 : memref<128xf32, #tpu.memory_space<vmem>>) target(%dma_start3A_404 : memref<10240xf32, #tpu.memory_space<vmem_shared>>) offsets(%dma_start3A_402 : memref<128xi32, #tpu.memory_space<vmem>>) semaphore(%arg9 : memref<!tpu.dma_semaphore, #tpu.memory_space<semaphore_mem>>) {add = true}
    %dma_start3A_405 = arith.constant 30 : i32
    %dma_start3A_406 = arith.constant 0 : i32
    %dma_start3A_407 = tpu.memref_slice %arg4[%dma_start3A_405, %dma_start3A_406] : memref<84x128xi32, #tpu.memory_space<vmem>> -> memref<1x128xi32, #tpu.memory_space<vmem>>
    %dma_start3A_408 = tpu.memref_squeeze %dma_start3A_407 : memref<1x128xi32, #tpu.memory_space<vmem>> -> memref<128xi32, #tpu.memory_space<vmem>>
    %dma_start3A_409 = arith.constant 0 : i32
    %dma_start3A_410 = tpu.memref_slice %arg6[%dma_start3A_409] : memref<10240xf32, #tpu.memory_space<vmem_shared>> -> memref<10240xf32, #tpu.memory_space<vmem_shared>>
    tpu.enqueue_indirect_dma source(%arg5 : memref<128xf32, #tpu.memory_space<vmem>>) target(%dma_start3A_410 : memref<10240xf32, #tpu.memory_space<vmem_shared>>) offsets(%dma_start3A_408 : memref<128xi32, #tpu.memory_space<vmem>>) semaphore(%arg9 : memref<!tpu.dma_semaphore, #tpu.memory_space<semaphore_mem>>) {add = true}
    %dma_start3A_411 = arith.constant 31 : i32
    %dma_start3A_412 = arith.constant 0 : i32
    %dma_start3A_413 = tpu.memref_slice %arg4[%dma_start3A_411, %dma_start3A_412] : memref<84x128xi32, #tpu.memory_space<vmem>> -> memref<1x128xi32, #tpu.memory_space<vmem>>
    %dma_start3A_414 = tpu.memref_squeeze %dma_start3A_413 : memref<1x128xi32, #tpu.memory_space<vmem>> -> memref<128xi32, #tpu.memory_space<vmem>>
    %dma_start3A_415 = arith.constant 0 : i32
    %dma_start3A_416 = tpu.memref_slice %arg6[%dma_start3A_415] : memref<10240xf32, #tpu.memory_space<vmem_shared>> -> memref<10240xf32, #tpu.memory_space<vmem_shared>>
    tpu.enqueue_indirect_dma source(%arg5 : memref<128xf32, #tpu.memory_space<vmem>>) target(%dma_start3A_416 : memref<10240xf32, #tpu.memory_space<vmem_shared>>) offsets(%dma_start3A_414 : memref<128xi32, #tpu.memory_space<vmem>>) semaphore(%arg9 : memref<!tpu.dma_semaphore, #tpu.memory_space<semaphore_mem>>) {add = true}
    %dma_wait3A_417 = arith.constant 16 : i32
    %dma_wait3A_418 = arith.constant 0 : i32
    %dma_wait3A_419 = tpu.memref_slice %arg4[%dma_wait3A_417, %dma_wait3A_418] : memref<84x128xi32, #tpu.memory_space<vmem>> -> memref<1x128xi32, #tpu.memory_space<vmem>>
    %dma_wait3A_420 = tpu.memref_squeeze %dma_wait3A_419 : memref<1x128xi32, #tpu.memory_space<vmem>> -> memref<128xi32, #tpu.memory_space<vmem>>
    %dma_wait3A_421 = arith.constant 0 : i32
    %dma_wait3A_422 = tpu.memref_slice %arg6[%dma_wait3A_421] : memref<10240xf32, #tpu.memory_space<vmem_shared>> -> memref<10240xf32, #tpu.memory_space<vmem_shared>>
    tpu.wait_indirect_dma semaphore(%arg8 : memref<!tpu.dma_semaphore, #tpu.memory_space<semaphore_mem>>) src(%arg5 : memref<128xf32, #tpu.memory_space<vmem>>) dst(%dma_wait3A_422 : memref<10240xf32, #tpu.memory_space<vmem_shared>>)
    %dma_wait3A_423 = arith.constant 17 : i32
    %dma_wait3A_424 = arith.constant 0 : i32
    %dma_wait3A_425 = tpu.memref_slice %arg4[%dma_wait3A_423, %dma_wait3A_424] : memref<84x128xi32, #tpu.memory_space<vmem>> -> memref<1x128xi32, #tpu.memory_space<vmem>>
    %dma_wait3A_426 = tpu.memref_squeeze %dma_wait3A_425 : memref<1x128xi32, #tpu.memory_space<vmem>> -> memref<128xi32, #tpu.memory_space<vmem>>
    %dma_wait3A_427 = arith.constant 0 : i32
    %dma_wait3A_428 = tpu.memref_slice %arg6[%dma_wait3A_427] : memref<10240xf32, #tpu.memory_space<vmem_shared>> -> memref<10240xf32, #tpu.memory_space<vmem_shared>>
    tpu.wait_indirect_dma semaphore(%arg8 : memref<!tpu.dma_semaphore, #tpu.memory_space<semaphore_mem>>) src(%arg5 : memref<128xf32, #tpu.memory_space<vmem>>) dst(%dma_wait3A_428 : memref<10240xf32, #tpu.memory_space<vmem_shared>>)
    %dma_wait3A_429 = arith.constant 18 : i32
    %dma_wait3A_430 = arith.constant 0 : i32
    %dma_wait3A_431 = tpu.memref_slice %arg4[%dma_wait3A_429, %dma_wait3A_430] : memref<84x128xi32, #tpu.memory_space<vmem>> -> memref<1x128xi32, #tpu.memory_space<vmem>>
    %dma_wait3A_432 = tpu.memref_squeeze %dma_wait3A_431 : memref<1x128xi32, #tpu.memory_space<vmem>> -> memref<128xi32, #tpu.memory_space<vmem>>
    %dma_wait3A_433 = arith.constant 0 : i32
    %dma_wait3A_434 = tpu.memref_slice %arg6[%dma_wait3A_433] : memref<10240xf32, #tpu.memory_space<vmem_shared>> -> memref<10240xf32, #tpu.memory_space<vmem_shared>>
    tpu.wait_indirect_dma semaphore(%arg8 : memref<!tpu.dma_semaphore, #tpu.memory_space<semaphore_mem>>) src(%arg5 : memref<128xf32, #tpu.memory_space<vmem>>) dst(%dma_wait3A_434 : memref<10240xf32, #tpu.memory_space<vmem_shared>>)
    %dma_wait3A_435 = arith.constant 19 : i32
    %dma_wait3A_436 = arith.constant 0 : i32
    %dma_wait3A_437 = tpu.memref_slice %arg4[%dma_wait3A_435, %dma_wait3A_436] : memref<84x128xi32, #tpu.memory_space<vmem>> -> memref<1x128xi32, #tpu.memory_space<vmem>>
    %dma_wait3A_438 = tpu.memref_squeeze %dma_wait3A_437 : memref<1x128xi32, #tpu.memory_space<vmem>> -> memref<128xi32, #tpu.memory_space<vmem>>
    %dma_wait3A_439 = arith.constant 0 : i32
    %dma_wait3A_440 = tpu.memref_slice %arg6[%dma_wait3A_439] : memref<10240xf32, #tpu.memory_space<vmem_shared>> -> memref<10240xf32, #tpu.memory_space<vmem_shared>>
    tpu.wait_indirect_dma semaphore(%arg8 : memref<!tpu.dma_semaphore, #tpu.memory_space<semaphore_mem>>) src(%arg5 : memref<128xf32, #tpu.memory_space<vmem>>) dst(%dma_wait3A_440 : memref<10240xf32, #tpu.memory_space<vmem_shared>>)
    %dma_wait3A_441 = arith.constant 20 : i32
    %dma_wait3A_442 = arith.constant 0 : i32
    %dma_wait3A_443 = tpu.memref_slice %arg4[%dma_wait3A_441, %dma_wait3A_442] : memref<84x128xi32, #tpu.memory_space<vmem>> -> memref<1x128xi32, #tpu.memory_space<vmem>>
    %dma_wait3A_444 = tpu.memref_squeeze %dma_wait3A_443 : memref<1x128xi32, #tpu.memory_space<vmem>> -> memref<128xi32, #tpu.memory_space<vmem>>
    %dma_wait3A_445 = arith.constant 0 : i32
    %dma_wait3A_446 = tpu.memref_slice %arg6[%dma_wait3A_445] : memref<10240xf32, #tpu.memory_space<vmem_shared>> -> memref<10240xf32, #tpu.memory_space<vmem_shared>>
    tpu.wait_indirect_dma semaphore(%arg8 : memref<!tpu.dma_semaphore, #tpu.memory_space<semaphore_mem>>) src(%arg5 : memref<128xf32, #tpu.memory_space<vmem>>) dst(%dma_wait3A_446 : memref<10240xf32, #tpu.memory_space<vmem_shared>>)
    %dma_wait3A_447 = arith.constant 21 : i32
    %dma_wait3A_448 = arith.constant 0 : i32
    %dma_wait3A_449 = tpu.memref_slice %arg4[%dma_wait3A_447, %dma_wait3A_448] : memref<84x128xi32, #tpu.memory_space<vmem>> -> memref<1x128xi32, #tpu.memory_space<vmem>>
    %dma_wait3A_450 = tpu.memref_squeeze %dma_wait3A_449 : memref<1x128xi32, #tpu.memory_space<vmem>> -> memref<128xi32, #tpu.memory_space<vmem>>
    %dma_wait3A_451 = arith.constant 0 : i32
    %dma_wait3A_452 = tpu.memref_slice %arg6[%dma_wait3A_451] : memref<10240xf32, #tpu.memory_space<vmem_shared>> -> memref<10240xf32, #tpu.memory_space<vmem_shared>>
    tpu.wait_indirect_dma semaphore(%arg8 : memref<!tpu.dma_semaphore, #tpu.memory_space<semaphore_mem>>) src(%arg5 : memref<128xf32, #tpu.memory_space<vmem>>) dst(%dma_wait3A_452 : memref<10240xf32, #tpu.memory_space<vmem_shared>>)
    %dma_wait3A_453 = arith.constant 22 : i32
    %dma_wait3A_454 = arith.constant 0 : i32
    %dma_wait3A_455 = tpu.memref_slice %arg4[%dma_wait3A_453, %dma_wait3A_454] : memref<84x128xi32, #tpu.memory_space<vmem>> -> memref<1x128xi32, #tpu.memory_space<vmem>>
    %dma_wait3A_456 = tpu.memref_squeeze %dma_wait3A_455 : memref<1x128xi32, #tpu.memory_space<vmem>> -> memref<128xi32, #tpu.memory_space<vmem>>
    %dma_wait3A_457 = arith.constant 0 : i32
    %dma_wait3A_458 = tpu.memref_slice %arg6[%dma_wait3A_457] : memref<10240xf32, #tpu.memory_space<vmem_shared>> -> memref<10240xf32, #tpu.memory_space<vmem_shared>>
    tpu.wait_indirect_dma semaphore(%arg8 : memref<!tpu.dma_semaphore, #tpu.memory_space<semaphore_mem>>) src(%arg5 : memref<128xf32, #tpu.memory_space<vmem>>) dst(%dma_wait3A_458 : memref<10240xf32, #tpu.memory_space<vmem_shared>>)
    %dma_wait3A_459 = arith.constant 23 : i32
    %dma_wait3A_460 = arith.constant 0 : i32
    %dma_wait3A_461 = tpu.memref_slice %arg4[%dma_wait3A_459, %dma_wait3A_460] : memref<84x128xi32, #tpu.memory_space<vmem>> -> memref<1x128xi32, #tpu.memory_space<vmem>>
    %dma_wait3A_462 = tpu.memref_squeeze %dma_wait3A_461 : memref<1x128xi32, #tpu.memory_space<vmem>> -> memref<128xi32, #tpu.memory_space<vmem>>
    %dma_wait3A_463 = arith.constant 0 : i32
    %dma_wait3A_464 = tpu.memref_slice %arg6[%dma_wait3A_463] : memref<10240xf32, #tpu.memory_space<vmem_shared>> -> memref<10240xf32, #tpu.memory_space<vmem_shared>>
    tpu.wait_indirect_dma semaphore(%arg8 : memref<!tpu.dma_semaphore, #tpu.memory_space<semaphore_mem>>) src(%arg5 : memref<128xf32, #tpu.memory_space<vmem>>) dst(%dma_wait3A_464 : memref<10240xf32, #tpu.memory_space<vmem_shared>>)
    %dma_start3A_465 = arith.constant 32 : i32
    %dma_start3A_466 = arith.constant 0 : i32
    %dma_start3A_467 = tpu.memref_slice %arg4[%dma_start3A_465, %dma_start3A_466] : memref<84x128xi32, #tpu.memory_space<vmem>> -> memref<1x128xi32, #tpu.memory_space<vmem>>
    %dma_start3A_468 = tpu.memref_squeeze %dma_start3A_467 : memref<1x128xi32, #tpu.memory_space<vmem>> -> memref<128xi32, #tpu.memory_space<vmem>>
    %dma_start3A_469 = arith.constant 0 : i32
    %dma_start3A_470 = tpu.memref_slice %arg6[%dma_start3A_469] : memref<10240xf32, #tpu.memory_space<vmem_shared>> -> memref<10240xf32, #tpu.memory_space<vmem_shared>>
    tpu.enqueue_indirect_dma source(%arg5 : memref<128xf32, #tpu.memory_space<vmem>>) target(%dma_start3A_470 : memref<10240xf32, #tpu.memory_space<vmem_shared>>) offsets(%dma_start3A_468 : memref<128xi32, #tpu.memory_space<vmem>>) semaphore(%arg8 : memref<!tpu.dma_semaphore, #tpu.memory_space<semaphore_mem>>) {add = true}
    %dma_start3A_471 = arith.constant 33 : i32
    %dma_start3A_472 = arith.constant 0 : i32
    %dma_start3A_473 = tpu.memref_slice %arg4[%dma_start3A_471, %dma_start3A_472] : memref<84x128xi32, #tpu.memory_space<vmem>> -> memref<1x128xi32, #tpu.memory_space<vmem>>
    %dma_start3A_474 = tpu.memref_squeeze %dma_start3A_473 : memref<1x128xi32, #tpu.memory_space<vmem>> -> memref<128xi32, #tpu.memory_space<vmem>>
    %dma_start3A_475 = arith.constant 0 : i32
    %dma_start3A_476 = tpu.memref_slice %arg6[%dma_start3A_475] : memref<10240xf32, #tpu.memory_space<vmem_shared>> -> memref<10240xf32, #tpu.memory_space<vmem_shared>>
    tpu.enqueue_indirect_dma source(%arg5 : memref<128xf32, #tpu.memory_space<vmem>>) target(%dma_start3A_476 : memref<10240xf32, #tpu.memory_space<vmem_shared>>) offsets(%dma_start3A_474 : memref<128xi32, #tpu.memory_space<vmem>>) semaphore(%arg8 : memref<!tpu.dma_semaphore, #tpu.memory_space<semaphore_mem>>) {add = true}
    %dma_start3A_477 = arith.constant 34 : i32
    %dma_start3A_478 = arith.constant 0 : i32
    %dma_start3A_479 = tpu.memref_slice %arg4[%dma_start3A_477, %dma_start3A_478] : memref<84x128xi32, #tpu.memory_space<vmem>> -> memref<1x128xi32, #tpu.memory_space<vmem>>
    %dma_start3A_480 = tpu.memref_squeeze %dma_start3A_479 : memref<1x128xi32, #tpu.memory_space<vmem>> -> memref<128xi32, #tpu.memory_space<vmem>>
    %dma_start3A_481 = arith.constant 0 : i32
    %dma_start3A_482 = tpu.memref_slice %arg6[%dma_start3A_481] : memref<10240xf32, #tpu.memory_space<vmem_shared>> -> memref<10240xf32, #tpu.memory_space<vmem_shared>>
    tpu.enqueue_indirect_dma source(%arg5 : memref<128xf32, #tpu.memory_space<vmem>>) target(%dma_start3A_482 : memref<10240xf32, #tpu.memory_space<vmem_shared>>) offsets(%dma_start3A_480 : memref<128xi32, #tpu.memory_space<vmem>>) semaphore(%arg8 : memref<!tpu.dma_semaphore, #tpu.memory_space<semaphore_mem>>) {add = true}
    %dma_start3A_483 = arith.constant 35 : i32
    %dma_start3A_484 = arith.constant 0 : i32
    %dma_start3A_485 = tpu.memref_slice %arg4[%dma_start3A_483, %dma_start3A_484] : memref<84x128xi32, #tpu.memory_space<vmem>> -> memref<1x128xi32, #tpu.memory_space<vmem>>
    %dma_start3A_486 = tpu.memref_squeeze %dma_start3A_485 : memref<1x128xi32, #tpu.memory_space<vmem>> -> memref<128xi32, #tpu.memory_space<vmem>>
    %dma_start3A_487 = arith.constant 0 : i32
    %dma_start3A_488 = tpu.memref_slice %arg6[%dma_start3A_487] : memref<10240xf32, #tpu.memory_space<vmem_shared>> -> memref<10240xf32, #tpu.memory_space<vmem_shared>>
    tpu.enqueue_indirect_dma source(%arg5 : memref<128xf32, #tpu.memory_space<vmem>>) target(%dma_start3A_488 : memref<10240xf32, #tpu.memory_space<vmem_shared>>) offsets(%dma_start3A_486 : memref<128xi32, #tpu.memory_space<vmem>>) semaphore(%arg8 : memref<!tpu.dma_semaphore, #tpu.memory_space<semaphore_mem>>) {add = true}
    %dma_start3A_489 = arith.constant 36 : i32
    %dma_start3A_490 = arith.constant 0 : i32
    %dma_start3A_491 = tpu.memref_slice %arg4[%dma_start3A_489, %dma_start3A_490] : memref<84x128xi32, #tpu.memory_space<vmem>> -> memref<1x128xi32, #tpu.memory_space<vmem>>
    %dma_start3A_492 = tpu.memref_squeeze %dma_start3A_491 : memref<1x128xi32, #tpu.memory_space<vmem>> -> memref<128xi32, #tpu.memory_space<vmem>>
    %dma_start3A_493 = arith.constant 0 : i32
    %dma_start3A_494 = tpu.memref_slice %arg6[%dma_start3A_493] : memref<10240xf32, #tpu.memory_space<vmem_shared>> -> memref<10240xf32, #tpu.memory_space<vmem_shared>>
    tpu.enqueue_indirect_dma source(%arg5 : memref<128xf32, #tpu.memory_space<vmem>>) target(%dma_start3A_494 : memref<10240xf32, #tpu.memory_space<vmem_shared>>) offsets(%dma_start3A_492 : memref<128xi32, #tpu.memory_space<vmem>>) semaphore(%arg8 : memref<!tpu.dma_semaphore, #tpu.memory_space<semaphore_mem>>) {add = true}
    %dma_start3A_495 = arith.constant 37 : i32
    %dma_start3A_496 = arith.constant 0 : i32
    %dma_start3A_497 = tpu.memref_slice %arg4[%dma_start3A_495, %dma_start3A_496] : memref<84x128xi32, #tpu.memory_space<vmem>> -> memref<1x128xi32, #tpu.memory_space<vmem>>
    %dma_start3A_498 = tpu.memref_squeeze %dma_start3A_497 : memref<1x128xi32, #tpu.memory_space<vmem>> -> memref<128xi32, #tpu.memory_space<vmem>>
    %dma_start3A_499 = arith.constant 0 : i32
    %dma_start3A_500 = tpu.memref_slice %arg6[%dma_start3A_499] : memref<10240xf32, #tpu.memory_space<vmem_shared>> -> memref<10240xf32, #tpu.memory_space<vmem_shared>>
    tpu.enqueue_indirect_dma source(%arg5 : memref<128xf32, #tpu.memory_space<vmem>>) target(%dma_start3A_500 : memref<10240xf32, #tpu.memory_space<vmem_shared>>) offsets(%dma_start3A_498 : memref<128xi32, #tpu.memory_space<vmem>>) semaphore(%arg8 : memref<!tpu.dma_semaphore, #tpu.memory_space<semaphore_mem>>) {add = true}
    %dma_start3A_501 = arith.constant 38 : i32
    %dma_start3A_502 = arith.constant 0 : i32
    %dma_start3A_503 = tpu.memref_slice %arg4[%dma_start3A_501, %dma_start3A_502] : memref<84x128xi32, #tpu.memory_space<vmem>> -> memref<1x128xi32, #tpu.memory_space<vmem>>
    %dma_start3A_504 = tpu.memref_squeeze %dma_start3A_503 : memref<1x128xi32, #tpu.memory_space<vmem>> -> memref<128xi32, #tpu.memory_space<vmem>>
    %dma_start3A_505 = arith.constant 0 : i32
    %dma_start3A_506 = tpu.memref_slice %arg6[%dma_start3A_505] : memref<10240xf32, #tpu.memory_space<vmem_shared>> -> memref<10240xf32, #tpu.memory_space<vmem_shared>>
    tpu.enqueue_indirect_dma source(%arg5 : memref<128xf32, #tpu.memory_space<vmem>>) target(%dma_start3A_506 : memref<10240xf32, #tpu.memory_space<vmem_shared>>) offsets(%dma_start3A_504 : memref<128xi32, #tpu.memory_space<vmem>>) semaphore(%arg8 : memref<!tpu.dma_semaphore, #tpu.memory_space<semaphore_mem>>) {add = true}
    %dma_start3A_507 = arith.constant 39 : i32
    %dma_start3A_508 = arith.constant 0 : i32
    %dma_start3A_509 = tpu.memref_slice %arg4[%dma_start3A_507, %dma_start3A_508] : memref<84x128xi32, #tpu.memory_space<vmem>> -> memref<1x128xi32, #tpu.memory_space<vmem>>
    %dma_start3A_510 = tpu.memref_squeeze %dma_start3A_509 : memref<1x128xi32, #tpu.memory_space<vmem>> -> memref<128xi32, #tpu.memory_space<vmem>>
    %dma_start3A_511 = arith.constant 0 : i32
    %dma_start3A_512 = tpu.memref_slice %arg6[%dma_start3A_511] : memref<10240xf32, #tpu.memory_space<vmem_shared>> -> memref<10240xf32, #tpu.memory_space<vmem_shared>>
    tpu.enqueue_indirect_dma source(%arg5 : memref<128xf32, #tpu.memory_space<vmem>>) target(%dma_start3A_512 : memref<10240xf32, #tpu.memory_space<vmem_shared>>) offsets(%dma_start3A_510 : memref<128xi32, #tpu.memory_space<vmem>>) semaphore(%arg8 : memref<!tpu.dma_semaphore, #tpu.memory_space<semaphore_mem>>) {add = true}
    %dma_wait3A_513 = arith.constant 24 : i32
    %dma_wait3A_514 = arith.constant 0 : i32
    %dma_wait3A_515 = tpu.memref_slice %arg4[%dma_wait3A_513, %dma_wait3A_514] : memref<84x128xi32, #tpu.memory_space<vmem>> -> memref<1x128xi32, #tpu.memory_space<vmem>>
    %dma_wait3A_516 = tpu.memref_squeeze %dma_wait3A_515 : memref<1x128xi32, #tpu.memory_space<vmem>> -> memref<128xi32, #tpu.memory_space<vmem>>
    %dma_wait3A_517 = arith.constant 0 : i32
    %dma_wait3A_518 = tpu.memref_slice %arg6[%dma_wait3A_517] : memref<10240xf32, #tpu.memory_space<vmem_shared>> -> memref<10240xf32, #tpu.memory_space<vmem_shared>>
    tpu.wait_indirect_dma semaphore(%arg9 : memref<!tpu.dma_semaphore, #tpu.memory_space<semaphore_mem>>) src(%arg5 : memref<128xf32, #tpu.memory_space<vmem>>) dst(%dma_wait3A_518 : memref<10240xf32, #tpu.memory_space<vmem_shared>>)
    %dma_wait3A_519 = arith.constant 25 : i32
    %dma_wait3A_520 = arith.constant 0 : i32
    %dma_wait3A_521 = tpu.memref_slice %arg4[%dma_wait3A_519, %dma_wait3A_520] : memref<84x128xi32, #tpu.memory_space<vmem>> -> memref<1x128xi32, #tpu.memory_space<vmem>>
    %dma_wait3A_522 = tpu.memref_squeeze %dma_wait3A_521 : memref<1x128xi32, #tpu.memory_space<vmem>> -> memref<128xi32, #tpu.memory_space<vmem>>
    %dma_wait3A_523 = arith.constant 0 : i32
    %dma_wait3A_524 = tpu.memref_slice %arg6[%dma_wait3A_523] : memref<10240xf32, #tpu.memory_space<vmem_shared>> -> memref<10240xf32, #tpu.memory_space<vmem_shared>>
    tpu.wait_indirect_dma semaphore(%arg9 : memref<!tpu.dma_semaphore, #tpu.memory_space<semaphore_mem>>) src(%arg5 : memref<128xf32, #tpu.memory_space<vmem>>) dst(%dma_wait3A_524 : memref<10240xf32, #tpu.memory_space<vmem_shared>>)
    %dma_wait3A_525 = arith.constant 26 : i32
    %dma_wait3A_526 = arith.constant 0 : i32
    %dma_wait3A_527 = tpu.memref_slice %arg4[%dma_wait3A_525, %dma_wait3A_526] : memref<84x128xi32, #tpu.memory_space<vmem>> -> memref<1x128xi32, #tpu.memory_space<vmem>>
    %dma_wait3A_528 = tpu.memref_squeeze %dma_wait3A_527 : memref<1x128xi32, #tpu.memory_space<vmem>> -> memref<128xi32, #tpu.memory_space<vmem>>
    %dma_wait3A_529 = arith.constant 0 : i32
    %dma_wait3A_530 = tpu.memref_slice %arg6[%dma_wait3A_529] : memref<10240xf32, #tpu.memory_space<vmem_shared>> -> memref<10240xf32, #tpu.memory_space<vmem_shared>>
    tpu.wait_indirect_dma semaphore(%arg9 : memref<!tpu.dma_semaphore, #tpu.memory_space<semaphore_mem>>) src(%arg5 : memref<128xf32, #tpu.memory_space<vmem>>) dst(%dma_wait3A_530 : memref<10240xf32, #tpu.memory_space<vmem_shared>>)
    %dma_wait3A_531 = arith.constant 27 : i32
    %dma_wait3A_532 = arith.constant 0 : i32
    %dma_wait3A_533 = tpu.memref_slice %arg4[%dma_wait3A_531, %dma_wait3A_532] : memref<84x128xi32, #tpu.memory_space<vmem>> -> memref<1x128xi32, #tpu.memory_space<vmem>>
    %dma_wait3A_534 = tpu.memref_squeeze %dma_wait3A_533 : memref<1x128xi32, #tpu.memory_space<vmem>> -> memref<128xi32, #tpu.memory_space<vmem>>
    %dma_wait3A_535 = arith.constant 0 : i32
    %dma_wait3A_536 = tpu.memref_slice %arg6[%dma_wait3A_535] : memref<10240xf32, #tpu.memory_space<vmem_shared>> -> memref<10240xf32, #tpu.memory_space<vmem_shared>>
    tpu.wait_indirect_dma semaphore(%arg9 : memref<!tpu.dma_semaphore, #tpu.memory_space<semaphore_mem>>) src(%arg5 : memref<128xf32, #tpu.memory_space<vmem>>) dst(%dma_wait3A_536 : memref<10240xf32, #tpu.memory_space<vmem_shared>>)
    %dma_wait3A_537 = arith.constant 28 : i32
    %dma_wait3A_538 = arith.constant 0 : i32
    %dma_wait3A_539 = tpu.memref_slice %arg4[%dma_wait3A_537, %dma_wait3A_538] : memref<84x128xi32, #tpu.memory_space<vmem>> -> memref<1x128xi32, #tpu.memory_space<vmem>>
    %dma_wait3A_540 = tpu.memref_squeeze %dma_wait3A_539 : memref<1x128xi32, #tpu.memory_space<vmem>> -> memref<128xi32, #tpu.memory_space<vmem>>
    %dma_wait3A_541 = arith.constant 0 : i32
    %dma_wait3A_542 = tpu.memref_slice %arg6[%dma_wait3A_541] : memref<10240xf32, #tpu.memory_space<vmem_shared>> -> memref<10240xf32, #tpu.memory_space<vmem_shared>>
    tpu.wait_indirect_dma semaphore(%arg9 : memref<!tpu.dma_semaphore, #tpu.memory_space<semaphore_mem>>) src(%arg5 : memref<128xf32, #tpu.memory_space<vmem>>) dst(%dma_wait3A_542 : memref<10240xf32, #tpu.memory_space<vmem_shared>>)
    %dma_wait3A_543 = arith.constant 29 : i32
    %dma_wait3A_544 = arith.constant 0 : i32
    %dma_wait3A_545 = tpu.memref_slice %arg4[%dma_wait3A_543, %dma_wait3A_544] : memref<84x128xi32, #tpu.memory_space<vmem>> -> memref<1x128xi32, #tpu.memory_space<vmem>>
    %dma_wait3A_546 = tpu.memref_squeeze %dma_wait3A_545 : memref<1x128xi32, #tpu.memory_space<vmem>> -> memref<128xi32, #tpu.memory_space<vmem>>
    %dma_wait3A_547 = arith.constant 0 : i32
    %dma_wait3A_548 = tpu.memref_slice %arg6[%dma_wait3A_547] : memref<10240xf32, #tpu.memory_space<vmem_shared>> -> memref<10240xf32, #tpu.memory_space<vmem_shared>>
    tpu.wait_indirect_dma semaphore(%arg9 : memref<!tpu.dma_semaphore, #tpu.memory_space<semaphore_mem>>) src(%arg5 : memref<128xf32, #tpu.memory_space<vmem>>) dst(%dma_wait3A_548 : memref<10240xf32, #tpu.memory_space<vmem_shared>>)
    %dma_wait3A_549 = arith.constant 30 : i32
    %dma_wait3A_550 = arith.constant 0 : i32
    %dma_wait3A_551 = tpu.memref_slice %arg4[%dma_wait3A_549, %dma_wait3A_550] : memref<84x128xi32, #tpu.memory_space<vmem>> -> memref<1x128xi32, #tpu.memory_space<vmem>>
    %dma_wait3A_552 = tpu.memref_squeeze %dma_wait3A_551 : memref<1x128xi32, #tpu.memory_space<vmem>> -> memref<128xi32, #tpu.memory_space<vmem>>
    %dma_wait3A_553 = arith.constant 0 : i32
    %dma_wait3A_554 = tpu.memref_slice %arg6[%dma_wait3A_553] : memref<10240xf32, #tpu.memory_space<vmem_shared>> -> memref<10240xf32, #tpu.memory_space<vmem_shared>>
    tpu.wait_indirect_dma semaphore(%arg9 : memref<!tpu.dma_semaphore, #tpu.memory_space<semaphore_mem>>) src(%arg5 : memref<128xf32, #tpu.memory_space<vmem>>) dst(%dma_wait3A_554 : memref<10240xf32, #tpu.memory_space<vmem_shared>>)
    %dma_wait3A_555 = arith.constant 31 : i32
    %dma_wait3A_556 = arith.constant 0 : i32
    %dma_wait3A_557 = tpu.memref_slice %arg4[%dma_wait3A_555, %dma_wait3A_556] : memref<84x128xi32, #tpu.memory_space<vmem>> -> memref<1x128xi32, #tpu.memory_space<vmem>>
    %dma_wait3A_558 = tpu.memref_squeeze %dma_wait3A_557 : memref<1x128xi32, #tpu.memory_space<vmem>> -> memref<128xi32, #tpu.memory_space<vmem>>
    %dma_wait3A_559 = arith.constant 0 : i32
    %dma_wait3A_560 = tpu.memref_slice %arg6[%dma_wait3A_559] : memref<10240xf32, #tpu.memory_space<vmem_shared>> -> memref<10240xf32, #tpu.memory_space<vmem_shared>>
    tpu.wait_indirect_dma semaphore(%arg9 : memref<!tpu.dma_semaphore, #tpu.memory_space<semaphore_mem>>) src(%arg5 : memref<128xf32, #tpu.memory_space<vmem>>) dst(%dma_wait3A_560 : memref<10240xf32, #tpu.memory_space<vmem_shared>>)
    %dma_start3A_561 = arith.constant 40 : i32
    %dma_start3A_562 = arith.constant 0 : i32
    %dma_start3A_563 = tpu.memref_slice %arg4[%dma_start3A_561, %dma_start3A_562] : memref<84x128xi32, #tpu.memory_space<vmem>> -> memref<1x128xi32, #tpu.memory_space<vmem>>
    %dma_start3A_564 = tpu.memref_squeeze %dma_start3A_563 : memref<1x128xi32, #tpu.memory_space<vmem>> -> memref<128xi32, #tpu.memory_space<vmem>>
    %dma_start3A_565 = arith.constant 0 : i32
    %dma_start3A_566 = tpu.memref_slice %arg6[%dma_start3A_565] : memref<10240xf32, #tpu.memory_space<vmem_shared>> -> memref<10240xf32, #tpu.memory_space<vmem_shared>>
    tpu.enqueue_indirect_dma source(%arg5 : memref<128xf32, #tpu.memory_space<vmem>>) target(%dma_start3A_566 : memref<10240xf32, #tpu.memory_space<vmem_shared>>) offsets(%dma_start3A_564 : memref<128xi32, #tpu.memory_space<vmem>>) semaphore(%arg9 : memref<!tpu.dma_semaphore, #tpu.memory_space<semaphore_mem>>) {add = true}
    %dma_start3A_567 = arith.constant 41 : i32
    %dma_start3A_568 = arith.constant 0 : i32
    %dma_start3A_569 = tpu.memref_slice %arg4[%dma_start3A_567, %dma_start3A_568] : memref<84x128xi32, #tpu.memory_space<vmem>> -> memref<1x128xi32, #tpu.memory_space<vmem>>
    %dma_start3A_570 = tpu.memref_squeeze %dma_start3A_569 : memref<1x128xi32, #tpu.memory_space<vmem>> -> memref<128xi32, #tpu.memory_space<vmem>>
    %dma_start3A_571 = arith.constant 0 : i32
    %dma_start3A_572 = tpu.memref_slice %arg6[%dma_start3A_571] : memref<10240xf32, #tpu.memory_space<vmem_shared>> -> memref<10240xf32, #tpu.memory_space<vmem_shared>>
    tpu.enqueue_indirect_dma source(%arg5 : memref<128xf32, #tpu.memory_space<vmem>>) target(%dma_start3A_572 : memref<10240xf32, #tpu.memory_space<vmem_shared>>) offsets(%dma_start3A_570 : memref<128xi32, #tpu.memory_space<vmem>>) semaphore(%arg9 : memref<!tpu.dma_semaphore, #tpu.memory_space<semaphore_mem>>) {add = true}
    %dma_start3A_573 = arith.constant 42 : i32
    %dma_start3A_574 = arith.constant 0 : i32
    %dma_start3A_575 = tpu.memref_slice %arg4[%dma_start3A_573, %dma_start3A_574] : memref<84x128xi32, #tpu.memory_space<vmem>> -> memref<1x128xi32, #tpu.memory_space<vmem>>
    %dma_start3A_576 = tpu.memref_squeeze %dma_start3A_575 : memref<1x128xi32, #tpu.memory_space<vmem>> -> memref<128xi32, #tpu.memory_space<vmem>>
    %dma_start3A_577 = arith.constant 0 : i32
    %dma_start3A_578 = tpu.memref_slice %arg6[%dma_start3A_577] : memref<10240xf32, #tpu.memory_space<vmem_shared>> -> memref<10240xf32, #tpu.memory_space<vmem_shared>>
    tpu.enqueue_indirect_dma source(%arg5 : memref<128xf32, #tpu.memory_space<vmem>>) target(%dma_start3A_578 : memref<10240xf32, #tpu.memory_space<vmem_shared>>) offsets(%dma_start3A_576 : memref<128xi32, #tpu.memory_space<vmem>>) semaphore(%arg9 : memref<!tpu.dma_semaphore, #tpu.memory_space<semaphore_mem>>) {add = true}
    %dma_start3A_579 = arith.constant 43 : i32
    %dma_start3A_580 = arith.constant 0 : i32
    %dma_start3A_581 = tpu.memref_slice %arg4[%dma_start3A_579, %dma_start3A_580] : memref<84x128xi32, #tpu.memory_space<vmem>> -> memref<1x128xi32, #tpu.memory_space<vmem>>
    %dma_start3A_582 = tpu.memref_squeeze %dma_start3A_581 : memref<1x128xi32, #tpu.memory_space<vmem>> -> memref<128xi32, #tpu.memory_space<vmem>>
    %dma_start3A_583 = arith.constant 0 : i32
    %dma_start3A_584 = tpu.memref_slice %arg6[%dma_start3A_583] : memref<10240xf32, #tpu.memory_space<vmem_shared>> -> memref<10240xf32, #tpu.memory_space<vmem_shared>>
    tpu.enqueue_indirect_dma source(%arg5 : memref<128xf32, #tpu.memory_space<vmem>>) target(%dma_start3A_584 : memref<10240xf32, #tpu.memory_space<vmem_shared>>) offsets(%dma_start3A_582 : memref<128xi32, #tpu.memory_space<vmem>>) semaphore(%arg9 : memref<!tpu.dma_semaphore, #tpu.memory_space<semaphore_mem>>) {add = true}
    %dma_start3A_585 = arith.constant 44 : i32
    %dma_start3A_586 = arith.constant 0 : i32
    %dma_start3A_587 = tpu.memref_slice %arg4[%dma_start3A_585, %dma_start3A_586] : memref<84x128xi32, #tpu.memory_space<vmem>> -> memref<1x128xi32, #tpu.memory_space<vmem>>
    %dma_start3A_588 = tpu.memref_squeeze %dma_start3A_587 : memref<1x128xi32, #tpu.memory_space<vmem>> -> memref<128xi32, #tpu.memory_space<vmem>>
    %dma_start3A_589 = arith.constant 0 : i32
    %dma_start3A_590 = tpu.memref_slice %arg6[%dma_start3A_589] : memref<10240xf32, #tpu.memory_space<vmem_shared>> -> memref<10240xf32, #tpu.memory_space<vmem_shared>>
    tpu.enqueue_indirect_dma source(%arg5 : memref<128xf32, #tpu.memory_space<vmem>>) target(%dma_start3A_590 : memref<10240xf32, #tpu.memory_space<vmem_shared>>) offsets(%dma_start3A_588 : memref<128xi32, #tpu.memory_space<vmem>>) semaphore(%arg9 : memref<!tpu.dma_semaphore, #tpu.memory_space<semaphore_mem>>) {add = true}
    %dma_start3A_591 = arith.constant 45 : i32
    %dma_start3A_592 = arith.constant 0 : i32
    %dma_start3A_593 = tpu.memref_slice %arg4[%dma_start3A_591, %dma_start3A_592] : memref<84x128xi32, #tpu.memory_space<vmem>> -> memref<1x128xi32, #tpu.memory_space<vmem>>
    %dma_start3A_594 = tpu.memref_squeeze %dma_start3A_593 : memref<1x128xi32, #tpu.memory_space<vmem>> -> memref<128xi32, #tpu.memory_space<vmem>>
    %dma_start3A_595 = arith.constant 0 : i32
    %dma_start3A_596 = tpu.memref_slice %arg6[%dma_start3A_595] : memref<10240xf32, #tpu.memory_space<vmem_shared>> -> memref<10240xf32, #tpu.memory_space<vmem_shared>>
    tpu.enqueue_indirect_dma source(%arg5 : memref<128xf32, #tpu.memory_space<vmem>>) target(%dma_start3A_596 : memref<10240xf32, #tpu.memory_space<vmem_shared>>) offsets(%dma_start3A_594 : memref<128xi32, #tpu.memory_space<vmem>>) semaphore(%arg9 : memref<!tpu.dma_semaphore, #tpu.memory_space<semaphore_mem>>) {add = true}
    %dma_start3A_597 = arith.constant 46 : i32
    %dma_start3A_598 = arith.constant 0 : i32
    %dma_start3A_599 = tpu.memref_slice %arg4[%dma_start3A_597, %dma_start3A_598] : memref<84x128xi32, #tpu.memory_space<vmem>> -> memref<1x128xi32, #tpu.memory_space<vmem>>
    %dma_start3A_600 = tpu.memref_squeeze %dma_start3A_599 : memref<1x128xi32, #tpu.memory_space<vmem>> -> memref<128xi32, #tpu.memory_space<vmem>>
    %dma_start3A_601 = arith.constant 0 : i32
    %dma_start3A_602 = tpu.memref_slice %arg6[%dma_start3A_601] : memref<10240xf32, #tpu.memory_space<vmem_shared>> -> memref<10240xf32, #tpu.memory_space<vmem_shared>>
    tpu.enqueue_indirect_dma source(%arg5 : memref<128xf32, #tpu.memory_space<vmem>>) target(%dma_start3A_602 : memref<10240xf32, #tpu.memory_space<vmem_shared>>) offsets(%dma_start3A_600 : memref<128xi32, #tpu.memory_space<vmem>>) semaphore(%arg9 : memref<!tpu.dma_semaphore, #tpu.memory_space<semaphore_mem>>) {add = true}
    %dma_start3A_603 = arith.constant 47 : i32
    %dma_start3A_604 = arith.constant 0 : i32
    %dma_start3A_605 = tpu.memref_slice %arg4[%dma_start3A_603, %dma_start3A_604] : memref<84x128xi32, #tpu.memory_space<vmem>> -> memref<1x128xi32, #tpu.memory_space<vmem>>
    %dma_start3A_606 = tpu.memref_squeeze %dma_start3A_605 : memref<1x128xi32, #tpu.memory_space<vmem>> -> memref<128xi32, #tpu.memory_space<vmem>>
    %dma_start3A_607 = arith.constant 0 : i32
    %dma_start3A_608 = tpu.memref_slice %arg6[%dma_start3A_607] : memref<10240xf32, #tpu.memory_space<vmem_shared>> -> memref<10240xf32, #tpu.memory_space<vmem_shared>>
    tpu.enqueue_indirect_dma source(%arg5 : memref<128xf32, #tpu.memory_space<vmem>>) target(%dma_start3A_608 : memref<10240xf32, #tpu.memory_space<vmem_shared>>) offsets(%dma_start3A_606 : memref<128xi32, #tpu.memory_space<vmem>>) semaphore(%arg9 : memref<!tpu.dma_semaphore, #tpu.memory_space<semaphore_mem>>) {add = true}
    %dma_wait3A_609 = arith.constant 32 : i32
    %dma_wait3A_610 = arith.constant 0 : i32
    %dma_wait3A_611 = tpu.memref_slice %arg4[%dma_wait3A_609, %dma_wait3A_610] : memref<84x128xi32, #tpu.memory_space<vmem>> -> memref<1x128xi32, #tpu.memory_space<vmem>>
    %dma_wait3A_612 = tpu.memref_squeeze %dma_wait3A_611 : memref<1x128xi32, #tpu.memory_space<vmem>> -> memref<128xi32, #tpu.memory_space<vmem>>
    %dma_wait3A_613 = arith.constant 0 : i32
    %dma_wait3A_614 = tpu.memref_slice %arg6[%dma_wait3A_613] : memref<10240xf32, #tpu.memory_space<vmem_shared>> -> memref<10240xf32, #tpu.memory_space<vmem_shared>>
    tpu.wait_indirect_dma semaphore(%arg8 : memref<!tpu.dma_semaphore, #tpu.memory_space<semaphore_mem>>) src(%arg5 : memref<128xf32, #tpu.memory_space<vmem>>) dst(%dma_wait3A_614 : memref<10240xf32, #tpu.memory_space<vmem_shared>>)
    %dma_wait3A_615 = arith.constant 33 : i32
    %dma_wait3A_616 = arith.constant 0 : i32
    %dma_wait3A_617 = tpu.memref_slice %arg4[%dma_wait3A_615, %dma_wait3A_616] : memref<84x128xi32, #tpu.memory_space<vmem>> -> memref<1x128xi32, #tpu.memory_space<vmem>>
    %dma_wait3A_618 = tpu.memref_squeeze %dma_wait3A_617 : memref<1x128xi32, #tpu.memory_space<vmem>> -> memref<128xi32, #tpu.memory_space<vmem>>
    %dma_wait3A_619 = arith.constant 0 : i32
    %dma_wait3A_620 = tpu.memref_slice %arg6[%dma_wait3A_619] : memref<10240xf32, #tpu.memory_space<vmem_shared>> -> memref<10240xf32, #tpu.memory_space<vmem_shared>>
    tpu.wait_indirect_dma semaphore(%arg8 : memref<!tpu.dma_semaphore, #tpu.memory_space<semaphore_mem>>) src(%arg5 : memref<128xf32, #tpu.memory_space<vmem>>) dst(%dma_wait3A_620 : memref<10240xf32, #tpu.memory_space<vmem_shared>>)
    %dma_wait3A_621 = arith.constant 34 : i32
    %dma_wait3A_622 = arith.constant 0 : i32
    %dma_wait3A_623 = tpu.memref_slice %arg4[%dma_wait3A_621, %dma_wait3A_622] : memref<84x128xi32, #tpu.memory_space<vmem>> -> memref<1x128xi32, #tpu.memory_space<vmem>>
    %dma_wait3A_624 = tpu.memref_squeeze %dma_wait3A_623 : memref<1x128xi32, #tpu.memory_space<vmem>> -> memref<128xi32, #tpu.memory_space<vmem>>
    %dma_wait3A_625 = arith.constant 0 : i32
    %dma_wait3A_626 = tpu.memref_slice %arg6[%dma_wait3A_625] : memref<10240xf32, #tpu.memory_space<vmem_shared>> -> memref<10240xf32, #tpu.memory_space<vmem_shared>>
    tpu.wait_indirect_dma semaphore(%arg8 : memref<!tpu.dma_semaphore, #tpu.memory_space<semaphore_mem>>) src(%arg5 : memref<128xf32, #tpu.memory_space<vmem>>) dst(%dma_wait3A_626 : memref<10240xf32, #tpu.memory_space<vmem_shared>>)
    %dma_wait3A_627 = arith.constant 35 : i32
    %dma_wait3A_628 = arith.constant 0 : i32
    %dma_wait3A_629 = tpu.memref_slice %arg4[%dma_wait3A_627, %dma_wait3A_628] : memref<84x128xi32, #tpu.memory_space<vmem>> -> memref<1x128xi32, #tpu.memory_space<vmem>>
    %dma_wait3A_630 = tpu.memref_squeeze %dma_wait3A_629 : memref<1x128xi32, #tpu.memory_space<vmem>> -> memref<128xi32, #tpu.memory_space<vmem>>
    %dma_wait3A_631 = arith.constant 0 : i32
    %dma_wait3A_632 = tpu.memref_slice %arg6[%dma_wait3A_631] : memref<10240xf32, #tpu.memory_space<vmem_shared>> -> memref<10240xf32, #tpu.memory_space<vmem_shared>>
    tpu.wait_indirect_dma semaphore(%arg8 : memref<!tpu.dma_semaphore, #tpu.memory_space<semaphore_mem>>) src(%arg5 : memref<128xf32, #tpu.memory_space<vmem>>) dst(%dma_wait3A_632 : memref<10240xf32, #tpu.memory_space<vmem_shared>>)
    %dma_wait3A_633 = arith.constant 36 : i32
    %dma_wait3A_634 = arith.constant 0 : i32
    %dma_wait3A_635 = tpu.memref_slice %arg4[%dma_wait3A_633, %dma_wait3A_634] : memref<84x128xi32, #tpu.memory_space<vmem>> -> memref<1x128xi32, #tpu.memory_space<vmem>>
    %dma_wait3A_636 = tpu.memref_squeeze %dma_wait3A_635 : memref<1x128xi32, #tpu.memory_space<vmem>> -> memref<128xi32, #tpu.memory_space<vmem>>
    %dma_wait3A_637 = arith.constant 0 : i32
    %dma_wait3A_638 = tpu.memref_slice %arg6[%dma_wait3A_637] : memref<10240xf32, #tpu.memory_space<vmem_shared>> -> memref<10240xf32, #tpu.memory_space<vmem_shared>>
    tpu.wait_indirect_dma semaphore(%arg8 : memref<!tpu.dma_semaphore, #tpu.memory_space<semaphore_mem>>) src(%arg5 : memref<128xf32, #tpu.memory_space<vmem>>) dst(%dma_wait3A_638 : memref<10240xf32, #tpu.memory_space<vmem_shared>>)
    %dma_wait3A_639 = arith.constant 37 : i32
    %dma_wait3A_640 = arith.constant 0 : i32
    %dma_wait3A_641 = tpu.memref_slice %arg4[%dma_wait3A_639, %dma_wait3A_640] : memref<84x128xi32, #tpu.memory_space<vmem>> -> memref<1x128xi32, #tpu.memory_space<vmem>>
    %dma_wait3A_642 = tpu.memref_squeeze %dma_wait3A_641 : memref<1x128xi32, #tpu.memory_space<vmem>> -> memref<128xi32, #tpu.memory_space<vmem>>
    %dma_wait3A_643 = arith.constant 0 : i32
    %dma_wait3A_644 = tpu.memref_slice %arg6[%dma_wait3A_643] : memref<10240xf32, #tpu.memory_space<vmem_shared>> -> memref<10240xf32, #tpu.memory_space<vmem_shared>>
    tpu.wait_indirect_dma semaphore(%arg8 : memref<!tpu.dma_semaphore, #tpu.memory_space<semaphore_mem>>) src(%arg5 : memref<128xf32, #tpu.memory_space<vmem>>) dst(%dma_wait3A_644 : memref<10240xf32, #tpu.memory_space<vmem_shared>>)
    %dma_wait3A_645 = arith.constant 38 : i32
    %dma_wait3A_646 = arith.constant 0 : i32
    %dma_wait3A_647 = tpu.memref_slice %arg4[%dma_wait3A_645, %dma_wait3A_646] : memref<84x128xi32, #tpu.memory_space<vmem>> -> memref<1x128xi32, #tpu.memory_space<vmem>>
    %dma_wait3A_648 = tpu.memref_squeeze %dma_wait3A_647 : memref<1x128xi32, #tpu.memory_space<vmem>> -> memref<128xi32, #tpu.memory_space<vmem>>
    %dma_wait3A_649 = arith.constant 0 : i32
    %dma_wait3A_650 = tpu.memref_slice %arg6[%dma_wait3A_649] : memref<10240xf32, #tpu.memory_space<vmem_shared>> -> memref<10240xf32, #tpu.memory_space<vmem_shared>>
    tpu.wait_indirect_dma semaphore(%arg8 : memref<!tpu.dma_semaphore, #tpu.memory_space<semaphore_mem>>) src(%arg5 : memref<128xf32, #tpu.memory_space<vmem>>) dst(%dma_wait3A_650 : memref<10240xf32, #tpu.memory_space<vmem_shared>>)
    %dma_wait3A_651 = arith.constant 39 : i32
    %dma_wait3A_652 = arith.constant 0 : i32
    %dma_wait3A_653 = tpu.memref_slice %arg4[%dma_wait3A_651, %dma_wait3A_652] : memref<84x128xi32, #tpu.memory_space<vmem>> -> memref<1x128xi32, #tpu.memory_space<vmem>>
    %dma_wait3A_654 = tpu.memref_squeeze %dma_wait3A_653 : memref<1x128xi32, #tpu.memory_space<vmem>> -> memref<128xi32, #tpu.memory_space<vmem>>
    %dma_wait3A_655 = arith.constant 0 : i32
    %dma_wait3A_656 = tpu.memref_slice %arg6[%dma_wait3A_655] : memref<10240xf32, #tpu.memory_space<vmem_shared>> -> memref<10240xf32, #tpu.memory_space<vmem_shared>>
    tpu.wait_indirect_dma semaphore(%arg8 : memref<!tpu.dma_semaphore, #tpu.memory_space<semaphore_mem>>) src(%arg5 : memref<128xf32, #tpu.memory_space<vmem>>) dst(%dma_wait3A_656 : memref<10240xf32, #tpu.memory_space<vmem_shared>>)
    %dma_start3A_657 = arith.constant 48 : i32
    %dma_start3A_658 = arith.constant 0 : i32
    %dma_start3A_659 = tpu.memref_slice %arg4[%dma_start3A_657, %dma_start3A_658] : memref<84x128xi32, #tpu.memory_space<vmem>> -> memref<1x128xi32, #tpu.memory_space<vmem>>
    %dma_start3A_660 = tpu.memref_squeeze %dma_start3A_659 : memref<1x128xi32, #tpu.memory_space<vmem>> -> memref<128xi32, #tpu.memory_space<vmem>>
    %dma_start3A_661 = arith.constant 0 : i32
    %dma_start3A_662 = tpu.memref_slice %arg6[%dma_start3A_661] : memref<10240xf32, #tpu.memory_space<vmem_shared>> -> memref<10240xf32, #tpu.memory_space<vmem_shared>>
    tpu.enqueue_indirect_dma source(%arg5 : memref<128xf32, #tpu.memory_space<vmem>>) target(%dma_start3A_662 : memref<10240xf32, #tpu.memory_space<vmem_shared>>) offsets(%dma_start3A_660 : memref<128xi32, #tpu.memory_space<vmem>>) semaphore(%arg8 : memref<!tpu.dma_semaphore, #tpu.memory_space<semaphore_mem>>) {add = true}
    %dma_start3A_663 = arith.constant 49 : i32
    %dma_start3A_664 = arith.constant 0 : i32
    %dma_start3A_665 = tpu.memref_slice %arg4[%dma_start3A_663, %dma_start3A_664] : memref<84x128xi32, #tpu.memory_space<vmem>> -> memref<1x128xi32, #tpu.memory_space<vmem>>
    %dma_start3A_666 = tpu.memref_squeeze %dma_start3A_665 : memref<1x128xi32, #tpu.memory_space<vmem>> -> memref<128xi32, #tpu.memory_space<vmem>>
    %dma_start3A_667 = arith.constant 0 : i32
    %dma_start3A_668 = tpu.memref_slice %arg6[%dma_start3A_667] : memref<10240xf32, #tpu.memory_space<vmem_shared>> -> memref<10240xf32, #tpu.memory_space<vmem_shared>>
    tpu.enqueue_indirect_dma source(%arg5 : memref<128xf32, #tpu.memory_space<vmem>>) target(%dma_start3A_668 : memref<10240xf32, #tpu.memory_space<vmem_shared>>) offsets(%dma_start3A_666 : memref<128xi32, #tpu.memory_space<vmem>>) semaphore(%arg8 : memref<!tpu.dma_semaphore, #tpu.memory_space<semaphore_mem>>) {add = true}
    %dma_start3A_669 = arith.constant 50 : i32
    %dma_start3A_670 = arith.constant 0 : i32
    %dma_start3A_671 = tpu.memref_slice %arg4[%dma_start3A_669, %dma_start3A_670] : memref<84x128xi32, #tpu.memory_space<vmem>> -> memref<1x128xi32, #tpu.memory_space<vmem>>
    %dma_start3A_672 = tpu.memref_squeeze %dma_start3A_671 : memref<1x128xi32, #tpu.memory_space<vmem>> -> memref<128xi32, #tpu.memory_space<vmem>>
    %dma_start3A_673 = arith.constant 0 : i32
    %dma_start3A_674 = tpu.memref_slice %arg6[%dma_start3A_673] : memref<10240xf32, #tpu.memory_space<vmem_shared>> -> memref<10240xf32, #tpu.memory_space<vmem_shared>>
    tpu.enqueue_indirect_dma source(%arg5 : memref<128xf32, #tpu.memory_space<vmem>>) target(%dma_start3A_674 : memref<10240xf32, #tpu.memory_space<vmem_shared>>) offsets(%dma_start3A_672 : memref<128xi32, #tpu.memory_space<vmem>>) semaphore(%arg8 : memref<!tpu.dma_semaphore, #tpu.memory_space<semaphore_mem>>) {add = true}
    %dma_start3A_675 = arith.constant 51 : i32
    %dma_start3A_676 = arith.constant 0 : i32
    %dma_start3A_677 = tpu.memref_slice %arg4[%dma_start3A_675, %dma_start3A_676] : memref<84x128xi32, #tpu.memory_space<vmem>> -> memref<1x128xi32, #tpu.memory_space<vmem>>
    %dma_start3A_678 = tpu.memref_squeeze %dma_start3A_677 : memref<1x128xi32, #tpu.memory_space<vmem>> -> memref<128xi32, #tpu.memory_space<vmem>>
    %dma_start3A_679 = arith.constant 0 : i32
    %dma_start3A_680 = tpu.memref_slice %arg6[%dma_start3A_679] : memref<10240xf32, #tpu.memory_space<vmem_shared>> -> memref<10240xf32, #tpu.memory_space<vmem_shared>>
    tpu.enqueue_indirect_dma source(%arg5 : memref<128xf32, #tpu.memory_space<vmem>>) target(%dma_start3A_680 : memref<10240xf32, #tpu.memory_space<vmem_shared>>) offsets(%dma_start3A_678 : memref<128xi32, #tpu.memory_space<vmem>>) semaphore(%arg8 : memref<!tpu.dma_semaphore, #tpu.memory_space<semaphore_mem>>) {add = true}
    %dma_start3A_681 = arith.constant 52 : i32
    %dma_start3A_682 = arith.constant 0 : i32
    %dma_start3A_683 = tpu.memref_slice %arg4[%dma_start3A_681, %dma_start3A_682] : memref<84x128xi32, #tpu.memory_space<vmem>> -> memref<1x128xi32, #tpu.memory_space<vmem>>
    %dma_start3A_684 = tpu.memref_squeeze %dma_start3A_683 : memref<1x128xi32, #tpu.memory_space<vmem>> -> memref<128xi32, #tpu.memory_space<vmem>>
    %dma_start3A_685 = arith.constant 0 : i32
    %dma_start3A_686 = tpu.memref_slice %arg6[%dma_start3A_685] : memref<10240xf32, #tpu.memory_space<vmem_shared>> -> memref<10240xf32, #tpu.memory_space<vmem_shared>>
    tpu.enqueue_indirect_dma source(%arg5 : memref<128xf32, #tpu.memory_space<vmem>>) target(%dma_start3A_686 : memref<10240xf32, #tpu.memory_space<vmem_shared>>) offsets(%dma_start3A_684 : memref<128xi32, #tpu.memory_space<vmem>>) semaphore(%arg8 : memref<!tpu.dma_semaphore, #tpu.memory_space<semaphore_mem>>) {add = true}
    %dma_start3A_687 = arith.constant 53 : i32
    %dma_start3A_688 = arith.constant 0 : i32
    %dma_start3A_689 = tpu.memref_slice %arg4[%dma_start3A_687, %dma_start3A_688] : memref<84x128xi32, #tpu.memory_space<vmem>> -> memref<1x128xi32, #tpu.memory_space<vmem>>
    %dma_start3A_690 = tpu.memref_squeeze %dma_start3A_689 : memref<1x128xi32, #tpu.memory_space<vmem>> -> memref<128xi32, #tpu.memory_space<vmem>>
    %dma_start3A_691 = arith.constant 0 : i32
    %dma_start3A_692 = tpu.memref_slice %arg6[%dma_start3A_691] : memref<10240xf32, #tpu.memory_space<vmem_shared>> -> memref<10240xf32, #tpu.memory_space<vmem_shared>>
    tpu.enqueue_indirect_dma source(%arg5 : memref<128xf32, #tpu.memory_space<vmem>>) target(%dma_start3A_692 : memref<10240xf32, #tpu.memory_space<vmem_shared>>) offsets(%dma_start3A_690 : memref<128xi32, #tpu.memory_space<vmem>>) semaphore(%arg8 : memref<!tpu.dma_semaphore, #tpu.memory_space<semaphore_mem>>) {add = true}
    %dma_start3A_693 = arith.constant 54 : i32
    %dma_start3A_694 = arith.constant 0 : i32
    %dma_start3A_695 = tpu.memref_slice %arg4[%dma_start3A_693, %dma_start3A_694] : memref<84x128xi32, #tpu.memory_space<vmem>> -> memref<1x128xi32, #tpu.memory_space<vmem>>
    %dma_start3A_696 = tpu.memref_squeeze %dma_start3A_695 : memref<1x128xi32, #tpu.memory_space<vmem>> -> memref<128xi32, #tpu.memory_space<vmem>>
    %dma_start3A_697 = arith.constant 0 : i32
    %dma_start3A_698 = tpu.memref_slice %arg6[%dma_start3A_697] : memref<10240xf32, #tpu.memory_space<vmem_shared>> -> memref<10240xf32, #tpu.memory_space<vmem_shared>>
    tpu.enqueue_indirect_dma source(%arg5 : memref<128xf32, #tpu.memory_space<vmem>>) target(%dma_start3A_698 : memref<10240xf32, #tpu.memory_space<vmem_shared>>) offsets(%dma_start3A_696 : memref<128xi32, #tpu.memory_space<vmem>>) semaphore(%arg8 : memref<!tpu.dma_semaphore, #tpu.memory_space<semaphore_mem>>) {add = true}
    %dma_start3A_699 = arith.constant 55 : i32
    %dma_start3A_700 = arith.constant 0 : i32
    %dma_start3A_701 = tpu.memref_slice %arg4[%dma_start3A_699, %dma_start3A_700] : memref<84x128xi32, #tpu.memory_space<vmem>> -> memref<1x128xi32, #tpu.memory_space<vmem>>
    %dma_start3A_702 = tpu.memref_squeeze %dma_start3A_701 : memref<1x128xi32, #tpu.memory_space<vmem>> -> memref<128xi32, #tpu.memory_space<vmem>>
    %dma_start3A_703 = arith.constant 0 : i32
    %dma_start3A_704 = tpu.memref_slice %arg6[%dma_start3A_703] : memref<10240xf32, #tpu.memory_space<vmem_shared>> -> memref<10240xf32, #tpu.memory_space<vmem_shared>>
    tpu.enqueue_indirect_dma source(%arg5 : memref<128xf32, #tpu.memory_space<vmem>>) target(%dma_start3A_704 : memref<10240xf32, #tpu.memory_space<vmem_shared>>) offsets(%dma_start3A_702 : memref<128xi32, #tpu.memory_space<vmem>>) semaphore(%arg8 : memref<!tpu.dma_semaphore, #tpu.memory_space<semaphore_mem>>) {add = true}
    %dma_wait3A_705 = arith.constant 40 : i32
    %dma_wait3A_706 = arith.constant 0 : i32
    %dma_wait3A_707 = tpu.memref_slice %arg4[%dma_wait3A_705, %dma_wait3A_706] : memref<84x128xi32, #tpu.memory_space<vmem>> -> memref<1x128xi32, #tpu.memory_space<vmem>>
    %dma_wait3A_708 = tpu.memref_squeeze %dma_wait3A_707 : memref<1x128xi32, #tpu.memory_space<vmem>> -> memref<128xi32, #tpu.memory_space<vmem>>
    %dma_wait3A_709 = arith.constant 0 : i32
    %dma_wait3A_710 = tpu.memref_slice %arg6[%dma_wait3A_709] : memref<10240xf32, #tpu.memory_space<vmem_shared>> -> memref<10240xf32, #tpu.memory_space<vmem_shared>>
    tpu.wait_indirect_dma semaphore(%arg9 : memref<!tpu.dma_semaphore, #tpu.memory_space<semaphore_mem>>) src(%arg5 : memref<128xf32, #tpu.memory_space<vmem>>) dst(%dma_wait3A_710 : memref<10240xf32, #tpu.memory_space<vmem_shared>>)
    %dma_wait3A_711 = arith.constant 41 : i32
    %dma_wait3A_712 = arith.constant 0 : i32
    %dma_wait3A_713 = tpu.memref_slice %arg4[%dma_wait3A_711, %dma_wait3A_712] : memref<84x128xi32, #tpu.memory_space<vmem>> -> memref<1x128xi32, #tpu.memory_space<vmem>>
    %dma_wait3A_714 = tpu.memref_squeeze %dma_wait3A_713 : memref<1x128xi32, #tpu.memory_space<vmem>> -> memref<128xi32, #tpu.memory_space<vmem>>
    %dma_wait3A_715 = arith.constant 0 : i32
    %dma_wait3A_716 = tpu.memref_slice %arg6[%dma_wait3A_715] : memref<10240xf32, #tpu.memory_space<vmem_shared>> -> memref<10240xf32, #tpu.memory_space<vmem_shared>>
    tpu.wait_indirect_dma semaphore(%arg9 : memref<!tpu.dma_semaphore, #tpu.memory_space<semaphore_mem>>) src(%arg5 : memref<128xf32, #tpu.memory_space<vmem>>) dst(%dma_wait3A_716 : memref<10240xf32, #tpu.memory_space<vmem_shared>>)
    %dma_wait3A_717 = arith.constant 42 : i32
    %dma_wait3A_718 = arith.constant 0 : i32
    %dma_wait3A_719 = tpu.memref_slice %arg4[%dma_wait3A_717, %dma_wait3A_718] : memref<84x128xi32, #tpu.memory_space<vmem>> -> memref<1x128xi32, #tpu.memory_space<vmem>>
    %dma_wait3A_720 = tpu.memref_squeeze %dma_wait3A_719 : memref<1x128xi32, #tpu.memory_space<vmem>> -> memref<128xi32, #tpu.memory_space<vmem>>
    %dma_wait3A_721 = arith.constant 0 : i32
    %dma_wait3A_722 = tpu.memref_slice %arg6[%dma_wait3A_721] : memref<10240xf32, #tpu.memory_space<vmem_shared>> -> memref<10240xf32, #tpu.memory_space<vmem_shared>>
    tpu.wait_indirect_dma semaphore(%arg9 : memref<!tpu.dma_semaphore, #tpu.memory_space<semaphore_mem>>) src(%arg5 : memref<128xf32, #tpu.memory_space<vmem>>) dst(%dma_wait3A_722 : memref<10240xf32, #tpu.memory_space<vmem_shared>>)
    %dma_wait3A_723 = arith.constant 43 : i32
    %dma_wait3A_724 = arith.constant 0 : i32
    %dma_wait3A_725 = tpu.memref_slice %arg4[%dma_wait3A_723, %dma_wait3A_724] : memref<84x128xi32, #tpu.memory_space<vmem>> -> memref<1x128xi32, #tpu.memory_space<vmem>>
    %dma_wait3A_726 = tpu.memref_squeeze %dma_wait3A_725 : memref<1x128xi32, #tpu.memory_space<vmem>> -> memref<128xi32, #tpu.memory_space<vmem>>
    %dma_wait3A_727 = arith.constant 0 : i32
    %dma_wait3A_728 = tpu.memref_slice %arg6[%dma_wait3A_727] : memref<10240xf32, #tpu.memory_space<vmem_shared>> -> memref<10240xf32, #tpu.memory_space<vmem_shared>>
    tpu.wait_indirect_dma semaphore(%arg9 : memref<!tpu.dma_semaphore, #tpu.memory_space<semaphore_mem>>) src(%arg5 : memref<128xf32, #tpu.memory_space<vmem>>) dst(%dma_wait3A_728 : memref<10240xf32, #tpu.memory_space<vmem_shared>>)
    %dma_wait3A_729 = arith.constant 44 : i32
    %dma_wait3A_730 = arith.constant 0 : i32
    %dma_wait3A_731 = tpu.memref_slice %arg4[%dma_wait3A_729, %dma_wait3A_730] : memref<84x128xi32, #tpu.memory_space<vmem>> -> memref<1x128xi32, #tpu.memory_space<vmem>>
    %dma_wait3A_732 = tpu.memref_squeeze %dma_wait3A_731 : memref<1x128xi32, #tpu.memory_space<vmem>> -> memref<128xi32, #tpu.memory_space<vmem>>
    %dma_wait3A_733 = arith.constant 0 : i32
    %dma_wait3A_734 = tpu.memref_slice %arg6[%dma_wait3A_733] : memref<10240xf32, #tpu.memory_space<vmem_shared>> -> memref<10240xf32, #tpu.memory_space<vmem_shared>>
    tpu.wait_indirect_dma semaphore(%arg9 : memref<!tpu.dma_semaphore, #tpu.memory_space<semaphore_mem>>) src(%arg5 : memref<128xf32, #tpu.memory_space<vmem>>) dst(%dma_wait3A_734 : memref<10240xf32, #tpu.memory_space<vmem_shared>>)
    %dma_wait3A_735 = arith.constant 45 : i32
    %dma_wait3A_736 = arith.constant 0 : i32
    %dma_wait3A_737 = tpu.memref_slice %arg4[%dma_wait3A_735, %dma_wait3A_736] : memref<84x128xi32, #tpu.memory_space<vmem>> -> memref<1x128xi32, #tpu.memory_space<vmem>>
    %dma_wait3A_738 = tpu.memref_squeeze %dma_wait3A_737 : memref<1x128xi32, #tpu.memory_space<vmem>> -> memref<128xi32, #tpu.memory_space<vmem>>
    %dma_wait3A_739 = arith.constant 0 : i32
    %dma_wait3A_740 = tpu.memref_slice %arg6[%dma_wait3A_739] : memref<10240xf32, #tpu.memory_space<vmem_shared>> -> memref<10240xf32, #tpu.memory_space<vmem_shared>>
    tpu.wait_indirect_dma semaphore(%arg9 : memref<!tpu.dma_semaphore, #tpu.memory_space<semaphore_mem>>) src(%arg5 : memref<128xf32, #tpu.memory_space<vmem>>) dst(%dma_wait3A_740 : memref<10240xf32, #tpu.memory_space<vmem_shared>>)
    %dma_wait3A_741 = arith.constant 46 : i32
    %dma_wait3A_742 = arith.constant 0 : i32
    %dma_wait3A_743 = tpu.memref_slice %arg4[%dma_wait3A_741, %dma_wait3A_742] : memref<84x128xi32, #tpu.memory_space<vmem>> -> memref<1x128xi32, #tpu.memory_space<vmem>>
    %dma_wait3A_744 = tpu.memref_squeeze %dma_wait3A_743 : memref<1x128xi32, #tpu.memory_space<vmem>> -> memref<128xi32, #tpu.memory_space<vmem>>
    %dma_wait3A_745 = arith.constant 0 : i32
    %dma_wait3A_746 = tpu.memref_slice %arg6[%dma_wait3A_745] : memref<10240xf32, #tpu.memory_space<vmem_shared>> -> memref<10240xf32, #tpu.memory_space<vmem_shared>>
    tpu.wait_indirect_dma semaphore(%arg9 : memref<!tpu.dma_semaphore, #tpu.memory_space<semaphore_mem>>) src(%arg5 : memref<128xf32, #tpu.memory_space<vmem>>) dst(%dma_wait3A_746 : memref<10240xf32, #tpu.memory_space<vmem_shared>>)
    %dma_wait3A_747 = arith.constant 47 : i32
    %dma_wait3A_748 = arith.constant 0 : i32
    %dma_wait3A_749 = tpu.memref_slice %arg4[%dma_wait3A_747, %dma_wait3A_748] : memref<84x128xi32, #tpu.memory_space<vmem>> -> memref<1x128xi32, #tpu.memory_space<vmem>>
    %dma_wait3A_750 = tpu.memref_squeeze %dma_wait3A_749 : memref<1x128xi32, #tpu.memory_space<vmem>> -> memref<128xi32, #tpu.memory_space<vmem>>
    %dma_wait3A_751 = arith.constant 0 : i32
    %dma_wait3A_752 = tpu.memref_slice %arg6[%dma_wait3A_751] : memref<10240xf32, #tpu.memory_space<vmem_shared>> -> memref<10240xf32, #tpu.memory_space<vmem_shared>>
    tpu.wait_indirect_dma semaphore(%arg9 : memref<!tpu.dma_semaphore, #tpu.memory_space<semaphore_mem>>) src(%arg5 : memref<128xf32, #tpu.memory_space<vmem>>) dst(%dma_wait3A_752 : memref<10240xf32, #tpu.memory_space<vmem_shared>>)
    %dma_start3A_753 = arith.constant 56 : i32
    %dma_start3A_754 = arith.constant 0 : i32
    %dma_start3A_755 = tpu.memref_slice %arg4[%dma_start3A_753, %dma_start3A_754] : memref<84x128xi32, #tpu.memory_space<vmem>> -> memref<1x128xi32, #tpu.memory_space<vmem>>
    %dma_start3A_756 = tpu.memref_squeeze %dma_start3A_755 : memref<1x128xi32, #tpu.memory_space<vmem>> -> memref<128xi32, #tpu.memory_space<vmem>>
    %dma_start3A_757 = arith.constant 0 : i32
    %dma_start3A_758 = tpu.memref_slice %arg6[%dma_start3A_757] : memref<10240xf32, #tpu.memory_space<vmem_shared>> -> memref<10240xf32, #tpu.memory_space<vmem_shared>>
    tpu.enqueue_indirect_dma source(%arg5 : memref<128xf32, #tpu.memory_space<vmem>>) target(%dma_start3A_758 : memref<10240xf32, #tpu.memory_space<vmem_shared>>) offsets(%dma_start3A_756 : memref<128xi32, #tpu.memory_space<vmem>>) semaphore(%arg9 : memref<!tpu.dma_semaphore, #tpu.memory_space<semaphore_mem>>) {add = true}
    %dma_start3A_759 = arith.constant 57 : i32
    %dma_start3A_760 = arith.constant 0 : i32
    %dma_start3A_761 = tpu.memref_slice %arg4[%dma_start3A_759, %dma_start3A_760] : memref<84x128xi32, #tpu.memory_space<vmem>> -> memref<1x128xi32, #tpu.memory_space<vmem>>
    %dma_start3A_762 = tpu.memref_squeeze %dma_start3A_761 : memref<1x128xi32, #tpu.memory_space<vmem>> -> memref<128xi32, #tpu.memory_space<vmem>>
    %dma_start3A_763 = arith.constant 0 : i32
    %dma_start3A_764 = tpu.memref_slice %arg6[%dma_start3A_763] : memref<10240xf32, #tpu.memory_space<vmem_shared>> -> memref<10240xf32, #tpu.memory_space<vmem_shared>>
    tpu.enqueue_indirect_dma source(%arg5 : memref<128xf32, #tpu.memory_space<vmem>>) target(%dma_start3A_764 : memref<10240xf32, #tpu.memory_space<vmem_shared>>) offsets(%dma_start3A_762 : memref<128xi32, #tpu.memory_space<vmem>>) semaphore(%arg9 : memref<!tpu.dma_semaphore, #tpu.memory_space<semaphore_mem>>) {add = true}
    %dma_start3A_765 = arith.constant 58 : i32
    %dma_start3A_766 = arith.constant 0 : i32
    %dma_start3A_767 = tpu.memref_slice %arg4[%dma_start3A_765, %dma_start3A_766] : memref<84x128xi32, #tpu.memory_space<vmem>> -> memref<1x128xi32, #tpu.memory_space<vmem>>
    %dma_start3A_768 = tpu.memref_squeeze %dma_start3A_767 : memref<1x128xi32, #tpu.memory_space<vmem>> -> memref<128xi32, #tpu.memory_space<vmem>>
    %dma_start3A_769 = arith.constant 0 : i32
    %dma_start3A_770 = tpu.memref_slice %arg6[%dma_start3A_769] : memref<10240xf32, #tpu.memory_space<vmem_shared>> -> memref<10240xf32, #tpu.memory_space<vmem_shared>>
    tpu.enqueue_indirect_dma source(%arg5 : memref<128xf32, #tpu.memory_space<vmem>>) target(%dma_start3A_770 : memref<10240xf32, #tpu.memory_space<vmem_shared>>) offsets(%dma_start3A_768 : memref<128xi32, #tpu.memory_space<vmem>>) semaphore(%arg9 : memref<!tpu.dma_semaphore, #tpu.memory_space<semaphore_mem>>) {add = true}
    %dma_start3A_771 = arith.constant 59 : i32
    %dma_start3A_772 = arith.constant 0 : i32
    %dma_start3A_773 = tpu.memref_slice %arg4[%dma_start3A_771, %dma_start3A_772] : memref<84x128xi32, #tpu.memory_space<vmem>> -> memref<1x128xi32, #tpu.memory_space<vmem>>
    %dma_start3A_774 = tpu.memref_squeeze %dma_start3A_773 : memref<1x128xi32, #tpu.memory_space<vmem>> -> memref<128xi32, #tpu.memory_space<vmem>>
    %dma_start3A_775 = arith.constant 0 : i32
    %dma_start3A_776 = tpu.memref_slice %arg6[%dma_start3A_775] : memref<10240xf32, #tpu.memory_space<vmem_shared>> -> memref<10240xf32, #tpu.memory_space<vmem_shared>>
    tpu.enqueue_indirect_dma source(%arg5 : memref<128xf32, #tpu.memory_space<vmem>>) target(%dma_start3A_776 : memref<10240xf32, #tpu.memory_space<vmem_shared>>) offsets(%dma_start3A_774 : memref<128xi32, #tpu.memory_space<vmem>>) semaphore(%arg9 : memref<!tpu.dma_semaphore, #tpu.memory_space<semaphore_mem>>) {add = true}
    %dma_start3A_777 = arith.constant 60 : i32
    %dma_start3A_778 = arith.constant 0 : i32
    %dma_start3A_779 = tpu.memref_slice %arg4[%dma_start3A_777, %dma_start3A_778] : memref<84x128xi32, #tpu.memory_space<vmem>> -> memref<1x128xi32, #tpu.memory_space<vmem>>
    %dma_start3A_780 = tpu.memref_squeeze %dma_start3A_779 : memref<1x128xi32, #tpu.memory_space<vmem>> -> memref<128xi32, #tpu.memory_space<vmem>>
    %dma_start3A_781 = arith.constant 0 : i32
    %dma_start3A_782 = tpu.memref_slice %arg6[%dma_start3A_781] : memref<10240xf32, #tpu.memory_space<vmem_shared>> -> memref<10240xf32, #tpu.memory_space<vmem_shared>>
    tpu.enqueue_indirect_dma source(%arg5 : memref<128xf32, #tpu.memory_space<vmem>>) target(%dma_start3A_782 : memref<10240xf32, #tpu.memory_space<vmem_shared>>) offsets(%dma_start3A_780 : memref<128xi32, #tpu.memory_space<vmem>>) semaphore(%arg9 : memref<!tpu.dma_semaphore, #tpu.memory_space<semaphore_mem>>) {add = true}
    %dma_start3A_783 = arith.constant 61 : i32
    %dma_start3A_784 = arith.constant 0 : i32
    %dma_start3A_785 = tpu.memref_slice %arg4[%dma_start3A_783, %dma_start3A_784] : memref<84x128xi32, #tpu.memory_space<vmem>> -> memref<1x128xi32, #tpu.memory_space<vmem>>
    %dma_start3A_786 = tpu.memref_squeeze %dma_start3A_785 : memref<1x128xi32, #tpu.memory_space<vmem>> -> memref<128xi32, #tpu.memory_space<vmem>>
    %dma_start3A_787 = arith.constant 0 : i32
    %dma_start3A_788 = tpu.memref_slice %arg6[%dma_start3A_787] : memref<10240xf32, #tpu.memory_space<vmem_shared>> -> memref<10240xf32, #tpu.memory_space<vmem_shared>>
    tpu.enqueue_indirect_dma source(%arg5 : memref<128xf32, #tpu.memory_space<vmem>>) target(%dma_start3A_788 : memref<10240xf32, #tpu.memory_space<vmem_shared>>) offsets(%dma_start3A_786 : memref<128xi32, #tpu.memory_space<vmem>>) semaphore(%arg9 : memref<!tpu.dma_semaphore, #tpu.memory_space<semaphore_mem>>) {add = true}
    %dma_start3A_789 = arith.constant 62 : i32
    %dma_start3A_790 = arith.constant 0 : i32
    %dma_start3A_791 = tpu.memref_slice %arg4[%dma_start3A_789, %dma_start3A_790] : memref<84x128xi32, #tpu.memory_space<vmem>> -> memref<1x128xi32, #tpu.memory_space<vmem>>
    %dma_start3A_792 = tpu.memref_squeeze %dma_start3A_791 : memref<1x128xi32, #tpu.memory_space<vmem>> -> memref<128xi32, #tpu.memory_space<vmem>>
    %dma_start3A_793 = arith.constant 0 : i32
    %dma_start3A_794 = tpu.memref_slice %arg6[%dma_start3A_793] : memref<10240xf32, #tpu.memory_space<vmem_shared>> -> memref<10240xf32, #tpu.memory_space<vmem_shared>>
    tpu.enqueue_indirect_dma source(%arg5 : memref<128xf32, #tpu.memory_space<vmem>>) target(%dma_start3A_794 : memref<10240xf32, #tpu.memory_space<vmem_shared>>) offsets(%dma_start3A_792 : memref<128xi32, #tpu.memory_space<vmem>>) semaphore(%arg9 : memref<!tpu.dma_semaphore, #tpu.memory_space<semaphore_mem>>) {add = true}
    %dma_start3A_795 = arith.constant 63 : i32
    %dma_start3A_796 = arith.constant 0 : i32
    %dma_start3A_797 = tpu.memref_slice %arg4[%dma_start3A_795, %dma_start3A_796] : memref<84x128xi32, #tpu.memory_space<vmem>> -> memref<1x128xi32, #tpu.memory_space<vmem>>
    %dma_start3A_798 = tpu.memref_squeeze %dma_start3A_797 : memref<1x128xi32, #tpu.memory_space<vmem>> -> memref<128xi32, #tpu.memory_space<vmem>>
    %dma_start3A_799 = arith.constant 0 : i32
    %dma_start3A_800 = tpu.memref_slice %arg6[%dma_start3A_799] : memref<10240xf32, #tpu.memory_space<vmem_shared>> -> memref<10240xf32, #tpu.memory_space<vmem_shared>>
    tpu.enqueue_indirect_dma source(%arg5 : memref<128xf32, #tpu.memory_space<vmem>>) target(%dma_start3A_800 : memref<10240xf32, #tpu.memory_space<vmem_shared>>) offsets(%dma_start3A_798 : memref<128xi32, #tpu.memory_space<vmem>>) semaphore(%arg9 : memref<!tpu.dma_semaphore, #tpu.memory_space<semaphore_mem>>) {add = true}
    %dma_wait3A_801 = arith.constant 48 : i32
    %dma_wait3A_802 = arith.constant 0 : i32
    %dma_wait3A_803 = tpu.memref_slice %arg4[%dma_wait3A_801, %dma_wait3A_802] : memref<84x128xi32, #tpu.memory_space<vmem>> -> memref<1x128xi32, #tpu.memory_space<vmem>>
    %dma_wait3A_804 = tpu.memref_squeeze %dma_wait3A_803 : memref<1x128xi32, #tpu.memory_space<vmem>> -> memref<128xi32, #tpu.memory_space<vmem>>
    %dma_wait3A_805 = arith.constant 0 : i32
    %dma_wait3A_806 = tpu.memref_slice %arg6[%dma_wait3A_805] : memref<10240xf32, #tpu.memory_space<vmem_shared>> -> memref<10240xf32, #tpu.memory_space<vmem_shared>>
    tpu.wait_indirect_dma semaphore(%arg8 : memref<!tpu.dma_semaphore, #tpu.memory_space<semaphore_mem>>) src(%arg5 : memref<128xf32, #tpu.memory_space<vmem>>) dst(%dma_wait3A_806 : memref<10240xf32, #tpu.memory_space<vmem_shared>>)
    %dma_wait3A_807 = arith.constant 49 : i32
    %dma_wait3A_808 = arith.constant 0 : i32
    %dma_wait3A_809 = tpu.memref_slice %arg4[%dma_wait3A_807, %dma_wait3A_808] : memref<84x128xi32, #tpu.memory_space<vmem>> -> memref<1x128xi32, #tpu.memory_space<vmem>>
    %dma_wait3A_810 = tpu.memref_squeeze %dma_wait3A_809 : memref<1x128xi32, #tpu.memory_space<vmem>> -> memref<128xi32, #tpu.memory_space<vmem>>
    %dma_wait3A_811 = arith.constant 0 : i32
    %dma_wait3A_812 = tpu.memref_slice %arg6[%dma_wait3A_811] : memref<10240xf32, #tpu.memory_space<vmem_shared>> -> memref<10240xf32, #tpu.memory_space<vmem_shared>>
    tpu.wait_indirect_dma semaphore(%arg8 : memref<!tpu.dma_semaphore, #tpu.memory_space<semaphore_mem>>) src(%arg5 : memref<128xf32, #tpu.memory_space<vmem>>) dst(%dma_wait3A_812 : memref<10240xf32, #tpu.memory_space<vmem_shared>>)
    %dma_wait3A_813 = arith.constant 50 : i32
    %dma_wait3A_814 = arith.constant 0 : i32
    %dma_wait3A_815 = tpu.memref_slice %arg4[%dma_wait3A_813, %dma_wait3A_814] : memref<84x128xi32, #tpu.memory_space<vmem>> -> memref<1x128xi32, #tpu.memory_space<vmem>>
    %dma_wait3A_816 = tpu.memref_squeeze %dma_wait3A_815 : memref<1x128xi32, #tpu.memory_space<vmem>> -> memref<128xi32, #tpu.memory_space<vmem>>
    %dma_wait3A_817 = arith.constant 0 : i32
    %dma_wait3A_818 = tpu.memref_slice %arg6[%dma_wait3A_817] : memref<10240xf32, #tpu.memory_space<vmem_shared>> -> memref<10240xf32, #tpu.memory_space<vmem_shared>>
    tpu.wait_indirect_dma semaphore(%arg8 : memref<!tpu.dma_semaphore, #tpu.memory_space<semaphore_mem>>) src(%arg5 : memref<128xf32, #tpu.memory_space<vmem>>) dst(%dma_wait3A_818 : memref<10240xf32, #tpu.memory_space<vmem_shared>>)
    %dma_wait3A_819 = arith.constant 51 : i32
    %dma_wait3A_820 = arith.constant 0 : i32
    %dma_wait3A_821 = tpu.memref_slice %arg4[%dma_wait3A_819, %dma_wait3A_820] : memref<84x128xi32, #tpu.memory_space<vmem>> -> memref<1x128xi32, #tpu.memory_space<vmem>>
    %dma_wait3A_822 = tpu.memref_squeeze %dma_wait3A_821 : memref<1x128xi32, #tpu.memory_space<vmem>> -> memref<128xi32, #tpu.memory_space<vmem>>
    %dma_wait3A_823 = arith.constant 0 : i32
    %dma_wait3A_824 = tpu.memref_slice %arg6[%dma_wait3A_823] : memref<10240xf32, #tpu.memory_space<vmem_shared>> -> memref<10240xf32, #tpu.memory_space<vmem_shared>>
    tpu.wait_indirect_dma semaphore(%arg8 : memref<!tpu.dma_semaphore, #tpu.memory_space<semaphore_mem>>) src(%arg5 : memref<128xf32, #tpu.memory_space<vmem>>) dst(%dma_wait3A_824 : memref<10240xf32, #tpu.memory_space<vmem_shared>>)
    %dma_wait3A_825 = arith.constant 52 : i32
    %dma_wait3A_826 = arith.constant 0 : i32
    %dma_wait3A_827 = tpu.memref_slice %arg4[%dma_wait3A_825, %dma_wait3A_826] : memref<84x128xi32, #tpu.memory_space<vmem>> -> memref<1x128xi32, #tpu.memory_space<vmem>>
    %dma_wait3A_828 = tpu.memref_squeeze %dma_wait3A_827 : memref<1x128xi32, #tpu.memory_space<vmem>> -> memref<128xi32, #tpu.memory_space<vmem>>
    %dma_wait3A_829 = arith.constant 0 : i32
    %dma_wait3A_830 = tpu.memref_slice %arg6[%dma_wait3A_829] : memref<10240xf32, #tpu.memory_space<vmem_shared>> -> memref<10240xf32, #tpu.memory_space<vmem_shared>>
    tpu.wait_indirect_dma semaphore(%arg8 : memref<!tpu.dma_semaphore, #tpu.memory_space<semaphore_mem>>) src(%arg5 : memref<128xf32, #tpu.memory_space<vmem>>) dst(%dma_wait3A_830 : memref<10240xf32, #tpu.memory_space<vmem_shared>>)
    %dma_wait3A_831 = arith.constant 53 : i32
    %dma_wait3A_832 = arith.constant 0 : i32
    %dma_wait3A_833 = tpu.memref_slice %arg4[%dma_wait3A_831, %dma_wait3A_832] : memref<84x128xi32, #tpu.memory_space<vmem>> -> memref<1x128xi32, #tpu.memory_space<vmem>>
    %dma_wait3A_834 = tpu.memref_squeeze %dma_wait3A_833 : memref<1x128xi32, #tpu.memory_space<vmem>> -> memref<128xi32, #tpu.memory_space<vmem>>
    %dma_wait3A_835 = arith.constant 0 : i32
    %dma_wait3A_836 = tpu.memref_slice %arg6[%dma_wait3A_835] : memref<10240xf32, #tpu.memory_space<vmem_shared>> -> memref<10240xf32, #tpu.memory_space<vmem_shared>>
    tpu.wait_indirect_dma semaphore(%arg8 : memref<!tpu.dma_semaphore, #tpu.memory_space<semaphore_mem>>) src(%arg5 : memref<128xf32, #tpu.memory_space<vmem>>) dst(%dma_wait3A_836 : memref<10240xf32, #tpu.memory_space<vmem_shared>>)
    %dma_wait3A_837 = arith.constant 54 : i32
    %dma_wait3A_838 = arith.constant 0 : i32
    %dma_wait3A_839 = tpu.memref_slice %arg4[%dma_wait3A_837, %dma_wait3A_838] : memref<84x128xi32, #tpu.memory_space<vmem>> -> memref<1x128xi32, #tpu.memory_space<vmem>>
    %dma_wait3A_840 = tpu.memref_squeeze %dma_wait3A_839 : memref<1x128xi32, #tpu.memory_space<vmem>> -> memref<128xi32, #tpu.memory_space<vmem>>
    %dma_wait3A_841 = arith.constant 0 : i32
    %dma_wait3A_842 = tpu.memref_slice %arg6[%dma_wait3A_841] : memref<10240xf32, #tpu.memory_space<vmem_shared>> -> memref<10240xf32, #tpu.memory_space<vmem_shared>>
    tpu.wait_indirect_dma semaphore(%arg8 : memref<!tpu.dma_semaphore, #tpu.memory_space<semaphore_mem>>) src(%arg5 : memref<128xf32, #tpu.memory_space<vmem>>) dst(%dma_wait3A_842 : memref<10240xf32, #tpu.memory_space<vmem_shared>>)
    %dma_wait3A_843 = arith.constant 55 : i32
    %dma_wait3A_844 = arith.constant 0 : i32
    %dma_wait3A_845 = tpu.memref_slice %arg4[%dma_wait3A_843, %dma_wait3A_844] : memref<84x128xi32, #tpu.memory_space<vmem>> -> memref<1x128xi32, #tpu.memory_space<vmem>>
    %dma_wait3A_846 = tpu.memref_squeeze %dma_wait3A_845 : memref<1x128xi32, #tpu.memory_space<vmem>> -> memref<128xi32, #tpu.memory_space<vmem>>
    %dma_wait3A_847 = arith.constant 0 : i32
    %dma_wait3A_848 = tpu.memref_slice %arg6[%dma_wait3A_847] : memref<10240xf32, #tpu.memory_space<vmem_shared>> -> memref<10240xf32, #tpu.memory_space<vmem_shared>>
    tpu.wait_indirect_dma semaphore(%arg8 : memref<!tpu.dma_semaphore, #tpu.memory_space<semaphore_mem>>) src(%arg5 : memref<128xf32, #tpu.memory_space<vmem>>) dst(%dma_wait3A_848 : memref<10240xf32, #tpu.memory_space<vmem_shared>>)
    %dma_start3A_849 = arith.constant 64 : i32
    %dma_start3A_850 = arith.constant 0 : i32
    %dma_start3A_851 = tpu.memref_slice %arg4[%dma_start3A_849, %dma_start3A_850] : memref<84x128xi32, #tpu.memory_space<vmem>> -> memref<1x128xi32, #tpu.memory_space<vmem>>
    %dma_start3A_852 = tpu.memref_squeeze %dma_start3A_851 : memref<1x128xi32, #tpu.memory_space<vmem>> -> memref<128xi32, #tpu.memory_space<vmem>>
    %dma_start3A_853 = arith.constant 0 : i32
    %dma_start3A_854 = tpu.memref_slice %arg6[%dma_start3A_853] : memref<10240xf32, #tpu.memory_space<vmem_shared>> -> memref<10240xf32, #tpu.memory_space<vmem_shared>>
    tpu.enqueue_indirect_dma source(%arg5 : memref<128xf32, #tpu.memory_space<vmem>>) target(%dma_start3A_854 : memref<10240xf32, #tpu.memory_space<vmem_shared>>) offsets(%dma_start3A_852 : memref<128xi32, #tpu.memory_space<vmem>>) semaphore(%arg8 : memref<!tpu.dma_semaphore, #tpu.memory_space<semaphore_mem>>) {add = true}
    %dma_start3A_855 = arith.constant 65 : i32
    %dma_start3A_856 = arith.constant 0 : i32
    %dma_start3A_857 = tpu.memref_slice %arg4[%dma_start3A_855, %dma_start3A_856] : memref<84x128xi32, #tpu.memory_space<vmem>> -> memref<1x128xi32, #tpu.memory_space<vmem>>
    %dma_start3A_858 = tpu.memref_squeeze %dma_start3A_857 : memref<1x128xi32, #tpu.memory_space<vmem>> -> memref<128xi32, #tpu.memory_space<vmem>>
    %dma_start3A_859 = arith.constant 0 : i32
    %dma_start3A_860 = tpu.memref_slice %arg6[%dma_start3A_859] : memref<10240xf32, #tpu.memory_space<vmem_shared>> -> memref<10240xf32, #tpu.memory_space<vmem_shared>>
    tpu.enqueue_indirect_dma source(%arg5 : memref<128xf32, #tpu.memory_space<vmem>>) target(%dma_start3A_860 : memref<10240xf32, #tpu.memory_space<vmem_shared>>) offsets(%dma_start3A_858 : memref<128xi32, #tpu.memory_space<vmem>>) semaphore(%arg8 : memref<!tpu.dma_semaphore, #tpu.memory_space<semaphore_mem>>) {add = true}
    %dma_start3A_861 = arith.constant 66 : i32
    %dma_start3A_862 = arith.constant 0 : i32
    %dma_start3A_863 = tpu.memref_slice %arg4[%dma_start3A_861, %dma_start3A_862] : memref<84x128xi32, #tpu.memory_space<vmem>> -> memref<1x128xi32, #tpu.memory_space<vmem>>
    %dma_start3A_864 = tpu.memref_squeeze %dma_start3A_863 : memref<1x128xi32, #tpu.memory_space<vmem>> -> memref<128xi32, #tpu.memory_space<vmem>>
    %dma_start3A_865 = arith.constant 0 : i32
    %dma_start3A_866 = tpu.memref_slice %arg6[%dma_start3A_865] : memref<10240xf32, #tpu.memory_space<vmem_shared>> -> memref<10240xf32, #tpu.memory_space<vmem_shared>>
    tpu.enqueue_indirect_dma source(%arg5 : memref<128xf32, #tpu.memory_space<vmem>>) target(%dma_start3A_866 : memref<10240xf32, #tpu.memory_space<vmem_shared>>) offsets(%dma_start3A_864 : memref<128xi32, #tpu.memory_space<vmem>>) semaphore(%arg8 : memref<!tpu.dma_semaphore, #tpu.memory_space<semaphore_mem>>) {add = true}
    %dma_start3A_867 = arith.constant 67 : i32
    %dma_start3A_868 = arith.constant 0 : i32
    %dma_start3A_869 = tpu.memref_slice %arg4[%dma_start3A_867, %dma_start3A_868] : memref<84x128xi32, #tpu.memory_space<vmem>> -> memref<1x128xi32, #tpu.memory_space<vmem>>
    %dma_start3A_870 = tpu.memref_squeeze %dma_start3A_869 : memref<1x128xi32, #tpu.memory_space<vmem>> -> memref<128xi32, #tpu.memory_space<vmem>>
    %dma_start3A_871 = arith.constant 0 : i32
    %dma_start3A_872 = tpu.memref_slice %arg6[%dma_start3A_871] : memref<10240xf32, #tpu.memory_space<vmem_shared>> -> memref<10240xf32, #tpu.memory_space<vmem_shared>>
    tpu.enqueue_indirect_dma source(%arg5 : memref<128xf32, #tpu.memory_space<vmem>>) target(%dma_start3A_872 : memref<10240xf32, #tpu.memory_space<vmem_shared>>) offsets(%dma_start3A_870 : memref<128xi32, #tpu.memory_space<vmem>>) semaphore(%arg8 : memref<!tpu.dma_semaphore, #tpu.memory_space<semaphore_mem>>) {add = true}
    %dma_start3A_873 = arith.constant 68 : i32
    %dma_start3A_874 = arith.constant 0 : i32
    %dma_start3A_875 = tpu.memref_slice %arg4[%dma_start3A_873, %dma_start3A_874] : memref<84x128xi32, #tpu.memory_space<vmem>> -> memref<1x128xi32, #tpu.memory_space<vmem>>
    %dma_start3A_876 = tpu.memref_squeeze %dma_start3A_875 : memref<1x128xi32, #tpu.memory_space<vmem>> -> memref<128xi32, #tpu.memory_space<vmem>>
    %dma_start3A_877 = arith.constant 0 : i32
    %dma_start3A_878 = tpu.memref_slice %arg6[%dma_start3A_877] : memref<10240xf32, #tpu.memory_space<vmem_shared>> -> memref<10240xf32, #tpu.memory_space<vmem_shared>>
    tpu.enqueue_indirect_dma source(%arg5 : memref<128xf32, #tpu.memory_space<vmem>>) target(%dma_start3A_878 : memref<10240xf32, #tpu.memory_space<vmem_shared>>) offsets(%dma_start3A_876 : memref<128xi32, #tpu.memory_space<vmem>>) semaphore(%arg8 : memref<!tpu.dma_semaphore, #tpu.memory_space<semaphore_mem>>) {add = true}
    %dma_start3A_879 = arith.constant 69 : i32
    %dma_start3A_880 = arith.constant 0 : i32
    %dma_start3A_881 = tpu.memref_slice %arg4[%dma_start3A_879, %dma_start3A_880] : memref<84x128xi32, #tpu.memory_space<vmem>> -> memref<1x128xi32, #tpu.memory_space<vmem>>
    %dma_start3A_882 = tpu.memref_squeeze %dma_start3A_881 : memref<1x128xi32, #tpu.memory_space<vmem>> -> memref<128xi32, #tpu.memory_space<vmem>>
    %dma_start3A_883 = arith.constant 0 : i32
    %dma_start3A_884 = tpu.memref_slice %arg6[%dma_start3A_883] : memref<10240xf32, #tpu.memory_space<vmem_shared>> -> memref<10240xf32, #tpu.memory_space<vmem_shared>>
    tpu.enqueue_indirect_dma source(%arg5 : memref<128xf32, #tpu.memory_space<vmem>>) target(%dma_start3A_884 : memref<10240xf32, #tpu.memory_space<vmem_shared>>) offsets(%dma_start3A_882 : memref<128xi32, #tpu.memory_space<vmem>>) semaphore(%arg8 : memref<!tpu.dma_semaphore, #tpu.memory_space<semaphore_mem>>) {add = true}
    %dma_start3A_885 = arith.constant 70 : i32
    %dma_start3A_886 = arith.constant 0 : i32
    %dma_start3A_887 = tpu.memref_slice %arg4[%dma_start3A_885, %dma_start3A_886] : memref<84x128xi32, #tpu.memory_space<vmem>> -> memref<1x128xi32, #tpu.memory_space<vmem>>
    %dma_start3A_888 = tpu.memref_squeeze %dma_start3A_887 : memref<1x128xi32, #tpu.memory_space<vmem>> -> memref<128xi32, #tpu.memory_space<vmem>>
    %dma_start3A_889 = arith.constant 0 : i32
    %dma_start3A_890 = tpu.memref_slice %arg6[%dma_start3A_889] : memref<10240xf32, #tpu.memory_space<vmem_shared>> -> memref<10240xf32, #tpu.memory_space<vmem_shared>>
    tpu.enqueue_indirect_dma source(%arg5 : memref<128xf32, #tpu.memory_space<vmem>>) target(%dma_start3A_890 : memref<10240xf32, #tpu.memory_space<vmem_shared>>) offsets(%dma_start3A_888 : memref<128xi32, #tpu.memory_space<vmem>>) semaphore(%arg8 : memref<!tpu.dma_semaphore, #tpu.memory_space<semaphore_mem>>) {add = true}
    %dma_start3A_891 = arith.constant 71 : i32
    %dma_start3A_892 = arith.constant 0 : i32
    %dma_start3A_893 = tpu.memref_slice %arg4[%dma_start3A_891, %dma_start3A_892] : memref<84x128xi32, #tpu.memory_space<vmem>> -> memref<1x128xi32, #tpu.memory_space<vmem>>
    %dma_start3A_894 = tpu.memref_squeeze %dma_start3A_893 : memref<1x128xi32, #tpu.memory_space<vmem>> -> memref<128xi32, #tpu.memory_space<vmem>>
    %dma_start3A_895 = arith.constant 0 : i32
    %dma_start3A_896 = tpu.memref_slice %arg6[%dma_start3A_895] : memref<10240xf32, #tpu.memory_space<vmem_shared>> -> memref<10240xf32, #tpu.memory_space<vmem_shared>>
    tpu.enqueue_indirect_dma source(%arg5 : memref<128xf32, #tpu.memory_space<vmem>>) target(%dma_start3A_896 : memref<10240xf32, #tpu.memory_space<vmem_shared>>) offsets(%dma_start3A_894 : memref<128xi32, #tpu.memory_space<vmem>>) semaphore(%arg8 : memref<!tpu.dma_semaphore, #tpu.memory_space<semaphore_mem>>) {add = true}
    %dma_wait3A_897 = arith.constant 56 : i32
    %dma_wait3A_898 = arith.constant 0 : i32
    %dma_wait3A_899 = tpu.memref_slice %arg4[%dma_wait3A_897, %dma_wait3A_898] : memref<84x128xi32, #tpu.memory_space<vmem>> -> memref<1x128xi32, #tpu.memory_space<vmem>>
    %dma_wait3A_900 = tpu.memref_squeeze %dma_wait3A_899 : memref<1x128xi32, #tpu.memory_space<vmem>> -> memref<128xi32, #tpu.memory_space<vmem>>
    %dma_wait3A_901 = arith.constant 0 : i32
    %dma_wait3A_902 = tpu.memref_slice %arg6[%dma_wait3A_901] : memref<10240xf32, #tpu.memory_space<vmem_shared>> -> memref<10240xf32, #tpu.memory_space<vmem_shared>>
    tpu.wait_indirect_dma semaphore(%arg9 : memref<!tpu.dma_semaphore, #tpu.memory_space<semaphore_mem>>) src(%arg5 : memref<128xf32, #tpu.memory_space<vmem>>) dst(%dma_wait3A_902 : memref<10240xf32, #tpu.memory_space<vmem_shared>>)
    %dma_wait3A_903 = arith.constant 57 : i32
    %dma_wait3A_904 = arith.constant 0 : i32
    %dma_wait3A_905 = tpu.memref_slice %arg4[%dma_wait3A_903, %dma_wait3A_904] : memref<84x128xi32, #tpu.memory_space<vmem>> -> memref<1x128xi32, #tpu.memory_space<vmem>>
    %dma_wait3A_906 = tpu.memref_squeeze %dma_wait3A_905 : memref<1x128xi32, #tpu.memory_space<vmem>> -> memref<128xi32, #tpu.memory_space<vmem>>
    %dma_wait3A_907 = arith.constant 0 : i32
    %dma_wait3A_908 = tpu.memref_slice %arg6[%dma_wait3A_907] : memref<10240xf32, #tpu.memory_space<vmem_shared>> -> memref<10240xf32, #tpu.memory_space<vmem_shared>>
    tpu.wait_indirect_dma semaphore(%arg9 : memref<!tpu.dma_semaphore, #tpu.memory_space<semaphore_mem>>) src(%arg5 : memref<128xf32, #tpu.memory_space<vmem>>) dst(%dma_wait3A_908 : memref<10240xf32, #tpu.memory_space<vmem_shared>>)
    %dma_wait3A_909 = arith.constant 58 : i32
    %dma_wait3A_910 = arith.constant 0 : i32
    %dma_wait3A_911 = tpu.memref_slice %arg4[%dma_wait3A_909, %dma_wait3A_910] : memref<84x128xi32, #tpu.memory_space<vmem>> -> memref<1x128xi32, #tpu.memory_space<vmem>>
    %dma_wait3A_912 = tpu.memref_squeeze %dma_wait3A_911 : memref<1x128xi32, #tpu.memory_space<vmem>> -> memref<128xi32, #tpu.memory_space<vmem>>
    %dma_wait3A_913 = arith.constant 0 : i32
    %dma_wait3A_914 = tpu.memref_slice %arg6[%dma_wait3A_913] : memref<10240xf32, #tpu.memory_space<vmem_shared>> -> memref<10240xf32, #tpu.memory_space<vmem_shared>>
    tpu.wait_indirect_dma semaphore(%arg9 : memref<!tpu.dma_semaphore, #tpu.memory_space<semaphore_mem>>) src(%arg5 : memref<128xf32, #tpu.memory_space<vmem>>) dst(%dma_wait3A_914 : memref<10240xf32, #tpu.memory_space<vmem_shared>>)
    %dma_wait3A_915 = arith.constant 59 : i32
    %dma_wait3A_916 = arith.constant 0 : i32
    %dma_wait3A_917 = tpu.memref_slice %arg4[%dma_wait3A_915, %dma_wait3A_916] : memref<84x128xi32, #tpu.memory_space<vmem>> -> memref<1x128xi32, #tpu.memory_space<vmem>>
    %dma_wait3A_918 = tpu.memref_squeeze %dma_wait3A_917 : memref<1x128xi32, #tpu.memory_space<vmem>> -> memref<128xi32, #tpu.memory_space<vmem>>
    %dma_wait3A_919 = arith.constant 0 : i32
    %dma_wait3A_920 = tpu.memref_slice %arg6[%dma_wait3A_919] : memref<10240xf32, #tpu.memory_space<vmem_shared>> -> memref<10240xf32, #tpu.memory_space<vmem_shared>>
    tpu.wait_indirect_dma semaphore(%arg9 : memref<!tpu.dma_semaphore, #tpu.memory_space<semaphore_mem>>) src(%arg5 : memref<128xf32, #tpu.memory_space<vmem>>) dst(%dma_wait3A_920 : memref<10240xf32, #tpu.memory_space<vmem_shared>>)
    %dma_wait3A_921 = arith.constant 60 : i32
    %dma_wait3A_922 = arith.constant 0 : i32
    %dma_wait3A_923 = tpu.memref_slice %arg4[%dma_wait3A_921, %dma_wait3A_922] : memref<84x128xi32, #tpu.memory_space<vmem>> -> memref<1x128xi32, #tpu.memory_space<vmem>>
    %dma_wait3A_924 = tpu.memref_squeeze %dma_wait3A_923 : memref<1x128xi32, #tpu.memory_space<vmem>> -> memref<128xi32, #tpu.memory_space<vmem>>
    %dma_wait3A_925 = arith.constant 0 : i32
    %dma_wait3A_926 = tpu.memref_slice %arg6[%dma_wait3A_925] : memref<10240xf32, #tpu.memory_space<vmem_shared>> -> memref<10240xf32, #tpu.memory_space<vmem_shared>>
    tpu.wait_indirect_dma semaphore(%arg9 : memref<!tpu.dma_semaphore, #tpu.memory_space<semaphore_mem>>) src(%arg5 : memref<128xf32, #tpu.memory_space<vmem>>) dst(%dma_wait3A_926 : memref<10240xf32, #tpu.memory_space<vmem_shared>>)
    %dma_wait3A_927 = arith.constant 61 : i32
    %dma_wait3A_928 = arith.constant 0 : i32
    %dma_wait3A_929 = tpu.memref_slice %arg4[%dma_wait3A_927, %dma_wait3A_928] : memref<84x128xi32, #tpu.memory_space<vmem>> -> memref<1x128xi32, #tpu.memory_space<vmem>>
    %dma_wait3A_930 = tpu.memref_squeeze %dma_wait3A_929 : memref<1x128xi32, #tpu.memory_space<vmem>> -> memref<128xi32, #tpu.memory_space<vmem>>
    %dma_wait3A_931 = arith.constant 0 : i32
    %dma_wait3A_932 = tpu.memref_slice %arg6[%dma_wait3A_931] : memref<10240xf32, #tpu.memory_space<vmem_shared>> -> memref<10240xf32, #tpu.memory_space<vmem_shared>>
    tpu.wait_indirect_dma semaphore(%arg9 : memref<!tpu.dma_semaphore, #tpu.memory_space<semaphore_mem>>) src(%arg5 : memref<128xf32, #tpu.memory_space<vmem>>) dst(%dma_wait3A_932 : memref<10240xf32, #tpu.memory_space<vmem_shared>>)
    %dma_wait3A_933 = arith.constant 62 : i32
    %dma_wait3A_934 = arith.constant 0 : i32
    %dma_wait3A_935 = tpu.memref_slice %arg4[%dma_wait3A_933, %dma_wait3A_934] : memref<84x128xi32, #tpu.memory_space<vmem>> -> memref<1x128xi32, #tpu.memory_space<vmem>>
    %dma_wait3A_936 = tpu.memref_squeeze %dma_wait3A_935 : memref<1x128xi32, #tpu.memory_space<vmem>> -> memref<128xi32, #tpu.memory_space<vmem>>
    %dma_wait3A_937 = arith.constant 0 : i32
    %dma_wait3A_938 = tpu.memref_slice %arg6[%dma_wait3A_937] : memref<10240xf32, #tpu.memory_space<vmem_shared>> -> memref<10240xf32, #tpu.memory_space<vmem_shared>>
    tpu.wait_indirect_dma semaphore(%arg9 : memref<!tpu.dma_semaphore, #tpu.memory_space<semaphore_mem>>) src(%arg5 : memref<128xf32, #tpu.memory_space<vmem>>) dst(%dma_wait3A_938 : memref<10240xf32, #tpu.memory_space<vmem_shared>>)
    %dma_wait3A_939 = arith.constant 63 : i32
    %dma_wait3A_940 = arith.constant 0 : i32
    %dma_wait3A_941 = tpu.memref_slice %arg4[%dma_wait3A_939, %dma_wait3A_940] : memref<84x128xi32, #tpu.memory_space<vmem>> -> memref<1x128xi32, #tpu.memory_space<vmem>>
    %dma_wait3A_942 = tpu.memref_squeeze %dma_wait3A_941 : memref<1x128xi32, #tpu.memory_space<vmem>> -> memref<128xi32, #tpu.memory_space<vmem>>
    %dma_wait3A_943 = arith.constant 0 : i32
    %dma_wait3A_944 = tpu.memref_slice %arg6[%dma_wait3A_943] : memref<10240xf32, #tpu.memory_space<vmem_shared>> -> memref<10240xf32, #tpu.memory_space<vmem_shared>>
    tpu.wait_indirect_dma semaphore(%arg9 : memref<!tpu.dma_semaphore, #tpu.memory_space<semaphore_mem>>) src(%arg5 : memref<128xf32, #tpu.memory_space<vmem>>) dst(%dma_wait3A_944 : memref<10240xf32, #tpu.memory_space<vmem_shared>>)
    %dma_start3A_945 = arith.constant 72 : i32
    %dma_start3A_946 = arith.constant 0 : i32
    %dma_start3A_947 = tpu.memref_slice %arg4[%dma_start3A_945, %dma_start3A_946] : memref<84x128xi32, #tpu.memory_space<vmem>> -> memref<1x128xi32, #tpu.memory_space<vmem>>
    %dma_start3A_948 = tpu.memref_squeeze %dma_start3A_947 : memref<1x128xi32, #tpu.memory_space<vmem>> -> memref<128xi32, #tpu.memory_space<vmem>>
    %dma_start3A_949 = arith.constant 0 : i32
    %dma_start3A_950 = tpu.memref_slice %arg6[%dma_start3A_949] : memref<10240xf32, #tpu.memory_space<vmem_shared>> -> memref<10240xf32, #tpu.memory_space<vmem_shared>>
    tpu.enqueue_indirect_dma source(%arg5 : memref<128xf32, #tpu.memory_space<vmem>>) target(%dma_start3A_950 : memref<10240xf32, #tpu.memory_space<vmem_shared>>) offsets(%dma_start3A_948 : memref<128xi32, #tpu.memory_space<vmem>>) semaphore(%arg9 : memref<!tpu.dma_semaphore, #tpu.memory_space<semaphore_mem>>) {add = true}
    %dma_start3A_951 = arith.constant 73 : i32
    %dma_start3A_952 = arith.constant 0 : i32
    %dma_start3A_953 = tpu.memref_slice %arg4[%dma_start3A_951, %dma_start3A_952] : memref<84x128xi32, #tpu.memory_space<vmem>> -> memref<1x128xi32, #tpu.memory_space<vmem>>
    %dma_start3A_954 = tpu.memref_squeeze %dma_start3A_953 : memref<1x128xi32, #tpu.memory_space<vmem>> -> memref<128xi32, #tpu.memory_space<vmem>>
    %dma_start3A_955 = arith.constant 0 : i32
    %dma_start3A_956 = tpu.memref_slice %arg6[%dma_start3A_955] : memref<10240xf32, #tpu.memory_space<vmem_shared>> -> memref<10240xf32, #tpu.memory_space<vmem_shared>>
    tpu.enqueue_indirect_dma source(%arg5 : memref<128xf32, #tpu.memory_space<vmem>>) target(%dma_start3A_956 : memref<10240xf32, #tpu.memory_space<vmem_shared>>) offsets(%dma_start3A_954 : memref<128xi32, #tpu.memory_space<vmem>>) semaphore(%arg9 : memref<!tpu.dma_semaphore, #tpu.memory_space<semaphore_mem>>) {add = true}
    %dma_start3A_957 = arith.constant 74 : i32
    %dma_start3A_958 = arith.constant 0 : i32
    %dma_start3A_959 = tpu.memref_slice %arg4[%dma_start3A_957, %dma_start3A_958] : memref<84x128xi32, #tpu.memory_space<vmem>> -> memref<1x128xi32, #tpu.memory_space<vmem>>
    %dma_start3A_960 = tpu.memref_squeeze %dma_start3A_959 : memref<1x128xi32, #tpu.memory_space<vmem>> -> memref<128xi32, #tpu.memory_space<vmem>>
    %dma_start3A_961 = arith.constant 0 : i32
    %dma_start3A_962 = tpu.memref_slice %arg6[%dma_start3A_961] : memref<10240xf32, #tpu.memory_space<vmem_shared>> -> memref<10240xf32, #tpu.memory_space<vmem_shared>>
    tpu.enqueue_indirect_dma source(%arg5 : memref<128xf32, #tpu.memory_space<vmem>>) target(%dma_start3A_962 : memref<10240xf32, #tpu.memory_space<vmem_shared>>) offsets(%dma_start3A_960 : memref<128xi32, #tpu.memory_space<vmem>>) semaphore(%arg9 : memref<!tpu.dma_semaphore, #tpu.memory_space<semaphore_mem>>) {add = true}
    %dma_start3A_963 = arith.constant 75 : i32
    %dma_start3A_964 = arith.constant 0 : i32
    %dma_start3A_965 = tpu.memref_slice %arg4[%dma_start3A_963, %dma_start3A_964] : memref<84x128xi32, #tpu.memory_space<vmem>> -> memref<1x128xi32, #tpu.memory_space<vmem>>
    %dma_start3A_966 = tpu.memref_squeeze %dma_start3A_965 : memref<1x128xi32, #tpu.memory_space<vmem>> -> memref<128xi32, #tpu.memory_space<vmem>>
    %dma_start3A_967 = arith.constant 0 : i32
    %dma_start3A_968 = tpu.memref_slice %arg6[%dma_start3A_967] : memref<10240xf32, #tpu.memory_space<vmem_shared>> -> memref<10240xf32, #tpu.memory_space<vmem_shared>>
    tpu.enqueue_indirect_dma source(%arg5 : memref<128xf32, #tpu.memory_space<vmem>>) target(%dma_start3A_968 : memref<10240xf32, #tpu.memory_space<vmem_shared>>) offsets(%dma_start3A_966 : memref<128xi32, #tpu.memory_space<vmem>>) semaphore(%arg9 : memref<!tpu.dma_semaphore, #tpu.memory_space<semaphore_mem>>) {add = true}
    %dma_start3A_969 = arith.constant 76 : i32
    %dma_start3A_970 = arith.constant 0 : i32
    %dma_start3A_971 = tpu.memref_slice %arg4[%dma_start3A_969, %dma_start3A_970] : memref<84x128xi32, #tpu.memory_space<vmem>> -> memref<1x128xi32, #tpu.memory_space<vmem>>
    %dma_start3A_972 = tpu.memref_squeeze %dma_start3A_971 : memref<1x128xi32, #tpu.memory_space<vmem>> -> memref<128xi32, #tpu.memory_space<vmem>>
    %dma_start3A_973 = arith.constant 0 : i32
    %dma_start3A_974 = tpu.memref_slice %arg6[%dma_start3A_973] : memref<10240xf32, #tpu.memory_space<vmem_shared>> -> memref<10240xf32, #tpu.memory_space<vmem_shared>>
    tpu.enqueue_indirect_dma source(%arg5 : memref<128xf32, #tpu.memory_space<vmem>>) target(%dma_start3A_974 : memref<10240xf32, #tpu.memory_space<vmem_shared>>) offsets(%dma_start3A_972 : memref<128xi32, #tpu.memory_space<vmem>>) semaphore(%arg9 : memref<!tpu.dma_semaphore, #tpu.memory_space<semaphore_mem>>) {add = true}
    %dma_start3A_975 = arith.constant 77 : i32
    %dma_start3A_976 = arith.constant 0 : i32
    %dma_start3A_977 = tpu.memref_slice %arg4[%dma_start3A_975, %dma_start3A_976] : memref<84x128xi32, #tpu.memory_space<vmem>> -> memref<1x128xi32, #tpu.memory_space<vmem>>
    %dma_start3A_978 = tpu.memref_squeeze %dma_start3A_977 : memref<1x128xi32, #tpu.memory_space<vmem>> -> memref<128xi32, #tpu.memory_space<vmem>>
    %dma_start3A_979 = arith.constant 0 : i32
    %dma_start3A_980 = tpu.memref_slice %arg6[%dma_start3A_979] : memref<10240xf32, #tpu.memory_space<vmem_shared>> -> memref<10240xf32, #tpu.memory_space<vmem_shared>>
    tpu.enqueue_indirect_dma source(%arg5 : memref<128xf32, #tpu.memory_space<vmem>>) target(%dma_start3A_980 : memref<10240xf32, #tpu.memory_space<vmem_shared>>) offsets(%dma_start3A_978 : memref<128xi32, #tpu.memory_space<vmem>>) semaphore(%arg9 : memref<!tpu.dma_semaphore, #tpu.memory_space<semaphore_mem>>) {add = true}
    %dma_start3A_981 = arith.constant 78 : i32
    %dma_start3A_982 = arith.constant 0 : i32
    %dma_start3A_983 = tpu.memref_slice %arg4[%dma_start3A_981, %dma_start3A_982] : memref<84x128xi32, #tpu.memory_space<vmem>> -> memref<1x128xi32, #tpu.memory_space<vmem>>
    %dma_start3A_984 = tpu.memref_squeeze %dma_start3A_983 : memref<1x128xi32, #tpu.memory_space<vmem>> -> memref<128xi32, #tpu.memory_space<vmem>>
    %dma_start3A_985 = arith.constant 0 : i32
    %dma_start3A_986 = tpu.memref_slice %arg6[%dma_start3A_985] : memref<10240xf32, #tpu.memory_space<vmem_shared>> -> memref<10240xf32, #tpu.memory_space<vmem_shared>>
    tpu.enqueue_indirect_dma source(%arg5 : memref<128xf32, #tpu.memory_space<vmem>>) target(%dma_start3A_986 : memref<10240xf32, #tpu.memory_space<vmem_shared>>) offsets(%dma_start3A_984 : memref<128xi32, #tpu.memory_space<vmem>>) semaphore(%arg9 : memref<!tpu.dma_semaphore, #tpu.memory_space<semaphore_mem>>) {add = true}
    %dma_start3A_987 = arith.constant 79 : i32
    %dma_start3A_988 = arith.constant 0 : i32
    %dma_start3A_989 = tpu.memref_slice %arg4[%dma_start3A_987, %dma_start3A_988] : memref<84x128xi32, #tpu.memory_space<vmem>> -> memref<1x128xi32, #tpu.memory_space<vmem>>
    %dma_start3A_990 = tpu.memref_squeeze %dma_start3A_989 : memref<1x128xi32, #tpu.memory_space<vmem>> -> memref<128xi32, #tpu.memory_space<vmem>>
    %dma_start3A_991 = arith.constant 0 : i32
    %dma_start3A_992 = tpu.memref_slice %arg6[%dma_start3A_991] : memref<10240xf32, #tpu.memory_space<vmem_shared>> -> memref<10240xf32, #tpu.memory_space<vmem_shared>>
    tpu.enqueue_indirect_dma source(%arg5 : memref<128xf32, #tpu.memory_space<vmem>>) target(%dma_start3A_992 : memref<10240xf32, #tpu.memory_space<vmem_shared>>) offsets(%dma_start3A_990 : memref<128xi32, #tpu.memory_space<vmem>>) semaphore(%arg9 : memref<!tpu.dma_semaphore, #tpu.memory_space<semaphore_mem>>) {add = true}
    %dma_wait3A_993 = arith.constant 64 : i32
    %dma_wait3A_994 = arith.constant 0 : i32
    %dma_wait3A_995 = tpu.memref_slice %arg4[%dma_wait3A_993, %dma_wait3A_994] : memref<84x128xi32, #tpu.memory_space<vmem>> -> memref<1x128xi32, #tpu.memory_space<vmem>>
    %dma_wait3A_996 = tpu.memref_squeeze %dma_wait3A_995 : memref<1x128xi32, #tpu.memory_space<vmem>> -> memref<128xi32, #tpu.memory_space<vmem>>
    %dma_wait3A_997 = arith.constant 0 : i32
    %dma_wait3A_998 = tpu.memref_slice %arg6[%dma_wait3A_997] : memref<10240xf32, #tpu.memory_space<vmem_shared>> -> memref<10240xf32, #tpu.memory_space<vmem_shared>>
    tpu.wait_indirect_dma semaphore(%arg8 : memref<!tpu.dma_semaphore, #tpu.memory_space<semaphore_mem>>) src(%arg5 : memref<128xf32, #tpu.memory_space<vmem>>) dst(%dma_wait3A_998 : memref<10240xf32, #tpu.memory_space<vmem_shared>>)
    %dma_wait3A_999 = arith.constant 65 : i32
    %dma_wait3A_1000 = arith.constant 0 : i32
    %dma_wait3A_1001 = tpu.memref_slice %arg4[%dma_wait3A_999, %dma_wait3A_1000] : memref<84x128xi32, #tpu.memory_space<vmem>> -> memref<1x128xi32, #tpu.memory_space<vmem>>
    %dma_wait3A_1002 = tpu.memref_squeeze %dma_wait3A_1001 : memref<1x128xi32, #tpu.memory_space<vmem>> -> memref<128xi32, #tpu.memory_space<vmem>>
    %dma_wait3A_1003 = arith.constant 0 : i32
    %dma_wait3A_1004 = tpu.memref_slice %arg6[%dma_wait3A_1003] : memref<10240xf32, #tpu.memory_space<vmem_shared>> -> memref<10240xf32, #tpu.memory_space<vmem_shared>>
    tpu.wait_indirect_dma semaphore(%arg8 : memref<!tpu.dma_semaphore, #tpu.memory_space<semaphore_mem>>) src(%arg5 : memref<128xf32, #tpu.memory_space<vmem>>) dst(%dma_wait3A_1004 : memref<10240xf32, #tpu.memory_space<vmem_shared>>)
    %dma_wait3A_1005 = arith.constant 66 : i32
    %dma_wait3A_1006 = arith.constant 0 : i32
    %dma_wait3A_1007 = tpu.memref_slice %arg4[%dma_wait3A_1005, %dma_wait3A_1006] : memref<84x128xi32, #tpu.memory_space<vmem>> -> memref<1x128xi32, #tpu.memory_space<vmem>>
    %dma_wait3A_1008 = tpu.memref_squeeze %dma_wait3A_1007 : memref<1x128xi32, #tpu.memory_space<vmem>> -> memref<128xi32, #tpu.memory_space<vmem>>
    %dma_wait3A_1009 = arith.constant 0 : i32
    %dma_wait3A_1010 = tpu.memref_slice %arg6[%dma_wait3A_1009] : memref<10240xf32, #tpu.memory_space<vmem_shared>> -> memref<10240xf32, #tpu.memory_space<vmem_shared>>
    tpu.wait_indirect_dma semaphore(%arg8 : memref<!tpu.dma_semaphore, #tpu.memory_space<semaphore_mem>>) src(%arg5 : memref<128xf32, #tpu.memory_space<vmem>>) dst(%dma_wait3A_1010 : memref<10240xf32, #tpu.memory_space<vmem_shared>>)
    %dma_wait3A_1011 = arith.constant 67 : i32
    %dma_wait3A_1012 = arith.constant 0 : i32
    %dma_wait3A_1013 = tpu.memref_slice %arg4[%dma_wait3A_1011, %dma_wait3A_1012] : memref<84x128xi32, #tpu.memory_space<vmem>> -> memref<1x128xi32, #tpu.memory_space<vmem>>
    %dma_wait3A_1014 = tpu.memref_squeeze %dma_wait3A_1013 : memref<1x128xi32, #tpu.memory_space<vmem>> -> memref<128xi32, #tpu.memory_space<vmem>>
    %dma_wait3A_1015 = arith.constant 0 : i32
    %dma_wait3A_1016 = tpu.memref_slice %arg6[%dma_wait3A_1015] : memref<10240xf32, #tpu.memory_space<vmem_shared>> -> memref<10240xf32, #tpu.memory_space<vmem_shared>>
    tpu.wait_indirect_dma semaphore(%arg8 : memref<!tpu.dma_semaphore, #tpu.memory_space<semaphore_mem>>) src(%arg5 : memref<128xf32, #tpu.memory_space<vmem>>) dst(%dma_wait3A_1016 : memref<10240xf32, #tpu.memory_space<vmem_shared>>)
    %dma_wait3A_1017 = arith.constant 68 : i32
    %dma_wait3A_1018 = arith.constant 0 : i32
    %dma_wait3A_1019 = tpu.memref_slice %arg4[%dma_wait3A_1017, %dma_wait3A_1018] : memref<84x128xi32, #tpu.memory_space<vmem>> -> memref<1x128xi32, #tpu.memory_space<vmem>>
    %dma_wait3A_1020 = tpu.memref_squeeze %dma_wait3A_1019 : memref<1x128xi32, #tpu.memory_space<vmem>> -> memref<128xi32, #tpu.memory_space<vmem>>
    %dma_wait3A_1021 = arith.constant 0 : i32
    %dma_wait3A_1022 = tpu.memref_slice %arg6[%dma_wait3A_1021] : memref<10240xf32, #tpu.memory_space<vmem_shared>> -> memref<10240xf32, #tpu.memory_space<vmem_shared>>
    tpu.wait_indirect_dma semaphore(%arg8 : memref<!tpu.dma_semaphore, #tpu.memory_space<semaphore_mem>>) src(%arg5 : memref<128xf32, #tpu.memory_space<vmem>>) dst(%dma_wait3A_1022 : memref<10240xf32, #tpu.memory_space<vmem_shared>>)
    %dma_wait3A_1023 = arith.constant 69 : i32
    %dma_wait3A_1024 = arith.constant 0 : i32
    %dma_wait3A_1025 = tpu.memref_slice %arg4[%dma_wait3A_1023, %dma_wait3A_1024] : memref<84x128xi32, #tpu.memory_space<vmem>> -> memref<1x128xi32, #tpu.memory_space<vmem>>
    %dma_wait3A_1026 = tpu.memref_squeeze %dma_wait3A_1025 : memref<1x128xi32, #tpu.memory_space<vmem>> -> memref<128xi32, #tpu.memory_space<vmem>>
    %dma_wait3A_1027 = arith.constant 0 : i32
    %dma_wait3A_1028 = tpu.memref_slice %arg6[%dma_wait3A_1027] : memref<10240xf32, #tpu.memory_space<vmem_shared>> -> memref<10240xf32, #tpu.memory_space<vmem_shared>>
    tpu.wait_indirect_dma semaphore(%arg8 : memref<!tpu.dma_semaphore, #tpu.memory_space<semaphore_mem>>) src(%arg5 : memref<128xf32, #tpu.memory_space<vmem>>) dst(%dma_wait3A_1028 : memref<10240xf32, #tpu.memory_space<vmem_shared>>)
    %dma_wait3A_1029 = arith.constant 70 : i32
    %dma_wait3A_1030 = arith.constant 0 : i32
    %dma_wait3A_1031 = tpu.memref_slice %arg4[%dma_wait3A_1029, %dma_wait3A_1030] : memref<84x128xi32, #tpu.memory_space<vmem>> -> memref<1x128xi32, #tpu.memory_space<vmem>>
    %dma_wait3A_1032 = tpu.memref_squeeze %dma_wait3A_1031 : memref<1x128xi32, #tpu.memory_space<vmem>> -> memref<128xi32, #tpu.memory_space<vmem>>
    %dma_wait3A_1033 = arith.constant 0 : i32
    %dma_wait3A_1034 = tpu.memref_slice %arg6[%dma_wait3A_1033] : memref<10240xf32, #tpu.memory_space<vmem_shared>> -> memref<10240xf32, #tpu.memory_space<vmem_shared>>
    tpu.wait_indirect_dma semaphore(%arg8 : memref<!tpu.dma_semaphore, #tpu.memory_space<semaphore_mem>>) src(%arg5 : memref<128xf32, #tpu.memory_space<vmem>>) dst(%dma_wait3A_1034 : memref<10240xf32, #tpu.memory_space<vmem_shared>>)
    %dma_wait3A_1035 = arith.constant 71 : i32
    %dma_wait3A_1036 = arith.constant 0 : i32
    %dma_wait3A_1037 = tpu.memref_slice %arg4[%dma_wait3A_1035, %dma_wait3A_1036] : memref<84x128xi32, #tpu.memory_space<vmem>> -> memref<1x128xi32, #tpu.memory_space<vmem>>
    %dma_wait3A_1038 = tpu.memref_squeeze %dma_wait3A_1037 : memref<1x128xi32, #tpu.memory_space<vmem>> -> memref<128xi32, #tpu.memory_space<vmem>>
    %dma_wait3A_1039 = arith.constant 0 : i32
    %dma_wait3A_1040 = tpu.memref_slice %arg6[%dma_wait3A_1039] : memref<10240xf32, #tpu.memory_space<vmem_shared>> -> memref<10240xf32, #tpu.memory_space<vmem_shared>>
    tpu.wait_indirect_dma semaphore(%arg8 : memref<!tpu.dma_semaphore, #tpu.memory_space<semaphore_mem>>) src(%arg5 : memref<128xf32, #tpu.memory_space<vmem>>) dst(%dma_wait3A_1040 : memref<10240xf32, #tpu.memory_space<vmem_shared>>)
    %dma_wait3A_1041 = arith.constant 72 : i32
    %dma_wait3A_1042 = arith.constant 0 : i32
    %dma_wait3A_1043 = tpu.memref_slice %arg4[%dma_wait3A_1041, %dma_wait3A_1042] : memref<84x128xi32, #tpu.memory_space<vmem>> -> memref<1x128xi32, #tpu.memory_space<vmem>>
    %dma_wait3A_1044 = tpu.memref_squeeze %dma_wait3A_1043 : memref<1x128xi32, #tpu.memory_space<vmem>> -> memref<128xi32, #tpu.memory_space<vmem>>
    %dma_wait3A_1045 = arith.constant 0 : i32
    %dma_wait3A_1046 = tpu.memref_slice %arg6[%dma_wait3A_1045] : memref<10240xf32, #tpu.memory_space<vmem_shared>> -> memref<10240xf32, #tpu.memory_space<vmem_shared>>
    tpu.wait_indirect_dma semaphore(%arg9 : memref<!tpu.dma_semaphore, #tpu.memory_space<semaphore_mem>>) src(%arg5 : memref<128xf32, #tpu.memory_space<vmem>>) dst(%dma_wait3A_1046 : memref<10240xf32, #tpu.memory_space<vmem_shared>>)
    %dma_wait3A_1047 = arith.constant 73 : i32
    %dma_wait3A_1048 = arith.constant 0 : i32
    %dma_wait3A_1049 = tpu.memref_slice %arg4[%dma_wait3A_1047, %dma_wait3A_1048] : memref<84x128xi32, #tpu.memory_space<vmem>> -> memref<1x128xi32, #tpu.memory_space<vmem>>
    %dma_wait3A_1050 = tpu.memref_squeeze %dma_wait3A_1049 : memref<1x128xi32, #tpu.memory_space<vmem>> -> memref<128xi32, #tpu.memory_space<vmem>>
    %dma_wait3A_1051 = arith.constant 0 : i32
    %dma_wait3A_1052 = tpu.memref_slice %arg6[%dma_wait3A_1051] : memref<10240xf32, #tpu.memory_space<vmem_shared>> -> memref<10240xf32, #tpu.memory_space<vmem_shared>>
    tpu.wait_indirect_dma semaphore(%arg9 : memref<!tpu.dma_semaphore, #tpu.memory_space<semaphore_mem>>) src(%arg5 : memref<128xf32, #tpu.memory_space<vmem>>) dst(%dma_wait3A_1052 : memref<10240xf32, #tpu.memory_space<vmem_shared>>)
    %dma_wait3A_1053 = arith.constant 74 : i32
    %dma_wait3A_1054 = arith.constant 0 : i32
    %dma_wait3A_1055 = tpu.memref_slice %arg4[%dma_wait3A_1053, %dma_wait3A_1054] : memref<84x128xi32, #tpu.memory_space<vmem>> -> memref<1x128xi32, #tpu.memory_space<vmem>>
    %dma_wait3A_1056 = tpu.memref_squeeze %dma_wait3A_1055 : memref<1x128xi32, #tpu.memory_space<vmem>> -> memref<128xi32, #tpu.memory_space<vmem>>
    %dma_wait3A_1057 = arith.constant 0 : i32
    %dma_wait3A_1058 = tpu.memref_slice %arg6[%dma_wait3A_1057] : memref<10240xf32, #tpu.memory_space<vmem_shared>> -> memref<10240xf32, #tpu.memory_space<vmem_shared>>
    tpu.wait_indirect_dma semaphore(%arg9 : memref<!tpu.dma_semaphore, #tpu.memory_space<semaphore_mem>>) src(%arg5 : memref<128xf32, #tpu.memory_space<vmem>>) dst(%dma_wait3A_1058 : memref<10240xf32, #tpu.memory_space<vmem_shared>>)
    %dma_wait3A_1059 = arith.constant 75 : i32
    %dma_wait3A_1060 = arith.constant 0 : i32
    %dma_wait3A_1061 = tpu.memref_slice %arg4[%dma_wait3A_1059, %dma_wait3A_1060] : memref<84x128xi32, #tpu.memory_space<vmem>> -> memref<1x128xi32, #tpu.memory_space<vmem>>
    %dma_wait3A_1062 = tpu.memref_squeeze %dma_wait3A_1061 : memref<1x128xi32, #tpu.memory_space<vmem>> -> memref<128xi32, #tpu.memory_space<vmem>>
    %dma_wait3A_1063 = arith.constant 0 : i32
    %dma_wait3A_1064 = tpu.memref_slice %arg6[%dma_wait3A_1063] : memref<10240xf32, #tpu.memory_space<vmem_shared>> -> memref<10240xf32, #tpu.memory_space<vmem_shared>>
    tpu.wait_indirect_dma semaphore(%arg9 : memref<!tpu.dma_semaphore, #tpu.memory_space<semaphore_mem>>) src(%arg5 : memref<128xf32, #tpu.memory_space<vmem>>) dst(%dma_wait3A_1064 : memref<10240xf32, #tpu.memory_space<vmem_shared>>)
    %dma_wait3A_1065 = arith.constant 76 : i32
    %dma_wait3A_1066 = arith.constant 0 : i32
    %dma_wait3A_1067 = tpu.memref_slice %arg4[%dma_wait3A_1065, %dma_wait3A_1066] : memref<84x128xi32, #tpu.memory_space<vmem>> -> memref<1x128xi32, #tpu.memory_space<vmem>>
    %dma_wait3A_1068 = tpu.memref_squeeze %dma_wait3A_1067 : memref<1x128xi32, #tpu.memory_space<vmem>> -> memref<128xi32, #tpu.memory_space<vmem>>
    %dma_wait3A_1069 = arith.constant 0 : i32
    %dma_wait3A_1070 = tpu.memref_slice %arg6[%dma_wait3A_1069] : memref<10240xf32, #tpu.memory_space<vmem_shared>> -> memref<10240xf32, #tpu.memory_space<vmem_shared>>
    tpu.wait_indirect_dma semaphore(%arg9 : memref<!tpu.dma_semaphore, #tpu.memory_space<semaphore_mem>>) src(%arg5 : memref<128xf32, #tpu.memory_space<vmem>>) dst(%dma_wait3A_1070 : memref<10240xf32, #tpu.memory_space<vmem_shared>>)
    %dma_wait3A_1071 = arith.constant 77 : i32
    %dma_wait3A_1072 = arith.constant 0 : i32
    %dma_wait3A_1073 = tpu.memref_slice %arg4[%dma_wait3A_1071, %dma_wait3A_1072] : memref<84x128xi32, #tpu.memory_space<vmem>> -> memref<1x128xi32, #tpu.memory_space<vmem>>
    %dma_wait3A_1074 = tpu.memref_squeeze %dma_wait3A_1073 : memref<1x128xi32, #tpu.memory_space<vmem>> -> memref<128xi32, #tpu.memory_space<vmem>>
    %dma_wait3A_1075 = arith.constant 0 : i32
    %dma_wait3A_1076 = tpu.memref_slice %arg6[%dma_wait3A_1075] : memref<10240xf32, #tpu.memory_space<vmem_shared>> -> memref<10240xf32, #tpu.memory_space<vmem_shared>>
    tpu.wait_indirect_dma semaphore(%arg9 : memref<!tpu.dma_semaphore, #tpu.memory_space<semaphore_mem>>) src(%arg5 : memref<128xf32, #tpu.memory_space<vmem>>) dst(%dma_wait3A_1076 : memref<10240xf32, #tpu.memory_space<vmem_shared>>)
    %dma_wait3A_1077 = arith.constant 78 : i32
    %dma_wait3A_1078 = arith.constant 0 : i32
    %dma_wait3A_1079 = tpu.memref_slice %arg4[%dma_wait3A_1077, %dma_wait3A_1078] : memref<84x128xi32, #tpu.memory_space<vmem>> -> memref<1x128xi32, #tpu.memory_space<vmem>>
    %dma_wait3A_1080 = tpu.memref_squeeze %dma_wait3A_1079 : memref<1x128xi32, #tpu.memory_space<vmem>> -> memref<128xi32, #tpu.memory_space<vmem>>
    %dma_wait3A_1081 = arith.constant 0 : i32
    %dma_wait3A_1082 = tpu.memref_slice %arg6[%dma_wait3A_1081] : memref<10240xf32, #tpu.memory_space<vmem_shared>> -> memref<10240xf32, #tpu.memory_space<vmem_shared>>
    tpu.wait_indirect_dma semaphore(%arg9 : memref<!tpu.dma_semaphore, #tpu.memory_space<semaphore_mem>>) src(%arg5 : memref<128xf32, #tpu.memory_space<vmem>>) dst(%dma_wait3A_1082 : memref<10240xf32, #tpu.memory_space<vmem_shared>>)
    %dma_wait3A_1083 = arith.constant 79 : i32
    %dma_wait3A_1084 = arith.constant 0 : i32
    %dma_wait3A_1085 = tpu.memref_slice %arg4[%dma_wait3A_1083, %dma_wait3A_1084] : memref<84x128xi32, #tpu.memory_space<vmem>> -> memref<1x128xi32, #tpu.memory_space<vmem>>
    %dma_wait3A_1086 = tpu.memref_squeeze %dma_wait3A_1085 : memref<1x128xi32, #tpu.memory_space<vmem>> -> memref<128xi32, #tpu.memory_space<vmem>>
    %dma_wait3A_1087 = arith.constant 0 : i32
    %dma_wait3A_1088 = tpu.memref_slice %arg6[%dma_wait3A_1087] : memref<10240xf32, #tpu.memory_space<vmem_shared>> -> memref<10240xf32, #tpu.memory_space<vmem_shared>>
    tpu.wait_indirect_dma semaphore(%arg9 : memref<!tpu.dma_semaphore, #tpu.memory_space<semaphore_mem>>) src(%arg5 : memref<128xf32, #tpu.memory_space<vmem>>) dst(%dma_wait3A_1088 : memref<10240xf32, #tpu.memory_space<vmem_shared>>)
    %barrier3A_1089 = arith.constant 0 : index
    tpu.barrier barrier_id(%barrier3A_1089)
    %mul3A_1090 = arith.constant 640 : i32
    %mul3A_1091 = arith.muli %arg1, %mul3A_1090 : i32
    %mul3A_1092 = arith.constant 640 : i32
    %mul3A_1093 = arith.muli %arg1, %mul3A_1092 : i32
    "tpu.region"() ({
      %run_scoped3A = tpu.sem_alloc : memref<!tpu.dma_semaphore, #tpu.memory_space<semaphore_mem>>
      %dma_start3A_1094 = tpu.memref_slice %arg3[%arg0, %mul3A_1093] : memref<2x10240xf32, #tpu.memory_space<hbm>> -> memref<1x640xf32, #tpu.memory_space<hbm>>
      %dma_start3A_1095 = tpu.memref_squeeze %dma_start3A_1094 : memref<1x640xf32, #tpu.memory_space<hbm>> -> memref<640xf32, #tpu.memory_space<hbm>>
      %dma_start3A_1096 = tpu.memref_slice %arg6[%mul3A_1091] : memref<10240xf32, #tpu.memory_space<vmem_shared>> -> memref<640xf32, #tpu.memory_space<vmem_shared>>
      tpu.enqueue_dma source(%dma_start3A_1096 : memref<640xf32, #tpu.memory_space<vmem_shared>>) target(%dma_start3A_1095 : memref<640xf32, #tpu.memory_space<hbm>>) target_semaphore(%run_scoped3A : memref<!tpu.dma_semaphore, #tpu.memory_space<semaphore_mem>>)
      %dma_wait3A_1097 = tpu.memref_slice %arg3[%arg0, %mul3A_1093] : memref<2x10240xf32, #tpu.memory_space<hbm>> -> memref<1x640xf32, #tpu.memory_space<hbm>>
      %dma_wait3A_1098 = tpu.memref_squeeze %dma_wait3A_1097 : memref<1x640xf32, #tpu.memory_space<hbm>> -> memref<640xf32, #tpu.memory_space<hbm>>
      %dma_wait3A_1099 = tpu.memref_slice %arg6[%mul3A_1091] : memref<10240xf32, #tpu.memory_space<vmem_shared>> -> memref<640xf32, #tpu.memory_space<vmem_shared>>
      tpu.wait_dma2 semaphore(%run_scoped3A : memref<!tpu.dma_semaphore, #tpu.memory_space<semaphore_mem>>) src(%dma_wait3A_1099 : memref<640xf32, #tpu.memory_space<vmem_shared>>) dst(%dma_wait3A_1098 : memref<640xf32, #tpu.memory_space<hbm>>)
      tpu.yield
    }) : () -> ()
    return
  }
}

#map = affine_map<(d0, d1) -> (0, 0, 0)>
#map1 = affine_map<(d0, d1) -> (0, 0)>
module attributes {stable_mosaic.version = 14 : i64} {
  func.func @_agg(%arg0: i32, %arg1: i32, %arg2: memref<32x84x128xi32, #tpu.memory_space<hbm>>, %arg3: memref<32x84x128xi32, #tpu.memory_space<hbm>>, %arg4: memref<10000x16xf32, #tpu.memory_space<hbm>>, %arg5: memref<2x10240x16xf32, #tpu.memory_space<hbm>>, %arg6: memref<84x128xi32, #tpu.memory_space<vmem>>, %arg7: memref<84x128xi32, #tpu.memory_space<vmem>>, %arg8: memref<128x16xf32, #tpu.memory_space<vmem>>, %arg9: memref<128x16xf32, #tpu.memory_space<vmem>>, %arg10: memref<128x16xf32, #tpu.memory_space<vmem>>, %arg11: memref<128x16xf32, #tpu.memory_space<vmem>>, %arg12: memref<128x16xf32, #tpu.memory_space<vmem>>, %arg13: memref<128x16xf32, #tpu.memory_space<vmem>>, %arg14: memref<10240x16xf32, #tpu.memory_space<vmem_shared>>, %arg15: memref<!tpu.dma_semaphore, #tpu.memory_space<semaphore_mem>>, %arg16: memref<!tpu.dma_semaphore, #tpu.memory_space<semaphore_mem>>, %arg17: memref<!tpu.dma_semaphore, #tpu.memory_space<semaphore_mem>>, %arg18: memref<!tpu.dma_semaphore, #tpu.memory_space<semaphore_mem>>, %arg19: memref<!tpu.dma_semaphore, #tpu.memory_space<semaphore_mem>>, %arg20: memref<!tpu.dma_semaphore, #tpu.memory_space<semaphore_mem>>, %arg21: memref<!tpu.dma_semaphore, #tpu.memory_space<semaphore_mem>>, %arg22: memref<!tpu.dma_semaphore, #tpu.memory_space<semaphore_mem>>, %arg23: memref<!tpu.dma_semaphore, #tpu.memory_space<semaphore_mem>>, %arg24: memref<!tpu.dma_semaphore, #tpu.memory_space<semaphore_mem>>, %arg25: memref<!tpu.dma_semaphore, #tpu.memory_space<semaphore_mem>>, %arg26: memref<!tpu.dma_semaphore, #tpu.memory_space<semaphore_mem>>, %arg27: memref<!tpu.dma_semaphore, #tpu.memory_space<semaphore_mem>>) attributes {dimension_semantics = [#tpu.dimension_semantics<core_parallel>, #tpu.dimension_semantics<subcore_parallel>], iteration_bounds = array<i64: 2, 16>, scalar_prefetch = 0 : i64, scratch_operands = 22 : i64, tpu.core_type = #tpu.core_type<sc_vector_subcore>, window_params = [{transform_indices = #map}, {transform_indices = #map}, {transform_indices = #map1}, {transform_indices = #map}]} {
    %mul3A = arith.constant 16 : i32
    %mul3A_0 = arith.muli %arg0, %mul3A : i32
    %add3A = arith.addi %mul3A_0, %arg1 : i32
    %dma_start3A = arith.constant 0 : i32
    %dma_start3A_1 = arith.constant 0 : i32
    %dma_start3A_2 = tpu.memref_slice %arg3[%add3A, %dma_start3A, %dma_start3A_1] : memref<32x84x128xi32, #tpu.memory_space<hbm>> -> memref<1x84x128xi32, #tpu.memory_space<hbm>>
    %dma_start3A_3 = tpu.memref_squeeze %dma_start3A_2 : memref<1x84x128xi32, #tpu.memory_space<hbm>> -> memref<84x128xi32, #tpu.memory_space<hbm>>
    %dma_start3A_4 = arith.constant 0 : i32
    %dma_start3A_5 = arith.constant 0 : i32
    %dma_start3A_6 = tpu.memref_slice %arg3[%add3A, %dma_start3A_4, %dma_start3A_5] : memref<32x84x128xi32, #tpu.memory_space<hbm>> -> memref<1x84x128xi32, #tpu.memory_space<hbm>>
    %dma_start3A_7 = tpu.memref_squeeze %dma_start3A_6 : memref<1x84x128xi32, #tpu.memory_space<hbm>> -> memref<84x128xi32, #tpu.memory_space<hbm>>
    tpu.enqueue_dma source(%dma_start3A_7 : memref<84x128xi32, #tpu.memory_space<hbm>>) target(%arg7 : memref<84x128xi32, #tpu.memory_space<vmem>>) target_semaphore(%arg15 : memref<!tpu.dma_semaphore, #tpu.memory_space<semaphore_mem>>)
    "tpu.region"() ({
      %run_scoped3A = tpu.sem_alloc : memref<!tpu.dma_semaphore, #tpu.memory_space<semaphore_mem>>
      %dma_start3A_121 = arith.constant 0 : i32
      %dma_start3A_122 = arith.constant 0 : i32
      %dma_start3A_123 = tpu.memref_slice %arg2[%add3A, %dma_start3A_121, %dma_start3A_122] : memref<32x84x128xi32, #tpu.memory_space<hbm>> -> memref<1x84x128xi32, #tpu.memory_space<hbm>>
      %dma_start3A_124 = tpu.memref_squeeze %dma_start3A_123 : memref<1x84x128xi32, #tpu.memory_space<hbm>> -> memref<84x128xi32, #tpu.memory_space<hbm>>
      %dma_start3A_125 = arith.constant 0 : i32
      %dma_start3A_126 = arith.constant 0 : i32
      %dma_start3A_127 = tpu.memref_slice %arg2[%add3A, %dma_start3A_125, %dma_start3A_126] : memref<32x84x128xi32, #tpu.memory_space<hbm>> -> memref<1x84x128xi32, #tpu.memory_space<hbm>>
      %dma_start3A_128 = tpu.memref_squeeze %dma_start3A_127 : memref<1x84x128xi32, #tpu.memory_space<hbm>> -> memref<84x128xi32, #tpu.memory_space<hbm>>
      tpu.enqueue_dma source(%dma_start3A_128 : memref<84x128xi32, #tpu.memory_space<hbm>>) target(%arg6 : memref<84x128xi32, #tpu.memory_space<vmem>>) target_semaphore(%run_scoped3A : memref<!tpu.dma_semaphore, #tpu.memory_space<semaphore_mem>>)
      %dma_wait3A_129 = arith.constant 0 : i32
      %dma_wait3A_130 = arith.constant 0 : i32
      %dma_wait3A_131 = tpu.memref_slice %arg2[%add3A, %dma_wait3A_129, %dma_wait3A_130] : memref<32x84x128xi32, #tpu.memory_space<hbm>> -> memref<1x84x128xi32, #tpu.memory_space<hbm>>
      %dma_wait3A_132 = tpu.memref_squeeze %dma_wait3A_131 : memref<1x84x128xi32, #tpu.memory_space<hbm>> -> memref<84x128xi32, #tpu.memory_space<hbm>>
      %dma_wait3A_133 = arith.constant 0 : i32
      %dma_wait3A_134 = arith.constant 0 : i32
      %dma_wait3A_135 = tpu.memref_slice %arg2[%add3A, %dma_wait3A_133, %dma_wait3A_134] : memref<32x84x128xi32, #tpu.memory_space<hbm>> -> memref<1x84x128xi32, #tpu.memory_space<hbm>>
      %dma_wait3A_136 = tpu.memref_squeeze %dma_wait3A_135 : memref<1x84x128xi32, #tpu.memory_space<hbm>> -> memref<84x128xi32, #tpu.memory_space<hbm>>
      tpu.wait_dma2 semaphore(%run_scoped3A : memref<!tpu.dma_semaphore, #tpu.memory_space<semaphore_mem>>) src(%dma_wait3A_136 : memref<84x128xi32, #tpu.memory_space<hbm>>) dst(%arg6 : memref<84x128xi32, #tpu.memory_space<vmem>>)
      tpu.yield
    }) : () -> ()
    %scan3A = arith.constant 0 : i32
    %scan3A_8 = arith.constant 0 : i32
    %scan3A_9 = arith.constant 128 : i32
    %scan3A_10 = arith.addi %scan3A_8, %scan3A_9 : i32
    %scan3A_11 = arith.constant 1 : i32
    scf.for %scan3A_121 = %scan3A_8 to %scan3A_10 step %scan3A_11  : i32 {
      %broadcast_in_dim3A = arith.constant 0.000000e+00 : f32
      %broadcast_in_dim3A_122 = vector.broadcast %broadcast_in_dim3A : f32 to vector<16xf32>
      %swap3A = arith.index_cast %scan3A_121 : i32 to index
      %swap3A_123 = arith.constant 0 : index
      %swap3A_124 = tpu.vector_load %arg8[%swap3A, %swap3A_123] {strides = array<i32>} : memref<128x16xf32, #tpu.memory_space<vmem>>, vector<1x16xf32>,
      %swap3A_125 = vector.shape_cast %swap3A_124 : vector<1x16xf32> to vector<16xf32>
      %swap3A_126 = vector.shape_cast %broadcast_in_dim3A_122 : vector<16xf32> to vector<1x16xf32>
      tpu.vector_store %arg8[%swap3A, %swap3A_123], %swap3A_126 {strides = array<i32>} : memref<128x16xf32, #tpu.memory_space<vmem>>, vector<1x16xf32>,
    }
    %scan3A_12 = arith.constant 128 : i32
    %mul3A_13 = arith.constant 640 : i32
    %mul3A_14 = arith.muli %arg1, %mul3A_13 : i32
    %add3A_15 = arith.constant 0 : i32
    %add3A_16 = arith.addi %mul3A_14, %add3A_15 : i32
    "tpu.region"() ({
      %run_scoped3A = tpu.sem_alloc : memref<!tpu.dma_semaphore, #tpu.memory_space<semaphore_mem>>
      %dma_start3A_121 = arith.constant 0 : i32
      %dma_start3A_122 = tpu.memref_slice %arg14[%add3A_16, %dma_start3A_121] : memref<10240x16xf32, #tpu.memory_space<vmem_shared>> -> memref<128x16xf32, #tpu.memory_space<vmem_shared>>
      %dma_start3A_123 = arith.constant 0 : i32
      %dma_start3A_124 = tpu.memref_slice %arg14[%add3A_16, %dma_start3A_123] : memref<10240x16xf32, #tpu.memory_space<vmem_shared>> -> memref<128x16xf32, #tpu.memory_space<vmem_shared>>
      tpu.enqueue_dma source(%arg8 : memref<128x16xf32, #tpu.memory_space<vmem>>) target(%dma_start3A_124 : memref<128x16xf32, #tpu.memory_space<vmem_shared>>) target_semaphore(%run_scoped3A : memref<!tpu.dma_semaphore, #tpu.memory_space<semaphore_mem>>)
      %dma_wait3A_125 = arith.constant 0 : i32
      %dma_wait3A_126 = tpu.memref_slice %arg14[%add3A_16, %dma_wait3A_125] : memref<10240x16xf32, #tpu.memory_space<vmem_shared>> -> memref<128x16xf32, #tpu.memory_space<vmem_shared>>
      %dma_wait3A_127 = arith.constant 0 : i32
      %dma_wait3A_128 = tpu.memref_slice %arg14[%add3A_16, %dma_wait3A_127] : memref<10240x16xf32, #tpu.memory_space<vmem_shared>> -> memref<128x16xf32, #tpu.memory_space<vmem_shared>>
      tpu.wait_dma2 semaphore(%run_scoped3A : memref<!tpu.dma_semaphore, #tpu.memory_space<semaphore_mem>>) src(%arg8 : memref<128x16xf32, #tpu.memory_space<vmem>>) dst(%dma_wait3A_128 : memref<128x16xf32, #tpu.memory_space<vmem_shared>>)
      tpu.yield
    }) : () -> ()
    %mul3A_17 = arith.constant 640 : i32
    %mul3A_18 = arith.muli %arg1, %mul3A_17 : i32
    %add3A_19 = arith.constant 128 : i32
    %add3A_20 = arith.addi %mul3A_18, %add3A_19 : i32
    "tpu.region"() ({
      %run_scoped3A = tpu.sem_alloc : memref<!tpu.dma_semaphore, #tpu.memory_space<semaphore_mem>>
      %dma_start3A_121 = arith.constant 0 : i32
      %dma_start3A_122 = tpu.memref_slice %arg14[%add3A_20, %dma_start3A_121] : memref<10240x16xf32, #tpu.memory_space<vmem_shared>> -> memref<128x16xf32, #tpu.memory_space<vmem_shared>>
      %dma_start3A_123 = arith.constant 0 : i32
      %dma_start3A_124 = tpu.memref_slice %arg14[%add3A_20, %dma_start3A_123] : memref<10240x16xf32, #tpu.memory_space<vmem_shared>> -> memref<128x16xf32, #tpu.memory_space<vmem_shared>>
      tpu.enqueue_dma source(%arg8 : memref<128x16xf32, #tpu.memory_space<vmem>>) target(%dma_start3A_124 : memref<128x16xf32, #tpu.memory_space<vmem_shared>>) target_semaphore(%run_scoped3A : memref<!tpu.dma_semaphore, #tpu.memory_space<semaphore_mem>>)
      %dma_wait3A_125 = arith.constant 0 : i32
      %dma_wait3A_126 = tpu.memref_slice %arg14[%add3A_20, %dma_wait3A_125] : memref<10240x16xf32, #tpu.memory_space<vmem_shared>> -> memref<128x16xf32, #tpu.memory_space<vmem_shared>>
      %dma_wait3A_127 = arith.constant 0 : i32
      %dma_wait3A_128 = tpu.memref_slice %arg14[%add3A_20, %dma_wait3A_127] : memref<10240x16xf32, #tpu.memory_space<vmem_shared>> -> memref<128x16xf32, #tpu.memory_space<vmem_shared>>
      tpu.wait_dma2 semaphore(%run_scoped3A : memref<!tpu.dma_semaphore, #tpu.memory_space<semaphore_mem>>) src(%arg8 : memref<128x16xf32, #tpu.memory_space<vmem>>) dst(%dma_wait3A_128 : memref<128x16xf32, #tpu.memory_space<vmem_shared>>)
      tpu.yield
    }) : () -> ()
    %mul3A_21 = arith.constant 640 : i32
    %mul3A_22 = arith.muli %arg1, %mul3A_21 : i32
    %add3A_23 = arith.constant 256 : i32
    %add3A_24 = arith.addi %mul3A_22, %add3A_23 : i32
    "tpu.region"() ({
      %run_scoped3A = tpu.sem_alloc : memref<!tpu.dma_semaphore, #tpu.memory_space<semaphore_mem>>
      %dma_start3A_121 = arith.constant 0 : i32
      %dma_start3A_122 = tpu.memref_slice %arg14[%add3A_24, %dma_start3A_121] : memref<10240x16xf32, #tpu.memory_space<vmem_shared>> -> memref<128x16xf32, #tpu.memory_space<vmem_shared>>
      %dma_start3A_123 = arith.constant 0 : i32
      %dma_start3A_124 = tpu.memref_slice %arg14[%add3A_24, %dma_start3A_123] : memref<10240x16xf32, #tpu.memory_space<vmem_shared>> -> memref<128x16xf32, #tpu.memory_space<vmem_shared>>
      tpu.enqueue_dma source(%arg8 : memref<128x16xf32, #tpu.memory_space<vmem>>) target(%dma_start3A_124 : memref<128x16xf32, #tpu.memory_space<vmem_shared>>) target_semaphore(%run_scoped3A : memref<!tpu.dma_semaphore, #tpu.memory_space<semaphore_mem>>)
      %dma_wait3A_125 = arith.constant 0 : i32
      %dma_wait3A_126 = tpu.memref_slice %arg14[%add3A_24, %dma_wait3A_125] : memref<10240x16xf32, #tpu.memory_space<vmem_shared>> -> memref<128x16xf32, #tpu.memory_space<vmem_shared>>
      %dma_wait3A_127 = arith.constant 0 : i32
      %dma_wait3A_128 = tpu.memref_slice %arg14[%add3A_24, %dma_wait3A_127] : memref<10240x16xf32, #tpu.memory_space<vmem_shared>> -> memref<128x16xf32, #tpu.memory_space<vmem_shared>>
      tpu.wait_dma2 semaphore(%run_scoped3A : memref<!tpu.dma_semaphore, #tpu.memory_space<semaphore_mem>>) src(%arg8 : memref<128x16xf32, #tpu.memory_space<vmem>>) dst(%dma_wait3A_128 : memref<128x16xf32, #tpu.memory_space<vmem_shared>>)
      tpu.yield
    }) : () -> ()
    %mul3A_25 = arith.constant 640 : i32
    %mul3A_26 = arith.muli %arg1, %mul3A_25 : i32
    %add3A_27 = arith.constant 384 : i32
    %add3A_28 = arith.addi %mul3A_26, %add3A_27 : i32
    "tpu.region"() ({
      %run_scoped3A = tpu.sem_alloc : memref<!tpu.dma_semaphore, #tpu.memory_space<semaphore_mem>>
      %dma_start3A_121 = arith.constant 0 : i32
      %dma_start3A_122 = tpu.memref_slice %arg14[%add3A_28, %dma_start3A_121] : memref<10240x16xf32, #tpu.memory_space<vmem_shared>> -> memref<128x16xf32, #tpu.memory_space<vmem_shared>>
      %dma_start3A_123 = arith.constant 0 : i32
      %dma_start3A_124 = tpu.memref_slice %arg14[%add3A_28, %dma_start3A_123] : memref<10240x16xf32, #tpu.memory_space<vmem_shared>> -> memref<128x16xf32, #tpu.memory_space<vmem_shared>>
      tpu.enqueue_dma source(%arg8 : memref<128x16xf32, #tpu.memory_space<vmem>>) target(%dma_start3A_124 : memref<128x16xf32, #tpu.memory_space<vmem_shared>>) target_semaphore(%run_scoped3A : memref<!tpu.dma_semaphore, #tpu.memory_space<semaphore_mem>>)
      %dma_wait3A_125 = arith.constant 0 : i32
      %dma_wait3A_126 = tpu.memref_slice %arg14[%add3A_28, %dma_wait3A_125] : memref<10240x16xf32, #tpu.memory_space<vmem_shared>> -> memref<128x16xf32, #tpu.memory_space<vmem_shared>>
      %dma_wait3A_127 = arith.constant 0 : i32
      %dma_wait3A_128 = tpu.memref_slice %arg14[%add3A_28, %dma_wait3A_127] : memref<10240x16xf32, #tpu.memory_space<vmem_shared>> -> memref<128x16xf32, #tpu.memory_space<vmem_shared>>
      tpu.wait_dma2 semaphore(%run_scoped3A : memref<!tpu.dma_semaphore, #tpu.memory_space<semaphore_mem>>) src(%arg8 : memref<128x16xf32, #tpu.memory_space<vmem>>) dst(%dma_wait3A_128 : memref<128x16xf32, #tpu.memory_space<vmem_shared>>)
      tpu.yield
    }) : () -> ()
    %mul3A_29 = arith.constant 640 : i32
    %mul3A_30 = arith.muli %arg1, %mul3A_29 : i32
    %add3A_31 = arith.constant 512 : i32
    %add3A_32 = arith.addi %mul3A_30, %add3A_31 : i32
    "tpu.region"() ({
      %run_scoped3A = tpu.sem_alloc : memref<!tpu.dma_semaphore, #tpu.memory_space<semaphore_mem>>
      %dma_start3A_121 = arith.constant 0 : i32
      %dma_start3A_122 = tpu.memref_slice %arg14[%add3A_32, %dma_start3A_121] : memref<10240x16xf32, #tpu.memory_space<vmem_shared>> -> memref<128x16xf32, #tpu.memory_space<vmem_shared>>
      %dma_start3A_123 = arith.constant 0 : i32
      %dma_start3A_124 = tpu.memref_slice %arg14[%add3A_32, %dma_start3A_123] : memref<10240x16xf32, #tpu.memory_space<vmem_shared>> -> memref<128x16xf32, #tpu.memory_space<vmem_shared>>
      tpu.enqueue_dma source(%arg8 : memref<128x16xf32, #tpu.memory_space<vmem>>) target(%dma_start3A_124 : memref<128x16xf32, #tpu.memory_space<vmem_shared>>) target_semaphore(%run_scoped3A : memref<!tpu.dma_semaphore, #tpu.memory_space<semaphore_mem>>)
      %dma_wait3A_125 = arith.constant 0 : i32
      %dma_wait3A_126 = tpu.memref_slice %arg14[%add3A_32, %dma_wait3A_125] : memref<10240x16xf32, #tpu.memory_space<vmem_shared>> -> memref<128x16xf32, #tpu.memory_space<vmem_shared>>
      %dma_wait3A_127 = arith.constant 0 : i32
      %dma_wait3A_128 = tpu.memref_slice %arg14[%add3A_32, %dma_wait3A_127] : memref<10240x16xf32, #tpu.memory_space<vmem_shared>> -> memref<128x16xf32, #tpu.memory_space<vmem_shared>>
      tpu.wait_dma2 semaphore(%run_scoped3A : memref<!tpu.dma_semaphore, #tpu.memory_space<semaphore_mem>>) src(%arg8 : memref<128x16xf32, #tpu.memory_space<vmem>>) dst(%dma_wait3A_128 : memref<128x16xf32, #tpu.memory_space<vmem_shared>>)
      tpu.yield
    }) : () -> ()
    %dma_wait3A = arith.constant 0 : i32
    %dma_wait3A_33 = arith.constant 0 : i32
    %dma_wait3A_34 = tpu.memref_slice %arg3[%add3A, %dma_wait3A, %dma_wait3A_33] : memref<32x84x128xi32, #tpu.memory_space<hbm>> -> memref<1x84x128xi32, #tpu.memory_space<hbm>>
    %dma_wait3A_35 = tpu.memref_squeeze %dma_wait3A_34 : memref<1x84x128xi32, #tpu.memory_space<hbm>> -> memref<84x128xi32, #tpu.memory_space<hbm>>
    %dma_wait3A_36 = arith.constant 0 : i32
    %dma_wait3A_37 = arith.constant 0 : i32
    %dma_wait3A_38 = tpu.memref_slice %arg3[%add3A, %dma_wait3A_36, %dma_wait3A_37] : memref<32x84x128xi32, #tpu.memory_space<hbm>> -> memref<1x84x128xi32, #tpu.memory_space<hbm>>
    %dma_wait3A_39 = tpu.memref_squeeze %dma_wait3A_38 : memref<1x84x128xi32, #tpu.memory_space<hbm>> -> memref<84x128xi32, #tpu.memory_space<hbm>>
    tpu.wait_dma2 semaphore(%arg15 : memref<!tpu.dma_semaphore, #tpu.memory_space<semaphore_mem>>) src(%dma_wait3A_39 : memref<84x128xi32, #tpu.memory_space<hbm>>) dst(%arg7 : memref<84x128xi32, #tpu.memory_space<vmem>>)
    %barrier3A = arith.constant 0 : index
    tpu.barrier barrier_id(%barrier3A)
    %dma_start3A_40 = arith.constant 0 : i32
    %dma_start3A_41 = arith.constant 0 : i32
    %dma_start3A_42 = tpu.memref_slice %arg6[%dma_start3A_40, %dma_start3A_41] : memref<84x128xi32, #tpu.memory_space<vmem>> -> memref<1x128xi32, #tpu.memory_space<vmem>>
    %dma_start3A_43 = tpu.memref_squeeze %dma_start3A_42 : memref<1x128xi32, #tpu.memory_space<vmem>> -> memref<128xi32, #tpu.memory_space<vmem>>
    %dma_start3A_44 = arith.constant 0 : i32
    %dma_start3A_45 = arith.constant 0 : i32
    %dma_start3A_46 = tpu.memref_slice %arg4[%dma_start3A_44, %dma_start3A_45] : memref<10000x16xf32, #tpu.memory_space<hbm>> -> memref<10000x16xf32, #tpu.memory_space<hbm>>
    tpu.enqueue_indirect_dma source(%dma_start3A_46 : memref<10000x16xf32, #tpu.memory_space<hbm>>) target(%arg8 : memref<128x16xf32, #tpu.memory_space<vmem>>) offsets(%dma_start3A_43 : memref<128xi32, #tpu.memory_space<vmem>>) semaphore(%arg16 : memref<!tpu.dma_semaphore, #tpu.memory_space<semaphore_mem>>)
    %dma_start3A_47 = arith.constant 1 : i32
    %dma_start3A_48 = arith.constant 0 : i32
    %dma_start3A_49 = tpu.memref_slice %arg6[%dma_start3A_47, %dma_start3A_48] : memref<84x128xi32, #tpu.memory_space<vmem>> -> memref<1x128xi32, #tpu.memory_space<vmem>>
    %dma_start3A_50 = tpu.memref_squeeze %dma_start3A_49 : memref<1x128xi32, #tpu.memory_space<vmem>> -> memref<128xi32, #tpu.memory_space<vmem>>
    %dma_start3A_51 = arith.constant 0 : i32
    %dma_start3A_52 = arith.constant 0 : i32
    %dma_start3A_53 = tpu.memref_slice %arg4[%dma_start3A_51, %dma_start3A_52] : memref<10000x16xf32, #tpu.memory_space<hbm>> -> memref<10000x16xf32, #tpu.memory_space<hbm>>
    tpu.enqueue_indirect_dma source(%dma_start3A_53 : memref<10000x16xf32, #tpu.memory_space<hbm>>) target(%arg9 : memref<128x16xf32, #tpu.memory_space<vmem>>) offsets(%dma_start3A_50 : memref<128xi32, #tpu.memory_space<vmem>>) semaphore(%arg17 : memref<!tpu.dma_semaphore, #tpu.memory_space<semaphore_mem>>)
    %dma_start3A_54 = arith.constant 2 : i32
    %dma_start3A_55 = arith.constant 0 : i32
    %dma_start3A_56 = tpu.memref_slice %arg6[%dma_start3A_54, %dma_start3A_55] : memref<84x128xi32, #tpu.memory_space<vmem>> -> memref<1x128xi32, #tpu.memory_space<vmem>>
    %dma_start3A_57 = tpu.memref_squeeze %dma_start3A_56 : memref<1x128xi32, #tpu.memory_space<vmem>> -> memref<128xi32, #tpu.memory_space<vmem>>
    %dma_start3A_58 = arith.constant 0 : i32
    %dma_start3A_59 = arith.constant 0 : i32
    %dma_start3A_60 = tpu.memref_slice %arg4[%dma_start3A_58, %dma_start3A_59] : memref<10000x16xf32, #tpu.memory_space<hbm>> -> memref<10000x16xf32, #tpu.memory_space<hbm>>
    tpu.enqueue_indirect_dma source(%dma_start3A_60 : memref<10000x16xf32, #tpu.memory_space<hbm>>) target(%arg10 : memref<128x16xf32, #tpu.memory_space<vmem>>) offsets(%dma_start3A_57 : memref<128xi32, #tpu.memory_space<vmem>>) semaphore(%arg18 : memref<!tpu.dma_semaphore, #tpu.memory_space<semaphore_mem>>)
    %dma_start3A_61 = arith.constant 3 : i32
    %dma_start3A_62 = arith.constant 0 : i32
    %dma_start3A_63 = tpu.memref_slice %arg6[%dma_start3A_61, %dma_start3A_62] : memref<84x128xi32, #tpu.memory_space<vmem>> -> memref<1x128xi32, #tpu.memory_space<vmem>>
    %dma_start3A_64 = tpu.memref_squeeze %dma_start3A_63 : memref<1x128xi32, #tpu.memory_space<vmem>> -> memref<128xi32, #tpu.memory_space<vmem>>
    %dma_start3A_65 = arith.constant 0 : i32
    %dma_start3A_66 = arith.constant 0 : i32
    %dma_start3A_67 = tpu.memref_slice %arg4[%dma_start3A_65, %dma_start3A_66] : memref<10000x16xf32, #tpu.memory_space<hbm>> -> memref<10000x16xf32, #tpu.memory_space<hbm>>
    tpu.enqueue_indirect_dma source(%dma_start3A_67 : memref<10000x16xf32, #tpu.memory_space<hbm>>) target(%arg11 : memref<128x16xf32, #tpu.memory_space<vmem>>) offsets(%dma_start3A_64 : memref<128xi32, #tpu.memory_space<vmem>>) semaphore(%arg19 : memref<!tpu.dma_semaphore, #tpu.memory_space<semaphore_mem>>)
    %scan3A_68 = arith.constant 0 : i32
    %scan3A_69 = arith.constant 0 : i32
    %scan3A_70 = arith.constant 14 : i32
    %scan3A_71 = arith.addi %scan3A_69, %scan3A_70 : i32
    %scan3A_72 = arith.constant 1 : i32
    scf.for %scan3A_121 = %scan3A_69 to %scan3A_71 step %scan3A_72  : i32 {
      %mul3A_122 = arith.constant 6 : i32
      %mul3A_123 = arith.muli %scan3A_121, %mul3A_122 : i32
      %add3A_124 = arith.constant 0 : i32
      %add3A_125 = arith.addi %mul3A_123, %add3A_124 : i32
      %add3A_126 = arith.constant 4 : i32
      %add3A_127 = arith.addi %add3A_125, %add3A_126 : i32
      %lt3A = arith.constant 84 : i32
      %lt3A_128 = arith.cmpi slt, %add3A_127, %lt3A : i32
      %convert_element_type3A = arith.extui %lt3A_128 : i1 to i32
      %cond3A = arith.constant 0 : i32
      %cond3A_129 = arith.cmpi ne, %convert_element_type3A, %cond3A : i32
      scf.if %cond3A_129 {
        %ge3A = arith.constant 6 : i32
        %ge3A_257 = arith.cmpi sge, %add3A_127, %ge3A : i32
        %convert_element_type3A_258 = arith.extui %ge3A_257 : i1 to i32
        %cond3A_259 = arith.constant 0 : i32
        %cond3A_260 = arith.cmpi ne, %convert_element_type3A_258, %cond3A_259 : i32
        scf.if %cond3A_260 {
          %sub3A = arith.constant 6 : i32
          %sub3A_267 = arith.subi %add3A_127, %sub3A : i32
          %dma_wait3A_268 = arith.constant 0 : i32
          %dma_wait3A_269 = tpu.memref_slice %arg7[%sub3A_267, %dma_wait3A_268] : memref<84x128xi32, #tpu.memory_space<vmem>> -> memref<1x128xi32, #tpu.memory_space<vmem>>
          %dma_wait3A_270 = tpu.memref_squeeze %dma_wait3A_269 : memref<1x128xi32, #tpu.memory_space<vmem>> -> memref<128xi32, #tpu.memory_space<vmem>>
          %dma_wait3A_271 = arith.constant 0 : i32
          %dma_wait3A_272 = arith.constant 0 : i32
          %dma_wait3A_273 = tpu.memref_slice %arg14[%dma_wait3A_271, %dma_wait3A_272] : memref<10240x16xf32, #tpu.memory_space<vmem_shared>> -> memref<10240x16xf32, #tpu.memory_space<vmem_shared>>
          tpu.wait_indirect_dma semaphore(%arg26 : memref<!tpu.dma_semaphore, #tpu.memory_space<semaphore_mem>>) src(%arg12 : memref<128x16xf32, #tpu.memory_space<vmem>>) dst(%dma_wait3A_273 : memref<10240x16xf32, #tpu.memory_space<vmem_shared>>)
        } else {
        }
        %dma_start3A_261 = arith.constant 0 : i32
        %dma_start3A_262 = tpu.memref_slice %arg6[%add3A_127, %dma_start3A_261] : memref<84x128xi32, #tpu.memory_space<vmem>> -> memref<1x128xi32, #tpu.memory_space<vmem>>
        %dma_start3A_263 = tpu.memref_squeeze %dma_start3A_262 : memref<1x128xi32, #tpu.memory_space<vmem>> -> memref<128xi32, #tpu.memory_space<vmem>>
        %dma_start3A_264 = arith.constant 0 : i32
        %dma_start3A_265 = arith.constant 0 : i32
        %dma_start3A_266 = tpu.memref_slice %arg4[%dma_start3A_264, %dma_start3A_265] : memref<10000x16xf32, #tpu.memory_space<hbm>> -> memref<10000x16xf32, #tpu.memory_space<hbm>>
        tpu.enqueue_indirect_dma source(%dma_start3A_266 : memref<10000x16xf32, #tpu.memory_space<hbm>>) target(%arg12 : memref<128x16xf32, #tpu.memory_space<vmem>>) offsets(%dma_start3A_263 : memref<128xi32, #tpu.memory_space<vmem>>) semaphore(%arg20 : memref<!tpu.dma_semaphore, #tpu.memory_space<semaphore_mem>>)
      } else {
      }
      %dma_wait3A_130 = arith.constant 0 : i32
      %dma_wait3A_131 = tpu.memref_slice %arg6[%add3A_125, %dma_wait3A_130] : memref<84x128xi32, #tpu.memory_space<vmem>> -> memref<1x128xi32, #tpu.memory_space<vmem>>
      %dma_wait3A_132 = tpu.memref_squeeze %dma_wait3A_131 : memref<1x128xi32, #tpu.memory_space<vmem>> -> memref<128xi32, #tpu.memory_space<vmem>>
      %dma_wait3A_133 = arith.constant 0 : i32
      %dma_wait3A_134 = arith.constant 0 : i32
      %dma_wait3A_135 = tpu.memref_slice %arg4[%dma_wait3A_133, %dma_wait3A_134] : memref<10000x16xf32, #tpu.memory_space<hbm>> -> memref<10000x16xf32, #tpu.memory_space<hbm>>
      tpu.wait_indirect_dma semaphore(%arg16 : memref<!tpu.dma_semaphore, #tpu.memory_space<semaphore_mem>>) src(%dma_wait3A_135 : memref<10000x16xf32, #tpu.memory_space<hbm>>) dst(%arg8 : memref<128x16xf32, #tpu.memory_space<vmem>>)
      %dma_start3A_136 = arith.constant 0 : i32
      %dma_start3A_137 = tpu.memref_slice %arg7[%add3A_125, %dma_start3A_136] : memref<84x128xi32, #tpu.memory_space<vmem>> -> memref<1x128xi32, #tpu.memory_space<vmem>>
      %dma_start3A_138 = tpu.memref_squeeze %dma_start3A_137 : memref<1x128xi32, #tpu.memory_space<vmem>> -> memref<128xi32, #tpu.memory_space<vmem>>
      %dma_start3A_139 = arith.constant 0 : i32
      %dma_start3A_140 = arith.constant 0 : i32
      %dma_start3A_141 = tpu.memref_slice %arg14[%dma_start3A_139, %dma_start3A_140] : memref<10240x16xf32, #tpu.memory_space<vmem_shared>> -> memref<10240x16xf32, #tpu.memory_space<vmem_shared>>
      tpu.enqueue_indirect_dma source(%arg8 : memref<128x16xf32, #tpu.memory_space<vmem>>) target(%dma_start3A_141 : memref<10240x16xf32, #tpu.memory_space<vmem_shared>>) offsets(%dma_start3A_138 : memref<128xi32, #tpu.memory_space<vmem>>) semaphore(%arg22 : memref<!tpu.dma_semaphore, #tpu.memory_space<semaphore_mem>>) {add = true}
      %mul3A_142 = arith.constant 6 : i32
      %mul3A_143 = arith.muli %scan3A_121, %mul3A_142 : i32
      %add3A_144 = arith.constant 1 : i32
      %add3A_145 = arith.addi %mul3A_143, %add3A_144 : i32
      %add3A_146 = arith.constant 4 : i32
      %add3A_147 = arith.addi %add3A_145, %add3A_146 : i32
      %lt3A_148 = arith.constant 84 : i32
      %lt3A_149 = arith.cmpi slt, %add3A_147, %lt3A_148 : i32
      %convert_element_type3A_150 = arith.extui %lt3A_149 : i1 to i32
      %cond3A_151 = arith.constant 0 : i32
      %cond3A_152 = arith.cmpi ne, %convert_element_type3A_150, %cond3A_151 : i32
      scf.if %cond3A_152 {
        %ge3A = arith.constant 6 : i32
        %ge3A_257 = arith.cmpi sge, %add3A_147, %ge3A : i32
        %convert_element_type3A_258 = arith.extui %ge3A_257 : i1 to i32
        %cond3A_259 = arith.constant 0 : i32
        %cond3A_260 = arith.cmpi ne, %convert_element_type3A_258, %cond3A_259 : i32
        scf.if %cond3A_260 {
          %sub3A = arith.constant 6 : i32
          %sub3A_267 = arith.subi %add3A_147, %sub3A : i32
          %dma_wait3A_268 = arith.constant 0 : i32
          %dma_wait3A_269 = tpu.memref_slice %arg7[%sub3A_267, %dma_wait3A_268] : memref<84x128xi32, #tpu.memory_space<vmem>> -> memref<1x128xi32, #tpu.memory_space<vmem>>
          %dma_wait3A_270 = tpu.memref_squeeze %dma_wait3A_269 : memref<1x128xi32, #tpu.memory_space<vmem>> -> memref<128xi32, #tpu.memory_space<vmem>>
          %dma_wait3A_271 = arith.constant 0 : i32
          %dma_wait3A_272 = arith.constant 0 : i32
          %dma_wait3A_273 = tpu.memref_slice %arg14[%dma_wait3A_271, %dma_wait3A_272] : memref<10240x16xf32, #tpu.memory_space<vmem_shared>> -> memref<10240x16xf32, #tpu.memory_space<vmem_shared>>
          tpu.wait_indirect_dma semaphore(%arg27 : memref<!tpu.dma_semaphore, #tpu.memory_space<semaphore_mem>>) src(%arg13 : memref<128x16xf32, #tpu.memory_space<vmem>>) dst(%dma_wait3A_273 : memref<10240x16xf32, #tpu.memory_space<vmem_shared>>)
        } else {
        }
        %dma_start3A_261 = arith.constant 0 : i32
        %dma_start3A_262 = tpu.memref_slice %arg6[%add3A_147, %dma_start3A_261] : memref<84x128xi32, #tpu.memory_space<vmem>> -> memref<1x128xi32, #tpu.memory_space<vmem>>
        %dma_start3A_263 = tpu.memref_squeeze %dma_start3A_262 : memref<1x128xi32, #tpu.memory_space<vmem>> -> memref<128xi32, #tpu.memory_space<vmem>>
        %dma_start3A_264 = arith.constant 0 : i32
        %dma_start3A_265 = arith.constant 0 : i32
        %dma_start3A_266 = tpu.memref_slice %arg4[%dma_start3A_264, %dma_start3A_265] : memref<10000x16xf32, #tpu.memory_space<hbm>> -> memref<10000x16xf32, #tpu.memory_space<hbm>>
        tpu.enqueue_indirect_dma source(%dma_start3A_266 : memref<10000x16xf32, #tpu.memory_space<hbm>>) target(%arg13 : memref<128x16xf32, #tpu.memory_space<vmem>>) offsets(%dma_start3A_263 : memref<128xi32, #tpu.memory_space<vmem>>) semaphore(%arg21 : memref<!tpu.dma_semaphore, #tpu.memory_space<semaphore_mem>>)
      } else {
      }
      %dma_wait3A_153 = arith.constant 0 : i32
      %dma_wait3A_154 = tpu.memref_slice %arg6[%add3A_145, %dma_wait3A_153] : memref<84x128xi32, #tpu.memory_space<vmem>> -> memref<1x128xi32, #tpu.memory_space<vmem>>
      %dma_wait3A_155 = tpu.memref_squeeze %dma_wait3A_154 : memref<1x128xi32, #tpu.memory_space<vmem>> -> memref<128xi32, #tpu.memory_space<vmem>>
      %dma_wait3A_156 = arith.constant 0 : i32
      %dma_wait3A_157 = arith.constant 0 : i32
      %dma_wait3A_158 = tpu.memref_slice %arg4[%dma_wait3A_156, %dma_wait3A_157] : memref<10000x16xf32, #tpu.memory_space<hbm>> -> memref<10000x16xf32, #tpu.memory_space<hbm>>
      tpu.wait_indirect_dma semaphore(%arg17 : memref<!tpu.dma_semaphore, #tpu.memory_space<semaphore_mem>>) src(%dma_wait3A_158 : memref<10000x16xf32, #tpu.memory_space<hbm>>) dst(%arg9 : memref<128x16xf32, #tpu.memory_space<vmem>>)
      %dma_start3A_159 = arith.constant 0 : i32
      %dma_start3A_160 = tpu.memref_slice %arg7[%add3A_145, %dma_start3A_159] : memref<84x128xi32, #tpu.memory_space<vmem>> -> memref<1x128xi32, #tpu.memory_space<vmem>>
      %dma_start3A_161 = tpu.memref_squeeze %dma_start3A_160 : memref<1x128xi32, #tpu.memory_space<vmem>> -> memref<128xi32, #tpu.memory_space<vmem>>
      %dma_start3A_162 = arith.constant 0 : i32
      %dma_start3A_163 = arith.constant 0 : i32
      %dma_start3A_164 = tpu.memref_slice %arg14[%dma_start3A_162, %dma_start3A_163] : memref<10240x16xf32, #tpu.memory_space<vmem_shared>> -> memref<10240x16xf32, #tpu.memory_space<vmem_shared>>
      tpu.enqueue_indirect_dma source(%arg9 : memref<128x16xf32, #tpu.memory_space<vmem>>) target(%dma_start3A_164 : memref<10240x16xf32, #tpu.memory_space<vmem_shared>>) offsets(%dma_start3A_161 : memref<128xi32, #tpu.memory_space<vmem>>) semaphore(%arg23 : memref<!tpu.dma_semaphore, #tpu.memory_space<semaphore_mem>>) {add = true}
      %mul3A_165 = arith.constant 6 : i32
      %mul3A_166 = arith.muli %scan3A_121, %mul3A_165 : i32
      %add3A_167 = arith.constant 2 : i32
      %add3A_168 = arith.addi %mul3A_166, %add3A_167 : i32
      %add3A_169 = arith.constant 4 : i32
      %add3A_170 = arith.addi %add3A_168, %add3A_169 : i32
      %lt3A_171 = arith.constant 84 : i32
      %lt3A_172 = arith.cmpi slt, %add3A_170, %lt3A_171 : i32
      %convert_element_type3A_173 = arith.extui %lt3A_172 : i1 to i32
      %cond3A_174 = arith.constant 0 : i32
      %cond3A_175 = arith.cmpi ne, %convert_element_type3A_173, %cond3A_174 : i32
      scf.if %cond3A_175 {
        %ge3A = arith.constant 6 : i32
        %ge3A_257 = arith.cmpi sge, %add3A_170, %ge3A : i32
        %convert_element_type3A_258 = arith.extui %ge3A_257 : i1 to i32
        %cond3A_259 = arith.constant 0 : i32
        %cond3A_260 = arith.cmpi ne, %convert_element_type3A_258, %cond3A_259 : i32
        scf.if %cond3A_260 {
          %sub3A = arith.constant 6 : i32
          %sub3A_267 = arith.subi %add3A_170, %sub3A : i32
          %dma_wait3A_268 = arith.constant 0 : i32
          %dma_wait3A_269 = tpu.memref_slice %arg7[%sub3A_267, %dma_wait3A_268] : memref<84x128xi32, #tpu.memory_space<vmem>> -> memref<1x128xi32, #tpu.memory_space<vmem>>
          %dma_wait3A_270 = tpu.memref_squeeze %dma_wait3A_269 : memref<1x128xi32, #tpu.memory_space<vmem>> -> memref<128xi32, #tpu.memory_space<vmem>>
          %dma_wait3A_271 = arith.constant 0 : i32
          %dma_wait3A_272 = arith.constant 0 : i32
          %dma_wait3A_273 = tpu.memref_slice %arg14[%dma_wait3A_271, %dma_wait3A_272] : memref<10240x16xf32, #tpu.memory_space<vmem_shared>> -> memref<10240x16xf32, #tpu.memory_space<vmem_shared>>
          tpu.wait_indirect_dma semaphore(%arg22 : memref<!tpu.dma_semaphore, #tpu.memory_space<semaphore_mem>>) src(%arg8 : memref<128x16xf32, #tpu.memory_space<vmem>>) dst(%dma_wait3A_273 : memref<10240x16xf32, #tpu.memory_space<vmem_shared>>)
        } else {
        }
        %dma_start3A_261 = arith.constant 0 : i32
        %dma_start3A_262 = tpu.memref_slice %arg6[%add3A_170, %dma_start3A_261] : memref<84x128xi32, #tpu.memory_space<vmem>> -> memref<1x128xi32, #tpu.memory_space<vmem>>
        %dma_start3A_263 = tpu.memref_squeeze %dma_start3A_262 : memref<1x128xi32, #tpu.memory_space<vmem>> -> memref<128xi32, #tpu.memory_space<vmem>>
        %dma_start3A_264 = arith.constant 0 : i32
        %dma_start3A_265 = arith.constant 0 : i32
        %dma_start3A_266 = tpu.memref_slice %arg4[%dma_start3A_264, %dma_start3A_265] : memref<10000x16xf32, #tpu.memory_space<hbm>> -> memref<10000x16xf32, #tpu.memory_space<hbm>>
        tpu.enqueue_indirect_dma source(%dma_start3A_266 : memref<10000x16xf32, #tpu.memory_space<hbm>>) target(%arg8 : memref<128x16xf32, #tpu.memory_space<vmem>>) offsets(%dma_start3A_263 : memref<128xi32, #tpu.memory_space<vmem>>) semaphore(%arg16 : memref<!tpu.dma_semaphore, #tpu.memory_space<semaphore_mem>>)
      } else {
      }
      %dma_wait3A_176 = arith.constant 0 : i32
      %dma_wait3A_177 = tpu.memref_slice %arg6[%add3A_168, %dma_wait3A_176] : memref<84x128xi32, #tpu.memory_space<vmem>> -> memref<1x128xi32, #tpu.memory_space<vmem>>
      %dma_wait3A_178 = tpu.memref_squeeze %dma_wait3A_177 : memref<1x128xi32, #tpu.memory_space<vmem>> -> memref<128xi32, #tpu.memory_space<vmem>>
      %dma_wait3A_179 = arith.constant 0 : i32
      %dma_wait3A_180 = arith.constant 0 : i32
      %dma_wait3A_181 = tpu.memref_slice %arg4[%dma_wait3A_179, %dma_wait3A_180] : memref<10000x16xf32, #tpu.memory_space<hbm>> -> memref<10000x16xf32, #tpu.memory_space<hbm>>
      tpu.wait_indirect_dma semaphore(%arg18 : memref<!tpu.dma_semaphore, #tpu.memory_space<semaphore_mem>>) src(%dma_wait3A_181 : memref<10000x16xf32, #tpu.memory_space<hbm>>) dst(%arg10 : memref<128x16xf32, #tpu.memory_space<vmem>>)
      %dma_start3A_182 = arith.constant 0 : i32
      %dma_start3A_183 = tpu.memref_slice %arg7[%add3A_168, %dma_start3A_182] : memref<84x128xi32, #tpu.memory_space<vmem>> -> memref<1x128xi32, #tpu.memory_space<vmem>>
      %dma_start3A_184 = tpu.memref_squeeze %dma_start3A_183 : memref<1x128xi32, #tpu.memory_space<vmem>> -> memref<128xi32, #tpu.memory_space<vmem>>
      %dma_start3A_185 = arith.constant 0 : i32
      %dma_start3A_186 = arith.constant 0 : i32
      %dma_start3A_187 = tpu.memref_slice %arg14[%dma_start3A_185, %dma_start3A_186] : memref<10240x16xf32, #tpu.memory_space<vmem_shared>> -> memref<10240x16xf32, #tpu.memory_space<vmem_shared>>
      tpu.enqueue_indirect_dma source(%arg10 : memref<128x16xf32, #tpu.memory_space<vmem>>) target(%dma_start3A_187 : memref<10240x16xf32, #tpu.memory_space<vmem_shared>>) offsets(%dma_start3A_184 : memref<128xi32, #tpu.memory_space<vmem>>) semaphore(%arg24 : memref<!tpu.dma_semaphore, #tpu.memory_space<semaphore_mem>>) {add = true}
      %mul3A_188 = arith.constant 6 : i32
      %mul3A_189 = arith.muli %scan3A_121, %mul3A_188 : i32
      %add3A_190 = arith.constant 3 : i32
      %add3A_191 = arith.addi %mul3A_189, %add3A_190 : i32
      %add3A_192 = arith.constant 4 : i32
      %add3A_193 = arith.addi %add3A_191, %add3A_192 : i32
      %lt3A_194 = arith.constant 84 : i32
      %lt3A_195 = arith.cmpi slt, %add3A_193, %lt3A_194 : i32
      %convert_element_type3A_196 = arith.extui %lt3A_195 : i1 to i32
      %cond3A_197 = arith.constant 0 : i32
      %cond3A_198 = arith.cmpi ne, %convert_element_type3A_196, %cond3A_197 : i32
      scf.if %cond3A_198 {
        %ge3A = arith.constant 6 : i32
        %ge3A_257 = arith.cmpi sge, %add3A_193, %ge3A : i32
        %convert_element_type3A_258 = arith.extui %ge3A_257 : i1 to i32
        %cond3A_259 = arith.constant 0 : i32
        %cond3A_260 = arith.cmpi ne, %convert_element_type3A_258, %cond3A_259 : i32
        scf.if %cond3A_260 {
          %sub3A = arith.constant 6 : i32
          %sub3A_267 = arith.subi %add3A_193, %sub3A : i32
          %dma_wait3A_268 = arith.constant 0 : i32
          %dma_wait3A_269 = tpu.memref_slice %arg7[%sub3A_267, %dma_wait3A_268] : memref<84x128xi32, #tpu.memory_space<vmem>> -> memref<1x128xi32, #tpu.memory_space<vmem>>
          %dma_wait3A_270 = tpu.memref_squeeze %dma_wait3A_269 : memref<1x128xi32, #tpu.memory_space<vmem>> -> memref<128xi32, #tpu.memory_space<vmem>>
          %dma_wait3A_271 = arith.constant 0 : i32
          %dma_wait3A_272 = arith.constant 0 : i32
          %dma_wait3A_273 = tpu.memref_slice %arg14[%dma_wait3A_271, %dma_wait3A_272] : memref<10240x16xf32, #tpu.memory_space<vmem_shared>> -> memref<10240x16xf32, #tpu.memory_space<vmem_shared>>
          tpu.wait_indirect_dma semaphore(%arg23 : memref<!tpu.dma_semaphore, #tpu.memory_space<semaphore_mem>>) src(%arg9 : memref<128x16xf32, #tpu.memory_space<vmem>>) dst(%dma_wait3A_273 : memref<10240x16xf32, #tpu.memory_space<vmem_shared>>)
        } else {
        }
        %dma_start3A_261 = arith.constant 0 : i32
        %dma_start3A_262 = tpu.memref_slice %arg6[%add3A_193, %dma_start3A_261] : memref<84x128xi32, #tpu.memory_space<vmem>> -> memref<1x128xi32, #tpu.memory_space<vmem>>
        %dma_start3A_263 = tpu.memref_squeeze %dma_start3A_262 : memref<1x128xi32, #tpu.memory_space<vmem>> -> memref<128xi32, #tpu.memory_space<vmem>>
        %dma_start3A_264 = arith.constant 0 : i32
        %dma_start3A_265 = arith.constant 0 : i32
        %dma_start3A_266 = tpu.memref_slice %arg4[%dma_start3A_264, %dma_start3A_265] : memref<10000x16xf32, #tpu.memory_space<hbm>> -> memref<10000x16xf32, #tpu.memory_space<hbm>>
        tpu.enqueue_indirect_dma source(%dma_start3A_266 : memref<10000x16xf32, #tpu.memory_space<hbm>>) target(%arg9 : memref<128x16xf32, #tpu.memory_space<vmem>>) offsets(%dma_start3A_263 : memref<128xi32, #tpu.memory_space<vmem>>) semaphore(%arg17 : memref<!tpu.dma_semaphore, #tpu.memory_space<semaphore_mem>>)
      } else {
      }
      %dma_wait3A_199 = arith.constant 0 : i32
      %dma_wait3A_200 = tpu.memref_slice %arg6[%add3A_191, %dma_wait3A_199] : memref<84x128xi32, #tpu.memory_space<vmem>> -> memref<1x128xi32, #tpu.memory_space<vmem>>
      %dma_wait3A_201 = tpu.memref_squeeze %dma_wait3A_200 : memref<1x128xi32, #tpu.memory_space<vmem>> -> memref<128xi32, #tpu.memory_space<vmem>>
      %dma_wait3A_202 = arith.constant 0 : i32
      %dma_wait3A_203 = arith.constant 0 : i32
      %dma_wait3A_204 = tpu.memref_slice %arg4[%dma_wait3A_202, %dma_wait3A_203] : memref<10000x16xf32, #tpu.memory_space<hbm>> -> memref<10000x16xf32, #tpu.memory_space<hbm>>
      tpu.wait_indirect_dma semaphore(%arg19 : memref<!tpu.dma_semaphore, #tpu.memory_space<semaphore_mem>>) src(%dma_wait3A_204 : memref<10000x16xf32, #tpu.memory_space<hbm>>) dst(%arg11 : memref<128x16xf32, #tpu.memory_space<vmem>>)
      %dma_start3A_205 = arith.constant 0 : i32
      %dma_start3A_206 = tpu.memref_slice %arg7[%add3A_191, %dma_start3A_205] : memref<84x128xi32, #tpu.memory_space<vmem>> -> memref<1x128xi32, #tpu.memory_space<vmem>>
      %dma_start3A_207 = tpu.memref_squeeze %dma_start3A_206 : memref<1x128xi32, #tpu.memory_space<vmem>> -> memref<128xi32, #tpu.memory_space<vmem>>
      %dma_start3A_208 = arith.constant 0 : i32
      %dma_start3A_209 = arith.constant 0 : i32
      %dma_start3A_210 = tpu.memref_slice %arg14[%dma_start3A_208, %dma_start3A_209] : memref<10240x16xf32, #tpu.memory_space<vmem_shared>> -> memref<10240x16xf32, #tpu.memory_space<vmem_shared>>
      tpu.enqueue_indirect_dma source(%arg11 : memref<128x16xf32, #tpu.memory_space<vmem>>) target(%dma_start3A_210 : memref<10240x16xf32, #tpu.memory_space<vmem_shared>>) offsets(%dma_start3A_207 : memref<128xi32, #tpu.memory_space<vmem>>) semaphore(%arg25 : memref<!tpu.dma_semaphore, #tpu.memory_space<semaphore_mem>>) {add = true}
      %mul3A_211 = arith.constant 6 : i32
      %mul3A_212 = arith.muli %scan3A_121, %mul3A_211 : i32
      %add3A_213 = arith.constant 4 : i32
      %add3A_214 = arith.addi %mul3A_212, %add3A_213 : i32
      %add3A_215 = arith.constant 4 : i32
      %add3A_216 = arith.addi %add3A_214, %add3A_215 : i32
      %lt3A_217 = arith.constant 84 : i32
      %lt3A_218 = arith.cmpi slt, %add3A_216, %lt3A_217 : i32
      %convert_element_type3A_219 = arith.extui %lt3A_218 : i1 to i32
      %cond3A_220 = arith.constant 0 : i32
      %cond3A_221 = arith.cmpi ne, %convert_element_type3A_219, %cond3A_220 : i32
      scf.if %cond3A_221 {
        %ge3A = arith.constant 6 : i32
        %ge3A_257 = arith.cmpi sge, %add3A_216, %ge3A : i32
        %convert_element_type3A_258 = arith.extui %ge3A_257 : i1 to i32
        %cond3A_259 = arith.constant 0 : i32
        %cond3A_260 = arith.cmpi ne, %convert_element_type3A_258, %cond3A_259 : i32
        scf.if %cond3A_260 {
          %sub3A = arith.constant 6 : i32
          %sub3A_267 = arith.subi %add3A_216, %sub3A : i32
          %dma_wait3A_268 = arith.constant 0 : i32
          %dma_wait3A_269 = tpu.memref_slice %arg7[%sub3A_267, %dma_wait3A_268] : memref<84x128xi32, #tpu.memory_space<vmem>> -> memref<1x128xi32, #tpu.memory_space<vmem>>
          %dma_wait3A_270 = tpu.memref_squeeze %dma_wait3A_269 : memref<1x128xi32, #tpu.memory_space<vmem>> -> memref<128xi32, #tpu.memory_space<vmem>>
          %dma_wait3A_271 = arith.constant 0 : i32
          %dma_wait3A_272 = arith.constant 0 : i32
          %dma_wait3A_273 = tpu.memref_slice %arg14[%dma_wait3A_271, %dma_wait3A_272] : memref<10240x16xf32, #tpu.memory_space<vmem_shared>> -> memref<10240x16xf32, #tpu.memory_space<vmem_shared>>
          tpu.wait_indirect_dma semaphore(%arg24 : memref<!tpu.dma_semaphore, #tpu.memory_space<semaphore_mem>>) src(%arg10 : memref<128x16xf32, #tpu.memory_space<vmem>>) dst(%dma_wait3A_273 : memref<10240x16xf32, #tpu.memory_space<vmem_shared>>)
        } else {
        }
        %dma_start3A_261 = arith.constant 0 : i32
        %dma_start3A_262 = tpu.memref_slice %arg6[%add3A_216, %dma_start3A_261] : memref<84x128xi32, #tpu.memory_space<vmem>> -> memref<1x128xi32, #tpu.memory_space<vmem>>
        %dma_start3A_263 = tpu.memref_squeeze %dma_start3A_262 : memref<1x128xi32, #tpu.memory_space<vmem>> -> memref<128xi32, #tpu.memory_space<vmem>>
        %dma_start3A_264 = arith.constant 0 : i32
        %dma_start3A_265 = arith.constant 0 : i32
        %dma_start3A_266 = tpu.memref_slice %arg4[%dma_start3A_264, %dma_start3A_265] : memref<10000x16xf32, #tpu.memory_space<hbm>> -> memref<10000x16xf32, #tpu.memory_space<hbm>>
        tpu.enqueue_indirect_dma source(%dma_start3A_266 : memref<10000x16xf32, #tpu.memory_space<hbm>>) target(%arg10 : memref<128x16xf32, #tpu.memory_space<vmem>>) offsets(%dma_start3A_263 : memref<128xi32, #tpu.memory_space<vmem>>) semaphore(%arg18 : memref<!tpu.dma_semaphore, #tpu.memory_space<semaphore_mem>>)
      } else {
      }
      %dma_wait3A_222 = arith.constant 0 : i32
      %dma_wait3A_223 = tpu.memref_slice %arg6[%add3A_214, %dma_wait3A_222] : memref<84x128xi32, #tpu.memory_space<vmem>> -> memref<1x128xi32, #tpu.memory_space<vmem>>
      %dma_wait3A_224 = tpu.memref_squeeze %dma_wait3A_223 : memref<1x128xi32, #tpu.memory_space<vmem>> -> memref<128xi32, #tpu.memory_space<vmem>>
      %dma_wait3A_225 = arith.constant 0 : i32
      %dma_wait3A_226 = arith.constant 0 : i32
      %dma_wait3A_227 = tpu.memref_slice %arg4[%dma_wait3A_225, %dma_wait3A_226] : memref<10000x16xf32, #tpu.memory_space<hbm>> -> memref<10000x16xf32, #tpu.memory_space<hbm>>
      tpu.wait_indirect_dma semaphore(%arg20 : memref<!tpu.dma_semaphore, #tpu.memory_space<semaphore_mem>>) src(%dma_wait3A_227 : memref<10000x16xf32, #tpu.memory_space<hbm>>) dst(%arg12 : memref<128x16xf32, #tpu.memory_space<vmem>>)
      %dma_start3A_228 = arith.constant 0 : i32
      %dma_start3A_229 = tpu.memref_slice %arg7[%add3A_214, %dma_start3A_228] : memref<84x128xi32, #tpu.memory_space<vmem>> -> memref<1x128xi32, #tpu.memory_space<vmem>>
      %dma_start3A_230 = tpu.memref_squeeze %dma_start3A_229 : memref<1x128xi32, #tpu.memory_space<vmem>> -> memref<128xi32, #tpu.memory_space<vmem>>
      %dma_start3A_231 = arith.constant 0 : i32
      %dma_start3A_232 = arith.constant 0 : i32
      %dma_start3A_233 = tpu.memref_slice %arg14[%dma_start3A_231, %dma_start3A_232] : memref<10240x16xf32, #tpu.memory_space<vmem_shared>> -> memref<10240x16xf32, #tpu.memory_space<vmem_shared>>
      tpu.enqueue_indirect_dma source(%arg12 : memref<128x16xf32, #tpu.memory_space<vmem>>) target(%dma_start3A_233 : memref<10240x16xf32, #tpu.memory_space<vmem_shared>>) offsets(%dma_start3A_230 : memref<128xi32, #tpu.memory_space<vmem>>) semaphore(%arg26 : memref<!tpu.dma_semaphore, #tpu.memory_space<semaphore_mem>>) {add = true}
      %mul3A_234 = arith.constant 6 : i32
      %mul3A_235 = arith.muli %scan3A_121, %mul3A_234 : i32
      %add3A_236 = arith.constant 5 : i32
      %add3A_237 = arith.addi %mul3A_235, %add3A_236 : i32
      %add3A_238 = arith.constant 4 : i32
      %add3A_239 = arith.addi %add3A_237, %add3A_238 : i32
      %lt3A_240 = arith.constant 84 : i32
      %lt3A_241 = arith.cmpi slt, %add3A_239, %lt3A_240 : i32
      %convert_element_type3A_242 = arith.extui %lt3A_241 : i1 to i32
      %cond3A_243 = arith.constant 0 : i32
      %cond3A_244 = arith.cmpi ne, %convert_element_type3A_242, %cond3A_243 : i32
      scf.if %cond3A_244 {
        %ge3A = arith.constant 6 : i32
        %ge3A_257 = arith.cmpi sge, %add3A_239, %ge3A : i32
        %convert_element_type3A_258 = arith.extui %ge3A_257 : i1 to i32
        %cond3A_259 = arith.constant 0 : i32
        %cond3A_260 = arith.cmpi ne, %convert_element_type3A_258, %cond3A_259 : i32
        scf.if %cond3A_260 {
          %sub3A = arith.constant 6 : i32
          %sub3A_267 = arith.subi %add3A_239, %sub3A : i32
          %dma_wait3A_268 = arith.constant 0 : i32
          %dma_wait3A_269 = tpu.memref_slice %arg7[%sub3A_267, %dma_wait3A_268] : memref<84x128xi32, #tpu.memory_space<vmem>> -> memref<1x128xi32, #tpu.memory_space<vmem>>
          %dma_wait3A_270 = tpu.memref_squeeze %dma_wait3A_269 : memref<1x128xi32, #tpu.memory_space<vmem>> -> memref<128xi32, #tpu.memory_space<vmem>>
          %dma_wait3A_271 = arith.constant 0 : i32
          %dma_wait3A_272 = arith.constant 0 : i32
          %dma_wait3A_273 = tpu.memref_slice %arg14[%dma_wait3A_271, %dma_wait3A_272] : memref<10240x16xf32, #tpu.memory_space<vmem_shared>> -> memref<10240x16xf32, #tpu.memory_space<vmem_shared>>
          tpu.wait_indirect_dma semaphore(%arg25 : memref<!tpu.dma_semaphore, #tpu.memory_space<semaphore_mem>>) src(%arg11 : memref<128x16xf32, #tpu.memory_space<vmem>>) dst(%dma_wait3A_273 : memref<10240x16xf32, #tpu.memory_space<vmem_shared>>)
        } else {
        }
        %dma_start3A_261 = arith.constant 0 : i32
        %dma_start3A_262 = tpu.memref_slice %arg6[%add3A_239, %dma_start3A_261] : memref<84x128xi32, #tpu.memory_space<vmem>> -> memref<1x128xi32, #tpu.memory_space<vmem>>
        %dma_start3A_263 = tpu.memref_squeeze %dma_start3A_262 : memref<1x128xi32, #tpu.memory_space<vmem>> -> memref<128xi32, #tpu.memory_space<vmem>>
        %dma_start3A_264 = arith.constant 0 : i32
        %dma_start3A_265 = arith.constant 0 : i32
        %dma_start3A_266 = tpu.memref_slice %arg4[%dma_start3A_264, %dma_start3A_265] : memref<10000x16xf32, #tpu.memory_space<hbm>> -> memref<10000x16xf32, #tpu.memory_space<hbm>>
        tpu.enqueue_indirect_dma source(%dma_start3A_266 : memref<10000x16xf32, #tpu.memory_space<hbm>>) target(%arg11 : memref<128x16xf32, #tpu.memory_space<vmem>>) offsets(%dma_start3A_263 : memref<128xi32, #tpu.memory_space<vmem>>) semaphore(%arg19 : memref<!tpu.dma_semaphore, #tpu.memory_space<semaphore_mem>>)
      } else {
      }
      %dma_wait3A_245 = arith.constant 0 : i32
      %dma_wait3A_246 = tpu.memref_slice %arg6[%add3A_237, %dma_wait3A_245] : memref<84x128xi32, #tpu.memory_space<vmem>> -> memref<1x128xi32, #tpu.memory_space<vmem>>
      %dma_wait3A_247 = tpu.memref_squeeze %dma_wait3A_246 : memref<1x128xi32, #tpu.memory_space<vmem>> -> memref<128xi32, #tpu.memory_space<vmem>>
      %dma_wait3A_248 = arith.constant 0 : i32
      %dma_wait3A_249 = arith.constant 0 : i32
      %dma_wait3A_250 = tpu.memref_slice %arg4[%dma_wait3A_248, %dma_wait3A_249] : memref<10000x16xf32, #tpu.memory_space<hbm>> -> memref<10000x16xf32, #tpu.memory_space<hbm>>
      tpu.wait_indirect_dma semaphore(%arg21 : memref<!tpu.dma_semaphore, #tpu.memory_space<semaphore_mem>>) src(%dma_wait3A_250 : memref<10000x16xf32, #tpu.memory_space<hbm>>) dst(%arg13 : memref<128x16xf32, #tpu.memory_space<vmem>>)
      %dma_start3A_251 = arith.constant 0 : i32
      %dma_start3A_252 = tpu.memref_slice %arg7[%add3A_237, %dma_start3A_251] : memref<84x128xi32, #tpu.memory_space<vmem>> -> memref<1x128xi32, #tpu.memory_space<vmem>>
      %dma_start3A_253 = tpu.memref_squeeze %dma_start3A_252 : memref<1x128xi32, #tpu.memory_space<vmem>> -> memref<128xi32, #tpu.memory_space<vmem>>
      %dma_start3A_254 = arith.constant 0 : i32
      %dma_start3A_255 = arith.constant 0 : i32
      %dma_start3A_256 = tpu.memref_slice %arg14[%dma_start3A_254, %dma_start3A_255] : memref<10240x16xf32, #tpu.memory_space<vmem_shared>> -> memref<10240x16xf32, #tpu.memory_space<vmem_shared>>
      tpu.enqueue_indirect_dma source(%arg13 : memref<128x16xf32, #tpu.memory_space<vmem>>) target(%dma_start3A_256 : memref<10240x16xf32, #tpu.memory_space<vmem_shared>>) offsets(%dma_start3A_253 : memref<128xi32, #tpu.memory_space<vmem>>) semaphore(%arg27 : memref<!tpu.dma_semaphore, #tpu.memory_space<semaphore_mem>>) {add = true}
    }
    %scan3A_73 = arith.constant 14 : i32
    %dma_wait3A_74 = arith.constant 78 : i32
    %dma_wait3A_75 = arith.constant 0 : i32
    %dma_wait3A_76 = tpu.memref_slice %arg7[%dma_wait3A_74, %dma_wait3A_75] : memref<84x128xi32, #tpu.memory_space<vmem>> -> memref<1x128xi32, #tpu.memory_space<vmem>>
    %dma_wait3A_77 = tpu.memref_squeeze %dma_wait3A_76 : memref<1x128xi32, #tpu.memory_space<vmem>> -> memref<128xi32, #tpu.memory_space<vmem>>
    %dma_wait3A_78 = arith.constant 0 : i32
    %dma_wait3A_79 = arith.constant 0 : i32
    %dma_wait3A_80 = tpu.memref_slice %arg14[%dma_wait3A_78, %dma_wait3A_79] : memref<10240x16xf32, #tpu.memory_space<vmem_shared>> -> memref<10240x16xf32, #tpu.memory_space<vmem_shared>>
    tpu.wait_indirect_dma semaphore(%arg22 : memref<!tpu.dma_semaphore, #tpu.memory_space<semaphore_mem>>) src(%arg8 : memref<128x16xf32, #tpu.memory_space<vmem>>) dst(%dma_wait3A_80 : memref<10240x16xf32, #tpu.memory_space<vmem_shared>>)
    %dma_wait3A_81 = arith.constant 79 : i32
    %dma_wait3A_82 = arith.constant 0 : i32
    %dma_wait3A_83 = tpu.memref_slice %arg7[%dma_wait3A_81, %dma_wait3A_82] : memref<84x128xi32, #tpu.memory_space<vmem>> -> memref<1x128xi32, #tpu.memory_space<vmem>>
    %dma_wait3A_84 = tpu.memref_squeeze %dma_wait3A_83 : memref<1x128xi32, #tpu.memory_space<vmem>> -> memref<128xi32, #tpu.memory_space<vmem>>
    %dma_wait3A_85 = arith.constant 0 : i32
    %dma_wait3A_86 = arith.constant 0 : i32
    %dma_wait3A_87 = tpu.memref_slice %arg14[%dma_wait3A_85, %dma_wait3A_86] : memref<10240x16xf32, #tpu.memory_space<vmem_shared>> -> memref<10240x16xf32, #tpu.memory_space<vmem_shared>>
    tpu.wait_indirect_dma semaphore(%arg23 : memref<!tpu.dma_semaphore, #tpu.memory_space<semaphore_mem>>) src(%arg9 : memref<128x16xf32, #tpu.memory_space<vmem>>) dst(%dma_wait3A_87 : memref<10240x16xf32, #tpu.memory_space<vmem_shared>>)
    %dma_wait3A_88 = arith.constant 80 : i32
    %dma_wait3A_89 = arith.constant 0 : i32
    %dma_wait3A_90 = tpu.memref_slice %arg7[%dma_wait3A_88, %dma_wait3A_89] : memref<84x128xi32, #tpu.memory_space<vmem>> -> memref<1x128xi32, #tpu.memory_space<vmem>>
    %dma_wait3A_91 = tpu.memref_squeeze %dma_wait3A_90 : memref<1x128xi32, #tpu.memory_space<vmem>> -> memref<128xi32, #tpu.memory_space<vmem>>
    %dma_wait3A_92 = arith.constant 0 : i32
    %dma_wait3A_93 = arith.constant 0 : i32
    %dma_wait3A_94 = tpu.memref_slice %arg14[%dma_wait3A_92, %dma_wait3A_93] : memref<10240x16xf32, #tpu.memory_space<vmem_shared>> -> memref<10240x16xf32, #tpu.memory_space<vmem_shared>>
    tpu.wait_indirect_dma semaphore(%arg24 : memref<!tpu.dma_semaphore, #tpu.memory_space<semaphore_mem>>) src(%arg10 : memref<128x16xf32, #tpu.memory_space<vmem>>) dst(%dma_wait3A_94 : memref<10240x16xf32, #tpu.memory_space<vmem_shared>>)
    %dma_wait3A_95 = arith.constant 81 : i32
    %dma_wait3A_96 = arith.constant 0 : i32
    %dma_wait3A_97 = tpu.memref_slice %arg7[%dma_wait3A_95, %dma_wait3A_96] : memref<84x128xi32, #tpu.memory_space<vmem>> -> memref<1x128xi32, #tpu.memory_space<vmem>>
    %dma_wait3A_98 = tpu.memref_squeeze %dma_wait3A_97 : memref<1x128xi32, #tpu.memory_space<vmem>> -> memref<128xi32, #tpu.memory_space<vmem>>
    %dma_wait3A_99 = arith.constant 0 : i32
    %dma_wait3A_100 = arith.constant 0 : i32
    %dma_wait3A_101 = tpu.memref_slice %arg14[%dma_wait3A_99, %dma_wait3A_100] : memref<10240x16xf32, #tpu.memory_space<vmem_shared>> -> memref<10240x16xf32, #tpu.memory_space<vmem_shared>>
    tpu.wait_indirect_dma semaphore(%arg25 : memref<!tpu.dma_semaphore, #tpu.memory_space<semaphore_mem>>) src(%arg11 : memref<128x16xf32, #tpu.memory_space<vmem>>) dst(%dma_wait3A_101 : memref<10240x16xf32, #tpu.memory_space<vmem_shared>>)
    %dma_wait3A_102 = arith.constant 82 : i32
    %dma_wait3A_103 = arith.constant 0 : i32
    %dma_wait3A_104 = tpu.memref_slice %arg7[%dma_wait3A_102, %dma_wait3A_103] : memref<84x128xi32, #tpu.memory_space<vmem>> -> memref<1x128xi32, #tpu.memory_space<vmem>>
    %dma_wait3A_105 = tpu.memref_squeeze %dma_wait3A_104 : memref<1x128xi32, #tpu.memory_space<vmem>> -> memref<128xi32, #tpu.memory_space<vmem>>
    %dma_wait3A_106 = arith.constant 0 : i32
    %dma_wait3A_107 = arith.constant 0 : i32
    %dma_wait3A_108 = tpu.memref_slice %arg14[%dma_wait3A_106, %dma_wait3A_107] : memref<10240x16xf32, #tpu.memory_space<vmem_shared>> -> memref<10240x16xf32, #tpu.memory_space<vmem_shared>>
    tpu.wait_indirect_dma semaphore(%arg26 : memref<!tpu.dma_semaphore, #tpu.memory_space<semaphore_mem>>) src(%arg12 : memref<128x16xf32, #tpu.memory_space<vmem>>) dst(%dma_wait3A_108 : memref<10240x16xf32, #tpu.memory_space<vmem_shared>>)
    %dma_wait3A_109 = arith.constant 83 : i32
    %dma_wait3A_110 = arith.constant 0 : i32
    %dma_wait3A_111 = tpu.memref_slice %arg7[%dma_wait3A_109, %dma_wait3A_110] : memref<84x128xi32, #tpu.memory_space<vmem>> -> memref<1x128xi32, #tpu.memory_space<vmem>>
    %dma_wait3A_112 = tpu.memref_squeeze %dma_wait3A_111 : memref<1x128xi32, #tpu.memory_space<vmem>> -> memref<128xi32, #tpu.memory_space<vmem>>
    %dma_wait3A_113 = arith.constant 0 : i32
    %dma_wait3A_114 = arith.constant 0 : i32
    %dma_wait3A_115 = tpu.memref_slice %arg14[%dma_wait3A_113, %dma_wait3A_114] : memref<10240x16xf32, #tpu.memory_space<vmem_shared>> -> memref<10240x16xf32, #tpu.memory_space<vmem_shared>>
    tpu.wait_indirect_dma semaphore(%arg27 : memref<!tpu.dma_semaphore, #tpu.memory_space<semaphore_mem>>) src(%arg13 : memref<128x16xf32, #tpu.memory_space<vmem>>) dst(%dma_wait3A_115 : memref<10240x16xf32, #tpu.memory_space<vmem_shared>>)
    %barrier3A_116 = arith.constant 0 : index
    tpu.barrier barrier_id(%barrier3A_116)
    %mul3A_117 = arith.constant 640 : i32
    %mul3A_118 = arith.muli %arg1, %mul3A_117 : i32
    %mul3A_119 = arith.constant 640 : i32
    %mul3A_120 = arith.muli %arg1, %mul3A_119 : i32
    "tpu.region"() ({
      %run_scoped3A = tpu.sem_alloc : memref<!tpu.dma_semaphore, #tpu.memory_space<semaphore_mem>>
      %dma_start3A_121 = arith.constant 0 : i32
      %dma_start3A_122 = tpu.memref_slice %arg5[%arg0, %mul3A_120, %dma_start3A_121] : memref<2x10240x16xf32, #tpu.memory_space<hbm>> -> memref<1x640x16xf32, #tpu.memory_space<hbm>>
      %dma_start3A_123 = tpu.memref_squeeze %dma_start3A_122 : memref<1x640x16xf32, #tpu.memory_space<hbm>> -> memref<640x16xf32, #tpu.memory_space<hbm>>
      %dma_start3A_124 = arith.constant 0 : i32
      %dma_start3A_125 = tpu.memref_slice %arg14[%mul3A_118, %dma_start3A_124] : memref<10240x16xf32, #tpu.memory_space<vmem_shared>> -> memref<640x16xf32, #tpu.memory_space<vmem_shared>>
      tpu.enqueue_dma source(%dma_start3A_125 : memref<640x16xf32, #tpu.memory_space<vmem_shared>>) target(%dma_start3A_123 : memref<640x16xf32, #tpu.memory_space<hbm>>) target_semaphore(%run_scoped3A : memref<!tpu.dma_semaphore, #tpu.memory_space<semaphore_mem>>)
      %dma_wait3A_126 = arith.constant 0 : i32
      %dma_wait3A_127 = tpu.memref_slice %arg5[%arg0, %mul3A_120, %dma_wait3A_126] : memref<2x10240x16xf32, #tpu.memory_space<hbm>> -> memref<1x640x16xf32, #tpu.memory_space<hbm>>
      %dma_wait3A_128 = tpu.memref_squeeze %dma_wait3A_127 : memref<1x640x16xf32, #tpu.memory_space<hbm>> -> memref<640x16xf32, #tpu.memory_space<hbm>>
      %dma_wait3A_129 = arith.constant 0 : i32
      %dma_wait3A_130 = tpu.memref_slice %arg14[%mul3A_118, %dma_wait3A_129] : memref<10240x16xf32, #tpu.memory_space<vmem_shared>> -> memref<640x16xf32, #tpu.memory_space<vmem_shared>>
      tpu.wait_dma2 semaphore(%run_scoped3A : memref<!tpu.dma_semaphore, #tpu.memory_space<semaphore_mem>>) src(%dma_wait3A_130 : memref<640x16xf32, #tpu.memory_space<vmem_shared>>) dst(%dma_wait3A_128 : memref<640x16xf32, #tpu.memory_space<hbm>>)
      tpu.yield
    }) : () -> ()
    return
  }
}

module attributes {stable_mosaic.version = 14 : i64} {
  func.func @_tc1_body(%arg0: i32, %arg1: memref<1000x2xf32, #tpu.memory_space<vmem>>, %arg2: memref<1000x128xf32, #tpu.memory_space<vmem>>, %arg3: memref<128x64xf32, #tpu.memory_space<vmem>>, %arg4: memref<1000x64xf32, #tpu.memory_space<vmem>>) attributes {dimension_semantics = [#tpu.dimension_semantics<arbitrary>], iteration_bounds = array<i64: 10>, scalar_prefetch = 0 : i64, scratch_operands = 0 : i64, tpu.core_type = #tpu.core_type<tc>, window_params = [{transform_indices = @transform_0, window_bounds = array<i64: 1000, 2>}, {transform_indices = @transform_1, window_bounds = array<i64: 1000, 128>}, {pipeline_mode = #tpu.pipeline_mode<synchronous>, transform_indices = @transform_2, window_bounds = array<i64: 128, 64>}, {transform_indices = @transform_3, window_bounds = array<i64: 1000, 64>}]} {
    %get3A = arith.constant 0 : index
    %get3A_0 = arith.constant 0 : index
    %get3A_1 = vector.load %arg1[%get3A, %get3A_0] : memref<1000x2xf32, #tpu.memory_space<vmem>>, vector<1000x2xf32>
    %slice3A = vector.extract_strided_slice %get3A_1 {offsets = [0, 0], sizes = [1000, 1], strides = [1, 1]} : vector<1000x2xf32> to vector<1000x1xf32>
    %squeeze3A = vector.shape_cast %slice3A : vector<1000x1xf32> to vector<1000xf32>
    %slice3A_2 = vector.extract_strided_slice %get3A_1 {offsets = [0, 1], sizes = [1000, 1], strides = [1, 1]} : vector<1000x2xf32> to vector<1000x1xf32>
    %squeeze3A_3 = vector.shape_cast %slice3A_2 : vector<1000x1xf32> to vector<1000xf32>
    %add3A = arith.addf %squeeze3A, %squeeze3A_3 : vector<1000xf32>
    %add3A_4 = arith.constant 1.000000e+00 : f32
    %add3A_5 = vector.broadcast %add3A_4 : f32 to vector<1000xf32>
    %add3A_6 = arith.addf %add3A, %add3A_5 : vector<1000xf32>
    %rsqrt3A = math.rsqrt %add3A_6 : vector<1000xf32>
    %get3A_7 = arith.constant 0 : index
    %get3A_8 = arith.constant 0 : index
    %get3A_9 = vector.load %arg2[%get3A_7, %get3A_8] : memref<1000x128xf32, #tpu.memory_space<vmem>>, vector<1000x128xf32>
    %get3A_10 = arith.constant 0 : index
    %get3A_11 = arith.constant 0 : index
    %get3A_12 = vector.load %arg3[%get3A_10, %get3A_11] : memref<128x64xf32, #tpu.memory_space<vmem>>, vector<128x64xf32>
    %dot_general3A = arith.constant dense<0.000000e+00> : vector<1000x64xf32>
    %dot_general3A_13 = tpu.matmul %get3A_9, %get3A_12, %dot_general3A {dimension_numbers = #tpu.dot_dimension_numbers<[1], [0], [0], [1], [0, 0, 1, 1], [], []>, transpose_lhs_hint = false} : vector<1000x128xf32>, vector<128x64xf32>, vector<1000x64xf32> -> vector<1000x64xf32>
    %broadcast_in_dim3A = vector.shape_cast %rsqrt3A : vector<1000xf32> to vector<1000x1xf32>
    %mul3A = vector.broadcast %broadcast_in_dim3A : vector<1000x1xf32> to vector<1000x64xf32>
    %mul3A_14 = arith.mulf %dot_general3A_13, %mul3A : vector<1000x64xf32>
    %swap3A = arith.constant 0 : index
    %swap3A_15 = arith.constant 0 : index
    %swap3A_16 = vector.load %arg4[%swap3A, %swap3A_15] : memref<1000x64xf32, #tpu.memory_space<vmem>>, vector<1000x64xf32>
    tpu.vector_store %arg4[%swap3A, %swap3A_15], %mul3A_14 {strides = array<i32>} : memref<1000x64xf32, #tpu.memory_space<vmem>>, vector<1000x64xf32>,
    return
  }
  func.func @transform_0(%arg0: i32) -> (i32, i32) {
    %c0_i32 = arith.constant 0 : i32
    %c0_i32_0 = arith.constant 0 : i32
    return %arg0, %c0_i32 : i32, i32
  }
  func.func @transform_1(%arg0: i32) -> (i32, i32) {
    %c0_i32 = arith.constant 0 : i32
    %c0_i32_0 = arith.constant 0 : i32
    return %arg0, %c0_i32 : i32, i32
  }
  func.func @transform_2(%arg0: i32) -> (i32, i32) {
    %c0_i32 = arith.constant 0 : i32
    %c0_i32_0 = arith.constant 0 : i32
    %c0_i32_1 = arith.constant 0 : i32
    return %c0_i32, %c0_i32_0 : i32, i32
  }
  func.func @transform_3(%arg0: i32) -> (i32, i32) {
    %c0_i32 = arith.constant 0 : i32
    %c0_i32_0 = arith.constant 0 : i32
    return %arg0, %c0_i32 : i32, i32
  }
}

module attributes {stable_mosaic.version = 14 : i64} {
  func.func @_tc2_body(%arg0: i32, %arg1: memref<1000x2xf32, #tpu.memory_space<vmem>>, %arg2: memref<2x1000x64xf32, #tpu.memory_space<vmem>>, %arg3: memref<1000x64xf32, #tpu.memory_space<vmem>>, %arg4: memref<64x16xf32, #tpu.memory_space<vmem>>, %arg5: memref<1x64xf32, #tpu.memory_space<vmem>>, %arg6: memref<1000x16xf32, #tpu.memory_space<vmem>>) attributes {dimension_semantics = [#tpu.dimension_semantics<arbitrary>], iteration_bounds = array<i64: 10>, scalar_prefetch = 0 : i64, scratch_operands = 0 : i64, tpu.core_type = #tpu.core_type<tc>, window_params = [{transform_indices = @transform_0, window_bounds = array<i64: 1000, 2>}, {transform_indices = @transform_1, window_bounds = array<i64: 2, 1000, 64>}, {transform_indices = @transform_2, window_bounds = array<i64: 1000, 64>}, {pipeline_mode = #tpu.pipeline_mode<synchronous>, transform_indices = @transform_3, window_bounds = array<i64: 64, 16>}, {pipeline_mode = #tpu.pipeline_mode<synchronous>, transform_indices = @transform_4, window_bounds = array<i64: 1, 64>}, {transform_indices = @transform_5, window_bounds = array<i64: 1000, 16>}]} {
    %get3A = arith.constant 0 : index
    %get3A_0 = arith.constant 0 : index
    %get3A_1 = vector.load %arg1[%get3A, %get3A_0] : memref<1000x2xf32, #tpu.memory_space<vmem>>, vector<1000x2xf32>
    %slice3A = vector.extract_strided_slice %get3A_1 {offsets = [0, 0], sizes = [1000, 1], strides = [1, 1]} : vector<1000x2xf32> to vector<1000x1xf32>
    %squeeze3A = vector.shape_cast %slice3A : vector<1000x1xf32> to vector<1000xf32>
    %slice3A_2 = vector.extract_strided_slice %get3A_1 {offsets = [0, 1], sizes = [1000, 1], strides = [1, 1]} : vector<1000x2xf32> to vector<1000x1xf32>
    %squeeze3A_3 = vector.shape_cast %slice3A_2 : vector<1000x1xf32> to vector<1000xf32>
    %add3A = arith.addf %squeeze3A, %squeeze3A_3 : vector<1000xf32>
    %add3A_4 = arith.constant 1.000000e+00 : f32
    %add3A_5 = vector.broadcast %add3A_4 : f32 to vector<1000xf32>
    %add3A_6 = arith.addf %add3A, %add3A_5 : vector<1000xf32>
    %rsqrt3A = math.rsqrt %add3A_6 : vector<1000xf32>
    %get3A_7 = arith.constant 0 : index
    %get3A_8 = arith.constant 0 : index
    %get3A_9 = arith.constant 0 : index
    %get3A_10 = vector.load %arg2[%get3A_7, %get3A_8, %get3A_9] : memref<2x1000x64xf32, #tpu.memory_space<vmem>>, vector<1x1000x64xf32>
    %get3A_11 = vector.shape_cast %get3A_10 : vector<1x1000x64xf32> to vector<1000x64xf32>
    %get3A_12 = arith.constant 1 : index
    %get3A_13 = arith.constant 0 : index
    %get3A_14 = arith.constant 0 : index
    %get3A_15 = vector.load %arg2[%get3A_12, %get3A_13, %get3A_14] : memref<2x1000x64xf32, #tpu.memory_space<vmem>>, vector<1x1000x64xf32>
    %get3A_16 = vector.shape_cast %get3A_15 : vector<1x1000x64xf32> to vector<1000x64xf32>
    %add3A_17 = arith.addf %get3A_11, %get3A_16 : vector<1000x64xf32>
    %get3A_18 = arith.constant 0 : index
    %get3A_19 = arith.constant 0 : index
    %get3A_20 = vector.load %arg3[%get3A_18, %get3A_19] : memref<1000x64xf32, #tpu.memory_space<vmem>>, vector<1000x64xf32>
    %add3A_21 = arith.addf %add3A_17, %get3A_20 : vector<1000x64xf32>
    %broadcast_in_dim3A = vector.shape_cast %rsqrt3A : vector<1000xf32> to vector<1000x1xf32>
    %mul3A = vector.broadcast %broadcast_in_dim3A : vector<1000x1xf32> to vector<1000x64xf32>
    %mul3A_22 = arith.mulf %add3A_21, %mul3A : vector<1000x64xf32>
    %get3A_23 = arith.constant 0 : index
    %get3A_24 = arith.constant 0 : index
    %get3A_25 = vector.load %arg5[%get3A_23, %get3A_24] : memref<1x64xf32, #tpu.memory_space<vmem>>, vector<1x64xf32>
    %add3A_26 = vector.broadcast %get3A_25 : vector<1x64xf32> to vector<1000x64xf32>
    %add3A_27 = arith.addf %mul3A_22, %add3A_26 : vector<1000x64xf32>
    %max3A = arith.constant 0.000000e+00 : f32
    %max3A_28 = vector.broadcast %max3A : f32 to vector<1000x64xf32>
    %max3A_29 = arith.maximumf %add3A_27, %max3A_28 : vector<1000x64xf32>
    %get3A_30 = arith.constant 0 : index
    %get3A_31 = arith.constant 0 : index
    %get3A_32 = vector.load %arg4[%get3A_30, %get3A_31] : memref<64x16xf32, #tpu.memory_space<vmem>>, vector<64x16xf32>
    %dot_general3A = arith.constant dense<0.000000e+00> : vector<1000x16xf32>
    %dot_general3A_33 = tpu.matmul %max3A_29, %get3A_32, %dot_general3A {dimension_numbers = #tpu.dot_dimension_numbers<[1], [0], [0], [1], [0, 0, 1, 1], [], []>, transpose_lhs_hint = false} : vector<1000x64xf32>, vector<64x16xf32>, vector<1000x16xf32> -> vector<1000x16xf32>
    %broadcast_in_dim3A_34 = vector.shape_cast %rsqrt3A : vector<1000xf32> to vector<1000x1xf32>
    %mul3A_35 = vector.broadcast %broadcast_in_dim3A_34 : vector<1000x1xf32> to vector<1000x16xf32>
    %mul3A_36 = arith.mulf %dot_general3A_33, %mul3A_35 : vector<1000x16xf32>
    %swap3A = arith.constant 0 : index
    %swap3A_37 = arith.constant 0 : index
    %swap3A_38 = vector.load %arg6[%swap3A, %swap3A_37] : memref<1000x16xf32, #tpu.memory_space<vmem>>, vector<1000x16xf32>
    tpu.vector_store %arg6[%swap3A, %swap3A_37], %mul3A_36 {strides = array<i32>} : memref<1000x16xf32, #tpu.memory_space<vmem>>, vector<1000x16xf32>,
    return
  }
  func.func @transform_0(%arg0: i32) -> (i32, i32) {
    %c0_i32 = arith.constant 0 : i32
    %c0_i32_0 = arith.constant 0 : i32
    return %arg0, %c0_i32 : i32, i32
  }
  func.func @transform_1(%arg0: i32) -> (i32, i32, i32) {
    %c0_i32 = arith.constant 0 : i32
    %c0_i32_0 = arith.constant 0 : i32
    %c0_i32_1 = arith.constant 0 : i32
    return %c0_i32, %arg0, %c0_i32_0 : i32, i32, i32
  }
  func.func @transform_2(%arg0: i32) -> (i32, i32) {
    %c0_i32 = arith.constant 0 : i32
    %c0_i32_0 = arith.constant 0 : i32
    return %arg0, %c0_i32 : i32, i32
  }
  func.func @transform_3(%arg0: i32) -> (i32, i32) {
    %c0_i32 = arith.constant 0 : i32
    %c0_i32_0 = arith.constant 0 : i32
    %c0_i32_1 = arith.constant 0 : i32
    return %c0_i32, %c0_i32_0 : i32, i32
  }
  func.func @transform_4(%arg0: i32) -> (i32, i32) {
    %c0_i32 = arith.constant 0 : i32
    %c0_i32_0 = arith.constant 0 : i32
    %c0_i32_1 = arith.constant 0 : i32
    return %c0_i32, %c0_i32_0 : i32, i32
  }
  func.func @transform_5(%arg0: i32) -> (i32, i32) {
    %c0_i32 = arith.constant 0 : i32
    %c0_i32_0 = arith.constant 0 : i32
    return %arg0, %c0_i32 : i32, i32
  }
}

module attributes {stable_mosaic.version = 14 : i64} {
  func.func @_tc3_body(%arg0: i32, %arg1: memref<1000x2xf32, #tpu.memory_space<vmem>>, %arg2: memref<2x1000x16xf32, #tpu.memory_space<vmem>>, %arg3: memref<1000x16xf32, #tpu.memory_space<vmem>>, %arg4: memref<1x16xf32, #tpu.memory_space<vmem>>, %arg5: memref<1000x16xf32, #tpu.memory_space<vmem>>) attributes {dimension_semantics = [#tpu.dimension_semantics<arbitrary>], iteration_bounds = array<i64: 10>, scalar_prefetch = 0 : i64, scratch_operands = 0 : i64, tpu.core_type = #tpu.core_type<tc>, window_params = [{transform_indices = @transform_0, window_bounds = array<i64: 1000, 2>}, {transform_indices = @transform_1, window_bounds = array<i64: 2, 1000, 16>}, {transform_indices = @transform_2, window_bounds = array<i64: 1000, 16>}, {pipeline_mode = #tpu.pipeline_mode<synchronous>, transform_indices = @transform_3, window_bounds = array<i64: 1, 16>}, {transform_indices = @transform_4, window_bounds = array<i64: 1000, 16>}]} {
    %get3A = arith.constant 0 : index
    %get3A_0 = arith.constant 0 : index
    %get3A_1 = vector.load %arg1[%get3A, %get3A_0] : memref<1000x2xf32, #tpu.memory_space<vmem>>, vector<1000x2xf32>
    %slice3A = vector.extract_strided_slice %get3A_1 {offsets = [0, 0], sizes = [1000, 1], strides = [1, 1]} : vector<1000x2xf32> to vector<1000x1xf32>
    %squeeze3A = vector.shape_cast %slice3A : vector<1000x1xf32> to vector<1000xf32>
    %slice3A_2 = vector.extract_strided_slice %get3A_1 {offsets = [0, 1], sizes = [1000, 1], strides = [1, 1]} : vector<1000x2xf32> to vector<1000x1xf32>
    %squeeze3A_3 = vector.shape_cast %slice3A_2 : vector<1000x1xf32> to vector<1000xf32>
    %add3A = arith.addf %squeeze3A, %squeeze3A_3 : vector<1000xf32>
    %add3A_4 = arith.constant 1.000000e+00 : f32
    %add3A_5 = vector.broadcast %add3A_4 : f32 to vector<1000xf32>
    %add3A_6 = arith.addf %add3A, %add3A_5 : vector<1000xf32>
    %rsqrt3A = math.rsqrt %add3A_6 : vector<1000xf32>
    %get3A_7 = arith.constant 0 : index
    %get3A_8 = arith.constant 0 : index
    %get3A_9 = arith.constant 0 : index
    %get3A_10 = vector.load %arg2[%get3A_7, %get3A_8, %get3A_9] : memref<2x1000x16xf32, #tpu.memory_space<vmem>>, vector<1x1000x16xf32>
    %get3A_11 = vector.shape_cast %get3A_10 : vector<1x1000x16xf32> to vector<1000x16xf32>
    %get3A_12 = arith.constant 1 : index
    %get3A_13 = arith.constant 0 : index
    %get3A_14 = arith.constant 0 : index
    %get3A_15 = vector.load %arg2[%get3A_12, %get3A_13, %get3A_14] : memref<2x1000x16xf32, #tpu.memory_space<vmem>>, vector<1x1000x16xf32>
    %get3A_16 = vector.shape_cast %get3A_15 : vector<1x1000x16xf32> to vector<1000x16xf32>
    %add3A_17 = arith.addf %get3A_11, %get3A_16 : vector<1000x16xf32>
    %get3A_18 = arith.constant 0 : index
    %get3A_19 = arith.constant 0 : index
    %get3A_20 = vector.load %arg3[%get3A_18, %get3A_19] : memref<1000x16xf32, #tpu.memory_space<vmem>>, vector<1000x16xf32>
    %add3A_21 = arith.addf %add3A_17, %get3A_20 : vector<1000x16xf32>
    %broadcast_in_dim3A = vector.shape_cast %rsqrt3A : vector<1000xf32> to vector<1000x1xf32>
    %mul3A = vector.broadcast %broadcast_in_dim3A : vector<1000x1xf32> to vector<1000x16xf32>
    %mul3A_22 = arith.mulf %add3A_21, %mul3A : vector<1000x16xf32>
    %get3A_23 = arith.constant 0 : index
    %get3A_24 = arith.constant 0 : index
    %get3A_25 = vector.load %arg4[%get3A_23, %get3A_24] : memref<1x16xf32, #tpu.memory_space<vmem>>, vector<1x16xf32>
    %add3A_26 = vector.broadcast %get3A_25 : vector<1x16xf32> to vector<1000x16xf32>
    %add3A_27 = arith.addf %mul3A_22, %add3A_26 : vector<1000x16xf32>
    %reduce_max3A = arith.constant dense<0xFF800000> : vector<1000xf32>
    %reduce_max3A_28 = vector.multi_reduction <maximumf>, %add3A_27, %reduce_max3A [1] : vector<1000x16xf32> to vector<1000xf32>
    %broadcast_in_dim3A_29 = vector.shape_cast %reduce_max3A_28 : vector<1000xf32> to vector<1000x1xf32>
    %sub3A = vector.broadcast %broadcast_in_dim3A_29 : vector<1000x1xf32> to vector<1000x16xf32>
    %sub3A_30 = arith.subf %add3A_27, %sub3A : vector<1000x16xf32>
    %exp3A = math.exp %sub3A_30 : vector<1000x16xf32>
    %reduce_sum3A = arith.constant dense<0.000000e+00> : vector<1000xf32>
    %reduce_sum3A_31 = vector.multi_reduction <add>, %exp3A, %reduce_sum3A [1] : vector<1000x16xf32> to vector<1000xf32>
    %broadcast_in_dim3A_32 = vector.shape_cast %reduce_sum3A_31 : vector<1000xf32> to vector<1000x1xf32>
    %sub3A_33 = vector.broadcast %broadcast_in_dim3A_29 : vector<1000x1xf32> to vector<1000x16xf32>
    %sub3A_34 = arith.subf %add3A_27, %sub3A_33 : vector<1000x16xf32>
    %log3A = math.log %broadcast_in_dim3A_32 : vector<1000x1xf32>
    %sub3A_35 = vector.broadcast %log3A : vector<1000x1xf32> to vector<1000x16xf32>
    %sub3A_36 = arith.subf %sub3A_34, %sub3A_35 : vector<1000x16xf32>
    %swap3A = arith.constant 0 : index
    %swap3A_37 = arith.constant 0 : index
    %swap3A_38 = vector.load %arg5[%swap3A, %swap3A_37] : memref<1000x16xf32, #tpu.memory_space<vmem>>, vector<1000x16xf32>
    tpu.vector_store %arg5[%swap3A, %swap3A_37], %sub3A_36 {strides = array<i32>} : memref<1000x16xf32, #tpu.memory_space<vmem>>, vector<1000x16xf32>,
    return
  }
  func.func @transform_0(%arg0: i32) -> (i32, i32) {
    %c0_i32 = arith.constant 0 : i32
    %c0_i32_0 = arith.constant 0 : i32
    return %arg0, %c0_i32 : i32, i32
  }
  func.func @transform_1(%arg0: i32) -> (i32, i32, i32) {
    %c0_i32 = arith.constant 0 : i32
    %c0_i32_0 = arith.constant 0 : i32
    %c0_i32_1 = arith.constant 0 : i32
    return %c0_i32, %arg0, %c0_i32_0 : i32, i32, i32
  }
  func.func @transform_2(%arg0: i32) -> (i32, i32) {
    %c0_i32 = arith.constant 0 : i32
    %c0_i32_0 = arith.constant 0 : i32
    return %arg0, %c0_i32 : i32, i32
  }
  func.func @transform_3(%arg0: i32) -> (i32, i32) {
    %c0_i32 = arith.constant 0 : i32
    %c0_i32_0 = arith.constant 0 : i32
    %c0_i32_1 = arith.constant 0 : i32
    return %c0_i32, %c0_i32_0 : i32, i32
  }
  func.func @transform_4(%arg0: i32) -> (i32, i32) {
    %c0_i32 = arith.constant 0 : i32
    %c0_i32_0 = arith.constant 0 : i32
    return %arg0, %c0_i32 : i32, i32
  }
}

</mosaic_0001>

<sc_bundles>
// kernel: kernel.11.cloned.1.call-start
scs
__scs_entry_jumppad:
0x0: {  	(pc) =	sbr.rel $0x88, $3  }
0x1: {  	(tag) =	ssettag $0x0;
	lr =	simm.s32 $0x1  }
0x2: {  	[smem:$0x3F9B] =	sst lr;
	_ =	strace $0xD0000000  }
0x3: {  	_ = 	snop  }
0x4: {  	_ = 	snop  }
0x5: {  	_ = 	snop  }
0x6: {  	_ = 	snop  }
0x7: {  	_ = 	snop  }
__scs_overlays_trampoline_lowered:
0x8: {  	[smem:$0x3FAA] =	sst s0  }
0x9: {  	[smem:$0x3FAB] =	sst s1  }
0xa: {  	[smem:$0x3FAC] =	sst s2  }
0xb: {  	[smem:$0x3FAD] =	sst s3  }
0xc: {  	[smem:$0x3FAE] =	sst s4  }
0xd: {  	[smem:$0x3FAF] =	sst s5  }
0xe: {  	[smem:$0x3FB0] =	sst s6  }
0xf: {  	[smem:$0x3FB1] =	sst s7  }
0x10: {  	[smem:$0x3FB2] =	sst s8  }
0x11: {  	[smem:$0x3FB3] =	sst s9;
	s0 =	simm.s32 @!p0 $0x0  }
0x12: {  	s1 =	sld [smem:$0x3F99];
	s0 =	simm.s32 @p0 $0x1  }
0x13: {  	[smem:$0x3FB4] =	sst s0;
	s0 =	simm.s32 @!p1 $0x0  }
0x14: {  	s2 =	sld [smem:$0x3F98];
	s0 =	simm.s32 @p1 $0x1  }
0x15: {  	[smem:$0x3FB5] =	sst s0;
	s0 =	simm.s32 @!p2 $0x0  }
0x16: {  	s3 =	sld [smem:$0x3FDB];
	s0 =	simm.s32 @p2 $0x1  }
0x17: {  	s4 =	simm.s32 $0x1BF5;
	[smem:$0x3FB7] =	sst s0  }
0x18: {  	s0 =	sld [smem:$0x3F9A];
	_ =	swait.ge [sflag:s4], $0x0  }
0x19: {  	s7 =	sld [smem:$0x3F9B]  }
0x1a: {  	s8 =	sadd.s32 $0xFFFFE003, lr  }
0x1b: {  	s9 =	sadd.s32 $0xFFFFFEF7, lr;
	s5 =	simm.s32 $0xFFFFFFFF;
	p2 =	slt.u32 s8, $0xFFFFF086  }
0x1c: {  	p1 =	slt.u32 s9, $0xF7A;
	s5 =	simm.s32 @!p2 $0x0  }
0x1d: {  	s5 =	simm.s32 @p1 $0x1;
	p0 =	seq.s32 s7, s2  }
0x1e: {  	s7 =	smul.u32 @!p0 $0xF7A, s2;
	p2 =	seq.s32 @!p0 s5, $0x0  }
0x1f: {  	s9 =	smul.u32 $0xF7A, s1;
	s8 =	simm.s32 @!p0 $0x1BF5;
	p2 =	por !p2, p0  }
0x20: {  	[sflag:s8] =	ssyncset.s32 @!p0 $0xFFFFF086;
	s6 =	sadd.s32 @!p0 s3, s7;
	s7 =	simm.s32 @!p0 $0x108  }
0x21: {  	s3 =	sadd.s32 s3, s9;
	s6 =	sadd.s32 @!p0 $0x88, s6;
	s7 =	simm.s32 @p2 $0x1082  }
0x22: {  	[simem:s7], [sflag:s8] =	dma.local @!p0 [hbm:s6], $0xF7A  }
0x23: {  	s9 =	sor.u32 $0xD0000000, s2;
	s6 =	simm.s32 $0x108;
	_ =	swait.ge @!p0 [sflag:s8], $0x0  }
0x24: {  	s3 =	sadd.s32 $0x88, s3;
	s6 =	simm.s32 @!p1 $0x1082;
	[sflag:s4] =	ssyncset.s32 $0xFFFFF086  }
0x25: {  	[simem:s6], [sflag:s4] =	dma.local [hbm:s3], $0xF7A  }
0x26: {  	[smem:$0x3F9B] =	sst s1;
	(tag) =	ssettag s2;
	_ =	strace s9  }
0x27: {  	s1 =	sld [smem:$0x3FAB]  }
0x28: {  	s2 =	sld [smem:$0x3FAC]  }
0x29: {  	s4 =	sld [smem:$0x3FAE]  }
0x2a: {  	p0 =	seq.s32 s5, $0x0;
	s5 =	sld [smem:$0x3FAF]  }
0x2b: {  	s6 =	sld [smem:$0x3FB0]  }
0x2c: {  	s7 =	sld [smem:$0x3FB1]  }
0x2d: {  	s3 =	simm.s32 $0x108;
	s8 =	sld [smem:$0x3FB2]  }
0x2e: {  	s3 =	simm.s32 @!p0 $0x1082;
	s9 =	sld [smem:$0x3FB3]  }
0x2f: {  	lr =	sadd.s32 s0, s3;
	s0 =	sld [smem:$0x3FAA]  }
0x30: {  	s3 =	sld [smem:$0x3FAD]  }
0x31: {  	[smem:$0x3FB6] =	sst s10  }
0x32: {  	s10 =	sld [smem:$0x3FB4];
	_ =	sdelay $0x3  }
0x33: {  	p0 =	seq.s32 s10, $0x1;
	s10 =	sld [smem:$0x3FB6];
	_ =	sdelay $0x3  }
0x34: {  	[smem:$0x3FB6] =	sst s10  }
0x35: {  	s10 =	sld [smem:$0x3FB5];
	_ =	sdelay $0x3  }
0x36: {  	p1 =	seq.s32 s10, $0x1;
	s10 =	sld [smem:$0x3FB6];
	_ =	sdelay $0x3  }
0x37: {  	[smem:$0x3FB6] =	sst s10  }
0x38: {  	s10 =	sld [smem:$0x3FB7]  }
0x39: {  	_ = 	snop;
	(pc) =	sbr.ind lr, $3  }
0x3a: {  	_ = 	snop  }
0x3b: {  	_ = 	snop  }
0x3c: {  	p2 =	seq.s32 s10, $0x1;
	s10 =	sld [smem:$0x3FB6]  }
0x3d: {  	_ =	shalt  }
0x3e: {  	_ =	shalt  }
0x3f: {  	_ =	shalt  }
0x40: {  	_ =	shalt  }
0x41: {  	_ =	shalt  }
0x42: {  	_ =	shalt  }
0x43: {  	_ =	shalt  }
0x44: {  	_ =	shalt  }
0x45: {  	_ =	shalt  }
0x46: {  	_ =	shalt  }
0x47: {  	_ =	shalt  }
0x48: {  	_ =	shalt  }
0x49: {  	_ =	shalt  }
0x4a: {  	_ =	shalt  }
0x4b: {  	_ =	shalt  }
0x4c: {  	_ =	shalt  }
0x4d: {  	_ =	shalt  }
0x4e: {  	_ =	shalt  }
0x4f: {  	_ =	shalt  }
0x50: {  	_ =	shalt  }
0x51: {  	_ =	shalt  }
0x52: {  	_ =	shalt  }
0x53: {  	_ =	shalt  }
0x54: {  	_ =	shalt  }
0x55: {  	_ =	shalt  }
0x56: {  	_ =	shalt  }
0x57: {  	_ =	shalt  }
0x58: {  	_ =	shalt  }
0x59: {  	_ =	shalt  }
0x5a: {  	_ =	shalt  }
0x5b: {  	_ =	shalt  }
0x5c: {  	_ =	shalt  }
0x5d: {  	_ =	shalt  }
0x5e: {  	_ =	shalt  }
0x5f: {  	_ =	shalt  }
0x60: {  	_ =	shalt  }
0x61: {  	_ =	shalt  }
0x62: {  	_ =	shalt  }
0x63: {  	_ =	shalt  }
0x64: {  	_ =	shalt  }
0x65: {  	_ =	shalt  }
0x66: {  	_ =	shalt  }
0x67: {  	_ =	shalt  }
0x68: {  	_ =	shalt  }
0x69: {  	_ =	shalt  }
0x6a: {  	_ =	shalt  }
0x6b: {  	_ =	shalt  }
0x6c: {  	_ =	shalt  }
0x6d: {  	_ =	shalt  }
0x6e: {  	_ =	shalt  }
0x6f: {  	_ =	shalt  }
0x70: {  	_ =	shalt  }
0x71: {  	_ =	shalt  }
0x72: {  	_ =	shalt  }
0x73: {  	_ =	shalt  }
0x74: {  	_ =	shalt  }
0x75: {  	_ =	shalt  }
0x76: {  	_ =	shalt  }
0x77: {  	_ =	shalt  }
0x78: {  	_ =	shalt  }
0x79: {  	_ =	shalt  }
0x7a: {  	_ =	shalt  }
0x7b: {  	_ =	shalt  }
0x7c: {  	_ =	shalt  }
0x7d: {  	_ =	shalt  }
0x7e: {  	_ =	shalt  }
0x7f: {  	_ =	shalt  }
0x80: {  	_ =	shalt  }
0x81: {  	_ =	shalt  }
0x82: {  	_ =	shalt  }
0x83: {  	_ =	shalt  }
0x84: {  	_ =	shalt  }
0x85: {  	_ =	shalt  }
0x86: {  	_ =	shalt  }
0x87: {  	_ =	shalt  }
.Lfunc_end0:
.L_simem_size_0:
called_computation.1_lowered:
.L_overlay_start_0:
0x88: {  	s2 =	sld [smem:$0x3FD9]  }
0x89: {  	s3 =	sld [smem:$0x3FFE];
	_ =	sdelay $0x1  }
0x8a: {  	s1 =	srdreg.scid  }
0x8b: {  	s0 =	sand.u32 $0x1, s1  }
0x8c: {  	s16 =	sshll.u32 s0, $0xA;
	s2 =	sadd.s32 s3, s2  }
0x8d: {  	s2 =	sadd.s32 s2, s16  }
0x8e: {  	[smem:$0x3FC2] =	sst s2  }
0x8f: {  	_ = 	snop  }
0x90: {  	(tm) =	ssettm $0x1  }
0x91: {  	s17 =	sld [smem:$0x3FFB];
	_ =	sdelay $0x3  }
0x92: {  	_ =	strace s17  }
0x93: {  	s2 =	sld [smem:$0x3FFC];
	_ =	sdelay $0x3  }
0x94: {  	_ =	strace s2  }
0x95: {  	s2 =	sld [smem:$0x3FFD];
	_ =	sdelay $0x3  }
0x96: {  	_ =	strace s2  }
0x97: {  	_ =	strace $0x8FFFFFFF  }
0x98: {  	s18 =	sld [smem:$0x3FDB];
	_ =	sdelay $0x1  }
0x99: {  	s19 =	simm.s32 $_scs_section_size  }
0x9a: {  	s4 =	simm.s32 $_size__tile_overlayer_lowered;
	s5 =	simm.s32 $_tile_overlayer_lowered  }
0x9b: {  	s22 =	simm.s32 $0x1BFF;
	s21 =	sshll.u32 s5, $0x1;
	s2 =	sadd.s32 s19, s18  }
0x9c: {  	s6 =	simm.s32 $0x0;
	s20 =	sshll.u32 s4, $0x1;
	s4 =	sadd.s32 s21, s2  }
0x9d: {  	[timem:s6], [sflag:s22] =	dma.local [hbm:s4], s20  }
0x9e: {  	_ =	swait.ge [sflag:s22], s20  }
0x9f: {  	s3 =	ssub.s32 $0x0, s20;
	[sflag:s22] =	ssyncset.done $0x0  }
0xa0: {  	[sflag:s22] =	ssyncadd.s32 s3;
	_ =	sdelay $0x1  }
0xa1: {  	s23 =	simm.s32 $0x1B8B  }
0xa2: {  	_ =	swait.ge [sflag:s23], $0x1  }
0xa3: {  	[sflag:s23] =	ssyncset.done $0x0  }
0xa4: {  	s25 =	simm.s32 $0x1B8E;
	s24 =	sld [smem:$0x3FFE];
	[sflag:s23] =	ssyncadd.s32 $0xFFFFFFFF  }
0xa5: {  	s26 =	simm.s32 $execute0_lowered;
	[smem:$0x3FD2] =	sst s25  }
0xa6: {  	s4 =	sshll.u32 s26, $0x1;
	_ =	strace $0x80000049;
	[dreg:$0x1] =	wrdreg $0xFFFFFFFF  }
0xa7: {  	s28 =	simm.s32 $_size_execute0_lowered;
	s2 =	sadd.s32 s2, s4;
	[dreg:$0x0] =	wrdreg $0x0  }
0xa8: {  	s4 =	sshll.u32 s28, $0x1;
	[dreg:$0x2] =	wrdreg s2  }
0xa9: {  	[dreg:$0x3] =	wrdreg s4  }
0xaa: {  	[dreg:$0x4] =	wrdreg $0xC0  }
0xab: {  	_ =	task [dreg:s6], $0x5FFFF  }
0xac: {  	[dreg:$0x1] =	wrdreg $0xFFFFFFFF  }
0xad: {  	[dreg:$0x0] =	wrdreg $0x60  }
0xae: {  	[dreg:$0x2] =	wrdreg s24  }
0xaf: {  	[dreg:$0x3] =	wrdreg $0x114000  }
0xb0: {  	[dreg:$0x4] =	wrdreg $0x9  }
0xb1: {  	_ =	task.clear_ibuf [dreg:s6], $0x5FFFF;
	_ =	strace $0x90000049  }
0xb2: {  	s29 =	simm.s32 $0x9;
	_ =	strace $0x8000004B  }
0xb3: {  	_ =	swait.ge [sflag:s29], $0x1  }
0xb4: {  	[sflag:s29] =	ssyncadd.s32 $0xFFFFFFFF  }
0xb5: {  	_ =	strace $0x9000004B  }
0xb6: {  	_ =	sfence  }
0xb7: {  	s30 =	sld [smem:$0x0];
	_ =	sdelay $0x2  }
0xb8: {  	s31 =	sshll.u32 s1, $0xD;
	s1 =	sshrl.u32 s1, $0x2  }
0xb9: {  	s3 =	sand.u32 $0x4000, s31;
	s1 =	sadd.s32 s1, s30  }
0xba: {  	s0 =	sor.u32 s3, s0;
	s1 =	sshll.u32 s1, $0x11  }
0xbb: {  	s0 =	sor.u32 s1, s0  }
0xbc: {  	s0 =	sadd.s32 $0x8F2B, s0  }
0xbd: {  	[sflag:s0] =	ssyncadd.remote.s32 $0x1  }
0xbe: {  	_ =	sfence.sel $0xFFFF  }
0xbf: {  	[dreg:$0x0] =	wrdreg $0xFFFFFFFF;
	(pc) =	sbr.abs _section_cstart, $3  }
0xc0: {  	[dreg:$0x1] =	wrdreg $0xFFFFFFFF  }
0xc1: {  	_ =	task.clear_ibuf [dreg:s6], $0x2FFFF;
	_ =	strace $0x9FFFFFFF  }
0xc2: {  	(tm) =	ssettm $0x7FFFFFFF  }
0xc3: {  	_ =	shalt  }
tec
execute0_lowered:
.L_overlay_start_1:
0x0: {  	(tag) =	ssettag $0x1  }
0x1: {  	s0 =	srdreg.scid;
	s3 =	rddreg [dreg:$0x0]  }
0x2: {  	s7 =	stileid.u32;
	s2 =	rddreg [dreg:$0x1]  }
0x3: {  	s6 =	simm.s32 $0x0;
	s12 =	simm.s32 $0x2A00;
	s15 =	simm.s32 $0xE  }
0x4: {  	s16 =	simm.s32 $0x5400;
	s29 =	simm.s32 $0xF400;
	s30 =	simm.s32 $0x3  }
0x5: {  	s13 =	simm.s32 $0x8;
	s28 =	simm.s32 $0x9;
	s31 =	simm.s32 $0x5  }
0x6: {  	s14 =	simm.s32 $0x0;
	s0 =	sand.u32 $0x1, s0;
	s5 =	smul.u32 $0xA000, s7  }
0x7: {  	[smem:$0x7FF] =	sst s6;
	s6 =	simm.s32 $0xD;
	s1 =	sshll.u32 s0, $0x4  }
0x8: {  	s4 =	smul.u32 $0xA0000, s0;
	_ =	strace $0x8000004A;
	s0 =	ssub.s32 $0x2, s0  }
0x9: {  	s1 =	sor.u32 s7, s1;
	s7 =	smul.u32 $0x28000, s7;
	s19 =	sshrl.u32 s0, $0x1  }
0xa: {  	s11 =	sadd.s32 s5, s2;
	s1 =	smul.u32 $0x540, s1;
	s4 =	sadd.s32 s5, s4  }
0xb: {  	s0 =	ssub.s32 s0, s19;
	s19 =	simm.s32 $0x7400;
	s5 =	simm.s32 $0xC  }
0xc: {  	[dreg:$0x5] =	wrdreg s11;
	s18 =	sshrl.u32 s4, $0x3;
	s4 =	sadd.s32 $0x16400, s3  }
0xd: {  	s21 =	sshrl.u32 s7, $0x2;
	s0 =	smax.u32 s0, $0x1;
	s1 =	sadd.s32 s1, s3  }
0xe: {  	s3 =	sadd.s32 s18, s3;
	[dreg:$0xb] =	wrdreg s0;
	s20 =	sadd.s32 $0x1400, s1  }
0xf: {  	s22 =	sadd.s32 s21, s2;
	s1 =	sadd.s32 $0xBC00, s1;
	[dreg:$0x3] =	wrdreg s20  }
0x10: {  	s18 =	simm.s32 $0x80;
	s23 =	sadd.s32 $0x2000, s22;
	[dreg:$0x4] =	wrdreg s1  }
0x11: {  	s0 =	simm.s32 $0xB;
	s24 =	sadd.s32 $0x4000, s22;
	[dreg:$0x6] =	wrdreg s23  }
0x12: {  	s25 =	sadd.s32 $0x6000, s22;
	s26 =	sadd.s32 $0x29E00, s3;
	[dreg:$0x7] =	wrdreg s24  }
0x13: {  	s3 =	simm.s32 $0x7;
	[dreg:$0x8] =	wrdreg s25;
	s1 =	sadd.s32 $0x8000, s22  }
0x14: {  	[dreg:$0xa] =	wrdreg s26;
	s23 =	simm.s32 $0xB400;
	s25 =	simm.s32 $0xD400  }
0x15: {  	v0 =	vimm.f32 $0.0e+00;
	s26 =	simm.s32 $0x2;
	s24 =	simm.s32 $0xA;
	[dreg:$0x9] =	wrdreg s1  }
.LBB2_1:
0x16: {  	s1 =	simm.s32 $0x0;
	s7 =	rddreg [dreg:$0x3]  }
0x17: {  	[tilespmem:s12], [sflag:$0x1] =	stream.linear.gather [hbm4b:s7+s1], $0x2A00, $0x38;
	[tilespmem:$0x1B400] =	vst v63  }
0x18: {  	s22 =	rddreg [dreg:$0x4]  }
0x19: {  	[tilespmem:s1], [sflag:$0xE] =	stream.linear.gather [hbm4b:s22+s1], $0x2A00, $0x38;
	[tilespmem:$0x1B400] =	vst v63  }
0x1a: {  	_ =	swait.ge [sflag:s15], $0x2A00  }
0x1b: {  	[sflag:s15] =	ssyncset.done $0x0  }
0x1c: {  	s9 =	simm.s32 $0x100;
	s8 =	simm.s32 $0x0;
	[sflag:s15] =	ssyncadd.s32 $0xFFFFD600  }
.LBB2_2:
0x1d: {  	p0 =	sne.s32 s9, $0x7F00;
	[tilespmem:s8+$0x5430] =	vst v0;
	s10 =	smov.u32 s9;
	s9 =	sadd.s32 $0x100, s9  }
.Ltmp0:
0x1e: {  	[tilespmem:s8+$0x5420] =	vst v0;
	(pc) =	sbr.rel @p0 .LBB2_2-.Ltmp0, $3  }
0x1f: {  	[tilespmem:s8+$0x5400] =	vst v0  }
0x20: {  	[tilespmem:s8+$0x5410] =	vst v0;
	_ =	sdelay $0x1  }
0x21: {  	s8 =	sshra.s32 s10, $0x2  }
0x22: {  	[tilespmem:s8+$0x5430] =	vst v0  }
0x23: {  	[tilespmem:s8+$0x5420] =	vst v0  }
0x24: {  	[tilespmem:s8+$0x5400] =	vst v0  }
0x25: {  	[tilespmem:s8+$0x5410] =	vst v0  }
0x26: {  	[spmem:s11] =	stream.linear.scatter [tilespmem:s16], [sflag:$0xE], $0x2000, $0x38;
	[tilespmem:$0x1B400] =	vst v63  }
0x27: {  	_ =	swait.ge [sflag:s15], $0x2000  }
0x28: {  	[sflag:s15] =	ssyncset.done $0x0  }
0x29: {  	s1 =	rddreg [dreg:$0x6];
	[sflag:s15] =	ssyncadd.s32 $0xFFFFE000  }
0x2a: {  	[spmem:s1] =	stream.linear.scatter [tilespmem:s16], [sflag:$0xE], $0x2000, $0x38;
	[tilespmem:$0x1B400] =	vst v63  }
0x2b: {  	_ =	swait.ge [sflag:s15], $0x2000  }
0x2c: {  	[sflag:s15] =	ssyncset.done $0x0  }
0x2d: {  	s17 =	rddreg [dreg:$0x7];
	[sflag:s15] =	ssyncadd.s32 $0xFFFFE000  }
0x2e: {  	[spmem:s17] =	stream.linear.scatter [tilespmem:s16], [sflag:$0xE], $0x2000, $0x38;
	[tilespmem:$0x1B400] =	vst v63  }
0x2f: {  	_ =	swait.ge [sflag:s15], $0x2000  }
0x30: {  	[sflag:s15] =	ssyncset.done $0x0  }
0x31: {  	s20 =	rddreg [dreg:$0x8];
	[sflag:s15] =	ssyncadd.s32 $0xFFFFE000  }
0x32: {  	[spmem:s20] =	stream.linear.scatter [tilespmem:s16], [sflag:$0xE], $0x2000, $0x38;
	[tilespmem:$0x1B400] =	vst v63  }
0x33: {  	_ =	swait.ge [sflag:s15], $0x2000  }
0x34: {  	[sflag:s15] =	ssyncset.done $0x0  }
0x35: {  	s21 =	rddreg [dreg:$0x9];
	[sflag:s15] =	ssyncadd.s32 $0xFFFFE000  }
0x36: {  	[spmem:s21] =	stream.linear.scatter [tilespmem:s16], [sflag:$0xE], $0x2000, $0x38;
	[tilespmem:$0x1B400] =	vst v63  }
0x37: {  	_ =	swait.ge [sflag:s15], $0x2000  }
0x38: {  	[sflag:s15] =	ssyncset.done $0x0  }
0x39: {  	s22 =	simm.s32 $0x1;
	[sflag:s15] =	ssyncadd.s32 $0xFFFFE000  }
0x3a: {  	_ =	swait.ge [sflag:s22], $0x2A00  }
0x3b: {  	[sflag:s22] =	ssyncset.done $0x0  }
0x3c: {  	[sflag:s22] =	ssyncadd.s32 $0xFFFFD600  }
0x3d: {  	s7 =	simm.s32 $0x0;
	[bflag:$0x0] =	sbarrier.arrive $0xFFFF  }
0x3e: {  	[tilespmem:s16], [sflag:$0x2] =	stream.indirect.gather [hbm4b:s4+s18], $0x40, s7, s18, $0xb8;
	[tilespmem:$0x1B400] =	vst v63  }
0x3f: {  	_ = 	snop  }
0x40: {  	[tilespmem:s19], [sflag:$0x3] =	stream.indirect.gather [hbm4b:s4+s18], $0x40, s18, s18, $0xb8;
	[tilespmem:$0x1B400] =	vst v63  }
0x41: {  	s8 =	simm.s32 $0x100;
	s7 =	simm.s32 $0x9400  }
0x42: {  	[tilespmem:s7], [sflag:$0x4] =	stream.indirect.gather [hbm4b:s4+s18], $0x40, s8, s18, $0xb8;
	[tilespmem:$0x1B400] =	vst v63  }
0x43: {  	s9 =	simm.s32 $0x180  }
0x44: {  	[tilespmem:s23], [sflag:$0x5] =	stream.indirect.gather [hbm4b:s4+s18], $0x40, s9, s18, $0xb8;
	[tilespmem:$0x1B400] =	vst v63  }
0x45: {  	s10 =	simm.s32 $0x200  }
0x46: {  	[tilespmem:s25], [sflag:$0x6] =	stream.indirect.gather [hbm4b:s4+s18], $0x40, s10, s18, $0xb8;
	[tilespmem:$0x1B400] =	vst v63  }
0x47: {  	_ =	swait.ge [sflag:s26], $0x2000  }
0x48: {  	[sflag:s26] =	ssyncset.done $0x0  }
0x49: {  	[sflag:s26] =	ssyncadd.s32 $0xFFFFE000  }
0x4a: {  	[spmem:s2] =	stream.indirect.scatter.add.f32 [tilespmem:s16], [sflag:$0x8], $0x40, s12, s18, $0xb8;
	[tilespmem:$0x1B400] =	vst v63  }
0x4b: {  	s11 =	simm.s32 $0x280  }
0x4c: {  	[tilespmem:s29], [sflag:$0x7] =	stream.indirect.gather [hbm4b:s4+s18], $0x40, s11, s18, $0xb8;
	[tilespmem:$0x1B400] =	vst v63  }
0x4d: {  	_ =	swait.ge [sflag:s30], $0x2000  }
0x4e: {  	[sflag:s30] =	ssyncset.done $0x0  }
0x4f: {  	s12 =	simm.s32 $0x2A80;
	[sflag:s30] =	ssyncadd.s32 $0xFFFFE000  }
0x50: {  	[spmem:s2] =	stream.indirect.scatter.add.f32 [tilespmem:s19], [sflag:$0x9], $0x40, s12, s18, $0xb8;
	[tilespmem:$0x1B400] =	vst v63  }
0x51: {  	_ =	swait.ge [sflag:s13], $0x2000  }
0x52: {  	[sflag:s13] =	ssyncset.done $0x0  }
0x53: {  	s17 =	simm.s32 $0x4;
	[sflag:s13] =	ssyncadd.s32 $0xFFFFE000;
	s13 =	simm.s32 $0x300  }
0x54: {  	[tilespmem:s16], [sflag:$0x2] =	stream.indirect.gather [hbm4b:s4+s18], $0x40, s13, s18, $0xb8;
	[tilespmem:$0x1B400] =	vst v63  }
0x55: {  	_ =	swait.ge [sflag:s17], $0x2000  }
0x56: {  	[sflag:s17] =	ssyncset.done $0x0  }
0x57: {  	s20 =	simm.s32 $0x2B00;
	[sflag:s17] =	ssyncadd.s32 $0xFFFFE000  }
0x58: {  	[spmem:s2] =	stream.indirect.scatter.add.f32 [tilespmem:s7], [sflag:$0xA], $0x40, s20, s18, $0xb8;
	[tilespmem:$0x1B400] =	vst v63  }
0x59: {  	_ =	swait.ge [sflag:s28], $0x2000  }
0x5a: {  	[sflag:s28] =	ssyncset.done $0x0  }
0x5b: {  	s21 =	simm.s32 $0x380;
	[sflag:s28] =	ssyncadd.s32 $0xFFFFE000  }
0x5c: {  	[tilespmem:s19], [sflag:$0x3] =	stream.indirect.gather [hbm4b:s4+s18], $0x40, s21, s18, $0xb8;
	[tilespmem:$0x1B400] =	vst v63  }
0x5d: {  	_ =	swait.ge [sflag:s31], $0x2000  }
0x5e: {  	[sflag:s31] =	ssyncset.done $0x0  }
0x5f: {  	s22 =	simm.s32 $0x2B80;
	[sflag:s31] =	ssyncadd.s32 $0xFFFFE000  }
0x60: {  	[spmem:s2] =	stream.indirect.scatter.add.f32 [tilespmem:s23], [sflag:$0xB], $0x40, s22, s18, $0xb8;
	[tilespmem:$0x1B400] =	vst v63  }
0x61: {  	_ =	swait.ge [sflag:s24], $0x2000  }
0x62: {  	[sflag:s24] =	ssyncset.done $0x0  }
0x63: {  	s8 =	simm.s32 $0x400;
	s9 =	simm.s32 $0x6;
	[sflag:s24] =	ssyncadd.s32 $0xFFFFE000  }
0x64: {  	[tilespmem:s7], [sflag:$0x4] =	stream.indirect.gather [hbm4b:s4+s18], $0x40, s8, s18, $0xb8;
	[tilespmem:$0x1B400] =	vst v63  }
0x65: {  	_ =	swait.ge [sflag:s9], $0x2000  }
0x66: {  	[sflag:s9] =	ssyncset.done $0x0  }
0x67: {  	s10 =	simm.s32 $0x2C00;
	[sflag:s9] =	ssyncadd.s32 $0xFFFFE000  }
0x68: {  	[spmem:s2] =	stream.indirect.scatter.add.f32 [tilespmem:s25], [sflag:$0xC], $0x40, s10, s18, $0xb8;
	[tilespmem:$0x1B400] =	vst v63  }
0x69: {  	_ =	swait.ge [sflag:s0], $0x2000  }
0x6a: {  	[sflag:s0] =	ssyncset.done $0x0  }
0x6b: {  	s11 =	simm.s32 $0x480;
	[sflag:s0] =	ssyncadd.s32 $0xFFFFE000  }
0x6c: {  	[tilespmem:s23], [sflag:$0x5] =	stream.indirect.gather [hbm4b:s4+s18], $0x40, s11, s18, $0xb8;
	[tilespmem:$0x1B400] =	vst v63  }
0x6d: {  	_ =	swait.ge [sflag:s3], $0x2000  }
0x6e: {  	[sflag:s3] =	ssyncset.done $0x0  }
0x6f: {  	s12 =	simm.s32 $0x2C80;
	[sflag:s3] =	ssyncadd.s32 $0xFFFFE000  }
0x70: {  	[spmem:s2] =	stream.indirect.scatter.add.f32 [tilespmem:s29], [sflag:$0xD], $0x40, s12, s18, $0xb8;
	[tilespmem:$0x1B400] =	vst v63  }
0x71: {  	_ =	swait.ge [sflag:s5], $0x2000  }
0x72: {  	[sflag:s5] =	ssyncset.done $0x0  }
0x73: {  	s13 =	simm.s32 $0x500;
	[sflag:s5] =	ssyncadd.s32 $0xFFFFE000  }
0x74: {  	[tilespmem:s25], [sflag:$0x6] =	stream.indirect.gather [hbm4b:s4+s18], $0x40, s13, s18, $0xb8;
	[tilespmem:$0x1B400] =	vst v63  }
0x75: {  	_ =	swait.ge [sflag:s26], $0x2000  }
0x76: {  	[sflag:s26] =	ssyncset.done $0x0  }
0x77: {  	s17 =	simm.s32 $0x2D00;
	[sflag:s26] =	ssyncadd.s32 $0xFFFFE000  }
0x78: {  	[spmem:s2] =	stream.indirect.scatter.add.f32 [tilespmem:s16], [sflag:$0x8], $0x40, s17, s18, $0xb8;
	[tilespmem:$0x1B400] =	vst v63  }
0x79: {  	_ =	swait.ge [sflag:s6], $0x2000  }
0x7a: {  	[sflag:s6] =	ssyncset.done $0x0  }
0x7b: {  	s20 =	simm.s32 $0x580;
	[sflag:s6] =	ssyncadd.s32 $0xFFFFE000  }
0x7c: {  	[tilespmem:s29], [sflag:$0x7] =	stream.indirect.gather [hbm4b:s4+s18], $0x40, s20, s18, $0xb8;
	[tilespmem:$0x1B400] =	vst v63  }
0x7d: {  	_ =	swait.ge [sflag:s30], $0x2000  }
0x7e: {  	p0 =	por $0x0, $0x0;
	[sflag:s30] =	ssyncset.done $0x0  }
0x7f: {  	s21 =	simm.s32 $0x2D80;
	s9 =	simm.s32 @p0 $0x4;
	[sflag:s30] =	ssyncadd.s32 $0xFFFFE000  }
0x80: {  	[spmem:s2] =	stream.indirect.scatter.add.f32 [tilespmem:s19], [sflag:$0x9], $0x40, s21, s18, $0xb8;
	[tilespmem:$0x1B400] =	vst v63  }
0x81: {  	_ =	swait.ge @p0 [sflag:s9], $0x2000  }
0x82: {  	s8 =	simm.s32 @p0 $0x2E00;
	s10 =	simm.s32 @p0 $0x80;
	[sflag:s9] =	ssyncset.done @p0 $0x0  }
0x83: {  	s11 =	simm.s32 @p0 $0x9400;
	[sflag:s9] =	ssyncadd.s32 @p0 $0xFFFFE000;
	s9 =	simm.s32 @!p0 $0x8  }
0x84: {  	[spmem:s2] =	stream.indirect.scatter.add.f32 @p0 [tilespmem:s11], [sflag:$0xA], $0x40, s8, s10, $0xb8;
	[tilespmem:$0x1B400] =	vst v63  }
0x85: {  	_ =	swait.ge @!p0 [sflag:s9], $0x2000  }
0x86: {  	s12 =	simm.s32 @!p0 $0x5400;
	s8 =	simm.s32 @!p0 $0x600;
	[sflag:s9] =	ssyncset.done @!p0 $0x0  }
0x87: {  	s11 =	simm.s32 @!p0 $0x80;
	[sflag:s9] =	ssyncadd.s32 @!p0 $0xFFFFE000;
	s9 =	simm.s32 @!p0 $0x4  }
0x88: {  	[tilespmem:s12], [sflag:$0x2] =	stream.indirect.gather @!p0 [hbm4b:s4+s11], $0x40, s8, s11, $0xb8;
	[tilespmem:$0x1B400] =	vst v63  }
0x89: {  	_ =	swait.ge @!p0 [sflag:s9], $0x2000  }
0x8a: {  	s8 =	simm.s32 @!p0 $0x2E00;
	[sflag:s9] =	ssyncset.done @!p0 $0x0  }
0x8b: {  	s12 =	simm.s32 @!p0 $0x9400;
	[sflag:s9] =	ssyncadd.s32 @!p0 $0xFFFFE000;
	s9 =	simm.s32 @!p0 $0x9  }
0x8c: {  	[spmem:s2] =	stream.indirect.scatter.add.f32 @!p0 [tilespmem:s12], [sflag:$0xA], $0x40, s8, s11, $0xb8;
	[tilespmem:$0x1B400] =	vst v63  }
0x8d: {  	_ =	swait.ge @!p0 [sflag:s9], $0x2000  }
0x8e: {  	[sflag:s9] =	ssyncset.done @!p0 $0x0  }
0x8f: {  	s8 =	simm.s32 @!p0 $0x680;
	[sflag:s9] =	ssyncadd.s32 @!p0 $0xFFFFE000;
	s9 =	simm.s32 @!p0 $0x7400  }
0x90: {  	[tilespmem:s9], [sflag:$0x3] =	stream.indirect.gather @!p0 [hbm4b:s4+s11], $0x40, s8, s11, $0xb8;
	[tilespmem:$0x1B400] =	vst v63  }
0x91: {  	_ =	swait.ge [sflag:s31], $0x2000  }
0x92: {  	[sflag:s31] =	ssyncset.done $0x0  }
0x93: {  	s22 =	simm.s32 $0x2E80;
	s9 =	simm.s32 @p0 $0x6;
	[sflag:s31] =	ssyncadd.s32 $0xFFFFE000  }
0x94: {  	[spmem:s2] =	stream.indirect.scatter.add.f32 [tilespmem:s23], [sflag:$0xB], $0x40, s22, s18, $0xb8;
	[tilespmem:$0x1B400] =	vst v63  }
0x95: {  	_ =	swait.ge @p0 [sflag:s9], $0x2000  }
0x96: {  	[sflag:s9] =	ssyncset.done @p0 $0x0  }
0x97: {  	s8 =	simm.s32 @p0 $0x2F00;
	[sflag:s9] =	ssyncadd.s32 @p0 $0xFFFFE000;
	s9 =	simm.s32 @p0 $0xD400  }
0x98: {  	[spmem:s2] =	stream.indirect.scatter.add.f32 @p0 [tilespmem:s9], [sflag:$0xC], $0x40, s8, s10, $0xb8;
	[tilespmem:$0x1B400] =	vst v63  }
0x99: {  	s8 =	simm.s32 @!p0 $0xA  }
0x9a: {  	_ =	swait.ge @!p0 [sflag:s8], $0x2000  }
0x9b: {  	[sflag:s8] =	ssyncset.done @!p0 $0x0  }
0x9c: {  	[sflag:s8] =	ssyncadd.s32 @!p0 $0xFFFFE000;
	s8 =	simm.s32 @!p0 $0x700  }
0x9d: {  	[tilespmem:s12], [sflag:$0x4] =	stream.indirect.gather @!p0 [hbm4b:s4+s11], $0x40, s8, s11, $0xb8;
	[tilespmem:$0x1B400] =	vst v63  }
0x9e: {  	s8 =	simm.s32 @!p0 $0x6  }
0x9f: {  	_ =	swait.ge @!p0 [sflag:s8], $0x2000  }
0xa0: {  	[sflag:s8] =	ssyncset.done @!p0 $0x0  }
0xa1: {  	s9 =	simm.s32 @!p0 $0x2F00;
	[sflag:s8] =	ssyncadd.s32 @!p0 $0xFFFFE000;
	s8 =	simm.s32 @!p0 $0xD400  }
0xa2: {  	[spmem:s2] =	stream.indirect.scatter.add.f32 @!p0 [tilespmem:s8], [sflag:$0xC], $0x40, s9, s11, $0xb8;
	[tilespmem:$0x1B400] =	vst v63  }
0xa3: {  	s8 =	simm.s32 @!p0 $0xB  }
0xa4: {  	_ =	swait.ge @!p0 [sflag:s8], $0x2000  }
0xa5: {  	[sflag:s8] =	ssyncset.done @!p0 $0x0  }
0xa6: {  	s9 =	simm.s32 @!p0 $0x780;
	[sflag:s8] =	ssyncadd.s32 @!p0 $0xFFFFE000;
	s8 =	simm.s32 @!p0 $0xB400  }
0xa7: {  	[tilespmem:s8], [sflag:$0x5] =	stream.indirect.gather @!p0 [hbm4b:s4+s11], $0x40, s9, s11, $0xb8;
	[tilespmem:$0x1B400] =	vst v63  }
0xa8: {  	_ =	swait.ge [sflag:s3], $0x2000  }
0xa9: {  	s8 =	simm.s32 $0xC00;
	s9 =	simm.s32 $0x2F80;
	[sflag:s3] =	ssyncset.done $0x0  }
.LBB2_4:
0xaa: {  	[sflag:s3] =	ssyncadd.s32 $0xFFFFE000;
	s10 =	smov.u32 s8;
	s8 =	sadd.s32 $0xC00, s8  }
0xab: {  	[spmem:s2] =	stream.indirect.scatter.add.f32 [tilespmem:s29], [sflag:$0xD], $0x40, s9, s18, $0xb8;
	[tilespmem:$0x1B400] =	vst v63  }
0xac: {  	s9 =	sshra.s32 s10, $0x2;
	p0 =	sne.s32 s8, $0x9C00;
	_ =	swait.ge [sflag:s5], $0x2000  }
0xad: {  	s11 =	sadd.s32 $0x500, s9;
	[sflag:s5] =	ssyncset.done $0x0  }
0xae: {  	[sflag:s5] =	ssyncadd.s32 $0xFFFFE000  }
0xaf: {  	[tilespmem:s25], [sflag:$0x6] =	stream.indirect.gather [hbm4b:s4+s18], $0x40, s11, s18, $0xb8;
	[tilespmem:$0x1B400] =	vst v63  }
0xb0: {  	_ =	swait.ge [sflag:s26], $0x2000  }
0xb1: {  	s11 =	sadd.s32 $0x2D00, s9;
	[sflag:s26] =	ssyncset.done $0x0  }
0xb2: {  	[sflag:s26] =	ssyncadd.s32 $0xFFFFE000  }
0xb3: {  	[spmem:s2] =	stream.indirect.scatter.add.f32 [tilespmem:s16], [sflag:$0x8], $0x40, s11, s18, $0xb8;
	[tilespmem:$0x1B400] =	vst v63  }
0xb4: {  	_ =	swait.ge [sflag:s6], $0x2000  }
0xb5: {  	s11 =	sadd.s32 $0x580, s9;
	[sflag:s6] =	ssyncset.done $0x0  }
0xb6: {  	[sflag:s6] =	ssyncadd.s32 $0xFFFFE000  }
0xb7: {  	[tilespmem:s29], [sflag:$0x7] =	stream.indirect.gather [hbm4b:s4+s18], $0x40, s11, s18, $0xb8;
	[tilespmem:$0x1B400] =	vst v63  }
0xb8: {  	_ =	swait.ge [sflag:s30], $0x2000  }
0xb9: {  	p1 =	seq.s32 s10, $0x9000;
	s11 =	sadd.s32 $0x2D80, s9;
	[sflag:s30] =	ssyncset.done $0x0  }
0xba: {  	s12 =	simm.s32 @p1 $0x4;
	s13 =	sshra.s32 @p1 s10, $0x2;
	[sflag:s30] =	ssyncadd.s32 $0xFFFFE000  }
0xbb: {  	[spmem:s2] =	stream.indirect.scatter.add.f32 [tilespmem:s19], [sflag:$0x9], $0x40, s11, s18, $0xb8;
	[tilespmem:$0x1B400] =	vst v63  }
0xbc: {  	s21 =	sshra.s32 @!p1 s10, $0x2;
	s17 =	sadd.s32 @p1 $0x2E00, s13;
	_ =	swait.ge @p1 [sflag:s12], $0x2000  }
0xbd: {  	s10 =	simm.s32 @p1 $0x9400;
	s11 =	simm.s32 @p1 $0x80;
	[sflag:s12] =	ssyncset.done @p1 $0x0  }
0xbe: {  	s22 =	sadd.s32 @!p1 $0x600, s21;
	[sflag:s12] =	ssyncadd.s32 @p1 $0xFFFFE000;
	s12 =	simm.s32 @!p1 $0x8  }
0xbf: {  	[spmem:s2] =	stream.indirect.scatter.add.f32 @p1 [tilespmem:s10], [sflag:$0xA], $0x40, s17, s11, $0xb8;
	[tilespmem:$0x1B400] =	vst v63  }
0xc0: {  	s20 =	sadd.s32 @!p1 $0x680, s21;
	s17 =	sadd.s32 @!p1 $0x2E00, s21;
	_ =	swait.ge @!p1 [sflag:s12], $0x2000  }
0xc1: {  	s7 =	simm.s32 @!p1 $0x5400;
	s10 =	simm.s32 @!p1 $0x80;
	[sflag:s12] =	ssyncset.done @!p1 $0x0  }
0xc2: {  	s13 =	sadd.s32 @p1 $0x2F00, s13;
	[sflag:s12] =	ssyncadd.s32 @!p1 $0xFFFFE000;
	s12 =	simm.s32 @!p1 $0x4  }
0xc3: {  	[tilespmem:s7], [sflag:$0x2] =	stream.indirect.gather @!p1 [hbm4b:s4+s10], $0x40, s22, s10, $0xb8;
	[tilespmem:$0x1B400] =	vst v63  }
0xc4: {  	s7 =	sadd.s32 @!p1 $0x700, s21;
	s22 =	sadd.s32 @!p1 $0x2F00, s21;
	_ =	swait.ge @!p1 [sflag:s12], $0x2000  }
0xc5: {  	s1 =	simm.s32 @!p1 $0x9400;
	s21 =	sadd.s32 @!p1 $0x780, s21;
	[sflag:s12] =	ssyncset.done @!p1 $0x0  }
0xc6: {  	[sflag:s12] =	ssyncadd.s32 @!p1 $0xFFFFE000;
	s12 =	simm.s32 @!p1 $0x9  }
0xc7: {  	[spmem:s2] =	stream.indirect.scatter.add.f32 @!p1 [tilespmem:s1], [sflag:$0xA], $0x40, s17, s10, $0xb8;
	[tilespmem:$0x1B400] =	vst v63  }
0xc8: {  	_ =	swait.ge @!p1 [sflag:s12], $0x2000  }
0xc9: {  	s17 =	simm.s32 @!p1 $0x7400;
	[sflag:s12] =	ssyncset.done @!p1 $0x0  }
0xca: {  	[sflag:s12] =	ssyncadd.s32 @!p1 $0xFFFFE000  }
0xcb: {  	[tilespmem:s17], [sflag:$0x3] =	stream.indirect.gather @!p1 [hbm4b:s4+s10], $0x40, s20, s10, $0xb8;
	[tilespmem:$0x1B400] =	vst v63  }
0xcc: {  	_ =	swait.ge [sflag:s31], $0x2000  }
0xcd: {  	s12 =	sadd.s32 $0x2E80, s9;
	[sflag:s31] =	ssyncset.done $0x0  }
0xce: {  	s17 =	simm.s32 @p1 $0x6;
	[sflag:s31] =	ssyncadd.s32 $0xFFFFE000  }
0xcf: {  	[spmem:s2] =	stream.indirect.scatter.add.f32 [tilespmem:s23], [sflag:$0xB], $0x40, s12, s18, $0xb8;
	[tilespmem:$0x1B400] =	vst v63  }
0xd0: {  	_ =	swait.ge @p1 [sflag:s17], $0x2000  }
0xd1: {  	s12 =	simm.s32 @p1 $0xD400;
	[sflag:s17] =	ssyncset.done @p1 $0x0  }
0xd2: {  	[sflag:s17] =	ssyncadd.s32 @p1 $0xFFFFE000;
	s17 =	simm.s32 @!p1 $0xA  }
0xd3: {  	[spmem:s2] =	stream.indirect.scatter.add.f32 @p1 [tilespmem:s12], [sflag:$0xC], $0x40, s13, s11, $0xb8;
	[tilespmem:$0x1B400] =	vst v63  }
0xd4: {  	_ =	swait.ge @!p1 [sflag:s17], $0x2000  }
0xd5: {  	[sflag:s17] =	ssyncset.done @!p1 $0x0  }
0xd6: {  	s11 =	simm.s32 @!p1 $0x6;
	[sflag:s17] =	ssyncadd.s32 @!p1 $0xFFFFE000  }
0xd7: {  	[tilespmem:s1], [sflag:$0x4] =	stream.indirect.gather @!p1 [hbm4b:s4+s10], $0x40, s7, s10, $0xb8;
	[tilespmem:$0x1B400] =	vst v63  }
0xd8: {  	_ =	swait.ge @!p1 [sflag:s11], $0x2000  }
0xd9: {  	s1 =	simm.s32 @!p1 $0xD400;
	[sflag:s11] =	ssyncset.done @!p1 $0x0  }
0xda: {  	s7 =	simm.s32 @!p1 $0xB;
	[sflag:s11] =	ssyncadd.s32 @!p1 $0xFFFFE000  }
0xdb: {  	[spmem:s2] =	stream.indirect.scatter.add.f32 @!p1 [tilespmem:s1], [sflag:$0xC], $0x40, s22, s10, $0xb8;
	[tilespmem:$0x1B400] =	vst v63  }
0xdc: {  	_ =	swait.ge @!p1 [sflag:s7], $0x2000  }
.Ltmp1:
0xdd: {  	s1 =	simm.s32 @!p1 $0xB400;
	[sflag:s7] =	ssyncset.done @!p1 $0x0;
	(pc) =	sbr.rel @p0 .LBB2_4-.Ltmp1, $4  }
0xde: {  	[sflag:s7] =	ssyncadd.s32 @!p1 $0xFFFFE000  }
0xdf: {  	[tilespmem:s1], [sflag:$0x5] =	stream.indirect.gather @!p1 [hbm4b:s4+s10], $0x40, s21, s10, $0xb8;
	[tilespmem:$0x1B400] =	vst v63  }
0xe0: {  	_ =	swait.ge [sflag:s3], $0x2000  }
0xe1: {  	s9 =	sadd.s32 $0x2F80, s9;
	[sflag:s3] =	ssyncset.done $0x0  }
0xe2: {  	[sflag:s3] =	ssyncadd.s32 $0xFFFFE000;
	s13 =	simm.s32 $0x8  }
0xe3: {  	[spmem:s2] =	stream.indirect.scatter.add.f32 [tilespmem:s29], [sflag:$0xD], $0x40, s9, s18, $0xb8;
	[tilespmem:$0x1B400] =	vst v63  }
0xe4: {  	_ =	swait.ge [sflag:s13], $0x2000  }
0xe5: {  	[sflag:s13] =	ssyncset.done $0x0  }
0xe6: {  	[sflag:s13] =	ssyncadd.s32 $0xFFFFE000  }
0xe7: {  	_ =	swait.ge [sflag:s28], $0x2000  }
0xe8: {  	[sflag:s28] =	ssyncset.done $0x0  }
0xe9: {  	[sflag:s28] =	ssyncadd.s32 $0xFFFFE000  }
0xea: {  	_ =	swait.ge [sflag:s24], $0x2000  }
0xeb: {  	[sflag:s24] =	ssyncset.done $0x0  }
0xec: {  	[sflag:s24] =	ssyncadd.s32 $0xFFFFE000  }
0xed: {  	_ =	swait.ge [sflag:s0], $0x2000  }
0xee: {  	[sflag:s0] =	ssyncset.done $0x0  }
0xef: {  	[sflag:s0] =	ssyncadd.s32 $0xFFFFE000  }
0xf0: {  	_ =	swait.ge [sflag:s5], $0x2000  }
0xf1: {  	[sflag:s5] =	ssyncset.done $0x0  }
0xf2: {  	[sflag:s5] =	ssyncadd.s32 $0xFFFFE000  }
0xf3: {  	_ =	swait.ge [sflag:s6], $0x2000  }
0xf4: {  	[sflag:s6] =	ssyncset.done $0x0  }
0xf5: {  	[sflag:s6] =	ssyncadd.s32 $0xFFFFE000  }
0xf6: {  	s1 =	stileid.u32;
	[bflag:$0x0] =	sbarrier.arrive $0xFFFF  }
0xf7: {  	s1 =	sshll.u32 s1, $0x6;
	s11 =	rddreg [dreg:$0x5]  }
0xf8: {  	s1 =	sor.u32 $0x1C0E, s1;
	s8 =	rddreg [dreg:$0xa];
	s7 =	sshrl.u32 s11, $0x3  }
0xf9: {  	[hbm:s8], [sflag:s1] =	dma.local [spmem:s7], $0x1400  }
0xfa: {  	_ =	swait.ge [sflag:s15], $0x1400  }
0xfb: {  	s14 =	sadd.s32 $0x1, s14;
	s22 =	rddreg [dreg:$0xb]  }
0xfc: {  	p0 =	sne.s32 s14, s22  }
.Ltmp2:
0xfd: {  	_ = 	snop;
	(pc) =	sbr.rel @p0 .LBB2_1-.Ltmp2, $3  }
0xfe: {  	_ =	sdelay $0x1  }
0xff: {  	[sflag:s15] =	ssyncset.done $0x0  }
0x100: {  	s12 =	simm.s32 $0x2A00;
	[sflag:s15] =	ssyncadd.s32 $0xFFFFEC00  }
0x101: {  	_ =	sfence.sel $0x180000  }
0x102: {  	[bflag:$0x0] =	sbarrier.arrive $0xFFFF  }
0x103: {  	_ =	strace $0x9000004A  }
0x104: {  	s0 =	stileid.u32;
	[bflag:$0x2] =	sbarrier.arrive $0xFFFF  }
0x105: {  	p0 =	sne.s32 s0, $0x0;
	s0 =	rddreg [dreg:$0x2]  }
0x106: {  	s0 =	sadd.s32 @!p0 $0x100000, s0  }
0x107: {  	[sflag:s0] =	ssyncadd.tile.s32 @!p0 $0x1;
	_ =	shalt  }
.Lfunc_end2:
_tile_overlayer_lowered:
.L_overlay_start_2:
0x108: {  	(tag) =	ssettag $0x2  }
0x109: {  	s0 =	rddreg [dreg:$0x0];
	s2 =	stileid.u32  }
0x10a: {  	s1 =	rddreg [dreg:$0x1];
	p0 =	sne.s32 s2, $0x0  }
0x10b: {  	s3 =	rddreg [dreg:$0x2];
	[bflag:$0x3] =	sbarrier.arrive $0xFFFF;
	s2 =	simm.s32 @!p0 $0x1C0E  }
0x10c: {  	[timem:s3], [sflag:s2] =	dma.local @!p0 [hbm:s0], s1  }
0x10d: {  	s0 =	simm.s32 @!p0 $0xE  }
0x10e: {  	_ =	swait.ge @!p0 [sflag:s0], s1  }
0x10f: {  	s1 =	ssub.s32 @!p0 $0x0, s1;
	[sflag:s0] =	ssyncset.done @!p0 $0x0  }
0x110: {  	[sflag:s0] =	ssyncadd.s32 @!p0 s1  }
0x111: {  	[bflag:$0x3] =	sbarrier.arrive $0xFFFF  }
0x112: {  	_ =	shalt  }

// kernel: kernel.14.cloned.1.call-start
scs
__scs_entry_jumppad:
0x0: {  	(pc) =	sbr.rel $0x88, $3  }
0x1: {  	(tag) =	ssettag $0x0;
	lr =	simm.s32 $0x1  }
0x2: {  	[smem:$0x3F9B] =	sst lr;
	_ =	strace $0xD0000000  }
0x3: {  	_ = 	snop  }
0x4: {  	_ = 	snop  }
0x5: {  	_ = 	snop  }
0x6: {  	_ = 	snop  }
0x7: {  	_ = 	snop  }
__scs_overlays_trampoline_lowered:
0x8: {  	[smem:$0x3FAA] =	sst s0  }
0x9: {  	[smem:$0x3FAB] =	sst s1  }
0xa: {  	[smem:$0x3FAC] =	sst s2  }
0xb: {  	[smem:$0x3FAD] =	sst s3  }
0xc: {  	[smem:$0x3FAE] =	sst s4  }
0xd: {  	[smem:$0x3FAF] =	sst s5  }
0xe: {  	[smem:$0x3FB0] =	sst s6  }
0xf: {  	[smem:$0x3FB1] =	sst s7  }
0x10: {  	[smem:$0x3FB2] =	sst s8  }
0x11: {  	[smem:$0x3FB3] =	sst s9;
	s0 =	simm.s32 @!p0 $0x0  }
0x12: {  	s1 =	sld [smem:$0x3F99];
	s0 =	simm.s32 @p0 $0x1  }
0x13: {  	[smem:$0x3FB4] =	sst s0;
	s0 =	simm.s32 @!p1 $0x0  }
0x14: {  	s2 =	sld [smem:$0x3F98];
	s0 =	simm.s32 @p1 $0x1  }
0x15: {  	[smem:$0x3FB5] =	sst s0;
	s0 =	simm.s32 @!p2 $0x0  }
0x16: {  	s3 =	sld [smem:$0x3FDB];
	s0 =	simm.s32 @p2 $0x1  }
0x17: {  	s4 =	simm.s32 $0x1BF5;
	[smem:$0x3FB7] =	sst s0  }
0x18: {  	s0 =	sld [smem:$0x3F9A];
	_ =	swait.ge [sflag:s4], $0x0  }
0x19: {  	s7 =	sld [smem:$0x3F9B]  }
0x1a: {  	s8 =	sadd.s32 $0xFFFFE003, lr  }
0x1b: {  	s9 =	sadd.s32 $0xFFFFFEF7, lr;
	s5 =	simm.s32 $0xFFFFFFFF;
	p2 =	slt.u32 s8, $0xFFFFF086  }
0x1c: {  	p1 =	slt.u32 s9, $0xF7A;
	s5 =	simm.s32 @!p2 $0x0  }
0x1d: {  	s5 =	simm.s32 @p1 $0x1;
	p0 =	seq.s32 s7, s2  }
0x1e: {  	s7 =	smul.u32 @!p0 $0xF7A, s2;
	p2 =	seq.s32 @!p0 s5, $0x0  }
0x1f: {  	s9 =	smul.u32 $0xF7A, s1;
	s8 =	simm.s32 @!p0 $0x1BF5;
	p2 =	por !p2, p0  }
0x20: {  	[sflag:s8] =	ssyncset.s32 @!p0 $0xFFFFF086;
	s6 =	sadd.s32 @!p0 s3, s7;
	s7 =	simm.s32 @!p0 $0x108  }
0x21: {  	s3 =	sadd.s32 s3, s9;
	s6 =	sadd.s32 @!p0 $0x88, s6;
	s7 =	simm.s32 @p2 $0x1082  }
0x22: {  	[simem:s7], [sflag:s8] =	dma.local @!p0 [hbm:s6], $0xF7A  }
0x23: {  	s9 =	sor.u32 $0xD0000000, s2;
	s6 =	simm.s32 $0x108;
	_ =	swait.ge @!p0 [sflag:s8], $0x0  }
0x24: {  	s3 =	sadd.s32 $0x88, s3;
	s6 =	simm.s32 @!p1 $0x1082;
	[sflag:s4] =	ssyncset.s32 $0xFFFFF086  }
0x25: {  	[simem:s6], [sflag:s4] =	dma.local [hbm:s3], $0xF7A  }
0x26: {  	[smem:$0x3F9B] =	sst s1;
	(tag) =	ssettag s2;
	_ =	strace s9  }
0x27: {  	s1 =	sld [smem:$0x3FAB]  }
0x28: {  	s2 =	sld [smem:$0x3FAC]  }
0x29: {  	s4 =	sld [smem:$0x3FAE]  }
0x2a: {  	p0 =	seq.s32 s5, $0x0;
	s5 =	sld [smem:$0x3FAF]  }
0x2b: {  	s6 =	sld [smem:$0x3FB0]  }
0x2c: {  	s7 =	sld [smem:$0x3FB1]  }
0x2d: {  	s3 =	simm.s32 $0x108;
	s8 =	sld [smem:$0x3FB2]  }
0x2e: {  	s3 =	simm.s32 @!p0 $0x1082;
	s9 =	sld [smem:$0x3FB3]  }
0x2f: {  	lr =	sadd.s32 s0, s3;
	s0 =	sld [smem:$0x3FAA]  }
0x30: {  	s3 =	sld [smem:$0x3FAD]  }
0x31: {  	[smem:$0x3FB6] =	sst s10  }
0x32: {  	s10 =	sld [smem:$0x3FB4];
	_ =	sdelay $0x3  }
0x33: {  	p0 =	seq.s32 s10, $0x1;
	s10 =	sld [smem:$0x3FB6];
	_ =	sdelay $0x3  }
0x34: {  	[smem:$0x3FB6] =	sst s10  }
0x35: {  	s10 =	sld [smem:$0x3FB5];
	_ =	sdelay $0x3  }
0x36: {  	p1 =	seq.s32 s10, $0x1;
	s10 =	sld [smem:$0x3FB6];
	_ =	sdelay $0x3  }
0x37: {  	[smem:$0x3FB6] =	sst s10  }
0x38: {  	s10 =	sld [smem:$0x3FB7]  }
0x39: {  	_ = 	snop;
	(pc) =	sbr.ind lr, $3  }
0x3a: {  	_ = 	snop  }
0x3b: {  	_ = 	snop  }
0x3c: {  	p2 =	seq.s32 s10, $0x1;
	s10 =	sld [smem:$0x3FB6]  }
0x3d: {  	_ =	shalt  }
0x3e: {  	_ =	shalt  }
0x3f: {  	_ =	shalt  }
0x40: {  	_ =	shalt  }
0x41: {  	_ =	shalt  }
0x42: {  	_ =	shalt  }
0x43: {  	_ =	shalt  }
0x44: {  	_ =	shalt  }
0x45: {  	_ =	shalt  }
0x46: {  	_ =	shalt  }
0x47: {  	_ =	shalt  }
0x48: {  	_ =	shalt  }
0x49: {  	_ =	shalt  }
0x4a: {  	_ =	shalt  }
0x4b: {  	_ =	shalt  }
0x4c: {  	_ =	shalt  }
0x4d: {  	_ =	shalt  }
0x4e: {  	_ =	shalt  }
0x4f: {  	_ =	shalt  }
0x50: {  	_ =	shalt  }
0x51: {  	_ =	shalt  }
0x52: {  	_ =	shalt  }
0x53: {  	_ =	shalt  }
0x54: {  	_ =	shalt  }
0x55: {  	_ =	shalt  }
0x56: {  	_ =	shalt  }
0x57: {  	_ =	shalt  }
0x58: {  	_ =	shalt  }
0x59: {  	_ =	shalt  }
0x5a: {  	_ =	shalt  }
0x5b: {  	_ =	shalt  }
0x5c: {  	_ =	shalt  }
0x5d: {  	_ =	shalt  }
0x5e: {  	_ =	shalt  }
0x5f: {  	_ =	shalt  }
0x60: {  	_ =	shalt  }
0x61: {  	_ =	shalt  }
0x62: {  	_ =	shalt  }
0x63: {  	_ =	shalt  }
0x64: {  	_ =	shalt  }
0x65: {  	_ =	shalt  }
0x66: {  	_ =	shalt  }
0x67: {  	_ =	shalt  }
0x68: {  	_ =	shalt  }
0x69: {  	_ =	shalt  }
0x6a: {  	_ =	shalt  }
0x6b: {  	_ =	shalt  }
0x6c: {  	_ =	shalt  }
0x6d: {  	_ =	shalt  }
0x6e: {  	_ =	shalt  }
0x6f: {  	_ =	shalt  }
0x70: {  	_ =	shalt  }
0x71: {  	_ =	shalt  }
0x72: {  	_ =	shalt  }
0x73: {  	_ =	shalt  }
0x74: {  	_ =	shalt  }
0x75: {  	_ =	shalt  }
0x76: {  	_ =	shalt  }
0x77: {  	_ =	shalt  }
0x78: {  	_ =	shalt  }
0x79: {  	_ =	shalt  }
0x7a: {  	_ =	shalt  }
0x7b: {  	_ =	shalt  }
0x7c: {  	_ =	shalt  }
0x7d: {  	_ =	shalt  }
0x7e: {  	_ =	shalt  }
0x7f: {  	_ =	shalt  }
0x80: {  	_ =	shalt  }
0x81: {  	_ =	shalt  }
0x82: {  	_ =	shalt  }
0x83: {  	_ =	shalt  }
0x84: {  	_ =	shalt  }
0x85: {  	_ =	shalt  }
0x86: {  	_ =	shalt  }
0x87: {  	_ =	shalt  }
.Lfunc_end0:
.L_simem_size_0:
called_computation.2_lowered:
.L_overlay_start_0:
0x88: {  	s2 =	sld [smem:$0x3FD9]  }
0x89: {  	s3 =	sld [smem:$0x3FFE];
	_ =	sdelay $0x1  }
0x8a: {  	s1 =	srdreg.scid  }
0x8b: {  	s0 =	sand.u32 $0x1, s1  }
0x8c: {  	s17 =	sshll.u32 s0, $0xA;
	s2 =	sadd.s32 s3, s2  }
0x8d: {  	s2 =	sadd.s32 s2, s17  }
0x8e: {  	[smem:$0x3FC2] =	sst s2  }
0x8f: {  	_ = 	snop  }
0x90: {  	s2 =	sld [smem:$0x3FD0];
	(tm) =	ssettm $0x1  }
0x91: {  	s18 =	sld [smem:$0x3FFB];
	_ =	sdelay $0x3  }
0x92: {  	_ =	strace s18  }
0x93: {  	s3 =	sld [smem:$0x3FFC];
	_ =	sdelay $0x3  }
0x94: {  	_ =	strace s3  }
0x95: {  	s3 =	sld [smem:$0x3FFD];
	_ =	sdelay $0x3  }
0x96: {  	_ =	strace s3  }
0x97: {  	_ =	strace $0x8FFFFFFF  }
0x98: {  	s19 =	sld [smem:$0x3FDB];
	_ =	sdelay $0x1  }
0x99: {  	s4 =	simm.s32 $_scs_section_size  }
0x9a: {  	s5 =	simm.s32 $_size__tile_overlayer_lowered;
	s6 =	simm.s32 $_tile_overlayer_lowered  }
0x9b: {  	s22 =	simm.s32 $0x1BFF;
	s21 =	sshll.u32 s6, $0x1;
	s3 =	sadd.s32 s4, s19  }
0x9c: {  	s7 =	simm.s32 $0x0;
	s20 =	sshll.u32 s5, $0x1;
	s5 =	sadd.s32 s21, s3  }
0x9d: {  	[timem:s7], [sflag:s22] =	dma.local [hbm:s5], s20  }
0x9e: {  	_ =	swait.ge [sflag:s22], s20  }
0x9f: {  	s4 =	ssub.s32 $0x0, s20;
	[sflag:s22] =	ssyncset.done $0x0  }
0xa0: {  	[sflag:s22] =	ssyncadd.s32 s4;
	_ =	sdelay $0x1  }
0xa1: {  	s23 =	simm.s32 $0x1B8B  }
0xa2: {  	_ =	swait.ge [sflag:s23], $0x1  }
0xa3: {  	[sflag:s23] =	ssyncset.done $0x0  }
0xa4: {  	s25 =	simm.s32 $0x1B8E;
	s24 =	sld [smem:$0x3FFE];
	[sflag:s23] =	ssyncadd.s32 $0xFFFFFFFF  }
0xa5: {  	s26 =	simm.s32 $execute0_lowered;
	[smem:$0x3FD2] =	sst s25  }
0xa6: {  	s5 =	sshll.u32 s26, $0x1;
	_ =	strace $0x8000004C;
	[dreg:$0x1] =	wrdreg $0xFFFFFFFF  }
0xa7: {  	s28 =	simm.s32 $_size_execute0_lowered;
	s3 =	sadd.s32 s3, s5;
	[dreg:$0x0] =	wrdreg $0x0  }
0xa8: {  	s5 =	sshll.u32 s28, $0x1;
	[dreg:$0x2] =	wrdreg s3  }
0xa9: {  	[dreg:$0x3] =	wrdreg s5  }
0xaa: {  	[dreg:$0x4] =	wrdreg $0xC0  }
0xab: {  	_ =	task [dreg:s7], $0x5FFFF  }
0xac: {  	[dreg:$0x1] =	wrdreg $0xFFFFFFFF  }
0xad: {  	[dreg:$0x0] =	wrdreg $0x60  }
0xae: {  	[dreg:$0x2] =	wrdreg s24  }
0xaf: {  	[dreg:$0x3] =	wrdreg s2  }
0xb0: {  	[dreg:$0x4] =	wrdreg $0x84000  }
0xb1: {  	[dreg:$0x5] =	wrdreg $0x9  }
0xb2: {  	_ =	task.clear_ibuf [dreg:s7], $0x6FFFF;
	_ =	strace $0x9000004C  }
0xb3: {  	s29 =	simm.s32 $0x9;
	_ =	strace $0x8000004E  }
0xb4: {  	_ =	swait.ge [sflag:s29], $0x1  }
0xb5: {  	[sflag:s29] =	ssyncadd.s32 $0xFFFFFFFF  }
0xb6: {  	_ =	strace $0x9000004E  }
0xb7: {  	_ =	sfence  }
0xb8: {  	s30 =	sld [smem:$0x0];
	_ =	sdelay $0x2  }
0xb9: {  	s31 =	sshll.u32 s1, $0xD;
	s1 =	sshrl.u32 s1, $0x2  }
0xba: {  	s3 =	sand.u32 $0x4000, s31;
	s1 =	sadd.s32 s1, s30  }
0xbb: {  	s0 =	sor.u32 s3, s0;
	s1 =	sshll.u32 s1, $0x11  }
0xbc: {  	s0 =	sor.u32 s1, s0  }
0xbd: {  	s0 =	sadd.s32 $0x8F2B, s0  }
0xbe: {  	[sflag:s0] =	ssyncadd.remote.s32 $0x1  }
0xbf: {  	_ =	sfence.sel $0xFFFF  }
0xc0: {  	[dreg:$0x0] =	wrdreg $0xFFFFFFFF;
	(pc) =	sbr.abs _section_cstart, $3  }
0xc1: {  	[dreg:$0x1] =	wrdreg $0xFFFFFFFF  }
0xc2: {  	_ =	task.clear_ibuf [dreg:s7], $0x2FFFF;
	_ =	strace $0x9FFFFFFF  }
0xc3: {  	(tm) =	ssettm $0x7FFFFFFF  }
tec
execute0_lowered:
.L_overlay_start_1:
0x0: {  	(tag) =	ssettag $0x1  }
0x1: {  	s0 =	rddreg [dreg:$0x0]  }
0x2: {  	s2 =	rddreg [dreg:$0x1]  }
0x3: {  	s3 =	rddreg [dreg:$0x2];
	s1 =	srdreg.scid  }
0x4: {  	s7 =	stileid.u32;
	s8 =	simm.s32 $0x0;
	s11 =	simm.s32 $0x2A00  }
0x5: {  	s15 =	simm.s32 $0xE;
	s16 =	simm.s32 $0x5400;
	s18 =	simm.s32 $0x80  }
0x6: {  	s29 =	simm.s32 $0x7C00;
	s30 =	simm.s32 $0x3;
	s12 =	simm.s32 $0x8  }
0x7: {  	s28 =	simm.s32 $0x9;
	s31 =	simm.s32 $0xB;
	s14 =	simm.s32 $0x0  }
0x8: {  	s1 =	sand.u32 $0x1, s1;
	s4 =	smul.u32 $0x2800, s7;
	[smem:$0x7FF] =	sst s8  }
0x9: {  	s5 =	sshll.u32 s1, $0x4;
	s6 =	smul.u32 $0x28000, s1;
	_ =	strace $0x8000004D  }
0xa: {  	s1 =	ssub.s32 $0x2, s1;
	s5 =	sor.u32 s7, s5;
	s7 =	smul.u32 $0xA000, s7  }
0xb: {  	s19 =	sshrl.u32 s1, $0x1;
	s10 =	sadd.s32 s4, s3;
	s5 =	smul.u32 $0x540, s5  }
0xc: {  	s6 =	sadd.s32 s4, s6;
	s1 =	ssub.s32 s1, s19;
	s19 =	simm.s32 $0x5C00  }
0xd: {  	[dreg:$0x6] =	wrdreg s10;
	s26 =	smax.u32 s1, $0x1;
	s5 =	sadd.s32 s5, s0  }
0xe: {  	s21 =	sshrl.u32 s7, $0x2;
	[dreg:$0xc] =	wrdreg s26;
	s20 =	sadd.s32 $0x1400, s5  }
0xf: {  	s22 =	sadd.s32 s21, s3;
	s5 =	sadd.s32 $0xBC00, s5;
	[dreg:$0x4] =	wrdreg s20  }
0x10: {  	s6 =	sshrl.u32 s6, $0x3;
	s23 =	sadd.s32 $0x800, s22;
	[dreg:$0x5] =	wrdreg s5  }
0x11: {  	s1 =	simm.s32 $0x5;
	s24 =	sadd.s32 $0x1000, s22;
	[dreg:$0x7] =	wrdreg s23  }
0x12: {  	s0 =	sadd.s32 s6, s0;
	s25 =	sadd.s32 $0x1800, s22;
	[dreg:$0x8] =	wrdreg s24  }
0x13: {  	s26 =	simm.s32 $0x2;
	s4 =	sadd.s32 $0x2000, s22;
	[dreg:$0x9] =	wrdreg s25  }
0x14: {  	s6 =	simm.s32 $0xD;
	s0 =	sadd.s32 $0x16400, s0;
	[dreg:$0xa] =	wrdreg s4  }
0x15: {  	[dreg:$0xb] =	wrdreg s0;
	s23 =	simm.s32 $0x6C00;
	s25 =	simm.s32 $0x7400  }
0x16: {  	v0 =	vimm.f32 $0.0e+00;
	s24 =	simm.s32 $0xA;
	s4 =	simm.s32 $0x7;
	s5 =	simm.s32 $0xC  }
.LBB2_1:
0x17: {  	s0 =	simm.s32 $0x0;
	s7 =	rddreg [dreg:$0x4]  }
0x18: {  	[tilespmem:s11], [sflag:$0x1] =	stream.linear.gather [hbm4b:s7+s0], $0x2A00, $0x38;
	[tilespmem:$0xAC00] =	vst v63  }
0x19: {  	s22 =	rddreg [dreg:$0x5]  }
0x1a: {  	[tilespmem:s0], [sflag:$0xE] =	stream.linear.gather [hbm4b:s22+s0], $0x2A00, $0x38;
	[tilespmem:$0xAC00] =	vst v63  }
0x1b: {  	_ =	swait.ge [sflag:s15], $0x2A00  }
0x1c: {  	[sflag:s15] =	ssyncset.done $0x0  }
0x1d: {  	s8 =	simm.s32 $0x40;
	s9 =	simm.s32 $0x0;
	[sflag:s15] =	ssyncadd.s32 $0xFFFFD600  }
.LBB2_2:
0x1e: {  	p0 =	sne.s32 s8, $0x1FC0;
	[tilespmem:s9+$0x5400] =	vst v0;
	s9 =	smov.u32 s8;
	s8 =	sadd.s32 $0x40, s8  }
.Ltmp0:
0x1f: {  	(pc) =	sbr.rel @p0 .LBB2_2-.Ltmp0, $2  }
0x20: {  	_ =	sdelay $0x2  }
0x21: {  	s9 =	sshra.s32 s9, $0x2  }
0x22: {  	[tilespmem:s9+$0x5400] =	vst v0  }
0x23: {  	[spmem:s10] =	stream.linear.scatter [tilespmem:s16], [sflag:$0xE], $0x800, $0x38;
	[tilespmem:$0xAC00] =	vst v63  }
0x24: {  	_ =	swait.ge [sflag:s15], $0x800  }
0x25: {  	[sflag:s15] =	ssyncset.done $0x0  }
0x26: {  	s0 =	rddreg [dreg:$0x7];
	[sflag:s15] =	ssyncadd.s32 $0xFFFFF800  }
0x27: {  	[spmem:s0] =	stream.linear.scatter [tilespmem:s16], [sflag:$0xE], $0x800, $0x38;
	[tilespmem:$0xAC00] =	vst v63  }
0x28: {  	_ =	swait.ge [sflag:s15], $0x800  }
0x29: {  	[sflag:s15] =	ssyncset.done $0x0  }
0x2a: {  	s13 =	rddreg [dreg:$0x8];
	[sflag:s15] =	ssyncadd.s32 $0xFFFFF800  }
0x2b: {  	[spmem:s13] =	stream.linear.scatter [tilespmem:s16], [sflag:$0xE], $0x800, $0x38;
	[tilespmem:$0xAC00] =	vst v63  }
0x2c: {  	_ =	swait.ge [sflag:s15], $0x800  }
0x2d: {  	[sflag:s15] =	ssyncset.done $0x0  }
0x2e: {  	s17 =	rddreg [dreg:$0x9];
	[sflag:s15] =	ssyncadd.s32 $0xFFFFF800  }
0x2f: {  	[spmem:s17] =	stream.linear.scatter [tilespmem:s16], [sflag:$0xE], $0x800, $0x38;
	[tilespmem:$0xAC00] =	vst v63  }
0x30: {  	_ =	swait.ge [sflag:s15], $0x800  }
0x31: {  	[sflag:s15] =	ssyncset.done $0x0  }
0x32: {  	s20 =	rddreg [dreg:$0xa];
	[sflag:s15] =	ssyncadd.s32 $0xFFFFF800  }
0x33: {  	[spmem:s20] =	stream.linear.scatter [tilespmem:s16], [sflag:$0xE], $0x800, $0x38;
	[tilespmem:$0xAC00] =	vst v63  }
0x34: {  	_ =	swait.ge [sflag:s15], $0x800  }
0x35: {  	[sflag:s15] =	ssyncset.done $0x0  }
0x36: {  	s21 =	simm.s32 $0x1;
	[sflag:s15] =	ssyncadd.s32 $0xFFFFF800  }
0x37: {  	_ =	swait.ge [sflag:s21], $0x2A00  }
0x38: {  	[sflag:s21] =	ssyncset.done $0x0  }
0x39: {  	[sflag:s21] =	ssyncadd.s32 $0xFFFFD600  }
0x3a: {  	s8 =	simm.s32 $0x0;
	[bflag:$0x0] =	sbarrier.arrive $0xFFFF  }
0x3b: {  	[tilespmem:s16], [sflag:$0x2] =	stream.indirect.gather [hbm4b:s2+s18], $0x10, s8, s18, $0xb8;
	[tilespmem:$0xAC00] =	vst v63  }
0x3c: {  	_ = 	snop  }
0x3d: {  	[tilespmem:s19], [sflag:$0x3] =	stream.indirect.gather [hbm4b:s2+s18], $0x10, s18, s18, $0xb8;
	[tilespmem:$0xAC00] =	vst v63  }
0x3e: {  	s22 =	simm.s32 $0x100;
	s7 =	simm.s32 $0x6400  }
0x3f: {  	[tilespmem:s7], [sflag:$0x4] =	stream.indirect.gather [hbm4b:s2+s18], $0x10, s22, s18, $0xb8;
	[tilespmem:$0xAC00] =	vst v63  }
0x40: {  	s8 =	simm.s32 $0x180  }
0x41: {  	[tilespmem:s23], [sflag:$0x5] =	stream.indirect.gather [hbm4b:s2+s18], $0x10, s8, s18, $0xb8;
	[tilespmem:$0xAC00] =	vst v63  }
0x42: {  	s9 =	simm.s32 $0x200  }
0x43: {  	[tilespmem:s25], [sflag:$0x6] =	stream.indirect.gather [hbm4b:s2+s18], $0x10, s9, s18, $0xb8;
	[tilespmem:$0xAC00] =	vst v63  }
0x44: {  	_ =	swait.ge [sflag:s26], $0x800  }
0x45: {  	[sflag:s26] =	ssyncset.done $0x0  }
0x46: {  	[sflag:s26] =	ssyncadd.s32 $0xFFFFF800  }
0x47: {  	[spmem:s3] =	stream.indirect.scatter.add.f32 [tilespmem:s16], [sflag:$0x8], $0x10, s11, s18, $0xb8;
	[tilespmem:$0xAC00] =	vst v63  }
0x48: {  	s10 =	simm.s32 $0x280  }
0x49: {  	[tilespmem:s29], [sflag:$0x7] =	stream.indirect.gather [hbm4b:s2+s18], $0x10, s10, s18, $0xb8;
	[tilespmem:$0xAC00] =	vst v63  }
0x4a: {  	_ =	swait.ge [sflag:s30], $0x800  }
0x4b: {  	[sflag:s30] =	ssyncset.done $0x0  }
0x4c: {  	s11 =	simm.s32 $0x2A80;
	[sflag:s30] =	ssyncadd.s32 $0xFFFFF800  }
0x4d: {  	[spmem:s3] =	stream.indirect.scatter.add.f32 [tilespmem:s19], [sflag:$0x9], $0x10, s11, s18, $0xb8;
	[tilespmem:$0xAC00] =	vst v63  }
0x4e: {  	_ =	swait.ge [sflag:s12], $0x800  }
0x4f: {  	[sflag:s12] =	ssyncset.done $0x0  }
0x50: {  	s13 =	simm.s32 $0x300;
	s17 =	simm.s32 $0x4;
	[sflag:s12] =	ssyncadd.s32 $0xFFFFF800  }
0x51: {  	[tilespmem:s16], [sflag:$0x2] =	stream.indirect.gather [hbm4b:s2+s18], $0x10, s13, s18, $0xb8;
	[tilespmem:$0xAC00] =	vst v63  }
0x52: {  	_ =	swait.ge [sflag:s17], $0x800  }
0x53: {  	[sflag:s17] =	ssyncset.done $0x0  }
0x54: {  	s20 =	simm.s32 $0x2B00;
	[sflag:s17] =	ssyncadd.s32 $0xFFFFF800  }
0x55: {  	[spmem:s3] =	stream.indirect.scatter.add.f32 [tilespmem:s7], [sflag:$0xA], $0x10, s20, s18, $0xb8;
	[tilespmem:$0xAC00] =	vst v63  }
0x56: {  	_ =	swait.ge [sflag:s28], $0x800  }
0x57: {  	[sflag:s28] =	ssyncset.done $0x0  }
0x58: {  	s21 =	simm.s32 $0x380;
	[sflag:s28] =	ssyncadd.s32 $0xFFFFF800  }
0x59: {  	[tilespmem:s19], [sflag:$0x3] =	stream.indirect.gather [hbm4b:s2+s18], $0x10, s21, s18, $0xb8;
	[tilespmem:$0xAC00] =	vst v63  }
0x5a: {  	_ =	swait.ge [sflag:s1], $0x800  }
0x5b: {  	[sflag:s1] =	ssyncset.done $0x0  }
0x5c: {  	s22 =	simm.s32 $0x2B80;
	[sflag:s1] =	ssyncadd.s32 $0xFFFFF800  }
0x5d: {  	[spmem:s3] =	stream.indirect.scatter.add.f32 [tilespmem:s23], [sflag:$0xB], $0x10, s22, s18, $0xb8;
	[tilespmem:$0xAC00] =	vst v63  }
0x5e: {  	_ =	swait.ge [sflag:s24], $0x800  }
0x5f: {  	[sflag:s24] =	ssyncset.done $0x0  }
0x60: {  	s8 =	simm.s32 $0x400;
	s9 =	simm.s32 $0x6;
	[sflag:s24] =	ssyncadd.s32 $0xFFFFF800  }
0x61: {  	[tilespmem:s7], [sflag:$0x4] =	stream.indirect.gather [hbm4b:s2+s18], $0x10, s8, s18, $0xb8;
	[tilespmem:$0xAC00] =	vst v63  }
0x62: {  	_ =	swait.ge [sflag:s9], $0x800  }
0x63: {  	[sflag:s9] =	ssyncset.done $0x0  }
0x64: {  	s10 =	simm.s32 $0x2C00;
	[sflag:s9] =	ssyncadd.s32 $0xFFFFF800  }
0x65: {  	[spmem:s3] =	stream.indirect.scatter.add.f32 [tilespmem:s25], [sflag:$0xC], $0x10, s10, s18, $0xb8;
	[tilespmem:$0xAC00] =	vst v63  }
0x66: {  	_ =	swait.ge [sflag:s31], $0x800  }
0x67: {  	[sflag:s31] =	ssyncset.done $0x0  }
0x68: {  	s11 =	simm.s32 $0x480;
	[sflag:s31] =	ssyncadd.s32 $0xFFFFF800  }
0x69: {  	[tilespmem:s23], [sflag:$0x5] =	stream.indirect.gather [hbm4b:s2+s18], $0x10, s11, s18, $0xb8;
	[tilespmem:$0xAC00] =	vst v63  }
0x6a: {  	_ =	swait.ge [sflag:s4], $0x800  }
0x6b: {  	[sflag:s4] =	ssyncset.done $0x0  }
0x6c: {  	s12 =	simm.s32 $0x2C80;
	[sflag:s4] =	ssyncadd.s32 $0xFFFFF800  }
0x6d: {  	[spmem:s3] =	stream.indirect.scatter.add.f32 [tilespmem:s29], [sflag:$0xD], $0x10, s12, s18, $0xb8;
	[tilespmem:$0xAC00] =	vst v63  }
0x6e: {  	_ =	swait.ge [sflag:s5], $0x800  }
0x6f: {  	[sflag:s5] =	ssyncset.done $0x0  }
0x70: {  	s13 =	simm.s32 $0x500;
	[sflag:s5] =	ssyncadd.s32 $0xFFFFF800  }
0x71: {  	[tilespmem:s25], [sflag:$0x6] =	stream.indirect.gather [hbm4b:s2+s18], $0x10, s13, s18, $0xb8;
	[tilespmem:$0xAC00] =	vst v63  }
0x72: {  	_ =	swait.ge [sflag:s26], $0x800  }
0x73: {  	[sflag:s26] =	ssyncset.done $0x0  }
0x74: {  	s17 =	simm.s32 $0x2D00;
	[sflag:s26] =	ssyncadd.s32 $0xFFFFF800  }
0x75: {  	[spmem:s3] =	stream.indirect.scatter.add.f32 [tilespmem:s16], [sflag:$0x8], $0x10, s17, s18, $0xb8;
	[tilespmem:$0xAC00] =	vst v63  }
0x76: {  	_ =	swait.ge [sflag:s6], $0x800  }
0x77: {  	[sflag:s6] =	ssyncset.done $0x0  }
0x78: {  	s20 =	simm.s32 $0x580;
	[sflag:s6] =	ssyncadd.s32 $0xFFFFF800  }
0x79: {  	[tilespmem:s29], [sflag:$0x7] =	stream.indirect.gather [hbm4b:s2+s18], $0x10, s20, s18, $0xb8;
	[tilespmem:$0xAC00] =	vst v63  }
0x7a: {  	_ =	swait.ge [sflag:s30], $0x800  }
0x7b: {  	p0 =	por $0x0, $0x0;
	[sflag:s30] =	ssyncset.done $0x0  }
0x7c: {  	s21 =	simm.s32 $0x2D80;
	s9 =	simm.s32 @p0 $0x4;
	[sflag:s30] =	ssyncadd.s32 $0xFFFFF800  }
0x7d: {  	[spmem:s3] =	stream.indirect.scatter.add.f32 [tilespmem:s19], [sflag:$0x9], $0x10, s21, s18, $0xb8;
	[tilespmem:$0xAC00] =	vst v63  }
0x7e: {  	_ =	swait.ge @p0 [sflag:s9], $0x800  }
0x7f: {  	s8 =	simm.s32 @p0 $0x2E00;
	s10 =	simm.s32 @p0 $0x80;
	[sflag:s9] =	ssyncset.done @p0 $0x0  }
0x80: {  	s11 =	simm.s32 @p0 $0x6400;
	[sflag:s9] =	ssyncadd.s32 @p0 $0xFFFFF800;
	s9 =	simm.s32 @!p0 $0x8  }
0x81: {  	[spmem:s3] =	stream.indirect.scatter.add.f32 @p0 [tilespmem:s11], [sflag:$0xA], $0x10, s8, s10, $0xb8;
	[tilespmem:$0xAC00] =	vst v63  }
0x82: {  	_ =	swait.ge @!p0 [sflag:s9], $0x800  }
0x83: {  	s12 =	simm.s32 @!p0 $0x5400;
	s8 =	simm.s32 @!p0 $0x600;
	[sflag:s9] =	ssyncset.done @!p0 $0x0  }
0x84: {  	s11 =	simm.s32 @!p0 $0x80;
	[sflag:s9] =	ssyncadd.s32 @!p0 $0xFFFFF800;
	s9 =	simm.s32 @!p0 $0x4  }
0x85: {  	[tilespmem:s12], [sflag:$0x2] =	stream.indirect.gather @!p0 [hbm4b:s2+s11], $0x10, s8, s11, $0xb8;
	[tilespmem:$0xAC00] =	vst v63  }
0x86: {  	_ =	swait.ge @!p0 [sflag:s9], $0x800  }
0x87: {  	s8 =	simm.s32 @!p0 $0x2E00;
	[sflag:s9] =	ssyncset.done @!p0 $0x0  }
0x88: {  	s12 =	simm.s32 @!p0 $0x6400;
	[sflag:s9] =	ssyncadd.s32 @!p0 $0xFFFFF800;
	s9 =	simm.s32 @!p0 $0x9  }
0x89: {  	[spmem:s3] =	stream.indirect.scatter.add.f32 @!p0 [tilespmem:s12], [sflag:$0xA], $0x10, s8, s11, $0xb8;
	[tilespmem:$0xAC00] =	vst v63  }
0x8a: {  	_ =	swait.ge @!p0 [sflag:s9], $0x800  }
0x8b: {  	[sflag:s9] =	ssyncset.done @!p0 $0x0  }
0x8c: {  	s8 =	simm.s32 @!p0 $0x680;
	[sflag:s9] =	ssyncadd.s32 @!p0 $0xFFFFF800;
	s9 =	simm.s32 @!p0 $0x5C00  }
0x8d: {  	[tilespmem:s9], [sflag:$0x3] =	stream.indirect.gather @!p0 [hbm4b:s2+s11], $0x10, s8, s11, $0xb8;
	[tilespmem:$0xAC00] =	vst v63  }
0x8e: {  	_ =	swait.ge [sflag:s1], $0x800  }
0x8f: {  	[sflag:s1] =	ssyncset.done $0x0  }
0x90: {  	s22 =	simm.s32 $0x2E80;
	s9 =	simm.s32 @p0 $0x6;
	[sflag:s1] =	ssyncadd.s32 $0xFFFFF800  }
0x91: {  	[spmem:s3] =	stream.indirect.scatter.add.f32 [tilespmem:s23], [sflag:$0xB], $0x10, s22, s18, $0xb8;
	[tilespmem:$0xAC00] =	vst v63  }
0x92: {  	_ =	swait.ge @p0 [sflag:s9], $0x800  }
0x93: {  	[sflag:s9] =	ssyncset.done @p0 $0x0  }
0x94: {  	s8 =	simm.s32 @p0 $0x2F00;
	[sflag:s9] =	ssyncadd.s32 @p0 $0xFFFFF800;
	s9 =	simm.s32 @p0 $0x7400  }
0x95: {  	[spmem:s3] =	stream.indirect.scatter.add.f32 @p0 [tilespmem:s9], [sflag:$0xC], $0x10, s8, s10, $0xb8;
	[tilespmem:$0xAC00] =	vst v63  }
0x96: {  	s8 =	simm.s32 @!p0 $0xA  }
0x97: {  	_ =	swait.ge @!p0 [sflag:s8], $0x800  }
0x98: {  	[sflag:s8] =	ssyncset.done @!p0 $0x0  }
0x99: {  	[sflag:s8] =	ssyncadd.s32 @!p0 $0xFFFFF800;
	s8 =	simm.s32 @!p0 $0x700  }
0x9a: {  	[tilespmem:s12], [sflag:$0x4] =	stream.indirect.gather @!p0 [hbm4b:s2+s11], $0x10, s8, s11, $0xb8;
	[tilespmem:$0xAC00] =	vst v63  }
0x9b: {  	s8 =	simm.s32 @!p0 $0x6  }
0x9c: {  	_ =	swait.ge @!p0 [sflag:s8], $0x800  }
0x9d: {  	[sflag:s8] =	ssyncset.done @!p0 $0x0  }
0x9e: {  	s9 =	simm.s32 @!p0 $0x2F00;
	[sflag:s8] =	ssyncadd.s32 @!p0 $0xFFFFF800;
	s8 =	simm.s32 @!p0 $0x7400  }
0x9f: {  	[spmem:s3] =	stream.indirect.scatter.add.f32 @!p0 [tilespmem:s8], [sflag:$0xC], $0x10, s9, s11, $0xb8;
	[tilespmem:$0xAC00] =	vst v63  }
0xa0: {  	s8 =	simm.s32 @!p0 $0xB  }
0xa1: {  	_ =	swait.ge @!p0 [sflag:s8], $0x800  }
0xa2: {  	[sflag:s8] =	ssyncset.done @!p0 $0x0  }
0xa3: {  	s9 =	simm.s32 @!p0 $0x780;
	[sflag:s8] =	ssyncadd.s32 @!p0 $0xFFFFF800;
	s8 =	simm.s32 @!p0 $0x6C00  }
0xa4: {  	[tilespmem:s8], [sflag:$0x5] =	stream.indirect.gather @!p0 [hbm4b:s2+s11], $0x10, s9, s11, $0xb8;
	[tilespmem:$0xAC00] =	vst v63  }
0xa5: {  	_ =	swait.ge [sflag:s4], $0x800  }
0xa6: {  	s8 =	simm.s32 $0xC00;
	s9 =	simm.s32 $0x2F80;
	[sflag:s4] =	ssyncset.done $0x0  }
.LBB2_4:
0xa7: {  	[sflag:s4] =	ssyncadd.s32 $0xFFFFF800;
	s10 =	smov.u32 s8;
	s8 =	sadd.s32 $0xC00, s8  }
0xa8: {  	[spmem:s3] =	stream.indirect.scatter.add.f32 [tilespmem:s29], [sflag:$0xD], $0x10, s9, s18, $0xb8;
	[tilespmem:$0xAC00] =	vst v63  }
0xa9: {  	s9 =	sshra.s32 s10, $0x2;
	p0 =	sne.s32 s8, $0x9C00;
	_ =	swait.ge [sflag:s5], $0x800  }
0xaa: {  	s11 =	sadd.s32 $0x500, s9;
	[sflag:s5] =	ssyncset.done $0x0  }
0xab: {  	[sflag:s5] =	ssyncadd.s32 $0xFFFFF800  }
0xac: {  	[tilespmem:s25], [sflag:$0x6] =	stream.indirect.gather [hbm4b:s2+s18], $0x10, s11, s18, $0xb8;
	[tilespmem:$0xAC00] =	vst v63  }
0xad: {  	_ =	swait.ge [sflag:s26], $0x800  }
0xae: {  	s11 =	sadd.s32 $0x2D00, s9;
	[sflag:s26] =	ssyncset.done $0x0  }
0xaf: {  	[sflag:s26] =	ssyncadd.s32 $0xFFFFF800  }
0xb0: {  	[spmem:s3] =	stream.indirect.scatter.add.f32 [tilespmem:s16], [sflag:$0x8], $0x10, s11, s18, $0xb8;
	[tilespmem:$0xAC00] =	vst v63  }
0xb1: {  	_ =	swait.ge [sflag:s6], $0x800  }
0xb2: {  	s11 =	sadd.s32 $0x580, s9;
	[sflag:s6] =	ssyncset.done $0x0  }
0xb3: {  	[sflag:s6] =	ssyncadd.s32 $0xFFFFF800  }
0xb4: {  	[tilespmem:s29], [sflag:$0x7] =	stream.indirect.gather [hbm4b:s2+s18], $0x10, s11, s18, $0xb8;
	[tilespmem:$0xAC00] =	vst v63  }
0xb5: {  	_ =	swait.ge [sflag:s30], $0x800  }
0xb6: {  	p1 =	seq.s32 s10, $0x9000;
	s11 =	sadd.s32 $0x2D80, s9;
	[sflag:s30] =	ssyncset.done $0x0  }
0xb7: {  	s12 =	simm.s32 @p1 $0x4;
	s13 =	sshra.s32 @p1 s10, $0x2;
	[sflag:s30] =	ssyncadd.s32 $0xFFFFF800  }
0xb8: {  	[spmem:s3] =	stream.indirect.scatter.add.f32 [tilespmem:s19], [sflag:$0x9], $0x10, s11, s18, $0xb8;
	[tilespmem:$0xAC00] =	vst v63  }
0xb9: {  	s21 =	sshra.s32 @!p1 s10, $0x2;
	s17 =	sadd.s32 @p1 $0x2E00, s13;
	_ =	swait.ge @p1 [sflag:s12], $0x800  }
0xba: {  	s10 =	simm.s32 @p1 $0x6400;
	s11 =	simm.s32 @p1 $0x80;
	[sflag:s12] =	ssyncset.done @p1 $0x0  }
0xbb: {  	s22 =	sadd.s32 @!p1 $0x600, s21;
	[sflag:s12] =	ssyncadd.s32 @p1 $0xFFFFF800;
	s12 =	simm.s32 @!p1 $0x8  }
0xbc: {  	[spmem:s3] =	stream.indirect.scatter.add.f32 @p1 [tilespmem:s10], [sflag:$0xA], $0x10, s17, s11, $0xb8;
	[tilespmem:$0xAC00] =	vst v63  }
0xbd: {  	s20 =	sadd.s32 @!p1 $0x680, s21;
	s17 =	sadd.s32 @!p1 $0x2E00, s21;
	_ =	swait.ge @!p1 [sflag:s12], $0x800  }
0xbe: {  	s7 =	simm.s32 @!p1 $0x5400;
	s10 =	simm.s32 @!p1 $0x80;
	[sflag:s12] =	ssyncset.done @!p1 $0x0  }
0xbf: {  	s13 =	sadd.s32 @p1 $0x2F00, s13;
	[sflag:s12] =	ssyncadd.s32 @!p1 $0xFFFFF800;
	s12 =	simm.s32 @!p1 $0x4  }
0xc0: {  	[tilespmem:s7], [sflag:$0x2] =	stream.indirect.gather @!p1 [hbm4b:s2+s10], $0x10, s22, s10, $0xb8;
	[tilespmem:$0xAC00] =	vst v63  }
0xc1: {  	s7 =	sadd.s32 @!p1 $0x700, s21;
	s22 =	sadd.s32 @!p1 $0x2F00, s21;
	_ =	swait.ge @!p1 [sflag:s12], $0x800  }
0xc2: {  	s0 =	simm.s32 @!p1 $0x6400;
	s21 =	sadd.s32 @!p1 $0x780, s21;
	[sflag:s12] =	ssyncset.done @!p1 $0x0  }
0xc3: {  	[sflag:s12] =	ssyncadd.s32 @!p1 $0xFFFFF800;
	s12 =	simm.s32 @!p1 $0x9  }
0xc4: {  	[spmem:s3] =	stream.indirect.scatter.add.f32 @!p1 [tilespmem:s0], [sflag:$0xA], $0x10, s17, s10, $0xb8;
	[tilespmem:$0xAC00] =	vst v63  }
0xc5: {  	_ =	swait.ge @!p1 [sflag:s12], $0x800  }
0xc6: {  	s17 =	simm.s32 @!p1 $0x5C00;
	[sflag:s12] =	ssyncset.done @!p1 $0x0  }
0xc7: {  	[sflag:s12] =	ssyncadd.s32 @!p1 $0xFFFFF800  }
0xc8: {  	[tilespmem:s17], [sflag:$0x3] =	stream.indirect.gather @!p1 [hbm4b:s2+s10], $0x10, s20, s10, $0xb8;
	[tilespmem:$0xAC00] =	vst v63  }
0xc9: {  	_ =	swait.ge [sflag:s1], $0x800  }
0xca: {  	s12 =	sadd.s32 $0x2E80, s9;
	[sflag:s1] =	ssyncset.done $0x0  }
0xcb: {  	s17 =	simm.s32 @p1 $0x6;
	[sflag:s1] =	ssyncadd.s32 $0xFFFFF800  }
0xcc: {  	[spmem:s3] =	stream.indirect.scatter.add.f32 [tilespmem:s23], [sflag:$0xB], $0x10, s12, s18, $0xb8;
	[tilespmem:$0xAC00] =	vst v63  }
0xcd: {  	_ =	swait.ge @p1 [sflag:s17], $0x800  }
0xce: {  	s12 =	simm.s32 @p1 $0x7400;
	[sflag:s17] =	ssyncset.done @p1 $0x0  }
0xcf: {  	[sflag:s17] =	ssyncadd.s32 @p1 $0xFFFFF800;
	s17 =	simm.s32 @!p1 $0xA  }
0xd0: {  	[spmem:s3] =	stream.indirect.scatter.add.f32 @p1 [tilespmem:s12], [sflag:$0xC], $0x10, s13, s11, $0xb8;
	[tilespmem:$0xAC00] =	vst v63  }
0xd1: {  	_ =	swait.ge @!p1 [sflag:s17], $0x800  }
0xd2: {  	[sflag:s17] =	ssyncset.done @!p1 $0x0  }
0xd3: {  	s11 =	simm.s32 @!p1 $0x6;
	[sflag:s17] =	ssyncadd.s32 @!p1 $0xFFFFF800  }
0xd4: {  	[tilespmem:s0], [sflag:$0x4] =	stream.indirect.gather @!p1 [hbm4b:s2+s10], $0x10, s7, s10, $0xb8;
	[tilespmem:$0xAC00] =	vst v63  }
0xd5: {  	_ =	swait.ge @!p1 [sflag:s11], $0x800  }
0xd6: {  	s0 =	simm.s32 @!p1 $0x7400;
	[sflag:s11] =	ssyncset.done @!p1 $0x0  }
0xd7: {  	s7 =	simm.s32 @!p1 $0xB;
	[sflag:s11] =	ssyncadd.s32 @!p1 $0xFFFFF800  }
0xd8: {  	[spmem:s3] =	stream.indirect.scatter.add.f32 @!p1 [tilespmem:s0], [sflag:$0xC], $0x10, s22, s10, $0xb8;
	[tilespmem:$0xAC00] =	vst v63  }
0xd9: {  	_ =	swait.ge @!p1 [sflag:s7], $0x800  }
.Ltmp1:
0xda: {  	s0 =	simm.s32 @!p1 $0x6C00;
	[sflag:s7] =	ssyncset.done @!p1 $0x0;
	(pc) =	sbr.rel @p0 .LBB2_4-.Ltmp1, $4  }
0xdb: {  	[sflag:s7] =	ssyncadd.s32 @!p1 $0xFFFFF800  }
0xdc: {  	[tilespmem:s0], [sflag:$0x5] =	stream.indirect.gather @!p1 [hbm4b:s2+s10], $0x10, s21, s10, $0xb8;
	[tilespmem:$0xAC00] =	vst v63  }
0xdd: {  	_ =	swait.ge [sflag:s4], $0x800  }
0xde: {  	s9 =	sadd.s32 $0x2F80, s9;
	[sflag:s4] =	ssyncset.done $0x0  }
0xdf: {  	[sflag:s4] =	ssyncadd.s32 $0xFFFFF800;
	s12 =	simm.s32 $0x8  }
0xe0: {  	[spmem:s3] =	stream.indirect.scatter.add.f32 [tilespmem:s29], [sflag:$0xD], $0x10, s9, s18, $0xb8;
	[tilespmem:$0xAC00] =	vst v63  }
0xe1: {  	_ =	swait.ge [sflag:s12], $0x800  }
0xe2: {  	[sflag:s12] =	ssyncset.done $0x0  }
0xe3: {  	[sflag:s12] =	ssyncadd.s32 $0xFFFFF800  }
0xe4: {  	_ =	swait.ge [sflag:s28], $0x800  }
0xe5: {  	[sflag:s28] =	ssyncset.done $0x0  }
0xe6: {  	[sflag:s28] =	ssyncadd.s32 $0xFFFFF800  }
0xe7: {  	_ =	swait.ge [sflag:s24], $0x800  }
0xe8: {  	[sflag:s24] =	ssyncset.done $0x0  }
0xe9: {  	[sflag:s24] =	ssyncadd.s32 $0xFFFFF800  }
0xea: {  	_ =	swait.ge [sflag:s31], $0x800  }
0xeb: {  	[sflag:s31] =	ssyncset.done $0x0  }
0xec: {  	[sflag:s31] =	ssyncadd.s32 $0xFFFFF800  }
0xed: {  	_ =	swait.ge [sflag:s5], $0x800  }
0xee: {  	[sflag:s5] =	ssyncset.done $0x0  }
0xef: {  	[sflag:s5] =	ssyncadd.s32 $0xFFFFF800  }
0xf0: {  	_ =	swait.ge [sflag:s6], $0x800  }
0xf1: {  	[sflag:s6] =	ssyncset.done $0x0  }
0xf2: {  	[sflag:s6] =	ssyncadd.s32 $0xFFFFF800  }
0xf3: {  	s0 =	stileid.u32;
	[bflag:$0x0] =	sbarrier.arrive $0xFFFF  }
0xf4: {  	s0 =	sshll.u32 s0, $0x6;
	s10 =	rddreg [dreg:$0x6]  }
0xf5: {  	s0 =	sor.u32 $0x1C0E, s0;
	s8 =	rddreg [dreg:$0xb];
	s7 =	sshrl.u32 s10, $0x3  }
0xf6: {  	[hbm:s8], [sflag:s0] =	dma.local [spmem:s7], $0x500  }
0xf7: {  	_ =	swait.ge [sflag:s15], $0x500  }
0xf8: {  	s14 =	sadd.s32 $0x1, s14;
	s22 =	rddreg [dreg:$0xc]  }
0xf9: {  	p0 =	sne.s32 s14, s22  }
.Ltmp2:
0xfa: {  	_ = 	snop;
	(pc) =	sbr.rel @p0 .LBB2_1-.Ltmp2, $3  }
0xfb: {  	_ =	sdelay $0x1  }
0xfc: {  	[sflag:s15] =	ssyncset.done $0x0  }
0xfd: {  	s11 =	simm.s32 $0x2A00;
	[sflag:s15] =	ssyncadd.s32 $0xFFFFFB00  }
0xfe: {  	_ =	sfence.sel $0x180000  }
0xff: {  	[bflag:$0x0] =	sbarrier.arrive $0xFFFF  }
0x100: {  	_ =	strace $0x9000004D  }
0x101: {  	s0 =	stileid.u32;
	[bflag:$0x2] =	sbarrier.arrive $0xFFFF  }
0x102: {  	p0 =	sne.s32 s0, $0x0;
	s0 =	rddreg [dreg:$0x3]  }
0x103: {  	s0 =	sadd.s32 @!p0 $0x100000, s0  }
0x104: {  	[sflag:s0] =	ssyncadd.tile.s32 @!p0 $0x1;
	_ =	shalt  }
.Lfunc_end2:
_tile_overlayer_lowered:
.L_overlay_start_2:
0x105: {  	(tag) =	ssettag $0x2  }
0x106: {  	s0 =	rddreg [dreg:$0x0];
	s2 =	stileid.u32  }
0x107: {  	s1 =	rddreg [dreg:$0x1];
	p0 =	sne.s32 s2, $0x0  }
0x108: {  	s3 =	rddreg [dreg:$0x2];
	[bflag:$0x3] =	sbarrier.arrive $0xFFFF;
	s2 =	simm.s32 @!p0 $0x1C0E  }
0x109: {  	[timem:s3], [sflag:s2] =	dma.local @!p0 [hbm:s0], s1  }
0x10a: {  	s0 =	simm.s32 @!p0 $0xE  }
0x10b: {  	_ =	swait.ge @!p0 [sflag:s0], s1  }
0x10c: {  	s1 =	ssub.s32 @!p0 $0x0, s1;
	[sflag:s0] =	ssyncset.done @!p0 $0x0  }
0x10d: {  	[sflag:s0] =	ssyncadd.s32 @!p0 s1  }
0x10e: {  	[bflag:$0x3] =	sbarrier.arrive $0xFFFF  }
0x10f: {  	_ =	shalt  }

// kernel: kernel.8.cloned.1.call-start
scs
__scs_entry_jumppad:
0x0: {  	(pc) =	sbr.rel $0x88, $3  }
0x1: {  	(tag) =	ssettag $0x0;
	lr =	simm.s32 $0x1  }
0x2: {  	[smem:$0x3F9B] =	sst lr;
	_ =	strace $0xD0000000  }
0x3: {  	_ = 	snop  }
0x4: {  	_ = 	snop  }
0x5: {  	_ = 	snop  }
0x6: {  	_ = 	snop  }
0x7: {  	_ = 	snop  }
__scs_overlays_trampoline_lowered:
0x8: {  	[smem:$0x3FAA] =	sst s0  }
0x9: {  	[smem:$0x3FAB] =	sst s1  }
0xa: {  	[smem:$0x3FAC] =	sst s2  }
0xb: {  	[smem:$0x3FAD] =	sst s3  }
0xc: {  	[smem:$0x3FAE] =	sst s4  }
0xd: {  	[smem:$0x3FAF] =	sst s5  }
0xe: {  	[smem:$0x3FB0] =	sst s6  }
0xf: {  	[smem:$0x3FB1] =	sst s7  }
0x10: {  	[smem:$0x3FB2] =	sst s8  }
0x11: {  	[smem:$0x3FB3] =	sst s9;
	s0 =	simm.s32 @!p0 $0x0  }
0x12: {  	s1 =	sld [smem:$0x3F99];
	s0 =	simm.s32 @p0 $0x1  }
0x13: {  	[smem:$0x3FB4] =	sst s0;
	s0 =	simm.s32 @!p1 $0x0  }
0x14: {  	s2 =	sld [smem:$0x3F98];
	s0 =	simm.s32 @p1 $0x1  }
0x15: {  	[smem:$0x3FB5] =	sst s0;
	s0 =	simm.s32 @!p2 $0x0  }
0x16: {  	s3 =	sld [smem:$0x3FDB];
	s0 =	simm.s32 @p2 $0x1  }
0x17: {  	s4 =	simm.s32 $0x1BF5;
	[smem:$0x3FB7] =	sst s0  }
0x18: {  	s0 =	sld [smem:$0x3F9A];
	_ =	swait.ge [sflag:s4], $0x0  }
0x19: {  	s7 =	sld [smem:$0x3F9B]  }
0x1a: {  	s8 =	sadd.s32 $0xFFFFE003, lr  }
0x1b: {  	s9 =	sadd.s32 $0xFFFFFEF7, lr;
	s5 =	simm.s32 $0xFFFFFFFF;
	p2 =	slt.u32 s8, $0xFFFFF086  }
0x1c: {  	p1 =	slt.u32 s9, $0xF7A;
	s5 =	simm.s32 @!p2 $0x0  }
0x1d: {  	s5 =	simm.s32 @p1 $0x1;
	p0 =	seq.s32 s7, s2  }
0x1e: {  	s7 =	smul.u32 @!p0 $0xF7A, s2;
	p2 =	seq.s32 @!p0 s5, $0x0  }
0x1f: {  	s9 =	smul.u32 $0xF7A, s1;
	s8 =	simm.s32 @!p0 $0x1BF5;
	p2 =	por !p2, p0  }
0x20: {  	[sflag:s8] =	ssyncset.s32 @!p0 $0xFFFFF086;
	s6 =	sadd.s32 @!p0 s3, s7;
	s7 =	simm.s32 @!p0 $0x108  }
0x21: {  	s3 =	sadd.s32 s3, s9;
	s6 =	sadd.s32 @!p0 $0x88, s6;
	s7 =	simm.s32 @p2 $0x1082  }
0x22: {  	[simem:s7], [sflag:s8] =	dma.local @!p0 [hbm:s6], $0xF7A  }
0x23: {  	s9 =	sor.u32 $0xD0000000, s2;
	s6 =	simm.s32 $0x108;
	_ =	swait.ge @!p0 [sflag:s8], $0x0  }
0x24: {  	s3 =	sadd.s32 $0x88, s3;
	s6 =	simm.s32 @!p1 $0x1082;
	[sflag:s4] =	ssyncset.s32 $0xFFFFF086  }
0x25: {  	[simem:s6], [sflag:s4] =	dma.local [hbm:s3], $0xF7A  }
0x26: {  	[smem:$0x3F9B] =	sst s1;
	(tag) =	ssettag s2;
	_ =	strace s9  }
0x27: {  	s1 =	sld [smem:$0x3FAB]  }
0x28: {  	s2 =	sld [smem:$0x3FAC]  }
0x29: {  	s4 =	sld [smem:$0x3FAE]  }
0x2a: {  	p0 =	seq.s32 s5, $0x0;
	s5 =	sld [smem:$0x3FAF]  }
0x2b: {  	s6 =	sld [smem:$0x3FB0]  }
0x2c: {  	s7 =	sld [smem:$0x3FB1]  }
0x2d: {  	s3 =	simm.s32 $0x108;
	s8 =	sld [smem:$0x3FB2]  }
0x2e: {  	s3 =	simm.s32 @!p0 $0x1082;
	s9 =	sld [smem:$0x3FB3]  }
0x2f: {  	lr =	sadd.s32 s0, s3;
	s0 =	sld [smem:$0x3FAA]  }
0x30: {  	s3 =	sld [smem:$0x3FAD]  }
0x31: {  	[smem:$0x3FB6] =	sst s10  }
0x32: {  	s10 =	sld [smem:$0x3FB4];
	_ =	sdelay $0x3  }
0x33: {  	p0 =	seq.s32 s10, $0x1;
	s10 =	sld [smem:$0x3FB6];
	_ =	sdelay $0x3  }
0x34: {  	[smem:$0x3FB6] =	sst s10  }
0x35: {  	s10 =	sld [smem:$0x3FB5];
	_ =	sdelay $0x3  }
0x36: {  	p1 =	seq.s32 s10, $0x1;
	s10 =	sld [smem:$0x3FB6];
	_ =	sdelay $0x3  }
0x37: {  	[smem:$0x3FB6] =	sst s10  }
0x38: {  	s10 =	sld [smem:$0x3FB7]  }
0x39: {  	_ = 	snop;
	(pc) =	sbr.ind lr, $3  }
0x3a: {  	_ = 	snop  }
0x3b: {  	_ = 	snop  }
0x3c: {  	p2 =	seq.s32 s10, $0x1;
	s10 =	sld [smem:$0x3FB6]  }
0x3d: {  	_ =	shalt  }
0x3e: {  	_ =	shalt  }
0x3f: {  	_ =	shalt  }
0x40: {  	_ =	shalt  }
0x41: {  	_ =	shalt  }
0x42: {  	_ =	shalt  }
0x43: {  	_ =	shalt  }
0x44: {  	_ =	shalt  }
0x45: {  	_ =	shalt  }
0x46: {  	_ =	shalt  }
0x47: {  	_ =	shalt  }
0x48: {  	_ =	shalt  }
0x49: {  	_ =	shalt  }
0x4a: {  	_ =	shalt  }
0x4b: {  	_ =	shalt  }
0x4c: {  	_ =	shalt  }
0x4d: {  	_ =	shalt  }
0x4e: {  	_ =	shalt  }
0x4f: {  	_ =	shalt  }
0x50: {  	_ =	shalt  }
0x51: {  	_ =	shalt  }
0x52: {  	_ =	shalt  }
0x53: {  	_ =	shalt  }
0x54: {  	_ =	shalt  }
0x55: {  	_ =	shalt  }
0x56: {  	_ =	shalt  }
0x57: {  	_ =	shalt  }
0x58: {  	_ =	shalt  }
0x59: {  	_ =	shalt  }
0x5a: {  	_ =	shalt  }
0x5b: {  	_ =	shalt  }
0x5c: {  	_ =	shalt  }
0x5d: {  	_ =	shalt  }
0x5e: {  	_ =	shalt  }
0x5f: {  	_ =	shalt  }
0x60: {  	_ =	shalt  }
0x61: {  	_ =	shalt  }
0x62: {  	_ =	shalt  }
0x63: {  	_ =	shalt  }
0x64: {  	_ =	shalt  }
0x65: {  	_ =	shalt  }
0x66: {  	_ =	shalt  }
0x67: {  	_ =	shalt  }
0x68: {  	_ =	shalt  }
0x69: {  	_ =	shalt  }
0x6a: {  	_ =	shalt  }
0x6b: {  	_ =	shalt  }
0x6c: {  	_ =	shalt  }
0x6d: {  	_ =	shalt  }
0x6e: {  	_ =	shalt  }
0x6f: {  	_ =	shalt  }
0x70: {  	_ =	shalt  }
0x71: {  	_ =	shalt  }
0x72: {  	_ =	shalt  }
0x73: {  	_ =	shalt  }
0x74: {  	_ =	shalt  }
0x75: {  	_ =	shalt  }
0x76: {  	_ =	shalt  }
0x77: {  	_ =	shalt  }
0x78: {  	_ =	shalt  }
0x79: {  	_ =	shalt  }
0x7a: {  	_ =	shalt  }
0x7b: {  	_ =	shalt  }
0x7c: {  	_ =	shalt  }
0x7d: {  	_ =	shalt  }
0x7e: {  	_ =	shalt  }
0x7f: {  	_ =	shalt  }
0x80: {  	_ =	shalt  }
0x81: {  	_ =	shalt  }
0x82: {  	_ =	shalt  }
0x83: {  	_ =	shalt  }
0x84: {  	_ =	shalt  }
0x85: {  	_ =	shalt  }
0x86: {  	_ =	shalt  }
0x87: {  	_ =	shalt  }
.Lfunc_end0:
.L_simem_size_0:
called_computation_lowered:
.L_overlay_start_0:
0x88: {  	s2 =	sld [smem:$0x3FD9]  }
0x89: {  	s3 =	sld [smem:$0x3FFE];
	_ =	sdelay $0x1  }
0x8a: {  	s1 =	srdreg.scid  }
0x8b: {  	s0 =	sand.u32 $0x1, s1  }
0x8c: {  	s17 =	sshll.u32 s0, $0xA;
	s2 =	sadd.s32 s3, s2  }
0x8d: {  	s2 =	sadd.s32 s2, s17  }
0x8e: {  	[smem:$0x3FC2] =	sst s2  }
0x8f: {  	_ = 	snop  }
0x90: {  	s2 =	sld [smem:$0x3FD0];
	(tm) =	ssettm $0x1  }
0x91: {  	s18 =	sld [smem:$0x3FFB];
	_ =	sdelay $0x3  }
0x92: {  	_ =	strace s18  }
0x93: {  	s3 =	sld [smem:$0x3FFC];
	_ =	sdelay $0x3  }
0x94: {  	_ =	strace s3  }
0x95: {  	s3 =	sld [smem:$0x3FFD];
	_ =	sdelay $0x3  }
0x96: {  	_ =	strace s3  }
0x97: {  	_ =	strace $0x8FFFFFFF  }
0x98: {  	s19 =	sld [smem:$0x3FDB];
	_ =	sdelay $0x1  }
0x99: {  	s4 =	simm.s32 $_scs_section_size  }
0x9a: {  	s5 =	simm.s32 $_size__tile_overlayer_lowered;
	s6 =	simm.s32 $_tile_overlayer_lowered  }
0x9b: {  	s22 =	simm.s32 $0x1BFF;
	s21 =	sshll.u32 s6, $0x1;
	s3 =	sadd.s32 s4, s19  }
0x9c: {  	s7 =	simm.s32 $0x0;
	s20 =	sshll.u32 s5, $0x1;
	s5 =	sadd.s32 s21, s3  }
0x9d: {  	[timem:s7], [sflag:s22] =	dma.local [hbm:s5], s20  }
0x9e: {  	_ =	swait.ge [sflag:s22], s20  }
0x9f: {  	s4 =	ssub.s32 $0x0, s20;
	[sflag:s22] =	ssyncset.done $0x0  }
0xa0: {  	[sflag:s22] =	ssyncadd.s32 s4;
	_ =	sdelay $0x1  }
0xa1: {  	s23 =	simm.s32 $0x1B8B  }
0xa2: {  	_ =	swait.ge [sflag:s23], $0x1  }
0xa3: {  	[sflag:s23] =	ssyncset.done $0x0  }
0xa4: {  	s25 =	simm.s32 $0x1B8E;
	s24 =	sld [smem:$0x3FFE];
	[sflag:s23] =	ssyncadd.s32 $0xFFFFFFFF  }
0xa5: {  	s26 =	simm.s32 $execute0_lowered;
	[smem:$0x3FD2] =	sst s25  }
0xa6: {  	s5 =	sshll.u32 s26, $0x1;
	_ =	strace $0x80000046;
	[dreg:$0x1] =	wrdreg $0xFFFFFFFF  }
0xa7: {  	s28 =	simm.s32 $_size_execute0_lowered;
	s3 =	sadd.s32 s3, s5;
	[dreg:$0x0] =	wrdreg $0x0  }
0xa8: {  	s5 =	sshll.u32 s28, $0x1;
	[dreg:$0x2] =	wrdreg s3  }
0xa9: {  	[dreg:$0x3] =	wrdreg s5  }
0xaa: {  	[dreg:$0x4] =	wrdreg $0xC0  }
0xab: {  	_ =	task [dreg:s7], $0x5FFFF  }
0xac: {  	[dreg:$0x1] =	wrdreg $0xFFFFFFFF  }
0xad: {  	[dreg:$0x0] =	wrdreg $0x60  }
0xae: {  	[dreg:$0x2] =	wrdreg s24  }
0xaf: {  	[dreg:$0x3] =	wrdreg s2  }
0xb0: {  	[dreg:$0x4] =	wrdreg $0x2A800  }
0xb1: {  	[dreg:$0x5] =	wrdreg $0x9  }
0xb2: {  	_ =	task.clear_ibuf [dreg:s7], $0x6FFFF;
	_ =	strace $0x90000046  }
0xb3: {  	s29 =	simm.s32 $0x9;
	_ =	strace $0x80000048  }
0xb4: {  	_ =	swait.ge [sflag:s29], $0x1  }
0xb5: {  	[sflag:s29] =	ssyncadd.s32 $0xFFFFFFFF  }
0xb6: {  	_ =	strace $0x90000048  }
0xb7: {  	_ =	sfence  }
0xb8: {  	s30 =	sld [smem:$0x0];
	_ =	sdelay $0x2  }
0xb9: {  	s31 =	sshll.u32 s1, $0xD;
	s1 =	sshrl.u32 s1, $0x2  }
0xba: {  	s3 =	sand.u32 $0x4000, s31;
	s1 =	sadd.s32 s1, s30  }
0xbb: {  	s0 =	sor.u32 s3, s0;
	s1 =	sshll.u32 s1, $0x11  }
0xbc: {  	s0 =	sor.u32 s1, s0  }
0xbd: {  	s0 =	sadd.s32 $0x8F2B, s0  }
0xbe: {  	[sflag:s0] =	ssyncadd.remote.s32 $0x1  }
0xbf: {  	_ =	sfence.sel $0xFFFF  }
0xc0: {  	[dreg:$0x0] =	wrdreg $0xFFFFFFFF;
	(pc) =	sbr.abs _section_cstart, $3  }
0xc1: {  	[dreg:$0x1] =	wrdreg $0xFFFFFFFF  }
0xc2: {  	_ =	task.clear_ibuf [dreg:s7], $0x2FFFF;
	_ =	strace $0x9FFFFFFF  }
0xc3: {  	(tm) =	ssettm $0x7FFFFFFF  }
tec
execute0_lowered:
.L_overlay_start_1:
0x0: {  	(tag) =	ssettag $0x1  }
0x1: {  	s5 =	rddreg [dreg:$0x0]  }
0x2: {  	s6 =	rddreg [dreg:$0x1]  }
0x3: {  	s1 =	srdreg.scid;
	s2 =	rddreg [dreg:$0x2]  }
0x4: {  	s4 =	simm.s32 $0x0;
	s28 =	sand.u32 $0x1, s1;
	s1 =	rddreg [dreg:$0x3]  }
0x5: {  	s30 =	simm.s32 $0x100;
	[smem:$0x7FF] =	sst s4  }
0x6: {  	s31 =	simm.s32 $0x180;
	_ =	strace $0x80000047;
	[dreg:$0xa] =	wrdreg s30  }
0x7: {  	s11 =	simm.s32 $0x480;
	[dreg:$0xb] =	wrdreg s31  }
0x8: {  	s12 =	simm.s32 $0x500;
	[dreg:$0x11] =	wrdreg s11  }
0x9: {  	s13 =	simm.s32 $0x580;
	[dreg:$0x12] =	wrdreg s12  }
0xa: {  	s14 =	simm.s32 $0x600;
	[dreg:$0x13] =	wrdreg s13  }
0xb: {  	s15 =	simm.s32 $0x680;
	[dreg:$0x14] =	wrdreg s14  }
0xc: {  	s16 =	simm.s32 $0x700;
	[dreg:$0x15] =	wrdreg s15  }
0xd: {  	s17 =	simm.s32 $0x780;
	[dreg:$0x16] =	wrdreg s16  }
0xe: {  	s18 =	simm.s32 $0x800;
	[dreg:$0x17] =	wrdreg s17  }
0xf: {  	s19 =	simm.s32 $0x880;
	[dreg:$0x18] =	wrdreg s18  }
0x10: {  	s20 =	simm.s32 $0x900;
	[dreg:$0x19] =	wrdreg s19  }
0x11: {  	s21 =	simm.s32 $0x980;
	[dreg:$0x1a] =	wrdreg s20  }
0x12: {  	s22 =	simm.s32 $0xA00;
	[dreg:$0x1b] =	wrdreg s21  }
0x13: {  	s23 =	simm.s32 $0xA80;
	[dreg:$0x1c] =	wrdreg s22  }
0x14: {  	[dreg:$0x1d] =	wrdreg s23;
	s30 =	simm.s32 $0xD00  }
0x15: {  	s31 =	simm.s32 $0xD80;
	[smem:$0x7D8] =	sst s30  }
0x16: {  	s11 =	simm.s32 $0x1080;
	[smem:$0x7D9] =	sst s31  }
0x17: {  	s12 =	simm.s32 $0x1100;
	[smem:$0x7DF] =	sst s11  }
0x18: {  	s13 =	simm.s32 $0x1180;
	[smem:$0x7E0] =	sst s12  }
0x19: {  	s14 =	simm.s32 $0x1200;
	[smem:$0x7E1] =	sst s13  }
0x1a: {  	s15 =	simm.s32 $0x1280;
	[smem:$0x7E2] =	sst s14  }
0x1b: {  	s16 =	simm.s32 $0x1300;
	[smem:$0x7E3] =	sst s15  }
0x1c: {  	s17 =	simm.s32 $0x1380;
	[smem:$0x7E4] =	sst s16  }
0x1d: {  	s18 =	simm.s32 $0x1400;
	[smem:$0x7E5] =	sst s17  }
0x1e: {  	s19 =	simm.s32 $0x1480;
	[smem:$0x7E6] =	sst s18  }
0x1f: {  	s20 =	simm.s32 $0x1500;
	[smem:$0x7E7] =	sst s19  }
0x20: {  	s21 =	simm.s32 $0x1580;
	[smem:$0x7E8] =	sst s20  }
0x21: {  	s22 =	simm.s32 $0x1600;
	[smem:$0x7E9] =	sst s21  }
0x22: {  	s23 =	simm.s32 $0x1680;
	[smem:$0x7EA] =	sst s22  }
0x23: {  	[smem:$0x7EB] =	sst s23;
	s30 =	simm.s32 $0x1900  }
0x24: {  	s31 =	simm.s32 $0x1980;
	[smem:$0x7F0] =	sst s30  }
0x25: {  	s11 =	simm.s32 $0x1C80;
	[smem:$0x7F1] =	sst s31  }
0x26: {  	s12 =	simm.s32 $0x1D00;
	[smem:$0x7F7] =	sst s11  }
0x27: {  	s0 =	stileid.u32;
	s13 =	simm.s32 $0x1D80;
	[smem:$0x7F8] =	sst s12  }
0x28: {  	s7 =	smul.u32 $0x280, s0;
	s14 =	simm.s32 $0x1E00;
	[smem:$0x7F9] =	sst s13  }
0x29: {  	s3 =	sshll.u32 s28, $0x4;
	s15 =	simm.s32 $0x1E80;
	[smem:$0x7FA] =	sst s14  }
0x2a: {  	s8 =	sor.u32 s0, s3;
	s16 =	simm.s32 $0x1F00;
	[smem:$0x7FB] =	sst s15  }
0x2b: {  	s3 =	sadd.s32 s7, s2;
	s17 =	simm.s32 $0x1F80;
	[smem:$0x7FC] =	sst s16  }
0x2c: {  	s9 =	sadd.s32 $0x80, s3;
	[smem:$0x7FD] =	sst s17  }
0x2d: {  	s24 =	sadd.s32 $0x100, s3;
	[dreg:$0x4] =	wrdreg s9  }
0x2e: {  	s10 =	smul.u32 $0x2800, s28;
	s25 =	sadd.s32 $0x180, s3;
	[dreg:$0x5] =	wrdreg s24  }
0x2f: {  	s26 =	sadd.s32 $0x200, s3;
	[dreg:$0x6] =	wrdreg s25  }
0x30: {  	s7 =	sadd.s32 s7, s10;
	s10 =	simm.s32 $0x400;
	[dreg:$0x7] =	wrdreg s26  }
0x31: {  	s9 =	simm.s32 $0x380;
	[dreg:$0x10] =	wrdreg s10  }
0x32: {  	s24 =	simm.s32 $0xB00;
	[dreg:$0xf] =	wrdreg s9  }
0x33: {  	s25 =	simm.s32 $0xB80;
	[dreg:$0x1e] =	wrdreg s24  }
0x34: {  	s26 =	simm.s32 $0xC00;
	[dreg:$0x1f] =	wrdreg s25  }
0x35: {  	s7 =	sshrl.u32 s7, $0x3;
	s10 =	simm.s32 $0x1000;
	[smem:$0x7D6] =	sst s26  }
0x36: {  	s29 =	sadd.s32 s6, s7;
	[smem:$0x7DE] =	sst s10  }
0x37: {  	s8 =	smul.u32 $0x540, s8;
	s6 =	simm.s32 $0x200;
	[dreg:$0x9] =	wrdreg s29  }
0x38: {  	s7 =	simm.s32 $0x280;
	[dreg:$0xc] =	wrdreg s6  }
0x39: {  	s5 =	sadd.s32 s8, s5;
	s8 =	simm.s32 $0x300;
	[dreg:$0xd] =	wrdreg s7  }
0x3a: {  	s9 =	simm.s32 $0xF80;
	[dreg:$0xe] =	wrdreg s8  }
0x3b: {  	s24 =	simm.s32 $0x1700;
	[smem:$0x7DD] =	sst s9  }
0x3c: {  	s25 =	simm.s32 $0x1780;
	[smem:$0x7EC] =	sst s24  }
0x3d: {  	s26 =	simm.s32 $0x1800;
	[smem:$0x7ED] =	sst s25  }
0x3e: {  	s10 =	simm.s32 $0x1C00;
	[smem:$0x7EE] =	sst s26  }
0x3f: {  	s5 =	sadd.s32 $0x1400, s5;
	[smem:$0x7F6] =	sst s10  }
0x40: {  	s29 =	simm.s32 $0xC80;
	[dreg:$0x8] =	wrdreg s5  }
0x41: {  	v0 =	vimm.f32 $0.0e+00;
	s6 =	simm.s32 $0xE00;
	[smem:$0x7D7] =	sst s29  }
0x42: {  	[tilespmem:$0x2A10] =	vst v0;
	s7 =	simm.s32 $0xE80;
	[smem:$0x7DA] =	sst s6  }
0x43: {  	[tilespmem:$0x2A20] =	vst v0;
	s8 =	simm.s32 $0xF00;
	[smem:$0x7DB] =	sst s7  }
0x44: {  	[tilespmem:$0x2A30] =	vst v0;
	s9 =	simm.s32 $0x1B80;
	[smem:$0x7DC] =	sst s8  }
0x45: {  	[tilespmem:$0x2A40] =	vst v0;
	s29 =	simm.s32 $0x1880;
	[smem:$0x7F5] =	sst s9  }
0x46: {  	[tilespmem:$0x2A50] =	vst v0;
	s6 =	simm.s32 $0x1A00;
	[smem:$0x7EF] =	sst s29  }
0x47: {  	[tilespmem:$0x2A60] =	vst v0;
	s7 =	simm.s32 $0x1A80;
	[smem:$0x7F2] =	sst s6  }
0x48: {  	[tilespmem:$0x2A70] =	vst v0;
	s8 =	simm.s32 $0x1B00;
	[smem:$0x7F3] =	sst s7  }
0x49: {  	[tilespmem:$0x2A00] =	vst v0;
	s5 =	simm.s32 $0x4;
	[smem:$0x7F4] =	sst s8;
	s6 =	simm.s32 $0x2A00  }
0x4a: {  	[spmem:s3] =	stream.linear.scatter [tilespmem:s6], [sflag:$0x4], $0x80, $0x38;
	[tilespmem:$0x2D00] =	vst v63  }
0x4b: {  	_ =	swait.ge [sflag:s5], $0x80  }
0x4c: {  	[sflag:s5] =	ssyncset.done $0x0  }
0x4d: {  	s18 =	rddreg [dreg:$0x4];
	[sflag:s5] =	ssyncadd.s32 $0xFFFFFF80  }
0x4e: {  	[spmem:s18] =	stream.linear.scatter [tilespmem:s6], [sflag:$0x4], $0x80, $0x38;
	[tilespmem:$0x2D00] =	vst v63  }
0x4f: {  	_ =	swait.ge [sflag:s5], $0x80  }
0x50: {  	[sflag:s5] =	ssyncset.done $0x0  }
0x51: {  	s19 =	rddreg [dreg:$0x5];
	[sflag:s5] =	ssyncadd.s32 $0xFFFFFF80  }
0x52: {  	[spmem:s19] =	stream.linear.scatter [tilespmem:s6], [sflag:$0x4], $0x80, $0x38;
	[tilespmem:$0x2D00] =	vst v63  }
0x53: {  	_ =	swait.ge [sflag:s5], $0x80  }
0x54: {  	[sflag:s5] =	ssyncset.done $0x0  }
0x55: {  	s20 =	rddreg [dreg:$0x6];
	[sflag:s5] =	ssyncadd.s32 $0xFFFFFF80  }
0x56: {  	[spmem:s20] =	stream.linear.scatter [tilespmem:s6], [sflag:$0x4], $0x80, $0x38;
	[tilespmem:$0x2D00] =	vst v63  }
0x57: {  	_ =	swait.ge [sflag:s5], $0x80  }
0x58: {  	[sflag:s5] =	ssyncset.done $0x0  }
0x59: {  	s21 =	rddreg [dreg:$0x7];
	[sflag:s5] =	ssyncadd.s32 $0xFFFFFF80  }
0x5a: {  	[spmem:s21] =	stream.linear.scatter [tilespmem:s6], [sflag:$0x4], $0x80, $0x38;
	[tilespmem:$0x2D00] =	vst v63  }
0x5b: {  	_ =	swait.ge [sflag:s5], $0x80  }
0x5c: {  	[sflag:s5] =	ssyncset.done $0x0  }
0x5d: {  	v1 =	vimm.f32 $1.000000000e+00;
	[sflag:s5] =	ssyncadd.s32 $0xFFFFFF80  }
0x5e: {  	[tilespmem:$0x2A70] =	vst v1  }
0x5f: {  	[tilespmem:$0x2A60] =	vst v1  }
0x60: {  	[tilespmem:$0x2A50] =	vst v1  }
0x61: {  	[tilespmem:$0x2A30] =	vst v1  }
0x62: {  	[tilespmem:$0x2A40] =	vst v1  }
0x63: {  	[tilespmem:$0x2A20] =	vst v1  }
0x64: {  	[tilespmem:$0x2A10] =	vst v1  }
0x65: {  	s7 =	simm.s32 $0x1;
	s22 =	rddreg [dreg:$0x8];
	[tilespmem:$0x2A00] =	vst v1  }
0x66: {  	[tilespmem:s4], [sflag:$0x1] =	stream.linear.gather [hbm4b:s22+s4], $0x2A00, $0x38;
	[tilespmem:$0x2D00] =	vst v63  }
0x67: {  	_ =	swait.ge [sflag:s7], $0x2A00  }
0x68: {  	[sflag:s7] =	ssyncset.done $0x0  }
0x69: {  	[sflag:s7] =	ssyncadd.s32 $0xFFFFD600  }
0x6a: {  	s8 =	simm.s32 $0x80;
	[bflag:$0x0] =	sbarrier.arrive $0xFFFF  }
0x6b: {  	[spmem:s2] =	stream.indirect.scatter.add.f32 [tilespmem:s6], [sflag:$0x2], $0x1, s4, s8, $0xb8;
	[tilespmem:$0x2D00] =	vst v63  }
0x6c: {  	_ = 	snop  }
0x6d: {  	[spmem:s2] =	stream.indirect.scatter.add.f32 [tilespmem:s6], [sflag:$0x2], $0x1, s8, s8, $0xb8;
	[tilespmem:$0x2D00] =	vst v63  }
0x6e: {  	s23 =	rddreg [dreg:$0xa]  }
0x6f: {  	[spmem:s2] =	stream.indirect.scatter.add.f32 [tilespmem:s6], [sflag:$0x2], $0x1, s23, s8, $0xb8;
	[tilespmem:$0x2D00] =	vst v63  }
0x70: {  	s24 =	rddreg [dreg:$0xb]  }
0x71: {  	[spmem:s2] =	stream.indirect.scatter.add.f32 [tilespmem:s6], [sflag:$0x2], $0x1, s24, s8, $0xb8;
	[tilespmem:$0x2D00] =	vst v63  }
0x72: {  	s25 =	rddreg [dreg:$0xc]  }
0x73: {  	[spmem:s2] =	stream.indirect.scatter.add.f32 [tilespmem:s6], [sflag:$0x2], $0x1, s25, s8, $0xb8;
	[tilespmem:$0x2D00] =	vst v63  }
0x74: {  	s26 =	rddreg [dreg:$0xd]  }
0x75: {  	[spmem:s2] =	stream.indirect.scatter.add.f32 [tilespmem:s6], [sflag:$0x2], $0x1, s26, s8, $0xb8;
	[tilespmem:$0x2D00] =	vst v63  }
0x76: {  	s29 =	rddreg [dreg:$0xe]  }
0x77: {  	[spmem:s2] =	stream.indirect.scatter.add.f32 [tilespmem:s6], [sflag:$0x2], $0x1, s29, s8, $0xb8;
	[tilespmem:$0x2D00] =	vst v63  }
0x78: {  	s30 =	rddreg [dreg:$0xf]  }
0x79: {  	[spmem:s2] =	stream.indirect.scatter.add.f32 [tilespmem:s6], [sflag:$0x2], $0x1, s30, s8, $0xb8;
	[tilespmem:$0x2D00] =	vst v63  }
0x7a: {  	s31 =	rddreg [dreg:$0x10]  }
0x7b: {  	[spmem:s2] =	stream.indirect.scatter.add.f32 [tilespmem:s6], [sflag:$0x3], $0x1, s31, s8, $0xb8;
	[tilespmem:$0x2D00] =	vst v63  }
0x7c: {  	s11 =	rddreg [dreg:$0x11]  }
0x7d: {  	[spmem:s2] =	stream.indirect.scatter.add.f32 [tilespmem:s6], [sflag:$0x3], $0x1, s11, s8, $0xb8;
	[tilespmem:$0x2D00] =	vst v63  }
0x7e: {  	s12 =	rddreg [dreg:$0x12]  }
0x7f: {  	[spmem:s2] =	stream.indirect.scatter.add.f32 [tilespmem:s6], [sflag:$0x3], $0x1, s12, s8, $0xb8;
	[tilespmem:$0x2D00] =	vst v63  }
0x80: {  	s13 =	rddreg [dreg:$0x13]  }
0x81: {  	[spmem:s2] =	stream.indirect.scatter.add.f32 [tilespmem:s6], [sflag:$0x3], $0x1, s13, s8, $0xb8;
	[tilespmem:$0x2D00] =	vst v63  }
0x82: {  	s14 =	rddreg [dreg:$0x14]  }
0x83: {  	[spmem:s2] =	stream.indirect.scatter.add.f32 [tilespmem:s6], [sflag:$0x3], $0x1, s14, s8, $0xb8;
	[tilespmem:$0x2D00] =	vst v63  }
0x84: {  	s15 =	rddreg [dreg:$0x15]  }
0x85: {  	[spmem:s2] =	stream.indirect.scatter.add.f32 [tilespmem:s6], [sflag:$0x3], $0x1, s15, s8, $0xb8;
	[tilespmem:$0x2D00] =	vst v63  }
0x86: {  	s16 =	rddreg [dreg:$0x16]  }
0x87: {  	[spmem:s2] =	stream.indirect.scatter.add.f32 [tilespmem:s6], [sflag:$0x3], $0x1, s16, s8, $0xb8;
	[tilespmem:$0x2D00] =	vst v63  }
0x88: {  	s9 =	simm.s32 $0x2;
	s17 =	rddreg [dreg:$0x17]  }
0x89: {  	[spmem:s2] =	stream.indirect.scatter.add.f32 [tilespmem:s6], [sflag:$0x3], $0x1, s17, s8, $0xb8;
	[tilespmem:$0x2D00] =	vst v63  }
0x8a: {  	_ =	swait.ge [sflag:s9], $0x80  }
0x8b: {  	[sflag:s9] =	ssyncset.done $0x0  }
0x8c: {  	[sflag:s9] =	ssyncadd.s32 $0xFFFFFF80  }
0x8d: {  	_ =	swait.ge [sflag:s9], $0x80  }
0x8e: {  	[sflag:s9] =	ssyncset.done $0x0  }
0x8f: {  	[sflag:s9] =	ssyncadd.s32 $0xFFFFFF80  }
0x90: {  	_ =	swait.ge [sflag:s9], $0x80  }
0x91: {  	[sflag:s9] =	ssyncset.done $0x0  }
0x92: {  	[sflag:s9] =	ssyncadd.s32 $0xFFFFFF80  }
0x93: {  	_ =	swait.ge [sflag:s9], $0x80  }
0x94: {  	[sflag:s9] =	ssyncset.done $0x0  }
0x95: {  	[sflag:s9] =	ssyncadd.s32 $0xFFFFFF80  }
0x96: {  	_ =	swait.ge [sflag:s9], $0x80  }
0x97: {  	[sflag:s9] =	ssyncset.done $0x0  }
0x98: {  	[sflag:s9] =	ssyncadd.s32 $0xFFFFFF80  }
0x99: {  	_ =	swait.ge [sflag:s9], $0x80  }
0x9a: {  	[sflag:s9] =	ssyncset.done $0x0  }
0x9b: {  	[sflag:s9] =	ssyncadd.s32 $0xFFFFFF80  }
0x9c: {  	_ =	swait.ge [sflag:s9], $0x80  }
0x9d: {  	[sflag:s9] =	ssyncset.done $0x0  }
0x9e: {  	[sflag:s9] =	ssyncadd.s32 $0xFFFFFF80  }
0x9f: {  	_ =	swait.ge [sflag:s9], $0x80  }
0xa0: {  	[sflag:s9] =	ssyncset.done $0x0  }
0xa1: {  	s18 =	rddreg [dreg:$0x18];
	[sflag:s9] =	ssyncadd.s32 $0xFFFFFF80  }
0xa2: {  	[spmem:s2] =	stream.indirect.scatter.add.f32 [tilespmem:s6], [sflag:$0x2], $0x1, s18, s8, $0xb8;
	[tilespmem:$0x2D00] =	vst v63  }
0xa3: {  	s11 =	rddreg [dreg:$0x19]  }
0xa4: {  	[spmem:s2] =	stream.indirect.scatter.add.f32 [tilespmem:s6], [sflag:$0x2], $0x1, s11, s8, $0xb8;
	[tilespmem:$0x2D00] =	vst v63  }
0xa5: {  	s19 =	rddreg [dreg:$0x1a]  }
0xa6: {  	[spmem:s2] =	stream.indirect.scatter.add.f32 [tilespmem:s6], [sflag:$0x2], $0x1, s19, s8, $0xb8;
	[tilespmem:$0x2D00] =	vst v63  }
0xa7: {  	s20 =	rddreg [dreg:$0x1b]  }
0xa8: {  	[spmem:s2] =	stream.indirect.scatter.add.f32 [tilespmem:s6], [sflag:$0x2], $0x1, s20, s8, $0xb8;
	[tilespmem:$0x2D00] =	vst v63  }
0xa9: {  	s21 =	rddreg [dreg:$0x1c]  }
0xaa: {  	[spmem:s2] =	stream.indirect.scatter.add.f32 [tilespmem:s6], [sflag:$0x2], $0x1, s21, s8, $0xb8;
	[tilespmem:$0x2D00] =	vst v63  }
0xab: {  	s22 =	rddreg [dreg:$0x1d]  }
0xac: {  	[spmem:s2] =	stream.indirect.scatter.add.f32 [tilespmem:s6], [sflag:$0x2], $0x1, s22, s8, $0xb8;
	[tilespmem:$0x2D00] =	vst v63  }
0xad: {  	s23 =	rddreg [dreg:$0x1e]  }
0xae: {  	[spmem:s2] =	stream.indirect.scatter.add.f32 [tilespmem:s6], [sflag:$0x2], $0x1, s23, s8, $0xb8;
	[tilespmem:$0x2D00] =	vst v63  }
0xaf: {  	s10 =	simm.s32 $0x3;
	s24 =	rddreg [dreg:$0x1f]  }
0xb0: {  	[spmem:s2] =	stream.indirect.scatter.add.f32 [tilespmem:s6], [sflag:$0x2], $0x1, s24, s8, $0xb8;
	[tilespmem:$0x2D00] =	vst v63  }
0xb1: {  	_ =	swait.ge [sflag:s10], $0x80  }
0xb2: {  	[sflag:s10] =	ssyncset.done $0x0  }
0xb3: {  	[sflag:s10] =	ssyncadd.s32 $0xFFFFFF80  }
0xb4: {  	_ =	swait.ge [sflag:s10], $0x80  }
0xb5: {  	[sflag:s10] =	ssyncset.done $0x0  }
0xb6: {  	[sflag:s10] =	ssyncadd.s32 $0xFFFFFF80  }
0xb7: {  	_ =	swait.ge [sflag:s10], $0x80  }
0xb8: {  	[sflag:s10] =	ssyncset.done $0x0  }
0xb9: {  	[sflag:s10] =	ssyncadd.s32 $0xFFFFFF80  }
0xba: {  	_ =	swait.ge [sflag:s10], $0x80  }
0xbb: {  	[sflag:s10] =	ssyncset.done $0x0  }
0xbc: {  	[sflag:s10] =	ssyncadd.s32 $0xFFFFFF80  }
0xbd: {  	_ =	swait.ge [sflag:s10], $0x80  }
0xbe: {  	[sflag:s10] =	ssyncset.done $0x0  }
0xbf: {  	[sflag:s10] =	ssyncadd.s32 $0xFFFFFF80  }
0xc0: {  	_ =	swait.ge [sflag:s10], $0x80  }
0xc1: {  	[sflag:s10] =	ssyncset.done $0x0  }
0xc2: {  	[sflag:s10] =	ssyncadd.s32 $0xFFFFFF80  }
0xc3: {  	_ =	swait.ge [sflag:s10], $0x80  }
0xc4: {  	[sflag:s10] =	ssyncset.done $0x0  }
0xc5: {  	[sflag:s10] =	ssyncadd.s32 $0xFFFFFF80  }
0xc6: {  	_ =	swait.ge [sflag:s10], $0x80  }
0xc7: {  	s25 =	sld [smem:$0x7D6]  }
0xc8: {  	[sflag:s10] =	ssyncset.done $0x0  }
0xc9: {  	s12 =	sld [smem:$0x7D7];
	[sflag:s10] =	ssyncadd.s32 $0xFFFFFF80  }
0xca: {  	[spmem:s2] =	stream.indirect.scatter.add.f32 [tilespmem:s6], [sflag:$0x3], $0x1, s25, s8, $0xb8;
	[tilespmem:$0x2D00] =	vst v63  }
0xcb: {  	s26 =	sld [smem:$0x7D8]  }
0xcc: {  	[spmem:s2] =	stream.indirect.scatter.add.f32 [tilespmem:s6], [sflag:$0x3], $0x1, s12, s8, $0xb8;
	[tilespmem:$0x2D00] =	vst v63  }
0xcd: {  	s29 =	sld [smem:$0x7D9]  }
0xce: {  	[spmem:s2] =	stream.indirect.scatter.add.f32 [tilespmem:s6], [sflag:$0x3], $0x1, s26, s8, $0xb8;
	[tilespmem:$0x2D00] =	vst v63  }
0xcf: {  	s30 =	sld [smem:$0x7DA]  }
0xd0: {  	[spmem:s2] =	stream.indirect.scatter.add.f32 [tilespmem:s6], [sflag:$0x3], $0x1, s29, s8, $0xb8;
	[tilespmem:$0x2D00] =	vst v63  }
0xd1: {  	s31 =	sld [smem:$0x7DB]  }
0xd2: {  	[spmem:s2] =	stream.indirect.scatter.add.f32 [tilespmem:s6], [sflag:$0x3], $0x1, s30, s8, $0xb8;
	[tilespmem:$0x2D00] =	vst v63  }
0xd3: {  	s13 =	sld [smem:$0x7DC]  }
0xd4: {  	[spmem:s2] =	stream.indirect.scatter.add.f32 [tilespmem:s6], [sflag:$0x3], $0x1, s31, s8, $0xb8;
	[tilespmem:$0x2D00] =	vst v63  }
0xd5: {  	s14 =	sld [smem:$0x7DD]  }
0xd6: {  	[spmem:s2] =	stream.indirect.scatter.add.f32 [tilespmem:s6], [sflag:$0x3], $0x1, s13, s8, $0xb8;
	[tilespmem:$0x2D00] =	vst v63  }
0xd7: {  	_ = 	snop  }
0xd8: {  	[spmem:s2] =	stream.indirect.scatter.add.f32 [tilespmem:s6], [sflag:$0x3], $0x1, s14, s8, $0xb8;
	[tilespmem:$0x2D00] =	vst v63  }
0xd9: {  	_ =	swait.ge [sflag:s9], $0x80  }
0xda: {  	[sflag:s9] =	ssyncset.done $0x0  }
0xdb: {  	[sflag:s9] =	ssyncadd.s32 $0xFFFFFF80  }
0xdc: {  	_ =	swait.ge [sflag:s9], $0x80  }
0xdd: {  	[sflag:s9] =	ssyncset.done $0x0  }
0xde: {  	[sflag:s9] =	ssyncadd.s32 $0xFFFFFF80  }
0xdf: {  	_ =	swait.ge [sflag:s9], $0x80  }
0xe0: {  	[sflag:s9] =	ssyncset.done $0x0  }
0xe1: {  	[sflag:s9] =	ssyncadd.s32 $0xFFFFFF80  }
0xe2: {  	_ =	swait.ge [sflag:s9], $0x80  }
0xe3: {  	[sflag:s9] =	ssyncset.done $0x0  }
0xe4: {  	[sflag:s9] =	ssyncadd.s32 $0xFFFFFF80  }
0xe5: {  	_ =	swait.ge [sflag:s9], $0x80  }
0xe6: {  	[sflag:s9] =	ssyncset.done $0x0  }
0xe7: {  	[sflag:s9] =	ssyncadd.s32 $0xFFFFFF80  }
0xe8: {  	_ =	swait.ge [sflag:s9], $0x80  }
0xe9: {  	[sflag:s9] =	ssyncset.done $0x0  }
0xea: {  	[sflag:s9] =	ssyncadd.s32 $0xFFFFFF80  }
0xeb: {  	_ =	swait.ge [sflag:s9], $0x80  }
0xec: {  	[sflag:s9] =	ssyncset.done $0x0  }
0xed: {  	[sflag:s9] =	ssyncadd.s32 $0xFFFFFF80  }
0xee: {  	_ =	swait.ge [sflag:s9], $0x80  }
0xef: {  	s15 =	sld [smem:$0x7DE]  }
0xf0: {  	[sflag:s9] =	ssyncset.done $0x0  }
0xf1: {  	s16 =	sld [smem:$0x7DF];
	[sflag:s9] =	ssyncadd.s32 $0xFFFFFF80  }
0xf2: {  	[spmem:s2] =	stream.indirect.scatter.add.f32 [tilespmem:s6], [sflag:$0x2], $0x1, s15, s8, $0xb8;
	[tilespmem:$0x2D00] =	vst v63  }
0xf3: {  	s17 =	sld [smem:$0x7E0]  }
0xf4: {  	[spmem:s2] =	stream.indirect.scatter.add.f32 [tilespmem:s6], [sflag:$0x2], $0x1, s16, s8, $0xb8;
	[tilespmem:$0x2D00] =	vst v63  }
0xf5: {  	s18 =	sld [smem:$0x7E1]  }
0xf6: {  	[spmem:s2] =	stream.indirect.scatter.add.f32 [tilespmem:s6], [sflag:$0x2], $0x1, s17, s8, $0xb8;
	[tilespmem:$0x2D00] =	vst v63  }
0xf7: {  	s19 =	sld [smem:$0x7E2]  }
0xf8: {  	[spmem:s2] =	stream.indirect.scatter.add.f32 [tilespmem:s6], [sflag:$0x2], $0x1, s18, s8, $0xb8;
	[tilespmem:$0x2D00] =	vst v63  }
0xf9: {  	s20 =	sld [smem:$0x7E3]  }
0xfa: {  	[spmem:s2] =	stream.indirect.scatter.add.f32 [tilespmem:s6], [sflag:$0x2], $0x1, s19, s8, $0xb8;
	[tilespmem:$0x2D00] =	vst v63  }
0xfb: {  	s21 =	sld [smem:$0x7E4]  }
0xfc: {  	[spmem:s2] =	stream.indirect.scatter.add.f32 [tilespmem:s6], [sflag:$0x2], $0x1, s20, s8, $0xb8;
	[tilespmem:$0x2D00] =	vst v63  }
0xfd: {  	s22 =	sld [smem:$0x7E5]  }
0xfe: {  	[spmem:s2] =	stream.indirect.scatter.add.f32 [tilespmem:s6], [sflag:$0x2], $0x1, s21, s8, $0xb8;
	[tilespmem:$0x2D00] =	vst v63  }
0xff: {  	_ = 	snop  }
0x100: {  	[spmem:s2] =	stream.indirect.scatter.add.f32 [tilespmem:s6], [sflag:$0x2], $0x1, s22, s8, $0xb8;
	[tilespmem:$0x2D00] =	vst v63  }
0x101: {  	_ =	swait.ge [sflag:s10], $0x80  }
0x102: {  	[sflag:s10] =	ssyncset.done $0x0  }
0x103: {  	[sflag:s10] =	ssyncadd.s32 $0xFFFFFF80  }
0x104: {  	_ =	swait.ge [sflag:s10], $0x80  }
0x105: {  	[sflag:s10] =	ssyncset.done $0x0  }
0x106: {  	[sflag:s10] =	ssyncadd.s32 $0xFFFFFF80  }
0x107: {  	_ =	swait.ge [sflag:s10], $0x80  }
0x108: {  	[sflag:s10] =	ssyncset.done $0x0  }
0x109: {  	[sflag:s10] =	ssyncadd.s32 $0xFFFFFF80  }
0x10a: {  	_ =	swait.ge [sflag:s10], $0x80  }
0x10b: {  	[sflag:s10] =	ssyncset.done $0x0  }
0x10c: {  	[sflag:s10] =	ssyncadd.s32 $0xFFFFFF80  }
0x10d: {  	_ =	swait.ge [sflag:s10], $0x80  }
0x10e: {  	[sflag:s10] =	ssyncset.done $0x0  }
0x10f: {  	[sflag:s10] =	ssyncadd.s32 $0xFFFFFF80  }
0x110: {  	_ =	swait.ge [sflag:s10], $0x80  }
0x111: {  	[sflag:s10] =	ssyncset.done $0x0  }
0x112: {  	[sflag:s10] =	ssyncadd.s32 $0xFFFFFF80  }
0x113: {  	_ =	swait.ge [sflag:s10], $0x80  }
0x114: {  	[sflag:s10] =	ssyncset.done $0x0  }
0x115: {  	[sflag:s10] =	ssyncadd.s32 $0xFFFFFF80  }
0x116: {  	_ =	swait.ge [sflag:s10], $0x80  }
0x117: {  	s23 =	sld [smem:$0x7E6]  }
0x118: {  	[sflag:s10] =	ssyncset.done $0x0  }
0x119: {  	s24 =	sld [smem:$0x7E7];
	[sflag:s10] =	ssyncadd.s32 $0xFFFFFF80  }
0x11a: {  	[spmem:s2] =	stream.indirect.scatter.add.f32 [tilespmem:s6], [sflag:$0x3], $0x1, s23, s8, $0xb8;
	[tilespmem:$0x2D00] =	vst v63  }
0x11b: {  	s25 =	sld [smem:$0x7E8]  }
0x11c: {  	[spmem:s2] =	stream.indirect.scatter.add.f32 [tilespmem:s6], [sflag:$0x3], $0x1, s24, s8, $0xb8;
	[tilespmem:$0x2D00] =	vst v63  }
0x11d: {  	s26 =	sld [smem:$0x7E9]  }
0x11e: {  	[spmem:s2] =	stream.indirect.scatter.add.f32 [tilespmem:s6], [sflag:$0x3], $0x1, s25, s8, $0xb8;
	[tilespmem:$0x2D00] =	vst v63  }
0x11f: {  	s29 =	sld [smem:$0x7EA]  }
0x120: {  	[spmem:s2] =	stream.indirect.scatter.add.f32 [tilespmem:s6], [sflag:$0x3], $0x1, s26, s8, $0xb8;
	[tilespmem:$0x2D00] =	vst v63  }
0x121: {  	s30 =	sld [smem:$0x7EB]  }
0x122: {  	[spmem:s2] =	stream.indirect.scatter.add.f32 [tilespmem:s6], [sflag:$0x3], $0x1, s29, s8, $0xb8;
	[tilespmem:$0x2D00] =	vst v63  }
0x123: {  	s31 =	sld [smem:$0x7EC]  }
0x124: {  	[spmem:s2] =	stream.indirect.scatter.add.f32 [tilespmem:s6], [sflag:$0x3], $0x1, s30, s8, $0xb8;
	[tilespmem:$0x2D00] =	vst v63  }
0x125: {  	s13 =	sld [smem:$0x7ED]  }
0x126: {  	[spmem:s2] =	stream.indirect.scatter.add.f32 [tilespmem:s6], [sflag:$0x3], $0x1, s31, s8, $0xb8;
	[tilespmem:$0x2D00] =	vst v63  }
0x127: {  	_ = 	snop  }
0x128: {  	[spmem:s2] =	stream.indirect.scatter.add.f32 [tilespmem:s6], [sflag:$0x3], $0x1, s13, s8, $0xb8;
	[tilespmem:$0x2D00] =	vst v63  }
0x129: {  	_ =	swait.ge [sflag:s9], $0x80  }
0x12a: {  	[sflag:s9] =	ssyncset.done $0x0  }
0x12b: {  	[sflag:s9] =	ssyncadd.s32 $0xFFFFFF80  }
0x12c: {  	_ =	swait.ge [sflag:s9], $0x80  }
0x12d: {  	[sflag:s9] =	ssyncset.done $0x0  }
0x12e: {  	[sflag:s9] =	ssyncadd.s32 $0xFFFFFF80  }
0x12f: {  	_ =	swait.ge [sflag:s9], $0x80  }
0x130: {  	[sflag:s9] =	ssyncset.done $0x0  }
0x131: {  	[sflag:s9] =	ssyncadd.s32 $0xFFFFFF80  }
0x132: {  	_ =	swait.ge [sflag:s9], $0x80  }
0x133: {  	[sflag:s9] =	ssyncset.done $0x0  }
0x134: {  	[sflag:s9] =	ssyncadd.s32 $0xFFFFFF80  }
0x135: {  	_ =	swait.ge [sflag:s9], $0x80  }
0x136: {  	[sflag:s9] =	ssyncset.done $0x0  }
0x137: {  	[sflag:s9] =	ssyncadd.s32 $0xFFFFFF80  }
0x138: {  	_ =	swait.ge [sflag:s9], $0x80  }
0x139: {  	[sflag:s9] =	ssyncset.done $0x0  }
0x13a: {  	[sflag:s9] =	ssyncadd.s32 $0xFFFFFF80  }
0x13b: {  	_ =	swait.ge [sflag:s9], $0x80  }
0x13c: {  	[sflag:s9] =	ssyncset.done $0x0  }
0x13d: {  	[sflag:s9] =	ssyncadd.s32 $0xFFFFFF80  }
0x13e: {  	_ =	swait.ge [sflag:s9], $0x80  }
0x13f: {  	s14 =	sld [smem:$0x7EE]  }
0x140: {  	[sflag:s9] =	ssyncset.done $0x0  }
0x141: {  	s15 =	sld [smem:$0x7EF];
	[sflag:s9] =	ssyncadd.s32 $0xFFFFFF80  }
0x142: {  	[spmem:s2] =	stream.indirect.scatter.add.f32 [tilespmem:s6], [sflag:$0x2], $0x1, s14, s8, $0xb8;
	[tilespmem:$0x2D00] =	vst v63  }
0x143: {  	s16 =	sld [smem:$0x7F0]  }
0x144: {  	[spmem:s2] =	stream.indirect.scatter.add.f32 [tilespmem:s6], [sflag:$0x2], $0x1, s15, s8, $0xb8;
	[tilespmem:$0x2D00] =	vst v63  }
0x145: {  	s17 =	sld [smem:$0x7F1]  }
0x146: {  	[spmem:s2] =	stream.indirect.scatter.add.f32 [tilespmem:s6], [sflag:$0x2], $0x1, s16, s8, $0xb8;
	[tilespmem:$0x2D00] =	vst v63  }
0x147: {  	s18 =	sld [smem:$0x7F2]  }
0x148: {  	[spmem:s2] =	stream.indirect.scatter.add.f32 [tilespmem:s6], [sflag:$0x2], $0x1, s17, s8, $0xb8;
	[tilespmem:$0x2D00] =	vst v63  }
0x149: {  	s19 =	sld [smem:$0x7F3]  }
0x14a: {  	[spmem:s2] =	stream.indirect.scatter.add.f32 [tilespmem:s6], [sflag:$0x2], $0x1, s18, s8, $0xb8;
	[tilespmem:$0x2D00] =	vst v63  }
0x14b: {  	s20 =	sld [smem:$0x7F4]  }
0x14c: {  	[spmem:s2] =	stream.indirect.scatter.add.f32 [tilespmem:s6], [sflag:$0x2], $0x1, s19, s8, $0xb8;
	[tilespmem:$0x2D00] =	vst v63  }
0x14d: {  	s21 =	sld [smem:$0x7F5]  }
0x14e: {  	[spmem:s2] =	stream.indirect.scatter.add.f32 [tilespmem:s6], [sflag:$0x2], $0x1, s20, s8, $0xb8;
	[tilespmem:$0x2D00] =	vst v63  }
0x14f: {  	_ = 	snop  }
0x150: {  	[spmem:s2] =	stream.indirect.scatter.add.f32 [tilespmem:s6], [sflag:$0x2], $0x1, s21, s8, $0xb8;
	[tilespmem:$0x2D00] =	vst v63  }
0x151: {  	_ =	swait.ge [sflag:s10], $0x80  }
0x152: {  	[sflag:s10] =	ssyncset.done $0x0  }
0x153: {  	[sflag:s10] =	ssyncadd.s32 $0xFFFFFF80  }
0x154: {  	_ =	swait.ge [sflag:s10], $0x80  }
0x155: {  	[sflag:s10] =	ssyncset.done $0x0  }
0x156: {  	[sflag:s10] =	ssyncadd.s32 $0xFFFFFF80  }
0x157: {  	_ =	swait.ge [sflag:s10], $0x80  }
0x158: {  	[sflag:s10] =	ssyncset.done $0x0  }
0x159: {  	[sflag:s10] =	ssyncadd.s32 $0xFFFFFF80  }
0x15a: {  	_ =	swait.ge [sflag:s10], $0x80  }
0x15b: {  	[sflag:s10] =	ssyncset.done $0x0  }
0x15c: {  	[sflag:s10] =	ssyncadd.s32 $0xFFFFFF80  }
0x15d: {  	_ =	swait.ge [sflag:s10], $0x80  }
0x15e: {  	[sflag:s10] =	ssyncset.done $0x0  }
0x15f: {  	[sflag:s10] =	ssyncadd.s32 $0xFFFFFF80  }
0x160: {  	_ =	swait.ge [sflag:s10], $0x80  }
0x161: {  	[sflag:s10] =	ssyncset.done $0x0  }
0x162: {  	[sflag:s10] =	ssyncadd.s32 $0xFFFFFF80  }
0x163: {  	_ =	swait.ge [sflag:s10], $0x80  }
0x164: {  	[sflag:s10] =	ssyncset.done $0x0  }
0x165: {  	[sflag:s10] =	ssyncadd.s32 $0xFFFFFF80  }
0x166: {  	_ =	swait.ge [sflag:s10], $0x80  }
0x167: {  	s22 =	sld [smem:$0x7F6]  }
0x168: {  	[sflag:s10] =	ssyncset.done $0x0  }
0x169: {  	s23 =	sld [smem:$0x7F7];
	[sflag:s10] =	ssyncadd.s32 $0xFFFFFF80  }
0x16a: {  	[spmem:s2] =	stream.indirect.scatter.add.f32 [tilespmem:s6], [sflag:$0x3], $0x1, s22, s8, $0xb8;
	[tilespmem:$0x2D00] =	vst v63  }
0x16b: {  	s24 =	sld [smem:$0x7F8]  }
0x16c: {  	[spmem:s2] =	stream.indirect.scatter.add.f32 [tilespmem:s6], [sflag:$0x3], $0x1, s23, s8, $0xb8;
	[tilespmem:$0x2D00] =	vst v63  }
0x16d: {  	s25 =	sld [smem:$0x7F9]  }
0x16e: {  	[spmem:s2] =	stream.indirect.scatter.add.f32 [tilespmem:s6], [sflag:$0x3], $0x1, s24, s8, $0xb8;
	[tilespmem:$0x2D00] =	vst v63  }
0x16f: {  	s26 =	sld [smem:$0x7FA]  }
0x170: {  	[spmem:s2] =	stream.indirect.scatter.add.f32 [tilespmem:s6], [sflag:$0x3], $0x1, s25, s8, $0xb8;
	[tilespmem:$0x2D00] =	vst v63  }
0x171: {  	s29 =	sld [smem:$0x7FB]  }
0x172: {  	[spmem:s2] =	stream.indirect.scatter.add.f32 [tilespmem:s6], [sflag:$0x3], $0x1, s26, s8, $0xb8;
	[tilespmem:$0x2D00] =	vst v63  }
0x173: {  	s30 =	sld [smem:$0x7FC]  }
0x174: {  	[spmem:s2] =	stream.indirect.scatter.add.f32 [tilespmem:s6], [sflag:$0x3], $0x1, s29, s8, $0xb8;
	[tilespmem:$0x2D00] =	vst v63  }
0x175: {  	s31 =	sld [smem:$0x7FD]  }
0x176: {  	[spmem:s2] =	stream.indirect.scatter.add.f32 [tilespmem:s6], [sflag:$0x3], $0x1, s30, s8, $0xb8;
	[tilespmem:$0x2D00] =	vst v63  }
0x177: {  	_ = 	snop  }
0x178: {  	[spmem:s2] =	stream.indirect.scatter.add.f32 [tilespmem:s6], [sflag:$0x3], $0x1, s31, s8, $0xb8;
	[tilespmem:$0x2D00] =	vst v63  }
0x179: {  	_ =	swait.ge [sflag:s9], $0x80  }
0x17a: {  	[sflag:s9] =	ssyncset.done $0x0  }
0x17b: {  	[sflag:s9] =	ssyncadd.s32 $0xFFFFFF80  }
0x17c: {  	_ =	swait.ge [sflag:s9], $0x80  }
0x17d: {  	[sflag:s9] =	ssyncset.done $0x0  }
0x17e: {  	[sflag:s9] =	ssyncadd.s32 $0xFFFFFF80  }
0x17f: {  	_ =	swait.ge [sflag:s9], $0x80  }
0x180: {  	[sflag:s9] =	ssyncset.done $0x0  }
0x181: {  	[sflag:s9] =	ssyncadd.s32 $0xFFFFFF80  }
0x182: {  	_ =	swait.ge [sflag:s9], $0x80  }
0x183: {  	[sflag:s9] =	ssyncset.done $0x0  }
0x184: {  	[sflag:s9] =	ssyncadd.s32 $0xFFFFFF80  }
0x185: {  	_ =	swait.ge [sflag:s9], $0x80  }
0x186: {  	[sflag:s9] =	ssyncset.done $0x0  }
0x187: {  	[sflag:s9] =	ssyncadd.s32 $0xFFFFFF80  }
0x188: {  	_ =	swait.ge [sflag:s9], $0x80  }
0x189: {  	[sflag:s9] =	ssyncset.done $0x0  }
0x18a: {  	[sflag:s9] =	ssyncadd.s32 $0xFFFFFF80  }
0x18b: {  	_ =	swait.ge [sflag:s9], $0x80  }
0x18c: {  	[sflag:s9] =	ssyncset.done $0x0  }
0x18d: {  	[sflag:s9] =	ssyncadd.s32 $0xFFFFFF80  }
0x18e: {  	_ =	swait.ge [sflag:s9], $0x80  }
0x18f: {  	[sflag:s9] =	ssyncset.done $0x0  }
0x190: {  	s11 =	simm.s32 $0x2000;
	[sflag:s9] =	ssyncadd.s32 $0xFFFFFF80  }
0x191: {  	[spmem:s2] =	stream.indirect.scatter.add.f32 [tilespmem:s6], [sflag:$0x2], $0x1, s11, s8, $0xb8;
	[tilespmem:$0x2D00] =	vst v63  }
0x192: {  	s12 =	simm.s32 $0x2080  }
0x193: {  	[spmem:s2] =	stream.indirect.scatter.add.f32 [tilespmem:s6], [sflag:$0x2], $0x1, s12, s8, $0xb8;
	[tilespmem:$0x2D00] =	vst v63  }
0x194: {  	s13 =	simm.s32 $0x2100  }
0x195: {  	[spmem:s2] =	stream.indirect.scatter.add.f32 [tilespmem:s6], [sflag:$0x2], $0x1, s13, s8, $0xb8;
	[tilespmem:$0x2D00] =	vst v63  }
0x196: {  	s14 =	simm.s32 $0x2180  }
0x197: {  	[spmem:s2] =	stream.indirect.scatter.add.f32 [tilespmem:s6], [sflag:$0x2], $0x1, s14, s8, $0xb8;
	[tilespmem:$0x2D00] =	vst v63  }
0x198: {  	s15 =	simm.s32 $0x2200  }
0x199: {  	[spmem:s2] =	stream.indirect.scatter.add.f32 [tilespmem:s6], [sflag:$0x2], $0x1, s15, s8, $0xb8;
	[tilespmem:$0x2D00] =	vst v63  }
0x19a: {  	s16 =	simm.s32 $0x2280  }
0x19b: {  	[spmem:s2] =	stream.indirect.scatter.add.f32 [tilespmem:s6], [sflag:$0x2], $0x1, s16, s8, $0xb8;
	[tilespmem:$0x2D00] =	vst v63  }
0x19c: {  	s17 =	simm.s32 $0x2300  }
0x19d: {  	[spmem:s2] =	stream.indirect.scatter.add.f32 [tilespmem:s6], [sflag:$0x2], $0x1, s17, s8, $0xb8;
	[tilespmem:$0x2D00] =	vst v63  }
0x19e: {  	s18 =	simm.s32 $0x2380  }
0x19f: {  	[spmem:s2] =	stream.indirect.scatter.add.f32 [tilespmem:s6], [sflag:$0x2], $0x1, s18, s8, $0xb8;
	[tilespmem:$0x2D00] =	vst v63  }
0x1a0: {  	_ =	swait.ge [sflag:s10], $0x80  }
0x1a1: {  	[sflag:s10] =	ssyncset.done $0x0  }
0x1a2: {  	[sflag:s10] =	ssyncadd.s32 $0xFFFFFF80  }
0x1a3: {  	_ =	swait.ge [sflag:s10], $0x80  }
0x1a4: {  	[sflag:s10] =	ssyncset.done $0x0  }
0x1a5: {  	[sflag:s10] =	ssyncadd.s32 $0xFFFFFF80  }
0x1a6: {  	_ =	swait.ge [sflag:s10], $0x80  }
0x1a7: {  	[sflag:s10] =	ssyncset.done $0x0  }
0x1a8: {  	[sflag:s10] =	ssyncadd.s32 $0xFFFFFF80  }
0x1a9: {  	_ =	swait.ge [sflag:s10], $0x80  }
0x1aa: {  	[sflag:s10] =	ssyncset.done $0x0  }
0x1ab: {  	[sflag:s10] =	ssyncadd.s32 $0xFFFFFF80  }
0x1ac: {  	_ =	swait.ge [sflag:s10], $0x80  }
0x1ad: {  	[sflag:s10] =	ssyncset.done $0x0  }
0x1ae: {  	[sflag:s10] =	ssyncadd.s32 $0xFFFFFF80  }
0x1af: {  	_ =	swait.ge [sflag:s10], $0x80  }
0x1b0: {  	[sflag:s10] =	ssyncset.done $0x0  }
0x1b1: {  	[sflag:s10] =	ssyncadd.s32 $0xFFFFFF80  }
0x1b2: {  	_ =	swait.ge [sflag:s10], $0x80  }
0x1b3: {  	[sflag:s10] =	ssyncset.done $0x0  }
0x1b4: {  	[sflag:s10] =	ssyncadd.s32 $0xFFFFFF80  }
0x1b5: {  	_ =	swait.ge [sflag:s10], $0x80  }
0x1b6: {  	[sflag:s10] =	ssyncset.done $0x0  }
0x1b7: {  	s19 =	simm.s32 $0x2400;
	[sflag:s10] =	ssyncadd.s32 $0xFFFFFF80  }
0x1b8: {  	[spmem:s2] =	stream.indirect.scatter.add.f32 [tilespmem:s6], [sflag:$0x3], $0x1, s19, s8, $0xb8;
	[tilespmem:$0x2D00] =	vst v63  }
0x1b9: {  	s20 =	simm.s32 $0x2480  }
0x1ba: {  	[spmem:s2] =	stream.indirect.scatter.add.f32 [tilespmem:s6], [sflag:$0x3], $0x1, s20, s8, $0xb8;
	[tilespmem:$0x2D00] =	vst v63  }
0x1bb: {  	s21 =	simm.s32 $0x2500  }
0x1bc: {  	[spmem:s2] =	stream.indirect.scatter.add.f32 [tilespmem:s6], [sflag:$0x3], $0x1, s21, s8, $0xb8;
	[tilespmem:$0x2D00] =	vst v63  }
0x1bd: {  	s22 =	simm.s32 $0x2580  }
0x1be: {  	[spmem:s2] =	stream.indirect.scatter.add.f32 [tilespmem:s6], [sflag:$0x3], $0x1, s22, s8, $0xb8;
	[tilespmem:$0x2D00] =	vst v63  }
0x1bf: {  	s23 =	simm.s32 $0x2600  }
0x1c0: {  	[spmem:s2] =	stream.indirect.scatter.add.f32 [tilespmem:s6], [sflag:$0x3], $0x1, s23, s8, $0xb8;
	[tilespmem:$0x2D00] =	vst v63  }
0x1c1: {  	s24 =	simm.s32 $0x2680  }
0x1c2: {  	[spmem:s2] =	stream.indirect.scatter.add.f32 [tilespmem:s6], [sflag:$0x3], $0x1, s24, s8, $0xb8;
	[tilespmem:$0x2D00] =	vst v63  }
0x1c3: {  	s25 =	simm.s32 $0x2700  }
0x1c4: {  	[spmem:s2] =	stream.indirect.scatter.add.f32 [tilespmem:s6], [sflag:$0x3], $0x1, s25, s8, $0xb8;
	[tilespmem:$0x2D00] =	vst v63  }
0x1c5: {  	s26 =	simm.s32 $0x2780  }
0x1c6: {  	[spmem:s2] =	stream.indirect.scatter.add.f32 [tilespmem:s6], [sflag:$0x3], $0x1, s26, s8, $0xb8;
	[tilespmem:$0x2D00] =	vst v63  }
0x1c7: {  	_ =	swait.ge [sflag:s9], $0x80  }
0x1c8: {  	[sflag:s9] =	ssyncset.done $0x0  }
0x1c9: {  	[sflag:s9] =	ssyncadd.s32 $0xFFFFFF80  }
0x1ca: {  	_ =	swait.ge [sflag:s9], $0x80  }
0x1cb: {  	[sflag:s9] =	ssyncset.done $0x0  }
0x1cc: {  	[sflag:s9] =	ssyncadd.s32 $0xFFFFFF80  }
0x1cd: {  	_ =	swait.ge [sflag:s9], $0x80  }
0x1ce: {  	[sflag:s9] =	ssyncset.done $0x0  }
0x1cf: {  	[sflag:s9] =	ssyncadd.s32 $0xFFFFFF80  }
0x1d0: {  	_ =	swait.ge [sflag:s9], $0x80  }
0x1d1: {  	[sflag:s9] =	ssyncset.done $0x0  }
0x1d2: {  	[sflag:s9] =	ssyncadd.s32 $0xFFFFFF80  }
0x1d3: {  	_ =	swait.ge [sflag:s9], $0x80  }
0x1d4: {  	[sflag:s9] =	ssyncset.done $0x0  }
0x1d5: {  	[sflag:s9] =	ssyncadd.s32 $0xFFFFFF80  }
0x1d6: {  	_ =	swait.ge [sflag:s9], $0x80  }
0x1d7: {  	[sflag:s9] =	ssyncset.done $0x0  }
0x1d8: {  	[sflag:s9] =	ssyncadd.s32 $0xFFFFFF80  }
0x1d9: {  	_ =	swait.ge [sflag:s9], $0x80  }
0x1da: {  	[sflag:s9] =	ssyncset.done $0x0  }
0x1db: {  	[sflag:s9] =	ssyncadd.s32 $0xFFFFFF80  }
0x1dc: {  	_ =	swait.ge [sflag:s9], $0x80  }
0x1dd: {  	[sflag:s9] =	ssyncset.done $0x0  }
0x1de: {  	[sflag:s9] =	ssyncadd.s32 $0xFFFFFF80  }
0x1df: {  	_ =	swait.ge [sflag:s10], $0x80  }
0x1e0: {  	[sflag:s10] =	ssyncset.done $0x0  }
0x1e1: {  	[sflag:s10] =	ssyncadd.s32 $0xFFFFFF80  }
0x1e2: {  	_ =	swait.ge [sflag:s10], $0x80  }
0x1e3: {  	[sflag:s10] =	ssyncset.done $0x0  }
0x1e4: {  	[sflag:s10] =	ssyncadd.s32 $0xFFFFFF80  }
0x1e5: {  	_ =	swait.ge [sflag:s10], $0x80  }
0x1e6: {  	[sflag:s10] =	ssyncset.done $0x0  }
0x1e7: {  	[sflag:s10] =	ssyncadd.s32 $0xFFFFFF80  }
0x1e8: {  	_ =	swait.ge [sflag:s10], $0x80  }
0x1e9: {  	[sflag:s10] =	ssyncset.done $0x0  }
0x1ea: {  	[sflag:s10] =	ssyncadd.s32 $0xFFFFFF80  }
0x1eb: {  	_ =	swait.ge [sflag:s10], $0x80  }
0x1ec: {  	s28 =	ssub.s32 $0x2, s28;
	[sflag:s10] =	ssyncset.done $0x0  }
0x1ed: {  	s29 =	sshrl.u32 s28, $0x1;
	[sflag:s10] =	ssyncadd.s32 $0xFFFFFF80  }
0x1ee: {  	s28 =	ssub.s32 s28, s29;
	_ =	swait.ge [sflag:s10], $0x80  }
0x1ef: {  	s28 =	smax.u32 s28, $0x1;
	[sflag:s10] =	ssyncset.done $0x0  }
0x1f0: {  	p0 =	sne.s32 s28, $0x1;
	[sflag:s10] =	ssyncadd.s32 $0xFFFFFF80  }
.Ltmp0:
0x1f1: {  	_ =	swait.ge [sflag:s10], $0x80;
	(pc) =	sbr.rel @!p0 .LBB2_2-.Ltmp0, $4  }
0x1f2: {  	[sflag:s10] =	ssyncset.done $0x0  }
0x1f3: {  	[sflag:s10] =	ssyncadd.s32 $0xFFFFFF80  }
0x1f4: {  	_ =	swait.ge [sflag:s10], $0x80  }
0x1f5: {  	s28 =	sadd.s32 $0xFFFFFFFF, s28;
	[sflag:s10] =	ssyncset.done $0x0  }
.LBB2_1:
0x1f6: {  	[sflag:s10] =	ssyncadd.s32 $0xFFFFFF80  }
0x1f7: {  	s30 =	sshll.u32 s0, $0x6;
	[bflag:$0x0] =	sbarrier.arrive $0xFFFF  }
0x1f8: {  	s31 =	sshrl.u32 s3, $0x3;
	s30 =	sor.u32 $0x1C04, s30;
	s29 =	rddreg [dreg:$0x9]  }
0x1f9: {  	[hbm:s29], [sflag:s30] =	dma.local [spmem:s31], $0x50  }
0x1fa: {  	_ =	swait.ge [sflag:s5], $0x50  }
0x1fb: {  	[sflag:s5] =	ssyncset.done $0x0  }
0x1fc: {  	[sflag:s5] =	ssyncadd.s32 $0xFFFFFFB0  }
0x1fd: {  	[tilespmem:$0x2A10] =	vst v0  }
0x1fe: {  	[tilespmem:$0x2A20] =	vst v0  }
0x1ff: {  	[tilespmem:$0x2A30] =	vst v0  }
0x200: {  	[tilespmem:$0x2A40] =	vst v0  }
0x201: {  	[tilespmem:$0x2A50] =	vst v0  }
0x202: {  	[tilespmem:$0x2A60] =	vst v0  }
0x203: {  	[tilespmem:$0x2A70] =	vst v0  }
0x204: {  	[tilespmem:$0x2A00] =	vst v0  }
0x205: {  	[spmem:s3] =	stream.linear.scatter [tilespmem:s6], [sflag:$0x4], $0x80, $0x38;
	[tilespmem:$0x2D00] =	vst v63  }
0x206: {  	_ =	swait.ge [sflag:s5], $0x80  }
0x207: {  	[sflag:s5] =	ssyncset.done $0x0  }
0x208: {  	s30 =	rddreg [dreg:$0x4];
	[sflag:s5] =	ssyncadd.s32 $0xFFFFFF80  }
0x209: {  	[spmem:s30] =	stream.linear.scatter [tilespmem:s6], [sflag:$0x4], $0x80, $0x38;
	[tilespmem:$0x2D00] =	vst v63  }
0x20a: {  	_ =	swait.ge [sflag:s5], $0x80  }
0x20b: {  	[sflag:s5] =	ssyncset.done $0x0  }
0x20c: {  	s31 =	rddreg [dreg:$0x5];
	[sflag:s5] =	ssyncadd.s32 $0xFFFFFF80  }
0x20d: {  	[spmem:s31] =	stream.linear.scatter [tilespmem:s6], [sflag:$0x4], $0x80, $0x38;
	[tilespmem:$0x2D00] =	vst v63  }
0x20e: {  	_ =	swait.ge [sflag:s5], $0x80  }
0x20f: {  	[sflag:s5] =	ssyncset.done $0x0  }
0x210: {  	s30 =	rddreg [dreg:$0x6];
	[sflag:s5] =	ssyncadd.s32 $0xFFFFFF80  }
0x211: {  	[spmem:s30] =	stream.linear.scatter [tilespmem:s6], [sflag:$0x4], $0x80, $0x38;
	[tilespmem:$0x2D00] =	vst v63  }
0x212: {  	_ =	swait.ge [sflag:s5], $0x80  }
0x213: {  	[sflag:s5] =	ssyncset.done $0x0  }
0x214: {  	s31 =	rddreg [dreg:$0x7];
	[sflag:s5] =	ssyncadd.s32 $0xFFFFFF80  }
0x215: {  	[spmem:s31] =	stream.linear.scatter [tilespmem:s6], [sflag:$0x4], $0x80, $0x38;
	[tilespmem:$0x2D00] =	vst v63  }
0x216: {  	_ =	swait.ge [sflag:s5], $0x80  }
0x217: {  	[sflag:s5] =	ssyncset.done $0x0  }
0x218: {  	[sflag:s5] =	ssyncadd.s32 $0xFFFFFF80  }
0x219: {  	[tilespmem:$0x2A70] =	vst v1  }
0x21a: {  	[tilespmem:$0x2A60] =	vst v1  }
0x21b: {  	[tilespmem:$0x2A50] =	vst v1  }
0x21c: {  	[tilespmem:$0x2A30] =	vst v1  }
0x21d: {  	[tilespmem:$0x2A40] =	vst v1  }
0x21e: {  	[tilespmem:$0x2A20] =	vst v1  }
0x21f: {  	[tilespmem:$0x2A10] =	vst v1  }
0x220: {  	s30 =	rddreg [dreg:$0x8];
	[tilespmem:$0x2A00] =	vst v1  }
0x221: {  	[tilespmem:s4], [sflag:$0x1] =	stream.linear.gather [hbm4b:s30+s4], $0x2A00, $0x38;
	[tilespmem:$0x2D00] =	vst v63  }
0x222: {  	_ =	swait.ge [sflag:s7], $0x2A00  }
0x223: {  	[sflag:s7] =	ssyncset.done $0x0  }
0x224: {  	[sflag:s7] =	ssyncadd.s32 $0xFFFFD600  }
0x225: {  	[bflag:$0x0] =	sbarrier.arrive $0xFFFF  }
0x226: {  	[spmem:s2] =	stream.indirect.scatter.add.f32 [tilespmem:s6], [sflag:$0x2], $0x1, s4, s8, $0xb8;
	[tilespmem:$0x2D00] =	vst v63  }
0x227: {  	_ = 	snop  }
0x228: {  	[spmem:s2] =	stream.indirect.scatter.add.f32 [tilespmem:s6], [sflag:$0x2], $0x1, s8, s8, $0xb8;
	[tilespmem:$0x2D00] =	vst v63  }
0x229: {  	s29 =	rddreg [dreg:$0xa]  }
0x22a: {  	[spmem:s2] =	stream.indirect.scatter.add.f32 [tilespmem:s6], [sflag:$0x2], $0x1, s29, s8, $0xb8;
	[tilespmem:$0x2D00] =	vst v63  }
0x22b: {  	s31 =	rddreg [dreg:$0xb]  }
0x22c: {  	[spmem:s2] =	stream.indirect.scatter.add.f32 [tilespmem:s6], [sflag:$0x2], $0x1, s31, s8, $0xb8;
	[tilespmem:$0x2D00] =	vst v63  }
0x22d: {  	s29 =	rddreg [dreg:$0xc]  }
0x22e: {  	[spmem:s2] =	stream.indirect.scatter.add.f32 [tilespmem:s6], [sflag:$0x2], $0x1, s29, s8, $0xb8;
	[tilespmem:$0x2D00] =	vst v63  }
0x22f: {  	s31 =	rddreg [dreg:$0xd]  }
0x230: {  	[spmem:s2] =	stream.indirect.scatter.add.f32 [tilespmem:s6], [sflag:$0x2], $0x1, s31, s8, $0xb8;
	[tilespmem:$0x2D00] =	vst v63  }
0x231: {  	s29 =	rddreg [dreg:$0xe]  }
0x232: {  	[spmem:s2] =	stream.indirect.scatter.add.f32 [tilespmem:s6], [sflag:$0x2], $0x1, s29, s8, $0xb8;
	[tilespmem:$0x2D00] =	vst v63  }
0x233: {  	s31 =	rddreg [dreg:$0xf]  }
0x234: {  	[spmem:s2] =	stream.indirect.scatter.add.f32 [tilespmem:s6], [sflag:$0x2], $0x1, s31, s8, $0xb8;
	[tilespmem:$0x2D00] =	vst v63  }
0x235: {  	s29 =	rddreg [dreg:$0x10]  }
0x236: {  	[spmem:s2] =	stream.indirect.scatter.add.f32 [tilespmem:s6], [sflag:$0x3], $0x1, s29, s8, $0xb8;
	[tilespmem:$0x2D00] =	vst v63  }
0x237: {  	s31 =	rddreg [dreg:$0x11]  }
0x238: {  	[spmem:s2] =	stream.indirect.scatter.add.f32 [tilespmem:s6], [sflag:$0x3], $0x1, s31, s8, $0xb8;
	[tilespmem:$0x2D00] =	vst v63  }
0x239: {  	s29 =	rddreg [dreg:$0x12]  }
0x23a: {  	[spmem:s2] =	stream.indirect.scatter.add.f32 [tilespmem:s6], [sflag:$0x3], $0x1, s29, s8, $0xb8;
	[tilespmem:$0x2D00] =	vst v63  }
0x23b: {  	s31 =	rddreg [dreg:$0x13]  }
0x23c: {  	[spmem:s2] =	stream.indirect.scatter.add.f32 [tilespmem:s6], [sflag:$0x3], $0x1, s31, s8, $0xb8;
	[tilespmem:$0x2D00] =	vst v63  }
0x23d: {  	s29 =	rddreg [dreg:$0x14]  }
0x23e: {  	[spmem:s2] =	stream.indirect.scatter.add.f32 [tilespmem:s6], [sflag:$0x3], $0x1, s29, s8, $0xb8;
	[tilespmem:$0x2D00] =	vst v63  }
0x23f: {  	s31 =	rddreg [dreg:$0x15]  }
0x240: {  	[spmem:s2] =	stream.indirect.scatter.add.f32 [tilespmem:s6], [sflag:$0x3], $0x1, s31, s8, $0xb8;
	[tilespmem:$0x2D00] =	vst v63  }
0x241: {  	s29 =	rddreg [dreg:$0x16]  }
0x242: {  	[spmem:s2] =	stream.indirect.scatter.add.f32 [tilespmem:s6], [sflag:$0x3], $0x1, s29, s8, $0xb8;
	[tilespmem:$0x2D00] =	vst v63  }
0x243: {  	s31 =	rddreg [dreg:$0x17]  }
0x244: {  	[spmem:s2] =	stream.indirect.scatter.add.f32 [tilespmem:s6], [sflag:$0x3], $0x1, s31, s8, $0xb8;
	[tilespmem:$0x2D00] =	vst v63  }
0x245: {  	_ =	swait.ge [sflag:s9], $0x80  }
0x246: {  	[sflag:s9] =	ssyncset.done $0x0  }
0x247: {  	[sflag:s9] =	ssyncadd.s32 $0xFFFFFF80  }
0x248: {  	_ =	swait.ge [sflag:s9], $0x80  }
0x249: {  	[sflag:s9] =	ssyncset.done $0x0  }
0x24a: {  	[sflag:s9] =	ssyncadd.s32 $0xFFFFFF80  }
0x24b: {  	_ =	swait.ge [sflag:s9], $0x80  }
0x24c: {  	[sflag:s9] =	ssyncset.done $0x0  }
0x24d: {  	[sflag:s9] =	ssyncadd.s32 $0xFFFFFF80  }
0x24e: {  	_ =	swait.ge [sflag:s9], $0x80  }
0x24f: {  	[sflag:s9] =	ssyncset.done $0x0  }
0x250: {  	[sflag:s9] =	ssyncadd.s32 $0xFFFFFF80  }
0x251: {  	_ =	swait.ge [sflag:s9], $0x80  }
0x252: {  	[sflag:s9] =	ssyncset.done $0x0  }
0x253: {  	[sflag:s9] =	ssyncadd.s32 $0xFFFFFF80  }
0x254: {  	_ =	swait.ge [sflag:s9], $0x80  }
0x255: {  	[sflag:s9] =	ssyncset.done $0x0  }
0x256: {  	[sflag:s9] =	ssyncadd.s32 $0xFFFFFF80  }
0x257: {  	_ =	swait.ge [sflag:s9], $0x80  }
0x258: {  	[sflag:s9] =	ssyncset.done $0x0  }
0x259: {  	[sflag:s9] =	ssyncadd.s32 $0xFFFFFF80  }
0x25a: {  	_ =	swait.ge [sflag:s9], $0x80  }
0x25b: {  	[sflag:s9] =	ssyncset.done $0x0  }
0x25c: {  	s29 =	rddreg [dreg:$0x18];
	[sflag:s9] =	ssyncadd.s32 $0xFFFFFF80  }
0x25d: {  	[spmem:s2] =	stream.indirect.scatter.add.f32 [tilespmem:s6], [sflag:$0x2], $0x1, s29, s8, $0xb8;
	[tilespmem:$0x2D00] =	vst v63  }
0x25e: {  	s31 =	rddreg [dreg:$0x19]  }
0x25f: {  	[spmem:s2] =	stream.indirect.scatter.add.f32 [tilespmem:s6], [sflag:$0x2], $0x1, s31, s8, $0xb8;
	[tilespmem:$0x2D00] =	vst v63  }
0x260: {  	s29 =	rddreg [dreg:$0x1a]  }
0x261: {  	[spmem:s2] =	stream.indirect.scatter.add.f32 [tilespmem:s6], [sflag:$0x2], $0x1, s29, s8, $0xb8;
	[tilespmem:$0x2D00] =	vst v63  }
0x262: {  	s31 =	rddreg [dreg:$0x1b]  }
0x263: {  	[spmem:s2] =	stream.indirect.scatter.add.f32 [tilespmem:s6], [sflag:$0x2], $0x1, s31, s8, $0xb8;
	[tilespmem:$0x2D00] =	vst v63  }
0x264: {  	s29 =	rddreg [dreg:$0x1c]  }
0x265: {  	[spmem:s2] =	stream.indirect.scatter.add.f32 [tilespmem:s6], [sflag:$0x2], $0x1, s29, s8, $0xb8;
	[tilespmem:$0x2D00] =	vst v63  }
0x266: {  	s31 =	rddreg [dreg:$0x1d]  }
0x267: {  	[spmem:s2] =	stream.indirect.scatter.add.f32 [tilespmem:s6], [sflag:$0x2], $0x1, s31, s8, $0xb8;
	[tilespmem:$0x2D00] =	vst v63  }
0x268: {  	s29 =	rddreg [dreg:$0x1e]  }
0x269: {  	[spmem:s2] =	stream.indirect.scatter.add.f32 [tilespmem:s6], [sflag:$0x2], $0x1, s29, s8, $0xb8;
	[tilespmem:$0x2D00] =	vst v63  }
0x26a: {  	s31 =	rddreg [dreg:$0x1f]  }
0x26b: {  	[spmem:s2] =	stream.indirect.scatter.add.f32 [tilespmem:s6], [sflag:$0x2], $0x1, s31, s8, $0xb8;
	[tilespmem:$0x2D00] =	vst v63  }
0x26c: {  	_ =	swait.ge [sflag:s10], $0x80  }
0x26d: {  	[sflag:s10] =	ssyncset.done $0x0  }
0x26e: {  	[sflag:s10] =	ssyncadd.s32 $0xFFFFFF80  }
0x26f: {  	_ =	swait.ge [sflag:s10], $0x80  }
0x270: {  	[sflag:s10] =	ssyncset.done $0x0  }
0x271: {  	[sflag:s10] =	ssyncadd.s32 $0xFFFFFF80  }
0x272: {  	_ =	swait.ge [sflag:s10], $0x80  }
0x273: {  	[sflag:s10] =	ssyncset.done $0x0  }
0x274: {  	[sflag:s10] =	ssyncadd.s32 $0xFFFFFF80  }
0x275: {  	_ =	swait.ge [sflag:s10], $0x80  }
0x276: {  	[sflag:s10] =	ssyncset.done $0x0  }
0x277: {  	[sflag:s10] =	ssyncadd.s32 $0xFFFFFF80  }
0x278: {  	_ =	swait.ge [sflag:s10], $0x80  }
0x279: {  	[sflag:s10] =	ssyncset.done $0x0  }
0x27a: {  	[sflag:s10] =	ssyncadd.s32 $0xFFFFFF80  }
0x27b: {  	_ =	swait.ge [sflag:s10], $0x80  }
0x27c: {  	[sflag:s10] =	ssyncset.done $0x0  }
0x27d: {  	[sflag:s10] =	ssyncadd.s32 $0xFFFFFF80  }
0x27e: {  	_ =	swait.ge [sflag:s10], $0x80  }
0x27f: {  	[sflag:s10] =	ssyncset.done $0x0  }
0x280: {  	[sflag:s10] =	ssyncadd.s32 $0xFFFFFF80  }
0x281: {  	_ =	swait.ge [sflag:s10], $0x80  }
0x282: {  	s29 =	sld [smem:$0x7D6]  }
0x283: {  	[sflag:s10] =	ssyncset.done $0x0  }
0x284: {  	s31 =	sld [smem:$0x7D7];
	[sflag:s10] =	ssyncadd.s32 $0xFFFFFF80  }
0x285: {  	[spmem:s2] =	stream.indirect.scatter.add.f32 [tilespmem:s6], [sflag:$0x3], $0x1, s29, s8, $0xb8;
	[tilespmem:$0x2D00] =	vst v63  }
0x286: {  	s29 =	sld [smem:$0x7D8]  }
0x287: {  	[spmem:s2] =	stream.indirect.scatter.add.f32 [tilespmem:s6], [sflag:$0x3], $0x1, s31, s8, $0xb8;
	[tilespmem:$0x2D00] =	vst v63  }
0x288: {  	s31 =	sld [smem:$0x7D9]  }
0x289: {  	[spmem:s2] =	stream.indirect.scatter.add.f32 [tilespmem:s6], [sflag:$0x3], $0x1, s29, s8, $0xb8;
	[tilespmem:$0x2D00] =	vst v63  }
0x28a: {  	s29 =	sld [smem:$0x7DA]  }
0x28b: {  	[spmem:s2] =	stream.indirect.scatter.add.f32 [tilespmem:s6], [sflag:$0x3], $0x1, s31, s8, $0xb8;
	[tilespmem:$0x2D00] =	vst v63  }
0x28c: {  	s31 =	sld [smem:$0x7DB]  }
0x28d: {  	[spmem:s2] =	stream.indirect.scatter.add.f32 [tilespmem:s6], [sflag:$0x3], $0x1, s29, s8, $0xb8;
	[tilespmem:$0x2D00] =	vst v63  }
0x28e: {  	s29 =	sld [smem:$0x7DC]  }
0x28f: {  	[spmem:s2] =	stream.indirect.scatter.add.f32 [tilespmem:s6], [sflag:$0x3], $0x1, s31, s8, $0xb8;
	[tilespmem:$0x2D00] =	vst v63  }
0x290: {  	s31 =	sld [smem:$0x7DD]  }
0x291: {  	[spmem:s2] =	stream.indirect.scatter.add.f32 [tilespmem:s6], [sflag:$0x3], $0x1, s29, s8, $0xb8;
	[tilespmem:$0x2D00] =	vst v63  }
0x292: {  	_ = 	snop  }
0x293: {  	[spmem:s2] =	stream.indirect.scatter.add.f32 [tilespmem:s6], [sflag:$0x3], $0x1, s31, s8, $0xb8;
	[tilespmem:$0x2D00] =	vst v63  }
0x294: {  	_ =	swait.ge [sflag:s9], $0x80  }
0x295: {  	[sflag:s9] =	ssyncset.done $0x0  }
0x296: {  	[sflag:s9] =	ssyncadd.s32 $0xFFFFFF80  }
0x297: {  	_ =	swait.ge [sflag:s9], $0x80  }
0x298: {  	[sflag:s9] =	ssyncset.done $0x0  }
0x299: {  	[sflag:s9] =	ssyncadd.s32 $0xFFFFFF80  }
0x29a: {  	_ =	swait.ge [sflag:s9], $0x80  }
0x29b: {  	[sflag:s9] =	ssyncset.done $0x0  }
0x29c: {  	[sflag:s9] =	ssyncadd.s32 $0xFFFFFF80  }
0x29d: {  	_ =	swait.ge [sflag:s9], $0x80  }
0x29e: {  	[sflag:s9] =	ssyncset.done $0x0  }
0x29f: {  	[sflag:s9] =	ssyncadd.s32 $0xFFFFFF80  }
0x2a0: {  	_ =	swait.ge [sflag:s9], $0x80  }
0x2a1: {  	[sflag:s9] =	ssyncset.done $0x0  }
0x2a2: {  	[sflag:s9] =	ssyncadd.s32 $0xFFFFFF80  }
0x2a3: {  	_ =	swait.ge [sflag:s9], $0x80  }
0x2a4: {  	[sflag:s9] =	ssyncset.done $0x0  }
0x2a5: {  	[sflag:s9] =	ssyncadd.s32 $0xFFFFFF80  }
0x2a6: {  	_ =	swait.ge [sflag:s9], $0x80  }
0x2a7: {  	[sflag:s9] =	ssyncset.done $0x0  }
0x2a8: {  	[sflag:s9] =	ssyncadd.s32 $0xFFFFFF80  }
0x2a9: {  	_ =	swait.ge [sflag:s9], $0x80  }
0x2aa: {  	s29 =	sld [smem:$0x7DE]  }
0x2ab: {  	[sflag:s9] =	ssyncset.done $0x0  }
0x2ac: {  	s31 =	sld [smem:$0x7DF];
	[sflag:s9] =	ssyncadd.s32 $0xFFFFFF80  }
0x2ad: {  	[spmem:s2] =	stream.indirect.scatter.add.f32 [tilespmem:s6], [sflag:$0x2], $0x1, s29, s8, $0xb8;
	[tilespmem:$0x2D00] =	vst v63  }
0x2ae: {  	s29 =	sld [smem:$0x7E0]  }
0x2af: {  	[spmem:s2] =	stream.indirect.scatter.add.f32 [tilespmem:s6], [sflag:$0x2], $0x1, s31, s8, $0xb8;
	[tilespmem:$0x2D00] =	vst v63  }
0x2b0: {  	s31 =	sld [smem:$0x7E1]  }
0x2b1: {  	[spmem:s2] =	stream.indirect.scatter.add.f32 [tilespmem:s6], [sflag:$0x2], $0x1, s29, s8, $0xb8;
	[tilespmem:$0x2D00] =	vst v63  }
0x2b2: {  	s29 =	sld [smem:$0x7E2]  }
0x2b3: {  	[spmem:s2] =	stream.indirect.scatter.add.f32 [tilespmem:s6], [sflag:$0x2], $0x1, s31, s8, $0xb8;
	[tilespmem:$0x2D00] =	vst v63  }
0x2b4: {  	s31 =	sld [smem:$0x7E3]  }
0x2b5: {  	[spmem:s2] =	stream.indirect.scatter.add.f32 [tilespmem:s6], [sflag:$0x2], $0x1, s29, s8, $0xb8;
	[tilespmem:$0x2D00] =	vst v63  }
0x2b6: {  	s29 =	sld [smem:$0x7E4]  }
0x2b7: {  	[spmem:s2] =	stream.indirect.scatter.add.f32 [tilespmem:s6], [sflag:$0x2], $0x1, s31, s8, $0xb8;
	[tilespmem:$0x2D00] =	vst v63  }
0x2b8: {  	s31 =	sld [smem:$0x7E5]  }
0x2b9: {  	[spmem:s2] =	stream.indirect.scatter.add.f32 [tilespmem:s6], [sflag:$0x2], $0x1, s29, s8, $0xb8;
	[tilespmem:$0x2D00] =	vst v63  }
0x2ba: {  	_ = 	snop  }
0x2bb: {  	[spmem:s2] =	stream.indirect.scatter.add.f32 [tilespmem:s6], [sflag:$0x2], $0x1, s31, s8, $0xb8;
	[tilespmem:$0x2D00] =	vst v63  }
0x2bc: {  	_ =	swait.ge [sflag:s10], $0x80  }
0x2bd: {  	[sflag:s10] =	ssyncset.done $0x0  }
0x2be: {  	[sflag:s10] =	ssyncadd.s32 $0xFFFFFF80  }
0x2bf: {  	_ =	swait.ge [sflag:s10], $0x80  }
0x2c0: {  	[sflag:s10] =	ssyncset.done $0x0  }
0x2c1: {  	[sflag:s10] =	ssyncadd.s32 $0xFFFFFF80  }
0x2c2: {  	_ =	swait.ge [sflag:s10], $0x80  }
0x2c3: {  	[sflag:s10] =	ssyncset.done $0x0  }
0x2c4: {  	[sflag:s10] =	ssyncadd.s32 $0xFFFFFF80  }
0x2c5: {  	_ =	swait.ge [sflag:s10], $0x80  }
0x2c6: {  	[sflag:s10] =	ssyncset.done $0x0  }
0x2c7: {  	[sflag:s10] =	ssyncadd.s32 $0xFFFFFF80  }
0x2c8: {  	_ =	swait.ge [sflag:s10], $0x80  }
0x2c9: {  	[sflag:s10] =	ssyncset.done $0x0  }
0x2ca: {  	[sflag:s10] =	ssyncadd.s32 $0xFFFFFF80  }
0x2cb: {  	_ =	swait.ge [sflag:s10], $0x80  }
0x2cc: {  	[sflag:s10] =	ssyncset.done $0x0  }
0x2cd: {  	[sflag:s10] =	ssyncadd.s32 $0xFFFFFF80  }
0x2ce: {  	_ =	swait.ge [sflag:s10], $0x80  }
0x2cf: {  	[sflag:s10] =	ssyncset.done $0x0  }
0x2d0: {  	[sflag:s10] =	ssyncadd.s32 $0xFFFFFF80  }
0x2d1: {  	_ =	swait.ge [sflag:s10], $0x80  }
0x2d2: {  	s29 =	sld [smem:$0x7E6]  }
0x2d3: {  	[sflag:s10] =	ssyncset.done $0x0  }
0x2d4: {  	s31 =	sld [smem:$0x7E7];
	[sflag:s10] =	ssyncadd.s32 $0xFFFFFF80  }
0x2d5: {  	[spmem:s2] =	stream.indirect.scatter.add.f32 [tilespmem:s6], [sflag:$0x3], $0x1, s29, s8, $0xb8;
	[tilespmem:$0x2D00] =	vst v63  }
0x2d6: {  	s29 =	sld [smem:$0x7E8]  }
0x2d7: {  	[spmem:s2] =	stream.indirect.scatter.add.f32 [tilespmem:s6], [sflag:$0x3], $0x1, s31, s8, $0xb8;
	[tilespmem:$0x2D00] =	vst v63  }
0x2d8: {  	s31 =	sld [smem:$0x7E9]  }
0x2d9: {  	[spmem:s2] =	stream.indirect.scatter.add.f32 [tilespmem:s6], [sflag:$0x3], $0x1, s29, s8, $0xb8;
	[tilespmem:$0x2D00] =	vst v63  }
0x2da: {  	s29 =	sld [smem:$0x7EA]  }
0x2db: {  	[spmem:s2] =	stream.indirect.scatter.add.f32 [tilespmem:s6], [sflag:$0x3], $0x1, s31, s8, $0xb8;
	[tilespmem:$0x2D00] =	vst v63  }
0x2dc: {  	s31 =	sld [smem:$0x7EB]  }
0x2dd: {  	[spmem:s2] =	stream.indirect.scatter.add.f32 [tilespmem:s6], [sflag:$0x3], $0x1, s29, s8, $0xb8;
	[tilespmem:$0x2D00] =	vst v63  }
0x2de: {  	s29 =	sld [smem:$0x7EC]  }
0x2df: {  	[spmem:s2] =	stream.indirect.scatter.add.f32 [tilespmem:s6], [sflag:$0x3], $0x1, s31, s8, $0xb8;
	[tilespmem:$0x2D00] =	vst v63  }
0x2e0: {  	s31 =	sld [smem:$0x7ED]  }
0x2e1: {  	[spmem:s2] =	stream.indirect.scatter.add.f32 [tilespmem:s6], [sflag:$0x3], $0x1, s29, s8, $0xb8;
	[tilespmem:$0x2D00] =	vst v63  }
0x2e2: {  	_ = 	snop  }
0x2e3: {  	[spmem:s2] =	stream.indirect.scatter.add.f32 [tilespmem:s6], [sflag:$0x3], $0x1, s31, s8, $0xb8;
	[tilespmem:$0x2D00] =	vst v63  }
0x2e4: {  	_ =	swait.ge [sflag:s9], $0x80  }
0x2e5: {  	[sflag:s9] =	ssyncset.done $0x0  }
0x2e6: {  	[sflag:s9] =	ssyncadd.s32 $0xFFFFFF80  }
0x2e7: {  	_ =	swait.ge [sflag:s9], $0x80  }
0x2e8: {  	[sflag:s9] =	ssyncset.done $0x0  }
0x2e9: {  	[sflag:s9] =	ssyncadd.s32 $0xFFFFFF80  }
0x2ea: {  	_ =	swait.ge [sflag:s9], $0x80  }
0x2eb: {  	[sflag:s9] =	ssyncset.done $0x0  }
0x2ec: {  	[sflag:s9] =	ssyncadd.s32 $0xFFFFFF80  }
0x2ed: {  	_ =	swait.ge [sflag:s9], $0x80  }
0x2ee: {  	[sflag:s9] =	ssyncset.done $0x0  }
0x2ef: {  	[sflag:s9] =	ssyncadd.s32 $0xFFFFFF80  }
0x2f0: {  	_ =	swait.ge [sflag:s9], $0x80  }
0x2f1: {  	[sflag:s9] =	ssyncset.done $0x0  }
0x2f2: {  	[sflag:s9] =	ssyncadd.s32 $0xFFFFFF80  }
0x2f3: {  	_ =	swait.ge [sflag:s9], $0x80  }
0x2f4: {  	[sflag:s9] =	ssyncset.done $0x0  }
0x2f5: {  	[sflag:s9] =	ssyncadd.s32 $0xFFFFFF80  }
0x2f6: {  	_ =	swait.ge [sflag:s9], $0x80  }
0x2f7: {  	[sflag:s9] =	ssyncset.done $0x0  }
0x2f8: {  	[sflag:s9] =	ssyncadd.s32 $0xFFFFFF80  }
0x2f9: {  	_ =	swait.ge [sflag:s9], $0x80  }
0x2fa: {  	s29 =	sld [smem:$0x7EE]  }
0x2fb: {  	[sflag:s9] =	ssyncset.done $0x0  }
0x2fc: {  	s31 =	sld [smem:$0x7EF];
	[sflag:s9] =	ssyncadd.s32 $0xFFFFFF80  }
0x2fd: {  	[spmem:s2] =	stream.indirect.scatter.add.f32 [tilespmem:s6], [sflag:$0x2], $0x1, s29, s8, $0xb8;
	[tilespmem:$0x2D00] =	vst v63  }
0x2fe: {  	s29 =	sld [smem:$0x7F0]  }
0x2ff: {  	[spmem:s2] =	stream.indirect.scatter.add.f32 [tilespmem:s6], [sflag:$0x2], $0x1, s31, s8, $0xb8;
	[tilespmem:$0x2D00] =	vst v63  }
0x300: {  	s31 =	sld [smem:$0x7F1]  }
0x301: {  	[spmem:s2] =	stream.indirect.scatter.add.f32 [tilespmem:s6], [sflag:$0x2], $0x1, s29, s8, $0xb8;
	[tilespmem:$0x2D00] =	vst v63  }
0x302: {  	s29 =	sld [smem:$0x7F2]  }
0x303: {  	[spmem:s2] =	stream.indirect.scatter.add.f32 [tilespmem:s6], [sflag:$0x2], $0x1, s31, s8, $0xb8;
	[tilespmem:$0x2D00] =	vst v63  }
0x304: {  	s31 =	sld [smem:$0x7F3]  }
0x305: {  	[spmem:s2] =	stream.indirect.scatter.add.f32 [tilespmem:s6], [sflag:$0x2], $0x1, s29, s8, $0xb8;
	[tilespmem:$0x2D00] =	vst v63  }
0x306: {  	s29 =	sld [smem:$0x7F4]  }
0x307: {  	[spmem:s2] =	stream.indirect.scatter.add.f32 [tilespmem:s6], [sflag:$0x2], $0x1, s31, s8, $0xb8;
	[tilespmem:$0x2D00] =	vst v63  }
0x308: {  	s31 =	sld [smem:$0x7F5]  }
0x309: {  	[spmem:s2] =	stream.indirect.scatter.add.f32 [tilespmem:s6], [sflag:$0x2], $0x1, s29, s8, $0xb8;
	[tilespmem:$0x2D00] =	vst v63  }
0x30a: {  	_ = 	snop  }
0x30b: {  	[spmem:s2] =	stream.indirect.scatter.add.f32 [tilespmem:s6], [sflag:$0x2], $0x1, s31, s8, $0xb8;
	[tilespmem:$0x2D00] =	vst v63  }
0x30c: {  	_ =	swait.ge [sflag:s10], $0x80  }
0x30d: {  	[sflag:s10] =	ssyncset.done $0x0  }
0x30e: {  	[sflag:s10] =	ssyncadd.s32 $0xFFFFFF80  }
0x30f: {  	_ =	swait.ge [sflag:s10], $0x80  }
0x310: {  	[sflag:s10] =	ssyncset.done $0x0  }
0x311: {  	[sflag:s10] =	ssyncadd.s32 $0xFFFFFF80  }
0x312: {  	_ =	swait.ge [sflag:s10], $0x80  }
0x313: {  	[sflag:s10] =	ssyncset.done $0x0  }
0x314: {  	[sflag:s10] =	ssyncadd.s32 $0xFFFFFF80  }
0x315: {  	_ =	swait.ge [sflag:s10], $0x80  }
0x316: {  	[sflag:s10] =	ssyncset.done $0x0  }
0x317: {  	[sflag:s10] =	ssyncadd.s32 $0xFFFFFF80  }
0x318: {  	_ =	swait.ge [sflag:s10], $0x80  }
0x319: {  	[sflag:s10] =	ssyncset.done $0x0  }
0x31a: {  	[sflag:s10] =	ssyncadd.s32 $0xFFFFFF80  }
0x31b: {  	_ =	swait.ge [sflag:s10], $0x80  }
0x31c: {  	[sflag:s10] =	ssyncset.done $0x0  }
0x31d: {  	[sflag:s10] =	ssyncadd.s32 $0xFFFFFF80  }
0x31e: {  	_ =	swait.ge [sflag:s10], $0x80  }
0x31f: {  	[sflag:s10] =	ssyncset.done $0x0  }
0x320: {  	[sflag:s10] =	ssyncadd.s32 $0xFFFFFF80  }
0x321: {  	_ =	swait.ge [sflag:s10], $0x80  }
0x322: {  	s29 =	sld [smem:$0x7F6]  }
0x323: {  	[sflag:s10] =	ssyncset.done $0x0  }
0x324: {  	s31 =	sld [smem:$0x7F7];
	[sflag:s10] =	ssyncadd.s32 $0xFFFFFF80  }
0x325: {  	[spmem:s2] =	stream.indirect.scatter.add.f32 [tilespmem:s6], [sflag:$0x3], $0x1, s29, s8, $0xb8;
	[tilespmem:$0x2D00] =	vst v63  }
0x326: {  	s29 =	sld [smem:$0x7F8]  }
0x327: {  	[spmem:s2] =	stream.indirect.scatter.add.f32 [tilespmem:s6], [sflag:$0x3], $0x1, s31, s8, $0xb8;
	[tilespmem:$0x2D00] =	vst v63  }
0x328: {  	s31 =	sld [smem:$0x7F9]  }
0x329: {  	[spmem:s2] =	stream.indirect.scatter.add.f32 [tilespmem:s6], [sflag:$0x3], $0x1, s29, s8, $0xb8;
	[tilespmem:$0x2D00] =	vst v63  }
0x32a: {  	s29 =	sld [smem:$0x7FA]  }
0x32b: {  	[spmem:s2] =	stream.indirect.scatter.add.f32 [tilespmem:s6], [sflag:$0x3], $0x1, s31, s8, $0xb8;
	[tilespmem:$0x2D00] =	vst v63  }
0x32c: {  	s31 =	sld [smem:$0x7FB]  }
0x32d: {  	[spmem:s2] =	stream.indirect.scatter.add.f32 [tilespmem:s6], [sflag:$0x3], $0x1, s29, s8, $0xb8;
	[tilespmem:$0x2D00] =	vst v63  }
0x32e: {  	s29 =	sld [smem:$0x7FC]  }
0x32f: {  	[spmem:s2] =	stream.indirect.scatter.add.f32 [tilespmem:s6], [sflag:$0x3], $0x1, s31, s8, $0xb8;
	[tilespmem:$0x2D00] =	vst v63  }
0x330: {  	s31 =	sld [smem:$0x7FD]  }
0x331: {  	[spmem:s2] =	stream.indirect.scatter.add.f32 [tilespmem:s6], [sflag:$0x3], $0x1, s29, s8, $0xb8;
	[tilespmem:$0x2D00] =	vst v63  }
0x332: {  	_ = 	snop  }
0x333: {  	[spmem:s2] =	stream.indirect.scatter.add.f32 [tilespmem:s6], [sflag:$0x3], $0x1, s31, s8, $0xb8;
	[tilespmem:$0x2D00] =	vst v63  }
0x334: {  	_ =	swait.ge [sflag:s9], $0x80  }
0x335: {  	[sflag:s9] =	ssyncset.done $0x0  }
0x336: {  	[sflag:s9] =	ssyncadd.s32 $0xFFFFFF80  }
0x337: {  	_ =	swait.ge [sflag:s9], $0x80  }
0x338: {  	[sflag:s9] =	ssyncset.done $0x0  }
0x339: {  	[sflag:s9] =	ssyncadd.s32 $0xFFFFFF80  }
0x33a: {  	_ =	swait.ge [sflag:s9], $0x80  }
0x33b: {  	[sflag:s9] =	ssyncset.done $0x0  }
0x33c: {  	[sflag:s9] =	ssyncadd.s32 $0xFFFFFF80  }
0x33d: {  	_ =	swait.ge [sflag:s9], $0x80  }
0x33e: {  	[sflag:s9] =	ssyncset.done $0x0  }
0x33f: {  	[sflag:s9] =	ssyncadd.s32 $0xFFFFFF80  }
0x340: {  	_ =	swait.ge [sflag:s9], $0x80  }
0x341: {  	[sflag:s9] =	ssyncset.done $0x0  }
0x342: {  	[sflag:s9] =	ssyncadd.s32 $0xFFFFFF80  }
0x343: {  	_ =	swait.ge [sflag:s9], $0x80  }
0x344: {  	[sflag:s9] =	ssyncset.done $0x0  }
0x345: {  	[sflag:s9] =	ssyncadd.s32 $0xFFFFFF80  }
0x346: {  	_ =	swait.ge [sflag:s9], $0x80  }
0x347: {  	[sflag:s9] =	ssyncset.done $0x0  }
0x348: {  	[sflag:s9] =	ssyncadd.s32 $0xFFFFFF80  }
0x349: {  	_ =	swait.ge [sflag:s9], $0x80  }
0x34a: {  	[sflag:s9] =	ssyncset.done $0x0  }
0x34b: {  	[sflag:s9] =	ssyncadd.s32 $0xFFFFFF80  }
0x34c: {  	[spmem:s2] =	stream.indirect.scatter.add.f32 [tilespmem:s6], [sflag:$0x2], $0x1, s11, s8, $0xb8;
	[tilespmem:$0x2D00] =	vst v63  }
0x34d: {  	_ = 	snop  }
0x34e: {  	[spmem:s2] =	stream.indirect.scatter.add.f32 [tilespmem:s6], [sflag:$0x2], $0x1, s12, s8, $0xb8;
	[tilespmem:$0x2D00] =	vst v63  }
0x34f: {  	_ = 	snop  }
0x350: {  	[spmem:s2] =	stream.indirect.scatter.add.f32 [tilespmem:s6], [sflag:$0x2], $0x1, s13, s8, $0xb8;
	[tilespmem:$0x2D00] =	vst v63  }
0x351: {  	_ = 	snop  }
0x352: {  	[spmem:s2] =	stream.indirect.scatter.add.f32 [tilespmem:s6], [sflag:$0x2], $0x1, s14, s8, $0xb8;
	[tilespmem:$0x2D00] =	vst v63  }
0x353: {  	_ = 	snop  }
0x354: {  	[spmem:s2] =	stream.indirect.scatter.add.f32 [tilespmem:s6], [sflag:$0x2], $0x1, s15, s8, $0xb8;
	[tilespmem:$0x2D00] =	vst v63  }
0x355: {  	_ = 	snop  }
0x356: {  	[spmem:s2] =	stream.indirect.scatter.add.f32 [tilespmem:s6], [sflag:$0x2], $0x1, s16, s8, $0xb8;
	[tilespmem:$0x2D00] =	vst v63  }
0x357: {  	_ = 	snop  }
0x358: {  	[spmem:s2] =	stream.indirect.scatter.add.f32 [tilespmem:s6], [sflag:$0x2], $0x1, s17, s8, $0xb8;
	[tilespmem:$0x2D00] =	vst v63  }
0x359: {  	_ = 	snop  }
0x35a: {  	[spmem:s2] =	stream.indirect.scatter.add.f32 [tilespmem:s6], [sflag:$0x2], $0x1, s18, s8, $0xb8;
	[tilespmem:$0x2D00] =	vst v63  }
0x35b: {  	_ =	swait.ge [sflag:s10], $0x80  }
0x35c: {  	[sflag:s10] =	ssyncset.done $0x0  }
0x35d: {  	[sflag:s10] =	ssyncadd.s32 $0xFFFFFF80  }
0x35e: {  	_ =	swait.ge [sflag:s10], $0x80  }
0x35f: {  	[sflag:s10] =	ssyncset.done $0x0  }
0x360: {  	[sflag:s10] =	ssyncadd.s32 $0xFFFFFF80  }
0x361: {  	_ =	swait.ge [sflag:s10], $0x80  }
0x362: {  	[sflag:s10] =	ssyncset.done $0x0  }
0x363: {  	[sflag:s10] =	ssyncadd.s32 $0xFFFFFF80  }
0x364: {  	_ =	swait.ge [sflag:s10], $0x80  }
0x365: {  	[sflag:s10] =	ssyncset.done $0x0  }
0x366: {  	[sflag:s10] =	ssyncadd.s32 $0xFFFFFF80  }
0x367: {  	_ =	swait.ge [sflag:s10], $0x80  }
0x368: {  	[sflag:s10] =	ssyncset.done $0x0  }
0x369: {  	[sflag:s10] =	ssyncadd.s32 $0xFFFFFF80  }
0x36a: {  	_ =	swait.ge [sflag:s10], $0x80  }
0x36b: {  	[sflag:s10] =	ssyncset.done $0x0  }
0x36c: {  	[sflag:s10] =	ssyncadd.s32 $0xFFFFFF80  }
0x36d: {  	_ =	swait.ge [sflag:s10], $0x80  }
0x36e: {  	[sflag:s10] =	ssyncset.done $0x0  }
0x36f: {  	[sflag:s10] =	ssyncadd.s32 $0xFFFFFF80  }
0x370: {  	_ =	swait.ge [sflag:s10], $0x80  }
0x371: {  	[sflag:s10] =	ssyncset.done $0x0  }
0x372: {  	[sflag:s10] =	ssyncadd.s32 $0xFFFFFF80  }
0x373: {  	[spmem:s2] =	stream.indirect.scatter.add.f32 [tilespmem:s6], [sflag:$0x3], $0x1, s19, s8, $0xb8;
	[tilespmem:$0x2D00] =	vst v63  }
0x374: {  	_ = 	snop  }
0x375: {  	[spmem:s2] =	stream.indirect.scatter.add.f32 [tilespmem:s6], [sflag:$0x3], $0x1, s20, s8, $0xb8;
	[tilespmem:$0x2D00] =	vst v63  }
0x376: {  	_ = 	snop  }
0x377: {  	[spmem:s2] =	stream.indirect.scatter.add.f32 [tilespmem:s6], [sflag:$0x3], $0x1, s21, s8, $0xb8;
	[tilespmem:$0x2D00] =	vst v63  }
0x378: {  	_ = 	snop  }
0x379: {  	[spmem:s2] =	stream.indirect.scatter.add.f32 [tilespmem:s6], [sflag:$0x3], $0x1, s22, s8, $0xb8;
	[tilespmem:$0x2D00] =	vst v63  }
0x37a: {  	_ = 	snop  }
0x37b: {  	[spmem:s2] =	stream.indirect.scatter.add.f32 [tilespmem:s6], [sflag:$0x3], $0x1, s23, s8, $0xb8;
	[tilespmem:$0x2D00] =	vst v63  }
0x37c: {  	_ = 	snop  }
0x37d: {  	[spmem:s2] =	stream.indirect.scatter.add.f32 [tilespmem:s6], [sflag:$0x3], $0x1, s24, s8, $0xb8;
	[tilespmem:$0x2D00] =	vst v63  }
0x37e: {  	_ = 	snop  }
0x37f: {  	[spmem:s2] =	stream.indirect.scatter.add.f32 [tilespmem:s6], [sflag:$0x3], $0x1, s25, s8, $0xb8;
	[tilespmem:$0x2D00] =	vst v63  }
0x380: {  	_ = 	snop  }
0x381: {  	[spmem:s2] =	stream.indirect.scatter.add.f32 [tilespmem:s6], [sflag:$0x3], $0x1, s26, s8, $0xb8;
	[tilespmem:$0x2D00] =	vst v63  }
0x382: {  	_ =	swait.ge [sflag:s9], $0x80  }
0x383: {  	[sflag:s9] =	ssyncset.done $0x0  }
0x384: {  	[sflag:s9] =	ssyncadd.s32 $0xFFFFFF80  }
0x385: {  	_ =	swait.ge [sflag:s9], $0x80  }
0x386: {  	[sflag:s9] =	ssyncset.done $0x0  }
0x387: {  	[sflag:s9] =	ssyncadd.s32 $0xFFFFFF80  }
0x388: {  	_ =	swait.ge [sflag:s9], $0x80  }
0x389: {  	[sflag:s9] =	ssyncset.done $0x0  }
0x38a: {  	[sflag:s9] =	ssyncadd.s32 $0xFFFFFF80  }
0x38b: {  	_ =	swait.ge [sflag:s9], $0x80  }
0x38c: {  	[sflag:s9] =	ssyncset.done $0x0  }
0x38d: {  	[sflag:s9] =	ssyncadd.s32 $0xFFFFFF80  }
0x38e: {  	_ =	swait.ge [sflag:s9], $0x80  }
0x38f: {  	[sflag:s9] =	ssyncset.done $0x0  }
0x390: {  	[sflag:s9] =	ssyncadd.s32 $0xFFFFFF80  }
0x391: {  	_ =	swait.ge [sflag:s9], $0x80  }
0x392: {  	[sflag:s9] =	ssyncset.done $0x0  }
0x393: {  	[sflag:s9] =	ssyncadd.s32 $0xFFFFFF80  }
0x394: {  	_ =	swait.ge [sflag:s9], $0x80  }
0x395: {  	[sflag:s9] =	ssyncset.done $0x0  }
0x396: {  	[sflag:s9] =	ssyncadd.s32 $0xFFFFFF80  }
0x397: {  	_ =	swait.ge [sflag:s9], $0x80  }
0x398: {  	[sflag:s9] =	ssyncset.done $0x0  }
0x399: {  	[sflag:s9] =	ssyncadd.s32 $0xFFFFFF80  }
0x39a: {  	_ =	swait.ge [sflag:s10], $0x80  }
0x39b: {  	[sflag:s10] =	ssyncset.done $0x0  }
0x39c: {  	[sflag:s10] =	ssyncadd.s32 $0xFFFFFF80  }
0x39d: {  	_ =	swait.ge [sflag:s10], $0x80  }
0x39e: {  	[sflag:s10] =	ssyncset.done $0x0  }
0x39f: {  	[sflag:s10] =	ssyncadd.s32 $0xFFFFFF80  }
0x3a0: {  	_ =	swait.ge [sflag:s10], $0x80  }
0x3a1: {  	[sflag:s10] =	ssyncset.done $0x0  }
0x3a2: {  	[sflag:s10] =	ssyncadd.s32 $0xFFFFFF80  }
0x3a3: {  	_ =	swait.ge [sflag:s10], $0x80  }
0x3a4: {  	[sflag:s10] =	ssyncset.done $0x0  }
0x3a5: {  	[sflag:s10] =	ssyncadd.s32 $0xFFFFFF80  }
0x3a6: {  	_ =	swait.ge [sflag:s10], $0x80  }
0x3a7: {  	[sflag:s10] =	ssyncset.done $0x0  }
0x3a8: {  	[sflag:s10] =	ssyncadd.s32 $0xFFFFFF80  }
0x3a9: {  	_ =	swait.ge [sflag:s10], $0x80  }
0x3aa: {  	[sflag:s10] =	ssyncset.done $0x0  }
0x3ab: {  	p0 =	sne.s32 s28, $0x1;
	[sflag:s10] =	ssyncadd.s32 $0xFFFFFF80  }
.Ltmp1:
0x3ac: {  	_ =	swait.ge [sflag:s10], $0x80;
	(pc) =	sbr.rel @p0 .LBB2_1-.Ltmp1, $4  }
0x3ad: {  	[sflag:s10] =	ssyncset.done $0x0  }
0x3ae: {  	[sflag:s10] =	ssyncadd.s32 $0xFFFFFF80  }
0x3af: {  	_ =	swait.ge [sflag:s10], $0x80  }
0x3b0: {  	s28 =	sadd.s32 $0xFFFFFFFF, s28;
	[sflag:s10] =	ssyncset.done $0x0  }
.LBB2_2:
0x3b1: {  	[sflag:s10] =	ssyncadd.s32 $0xFFFFFF80  }
0x3b2: {  	s4 =	sshll.u32 s0, $0x6;
	[bflag:$0x0] =	sbarrier.arrive $0xFFFF  }
0x3b3: {  	s3 =	sshrl.u32 s3, $0x3;
	s4 =	sor.u32 $0x1C04, s4;
	s2 =	rddreg [dreg:$0x9]  }
0x3b4: {  	[hbm:s2], [sflag:s4] =	dma.local [spmem:s3], $0x50  }
0x3b5: {  	_ =	swait.ge [sflag:s5], $0x50  }
0x3b6: {  	[sflag:s5] =	ssyncset.done $0x0  }
0x3b7: {  	[sflag:s5] =	ssyncadd.s32 $0xFFFFFFB0  }
0x3b8: {  	_ =	sfence.sel $0x180000  }
0x3b9: {  	[bflag:$0x0] =	sbarrier.arrive $0xFFFF  }
0x3ba: {  	p0 =	sne.s32 s0, $0x0;
	_ =	strace $0x90000047  }
0x3bb: {  	s0 =	sadd.s32 @!p0 $0x100000, s1;
	[bflag:$0x2] =	sbarrier.arrive $0xFFFF  }
0x3bc: {  	[sflag:s0] =	ssyncadd.tile.s32 @!p0 $0x1;
	_ =	shalt  }
.Lfunc_end2:
_tile_overlayer_lowered:
.L_overlay_start_2:
0x3bd: {  	(tag) =	ssettag $0x2  }
0x3be: {  	s0 =	rddreg [dreg:$0x0];
	s2 =	stileid.u32  }
0x3bf: {  	s1 =	rddreg [dreg:$0x1];
	p0 =	sne.s32 s2, $0x0  }
0x3c0: {  	s3 =	rddreg [dreg:$0x2];
	[bflag:$0x3] =	sbarrier.arrive $0xFFFF;
	s2 =	simm.s32 @!p0 $0x1C04  }
0x3c1: {  	[timem:s3], [sflag:s2] =	dma.local @!p0 [hbm:s0], s1  }
0x3c2: {  	s0 =	simm.s32 @!p0 $0x4  }
0x3c3: {  	_ =	swait.ge @!p0 [sflag:s0], s1  }
0x3c4: {  	s1 =	ssub.s32 @!p0 $0x0, s1;
	[sflag:s0] =	ssyncset.done @!p0 $0x0  }
0x3c5: {  	[sflag:s0] =	ssyncadd.s32 @!p0 s1  }
0x3c6: {  	[bflag:$0x3] =	sbarrier.arrive $0xFFFF  }
0x3c7: {  	_ =	shalt  }

</sc_bundles>
